<compile_context>
chip_gen: v7x
topology: tpu7x:2x2x1
jax: 0.10.2.dev20260603
libtpu: 0.0.44.dev20260713+nightly
codegen_flags: <defaults>
</compile_context>

<pallas_src>
import functools

import jax
import jax.numpy as jnp
from jax import lax
from jax.experimental import pallas as pl
from jax.experimental.pallas import tpu as pltpu
from jax.experimental.pallas import tpu_sc as plsc

_N = 10000
_E = 320000
_D = 128
_NC = 2
_NS = 16
_NW = _NC * _NS
_L = 16
_CHUNK = 128
_NCHUNKS = _E // _CHUNK
_TRIPS = -(-_NCHUNKS // _NW)
_RPW = 632
_CPAD = 10240
_CPW = _CPAD // _NS



def _gelu_ln_edge(arows, brows, mrows, e):
    g = []
    vs = None
    vq = None
    for i in range(_D // _L):
        x = arows[e, pl.ds(i * _L, _L)] + brows[e, pl.ds(i * _L, _L)]
        x2 = x * x
        s = x * (1.5957691216057308 + 0.07135481627587896 * x2)
        gg = x / (1.0 + jnp.exp(-s))
        g.append(gg)
        vs = gg if vs is None else vs + gg
        vq = gg * gg if vq is None else vq + gg * gg
    mean = jnp.sum(vs) * (1.0 / _D)
    var = jnp.sum(vq) * (1.0 / _D) - mean * mean + 1e-5
    ii = lax.bitcast_convert_type(var, jnp.int32)
    ii = jnp.int32(0x5F3759DF) - lax.shift_right_logical(ii, 1)
    y = lax.bitcast_convert_type(ii, jnp.float32)
    y = y * (1.5 - 0.5 * var * y * y)
    y = y * (1.5 - 0.5 * var * y * y)
    y = y * (1.5 - 0.5 * var * y * y)
    for i in range(_D // _L):
        mrows[e, pl.ds(i * _L, _L)] = (g[i] - mean) * y


def _make_sc_step(with_cnt):
    mesh = plsc.VectorSubcoreMesh(core_axis_name="c", subcore_axis_name="s")
    out_type = [jax.ShapeDtypeStruct((_NC, _N, _D), jnp.float32)]
    if with_cnt:
        out_type.append(jax.ShapeDtypeStruct((_NC, _CPAD), jnp.float32))
    scratch = [
        pltpu.VMEM((_CHUNK,), jnp.int32),
        pltpu.VMEM((_CHUNK,), jnp.int32),
        pltpu.VMEM((_CHUNK, _D), jnp.float32),
        pltpu.VMEM((_CHUNK, _D), jnp.float32),
        pltpu.VMEM((_CHUNK, _D), jnp.float32),
        pltpu.VMEM((_CPW,), jnp.float32),
        pltpu.VMEM_SHARED((_N, _D), jnp.float32),
        pltpu.VMEM_SHARED((_CPAD,), jnp.float32),
        pltpu.SemaphoreType.DMA,
        pltpu.SemaphoreType.DMA,
    ]

    @functools.partial(pl.kernel, out_type=tuple(out_type), mesh=mesh,
                       scratch_types=tuple(scratch),
                       compiler_params=pltpu.CompilerParams(
                           needs_layout_passes=False))
    def sc_step(a_hbm, b_hbm, row_hbm, col_hbm, *refs):
        if with_cnt:
            (agg_out, cnt_out, rowbuf, colbuf, arows, brows, mrows, fbuf,
             shagg, shcnt, sem_a, sem_b) = refs
        else:
            (agg_out, rowbuf, colbuf, arows, brows, mrows, fbuf,
             shagg, shcnt, sem_a, sem_b) = refs
        cid = lax.axis_index("c")
        sid = lax.axis_index("s")
        wid = sid * _NC + cid
        zero16 = jnp.zeros((_L,), jnp.float32)
        one16 = jnp.ones((_L,), jnp.float32)

        @pl.loop(0, _CHUNK)
        def _zrow(r):
            for i in range(_D // _L):
                arows[r, pl.ds(i * _L, _L)] = zero16

        for j in range(4):
            pltpu.sync_copy(arows,
                            shagg.at[pl.ds(sid * _RPW + j * _CHUNK, _CHUNK)])

        @pl.when(sid < _NS - 1)
        def _ztail():
            pltpu.sync_copy(arows.at[pl.ds(0, 120)],
                            shagg.at[pl.ds(sid * _RPW + 512, 120)])

        @pl.when(sid == _NS - 1)
        def _ztail_last():
            pltpu.sync_copy(arows.at[pl.ds(0, 8)],
                            shagg.at[pl.ds(_N - 8, 8)])
        if with_cnt:
            @pl.loop(0, _CPW // _L)
            def _zc(i):
                fbuf[pl.ds(i * _L, _L)] = zero16

            pltpu.sync_copy(fbuf, shcnt.at[pl.ds(sid * _CPW, _CPW)])
            for i in range(_CHUNK // _L):
                fbuf[pl.ds(i * _L, _L)] = one16
        plsc.subcore_barrier()

        @pl.loop(0, _TRIPS)
        def _trip(j):
            c = j * _NW + wid

            @pl.when(c < _NCHUNKS)
            def _():
                base = c * _CHUNK
                pltpu.sync_copy(row_hbm.at[pl.ds(base, _CHUNK)], rowbuf)
                pltpu.sync_copy(col_hbm.at[pl.ds(base, _CHUNK)], colbuf)
                cpa = pltpu.async_copy(a_hbm.at[rowbuf], arows, sem_a)
                cpb = pltpu.async_copy(b_hbm.at[colbuf], brows, sem_b)
                cpa.wait()
                cpb.wait()

                @pl.loop(0, _CHUNK)
                def _edge(e):
                    _gelu_ln_edge(arows, brows, mrows, e)

                pltpu.sync_copy(mrows, shagg.at[colbuf], add=True)
                if with_cnt:
                    pltpu.sync_copy(fbuf.at[pl.ds(0, _CHUNK)],
                                    shcnt.at[colbuf], add=True)

        plsc.subcore_barrier()

        for j in range(4):
            r0 = sid * _RPW + j * _CHUNK
            pltpu.sync_copy(shagg.at[pl.ds(r0, _CHUNK)], arows)
            pltpu.sync_copy(arows, agg_out.at[cid, pl.ds(r0, _CHUNK)])

        @pl.when(sid < _NS - 1)
        def _ftail():
            r0 = sid * _RPW + 512
            pltpu.sync_copy(shagg.at[pl.ds(r0, 120)], arows.at[pl.ds(0, 120)])
            pltpu.sync_copy(arows.at[pl.ds(0, 120)],
                            agg_out.at[cid, pl.ds(r0, 120)])

        @pl.when(sid == _NS - 1)
        def _ftail_last():
            pltpu.sync_copy(shagg.at[pl.ds(_N - 8, 8)], arows.at[pl.ds(0, 8)])
            pltpu.sync_copy(arows.at[pl.ds(0, 8)],
                            agg_out.at[cid, pl.ds(_N - 8, 8)])
        if with_cnt:
            pltpu.sync_copy(shcnt.at[pl.ds(sid * _CPW, _CPW)], fbuf)
            pltpu.sync_copy(fbuf, cnt_out.at[cid, pl.ds(sid * _CPW, _CPW)])

    return sc_step


_sc_step_cnt = _make_sc_step(True)
_sc_step = _make_sc_step(False)



_BN = 2000


def _full(shape):
    return pl.BlockSpec(shape, lambda i: tuple(0 for _ in shape))


def _rows(width):
    return pl.BlockSpec((_BN, width), lambda i: (i, 0))


def _tc_embed_body(x_ref, pp_ref, we_ref, be_ref, ma_ref, mb_ref, mc_ref,
                   bb_ref, h_ref, a_ref, b_ref):
    f32 = jnp.float32
    h = jnp.dot(x_ref[...], we_ref[...], preferred_element_type=f32) + be_ref[...]
    qc = jnp.dot(pp_ref[...], mc_ref[...], preferred_element_type=f32)
    h_ref[...] = h
    a_ref[...] = jnp.dot(h, ma_ref[...], preferred_element_type=f32) + qc
    b_ref[...] = jnp.dot(h, mb_ref[...], preferred_element_type=f32) - qc + bb_ref[...]


def _tc_embed(x, posp, WeT, be, MA, MB, MC, mb):
    return pl.pallas_call(
        _tc_embed_body,
        grid=(_N // _BN,),
        in_specs=[_rows(_D), _rows(8), _full((_D, _D)), _full((1, _D)),
                  _full((_D, _D)), _full((_D, _D)), _full((8, _D)),
                  _full((1, _D))],
        out_specs=[_rows(_D), _rows(_D), _rows(_D)],
        out_shape=[jax.ShapeDtypeStruct((_N, _D), jnp.float32)] * 3,
    )(x, posp, WeT, be, MA, MB, MC, mb)


def _ln_exact(u):
    m = jnp.mean(u, axis=-1, keepdims=True)
    v = jnp.mean(u * u, axis=-1, keepdims=True) - m * m
    return (u - m) * lax.rsqrt(v + 1e-5)


def _make_tc_update(with_next):
    def body(*refs):
        f32 = jnp.float32
        if with_next:
            (h_ref, g0_ref, g1_ref, c0_ref, c1_ref, ua_ref, ub_ref, ubias_ref,
             pp_ref, ma_ref, mb_ref, mc_ref, bb_ref,
             hn_ref, a_ref, b_ref) = refs
        else:
            (h_ref, g0_ref, g1_ref, c0_ref, c1_ref, ua_ref, ub_ref, ubias_ref,
             hn_ref) = refs
        cnt = jnp.maximum(c0_ref[...] + c1_ref[...], 1.0)
        agg = (g0_ref[...] + g1_ref[...]) / cnt
        h = h_ref[...]
        u = (jnp.dot(h, ua_ref[...], preferred_element_type=f32)
             + jnp.dot(agg, ub_ref[...], preferred_element_type=f32)
             + ubias_ref[...])
        hn = h + _ln_exact(u)
        hn_ref[...] = hn
        if with_next:
            qc = jnp.dot(pp_ref[...], mc_ref[...], preferred_element_type=f32)
            a_ref[...] = jnp.dot(hn, ma_ref[...], preferred_element_type=f32) + qc
            b_ref[...] = (jnp.dot(hn, mb_ref[...], preferred_element_type=f32)
                          - qc + bb_ref[...])

    in_specs = [_rows(_D), _rows(_D), _rows(_D), _rows(1), _rows(1),
                _full((_D, _D)), _full((_D, _D)), _full((1, _D))]
    out_specs = [_rows(_D)]
    n_out = 1
    if with_next:
        in_specs_x = in_specs + [_rows(8), _full((_D, _D)), _full((_D, _D)),
                                 _full((8, _D)), _full((1, _D))]
        out_specs_x = out_specs + [_rows(_D), _rows(_D)]
        n_out = 3
    else:
        in_specs_x = in_specs
        out_specs_x = out_specs

    def call(*args):
        return pl.pallas_call(
            body,
            grid=(_N // _BN,),
            in_specs=in_specs_x,
            out_specs=out_specs_x,
            out_shape=[jax.ShapeDtypeStruct((_N, _D), jnp.float32)] * n_out,
        )(*args)

    return call


_tc_update_next = _make_tc_update(True)
_tc_update_last = _make_tc_update(False)



def kernel(x, pos, edge_index, W_embed, b_embed, msg_W0, msg_b0, upd_W0,
           upd_b0, msg_W1, msg_b1, upd_W1, upd_b1):
    row = edge_index[0]
    col = edge_index[1]
    posp = jnp.pad(pos, ((0, 0), (0, 8 - pos.shape[1])))

    WeT = W_embed.T
    be = b_embed.reshape(1, _D)
    MA0 = msg_W0[:, :_D].T
    MB0 = msg_W0[:, _D:2 * _D].T
    MC0 = jnp.pad(msg_W0[:, 2 * _D:].T, ((0, 5), (0, 0)))
    mb0 = msg_b0.reshape(1, _D)
    MA1 = msg_W1[:, :_D].T
    MB1 = msg_W1[:, _D:2 * _D].T
    MC1 = jnp.pad(msg_W1[:, 2 * _D:].T, ((0, 5), (0, 0)))
    mb1 = msg_b1.reshape(1, _D)
    UA0 = upd_W0[:, :_D].T
    UB0 = upd_W0[:, _D:].T
    ub0 = upd_b0.reshape(1, _D)
    UA1 = upd_W1[:, :_D].T
    UB1 = upd_W1[:, _D:].T
    ub1 = upd_b1.reshape(1, _D)

    h, a0, b0 = _tc_embed(x, posp, WeT, be, MA0, MB0, MC0, mb0)

    aggp, cntp = _sc_step_cnt(a0, b0, row, col)
    c0 = cntp[0, :_N].reshape(_N, 1)
    c1 = cntp[1, :_N].reshape(_N, 1)

    h1, a1, b1 = _tc_update_next(h, aggp[0, :_N], aggp[1, :_N], c0, c1,
                                 UA0, UB0, ub0, posp, MA1, MB1, MC1, mb1)

    aggp1 = _sc_step(a1, b1, row, col)
    if isinstance(aggp1, (tuple, list)):
        aggp1 = aggp1[0]

    h2 = _tc_update_last(h1, aggp1[0, :_N], aggp1[1, :_N], c0, c1,
                         UA1, UB1, ub1)
    if isinstance(h2, (tuple, list)):
        h2 = h2[0]
    return h2

# --- scband reference (transcript-rebuilt; emitter-appended) ---
"""Pipeline reference for scband-erwin-embedding-21002390077514 (READ-ONLY COPY).

The authoritative reference and input builder live on the scoring server;
editing this copy changes nothing except your own understanding.
"""

import jax, jax.numpy as jnp
import numpy as np

N = 10000
E = 320000
D = 128
P = 3
MP_STEPS = 2


def _ln(x, eps=1e-5):
    m = jnp.mean(x, axis=-1, keepdims=True)
    v = jnp.var(x, axis=-1, keepdims=True)
    return (x - m) / jnp.sqrt(v + eps)


def setup_inputs(seed: int = 0) -> dict:
    key = jax.random.key(seed)
    ks = jax.random.split(key, 16)
    x = jax.random.normal(ks[0], (N, D), dtype=jnp.float32)
    pos = jax.random.normal(ks[1], (N, P), dtype=jnp.float32)
    edge_index = jax.random.randint(ks[2], (2, E), 0, N, dtype=jnp.int32)
    inp = {"x": x, "pos": pos, "edge_index": edge_index}
    # embed linear: in_dim=128 -> dim=128
    inp["W_embed"] = jax.random.normal(ks[3], (D, D), dtype=jnp.float32) / np.sqrt(D)
    inp["b_embed"] = jnp.zeros((D,), dtype=jnp.float32)
    # per-step message (2*dim+3 -> dim) and update (2*dim -> dim) linears
    inp["msg_W0"] = jax.random.normal(ks[4], (D, 2 * D + P), dtype=jnp.float32) / np.sqrt(2 * D + P)
    inp["msg_b0"] = jnp.zeros((D,), dtype=jnp.float32)
    inp["upd_W0"] = jax.random.normal(ks[5], (D, 2 * D), dtype=jnp.float32) / np.sqrt(2 * D)
    inp["upd_b0"] = jnp.zeros((D,), dtype=jnp.float32)
    inp["msg_W1"] = jax.random.normal(ks[6], (D, 2 * D + P), dtype=jnp.float32) / np.sqrt(2 * D + P)
    inp["msg_b1"] = jnp.zeros((D,), dtype=jnp.float32)
    inp["upd_W1"] = jax.random.normal(ks[7], (D, 2 * D), dtype=jnp.float32) / np.sqrt(2 * D)
    inp["upd_b1"] = jnp.zeros((D,), dtype=jnp.float32)
    return inp


def reference(x, pos, edge_index, W_embed, b_embed, msg_W0, msg_b0, upd_W0, upd_b0, msg_W1, msg_b1, upd_W1, upd_b1):
    h = x @ W_embed.T + b_embed
    row = edge_index[0]
    col = edge_index[1]
    # compute_edge_attr is under torch.no_grad()
    edge_attr = jax.lax.stop_gradient(jnp.take(pos, row, axis=0) - jnp.take(pos, col, axis=0))
    ones = jnp.ones((E, 1), dtype=jnp.float32)
    cnt = jax.ops.segment_sum(ones, col, num_segments=N)
    cnt = jnp.maximum(cnt, 1.0)
    for (mW, mb, uW, ub) in [(msg_W0, msg_b0, upd_W0, upd_b0), (msg_W1, msg_b1, upd_W1, upd_b1)]:
        hi = jnp.take(h, row, axis=0)
        hj = jnp.take(h, col, axis=0)
        messages_input = jnp.concatenate([hi, hj, edge_attr], axis=-1)
        messages = _ln(jax.nn.gelu(messages_input @ mW.T + mb, approximate=False))
        agg = jax.ops.segment_sum(messages, col, num_segments=N) / cnt
        update_input = jnp.concatenate([h, agg], axis=-1)
        update = _ln(update_input @ uW.T + ub)
        h = h + update
    return h

if __name__ == "__main__":
    import jax
    _d = setup_inputs()
    print(jax.jit(kernel)(*tuple(_d.values())))

</pallas_src>

<mosaic_0001>
#map = affine_map<(d0, d1) -> (0, 0)>
#map1 = affine_map<(d0, d1) -> (0)>
#map2 = affine_map<(d0, d1) -> (0, 0, 0)>
module attributes {stable_mosaic.version = 14 : i64} {
  func.func @sc_step(%arg0: i32, %arg1: i32, %arg2: memref<10000x128xf32, #tpu.memory_space<hbm>>, %arg3: memref<10000x128xf32, #tpu.memory_space<hbm>>, %arg4: memref<320000xi32, #tpu.memory_space<hbm>>, %arg5: memref<320000xi32, #tpu.memory_space<hbm>>, %arg6: memref<2x10000x128xf32, #tpu.memory_space<hbm>>, %arg7: memref<128xi32, #tpu.memory_space<vmem>>, %arg8: memref<128xi32, #tpu.memory_space<vmem>>, %arg9: memref<128x128xf32, #tpu.memory_space<vmem>>, %arg10: memref<128x128xf32, #tpu.memory_space<vmem>>, %arg11: memref<128x128xf32, #tpu.memory_space<vmem>>, %arg12: memref<640xf32, #tpu.memory_space<vmem>>, %arg13: memref<10000x128xf32, #tpu.memory_space<vmem_shared>>, %arg14: memref<10240xf32, #tpu.memory_space<vmem_shared>>, %arg15: memref<!tpu.dma_semaphore, #tpu.memory_space<semaphore_mem>>, %arg16: memref<!tpu.dma_semaphore, #tpu.memory_space<semaphore_mem>>) attributes {dimension_semantics = [#tpu.dimension_semantics<core_parallel>, #tpu.dimension_semantics<subcore_parallel>], iteration_bounds = array<i64: 2, 16>, scalar_prefetch = 0 : i64, scratch_operands = 10 : i64, tpu.core_type = #tpu.core_type<sc_vector_subcore>, window_params = [{transform_indices = #map}, {transform_indices = #map}, {transform_indices = #map1}, {transform_indices = #map1}, {transform_indices = #map2}]} {
    %mul3A = arith.constant 2 : i32
    %mul3A_0 = arith.muli %arg1, %mul3A : i32
    %add3A = arith.addi %mul3A_0, %arg0 : i32
    %broadcast_in_dim3A = arith.constant 0.000000e+00 : f32
    %broadcast_in_dim3A_1 = vector.broadcast %broadcast_in_dim3A : f32 to vector<16xf32>
    %broadcast_in_dim3A_2 = arith.constant 1.000000e+00 : f32
    %broadcast_in_dim3A_3 = vector.broadcast %broadcast_in_dim3A_2 : f32 to vector<16xf32>
    %scan3A = arith.constant 0 : i32
    %scan3A_4 = arith.constant 128 : i32
    %scan3A_5 = arith.addi %scan3A, %scan3A_4 : i32
    %scan3A_6 = arith.constant 1 : i32
    scf.for %scan3A_62 = %scan3A to %scan3A_5 step %scan3A_6  : i32 {
      %mul3A_63 = arith.constant 1 : i32
      %mul3A_64 = arith.muli %scan3A_62, %mul3A_63 : i32
      %add3A_65 = arith.constant 0 : i32
      %add3A_66 = arith.addi %add3A_65, %mul3A_64 : i32
      %swap3A = arith.index_cast %add3A_66 : i32 to index
      %swap3A_67 = arith.constant 0 : index
      %swap3A_68 = tpu.vector_load %arg9[%swap3A, %swap3A_67] {strides = array<i32>} : memref<128x128xf32, #tpu.memory_space<vmem>>, vector<16xf32>,
      tpu.vector_store %arg9[%swap3A, %swap3A_67], %broadcast_in_dim3A_1 {strides = array<i32>} : memref<128x128xf32, #tpu.memory_space<vmem>>, vector<16xf32>,
      %swap3A_69 = arith.index_cast %add3A_66 : i32 to index
      %swap3A_70 = arith.constant 16 : index
      %swap3A_71 = tpu.vector_load %arg9[%swap3A_69, %swap3A_70] {strides = array<i32>} : memref<128x128xf32, #tpu.memory_space<vmem>>, vector<16xf32>,
      tpu.vector_store %arg9[%swap3A_69, %swap3A_70], %broadcast_in_dim3A_1 {strides = array<i32>} : memref<128x128xf32, #tpu.memory_space<vmem>>, vector<16xf32>,
      %swap3A_72 = arith.index_cast %add3A_66 : i32 to index
      %swap3A_73 = arith.constant 32 : index
      %swap3A_74 = tpu.vector_load %arg9[%swap3A_72, %swap3A_73] {strides = array<i32>} : memref<128x128xf32, #tpu.memory_space<vmem>>, vector<16xf32>,
      tpu.vector_store %arg9[%swap3A_72, %swap3A_73], %broadcast_in_dim3A_1 {strides = array<i32>} : memref<128x128xf32, #tpu.memory_space<vmem>>, vector<16xf32>,
      %swap3A_75 = arith.index_cast %add3A_66 : i32 to index
      %swap3A_76 = arith.constant 48 : index
      %swap3A_77 = tpu.vector_load %arg9[%swap3A_75, %swap3A_76] {strides = array<i32>} : memref<128x128xf32, #tpu.memory_space<vmem>>, vector<16xf32>,
      tpu.vector_store %arg9[%swap3A_75, %swap3A_76], %broadcast_in_dim3A_1 {strides = array<i32>} : memref<128x128xf32, #tpu.memory_space<vmem>>, vector<16xf32>,
      %swap3A_78 = arith.index_cast %add3A_66 : i32 to index
      %swap3A_79 = arith.constant 64 : index
      %swap3A_80 = tpu.vector_load %arg9[%swap3A_78, %swap3A_79] {strides = array<i32>} : memref<128x128xf32, #tpu.memory_space<vmem>>, vector<16xf32>,
      tpu.vector_store %arg9[%swap3A_78, %swap3A_79], %broadcast_in_dim3A_1 {strides = array<i32>} : memref<128x128xf32, #tpu.memory_space<vmem>>, vector<16xf32>,
      %swap3A_81 = arith.index_cast %add3A_66 : i32 to index
      %swap3A_82 = arith.constant 80 : index
      %swap3A_83 = tpu.vector_load %arg9[%swap3A_81, %swap3A_82] {strides = array<i32>} : memref<128x128xf32, #tpu.memory_space<vmem>>, vector<16xf32>,
      tpu.vector_store %arg9[%swap3A_81, %swap3A_82], %broadcast_in_dim3A_1 {strides = array<i32>} : memref<128x128xf32, #tpu.memory_space<vmem>>, vector<16xf32>,
      %swap3A_84 = arith.index_cast %add3A_66 : i32 to index
      %swap3A_85 = arith.constant 96 : index
      %swap3A_86 = tpu.vector_load %arg9[%swap3A_84, %swap3A_85] {strides = array<i32>} : memref<128x128xf32, #tpu.memory_space<vmem>>, vector<16xf32>,
      tpu.vector_store %arg9[%swap3A_84, %swap3A_85], %broadcast_in_dim3A_1 {strides = array<i32>} : memref<128x128xf32, #tpu.memory_space<vmem>>, vector<16xf32>,
      %swap3A_87 = arith.index_cast %add3A_66 : i32 to index
      %swap3A_88 = arith.constant 112 : index
      %swap3A_89 = tpu.vector_load %arg9[%swap3A_87, %swap3A_88] {strides = array<i32>} : memref<128x128xf32, #tpu.memory_space<vmem>>, vector<16xf32>,
      tpu.vector_store %arg9[%swap3A_87, %swap3A_88], %broadcast_in_dim3A_1 {strides = array<i32>} : memref<128x128xf32, #tpu.memory_space<vmem>>, vector<16xf32>,
    }
    %scan3A_7 = arith.constant 128 : i32
    %mul3A_8 = arith.constant 632 : i32
    %mul3A_9 = arith.muli %arg1, %mul3A_8 : i32
    %add3A_10 = arith.constant 0 : i32
    %add3A_11 = arith.addi %mul3A_9, %add3A_10 : i32
    "tpu.region"() ({
      %run_scoped3A = tpu.sem_alloc : memref<!tpu.dma_semaphore, #tpu.memory_space<semaphore_mem>>
      %dma_start3A = arith.constant 0 : i32
      %dma_start3A_62 = tpu.memref_slice %arg13[%add3A_11, %dma_start3A] : memref<10000x128xf32, #tpu.memory_space<vmem_shared>> -> memref<128x128xf32, #tpu.memory_space<vmem_shared>>
      %dma_start3A_63 = arith.constant 0 : i32
      %dma_start3A_64 = tpu.memref_slice %arg13[%add3A_11, %dma_start3A_63] : memref<10000x128xf32, #tpu.memory_space<vmem_shared>> -> memref<128x128xf32, #tpu.memory_space<vmem_shared>>
      tpu.enqueue_dma source(%arg9 : memref<128x128xf32, #tpu.memory_space<vmem>>) target(%dma_start3A_64 : memref<128x128xf32, #tpu.memory_space<vmem_shared>>) target_semaphore(%run_scoped3A : memref<!tpu.dma_semaphore, #tpu.memory_space<semaphore_mem>>)
      %dma_wait3A = arith.constant 0 : i32
      %dma_wait3A_65 = tpu.memref_slice %arg13[%add3A_11, %dma_wait3A] : memref<10000x128xf32, #tpu.memory_space<vmem_shared>> -> memref<128x128xf32, #tpu.memory_space<vmem_shared>>
      %dma_wait3A_66 = arith.constant 0 : i32
      %dma_wait3A_67 = tpu.memref_slice %arg13[%add3A_11, %dma_wait3A_66] : memref<10000x128xf32, #tpu.memory_space<vmem_shared>> -> memref<128x128xf32, #tpu.memory_space<vmem_shared>>
      tpu.wait_dma2 semaphore(%run_scoped3A : memref<!tpu.dma_semaphore, #tpu.memory_space<semaphore_mem>>) src(%arg9 : memref<128x128xf32, #tpu.memory_space<vmem>>) dst(%dma_wait3A_67 : memref<128x128xf32, #tpu.memory_space<vmem_shared>>)
      tpu.yield
    }) : () -> ()
    %mul3A_12 = arith.constant 632 : i32
    %mul3A_13 = arith.muli %arg1, %mul3A_12 : i32
    %add3A_14 = arith.constant 128 : i32
    %add3A_15 = arith.addi %mul3A_13, %add3A_14 : i32
    "tpu.region"() ({
      %run_scoped3A = tpu.sem_alloc : memref<!tpu.dma_semaphore, #tpu.memory_space<semaphore_mem>>
      %dma_start3A = arith.constant 0 : i32
      %dma_start3A_62 = tpu.memref_slice %arg13[%add3A_15, %dma_start3A] : memref<10000x128xf32, #tpu.memory_space<vmem_shared>> -> memref<128x128xf32, #tpu.memory_space<vmem_shared>>
      %dma_start3A_63 = arith.constant 0 : i32
      %dma_start3A_64 = tpu.memref_slice %arg13[%add3A_15, %dma_start3A_63] : memref<10000x128xf32, #tpu.memory_space<vmem_shared>> -> memref<128x128xf32, #tpu.memory_space<vmem_shared>>
      tpu.enqueue_dma source(%arg9 : memref<128x128xf32, #tpu.memory_space<vmem>>) target(%dma_start3A_64 : memref<128x128xf32, #tpu.memory_space<vmem_shared>>) target_semaphore(%run_scoped3A : memref<!tpu.dma_semaphore, #tpu.memory_space<semaphore_mem>>)
      %dma_wait3A = arith.constant 0 : i32
      %dma_wait3A_65 = tpu.memref_slice %arg13[%add3A_15, %dma_wait3A] : memref<10000x128xf32, #tpu.memory_space<vmem_shared>> -> memref<128x128xf32, #tpu.memory_space<vmem_shared>>
      %dma_wait3A_66 = arith.constant 0 : i32
      %dma_wait3A_67 = tpu.memref_slice %arg13[%add3A_15, %dma_wait3A_66] : memref<10000x128xf32, #tpu.memory_space<vmem_shared>> -> memref<128x128xf32, #tpu.memory_space<vmem_shared>>
      tpu.wait_dma2 semaphore(%run_scoped3A : memref<!tpu.dma_semaphore, #tpu.memory_space<semaphore_mem>>) src(%arg9 : memref<128x128xf32, #tpu.memory_space<vmem>>) dst(%dma_wait3A_67 : memref<128x128xf32, #tpu.memory_space<vmem_shared>>)
      tpu.yield
    }) : () -> ()
    %mul3A_16 = arith.constant 632 : i32
    %mul3A_17 = arith.muli %arg1, %mul3A_16 : i32
    %add3A_18 = arith.constant 256 : i32
    %add3A_19 = arith.addi %mul3A_17, %add3A_18 : i32
    "tpu.region"() ({
      %run_scoped3A = tpu.sem_alloc : memref<!tpu.dma_semaphore, #tpu.memory_space<semaphore_mem>>
      %dma_start3A = arith.constant 0 : i32
      %dma_start3A_62 = tpu.memref_slice %arg13[%add3A_19, %dma_start3A] : memref<10000x128xf32, #tpu.memory_space<vmem_shared>> -> memref<128x128xf32, #tpu.memory_space<vmem_shared>>
      %dma_start3A_63 = arith.constant 0 : i32
      %dma_start3A_64 = tpu.memref_slice %arg13[%add3A_19, %dma_start3A_63] : memref<10000x128xf32, #tpu.memory_space<vmem_shared>> -> memref<128x128xf32, #tpu.memory_space<vmem_shared>>
      tpu.enqueue_dma source(%arg9 : memref<128x128xf32, #tpu.memory_space<vmem>>) target(%dma_start3A_64 : memref<128x128xf32, #tpu.memory_space<vmem_shared>>) target_semaphore(%run_scoped3A : memref<!tpu.dma_semaphore, #tpu.memory_space<semaphore_mem>>)
      %dma_wait3A = arith.constant 0 : i32
      %dma_wait3A_65 = tpu.memref_slice %arg13[%add3A_19, %dma_wait3A] : memref<10000x128xf32, #tpu.memory_space<vmem_shared>> -> memref<128x128xf32, #tpu.memory_space<vmem_shared>>
      %dma_wait3A_66 = arith.constant 0 : i32
      %dma_wait3A_67 = tpu.memref_slice %arg13[%add3A_19, %dma_wait3A_66] : memref<10000x128xf32, #tpu.memory_space<vmem_shared>> -> memref<128x128xf32, #tpu.memory_space<vmem_shared>>
      tpu.wait_dma2 semaphore(%run_scoped3A : memref<!tpu.dma_semaphore, #tpu.memory_space<semaphore_mem>>) src(%arg9 : memref<128x128xf32, #tpu.memory_space<vmem>>) dst(%dma_wait3A_67 : memref<128x128xf32, #tpu.memory_space<vmem_shared>>)
      tpu.yield
    }) : () -> ()
    %mul3A_20 = arith.constant 632 : i32
    %mul3A_21 = arith.muli %arg1, %mul3A_20 : i32
    %add3A_22 = arith.constant 384 : i32
    %add3A_23 = arith.addi %mul3A_21, %add3A_22 : i32
    "tpu.region"() ({
      %run_scoped3A = tpu.sem_alloc : memref<!tpu.dma_semaphore, #tpu.memory_space<semaphore_mem>>
      %dma_start3A = arith.constant 0 : i32
      %dma_start3A_62 = tpu.memref_slice %arg13[%add3A_23, %dma_start3A] : memref<10000x128xf32, #tpu.memory_space<vmem_shared>> -> memref<128x128xf32, #tpu.memory_space<vmem_shared>>
      %dma_start3A_63 = arith.constant 0 : i32
      %dma_start3A_64 = tpu.memref_slice %arg13[%add3A_23, %dma_start3A_63] : memref<10000x128xf32, #tpu.memory_space<vmem_shared>> -> memref<128x128xf32, #tpu.memory_space<vmem_shared>>
      tpu.enqueue_dma source(%arg9 : memref<128x128xf32, #tpu.memory_space<vmem>>) target(%dma_start3A_64 : memref<128x128xf32, #tpu.memory_space<vmem_shared>>) target_semaphore(%run_scoped3A : memref<!tpu.dma_semaphore, #tpu.memory_space<semaphore_mem>>)
      %dma_wait3A = arith.constant 0 : i32
      %dma_wait3A_65 = tpu.memref_slice %arg13[%add3A_23, %dma_wait3A] : memref<10000x128xf32, #tpu.memory_space<vmem_shared>> -> memref<128x128xf32, #tpu.memory_space<vmem_shared>>
      %dma_wait3A_66 = arith.constant 0 : i32
      %dma_wait3A_67 = tpu.memref_slice %arg13[%add3A_23, %dma_wait3A_66] : memref<10000x128xf32, #tpu.memory_space<vmem_shared>> -> memref<128x128xf32, #tpu.memory_space<vmem_shared>>
      tpu.wait_dma2 semaphore(%run_scoped3A : memref<!tpu.dma_semaphore, #tpu.memory_space<semaphore_mem>>) src(%arg9 : memref<128x128xf32, #tpu.memory_space<vmem>>) dst(%dma_wait3A_67 : memref<128x128xf32, #tpu.memory_space<vmem_shared>>)
      tpu.yield
    }) : () -> ()
    %lt3A = arith.constant 15 : i32
    %lt3A_24 = arith.cmpi slt, %arg1, %lt3A : i32
    %convert_element_type3A = arith.extui %lt3A_24 : i1 to i32
    %cond3A = arith.constant 0 : i32
    %cond3A_25 = arith.cmpi ne, %convert_element_type3A, %cond3A : i32
    scf.if %cond3A_25 {
      %mul3A_62 = arith.constant 632 : i32
      %mul3A_63 = arith.muli %arg1, %mul3A_62 : i32
      %add3A_64 = arith.constant 512 : i32
      %add3A_65 = arith.addi %mul3A_63, %add3A_64 : i32
      "tpu.region"() ({
        %run_scoped3A = tpu.sem_alloc : memref<!tpu.dma_semaphore, #tpu.memory_space<semaphore_mem>>
        %dma_start3A = arith.constant 0 : i32
        %dma_start3A_66 = arith.constant 0 : i32
        %dma_start3A_67 = tpu.memref_slice %arg9[%dma_start3A, %dma_start3A_66] : memref<128x128xf32, #tpu.memory_space<vmem>> -> memref<120x128xf32, #tpu.memory_space<vmem>>
        %dma_start3A_68 = arith.constant 0 : i32
        %dma_start3A_69 = tpu.memref_slice %arg13[%add3A_65, %dma_start3A_68] : memref<10000x128xf32, #tpu.memory_space<vmem_shared>> -> memref<120x128xf32, #tpu.memory_space<vmem_shared>>
        %dma_start3A_70 = arith.constant 0 : i32
        %dma_start3A_71 = tpu.memref_slice %arg13[%add3A_65, %dma_start3A_70] : memref<10000x128xf32, #tpu.memory_space<vmem_shared>> -> memref<120x128xf32, #tpu.memory_space<vmem_shared>>
        %dma_start3A_72 = arith.constant 0 : i32
        %dma_start3A_73 = arith.constant 0 : i32
        %dma_start3A_74 = tpu.memref_slice %arg9[%dma_start3A_72, %dma_start3A_73] : memref<128x128xf32, #tpu.memory_space<vmem>> -> memref<120x128xf32, #tpu.memory_space<vmem>>
        tpu.enqueue_dma source(%dma_start3A_74 : memref<120x128xf32, #tpu.memory_space<vmem>>) target(%dma_start3A_71 : memref<120x128xf32, #tpu.memory_space<vmem_shared>>) target_semaphore(%run_scoped3A : memref<!tpu.dma_semaphore, #tpu.memory_space<semaphore_mem>>)
        %dma_wait3A = arith.constant 0 : i32
        %dma_wait3A_75 = arith.constant 0 : i32
        %dma_wait3A_76 = tpu.memref_slice %arg9[%dma_wait3A, %dma_wait3A_75] : memref<128x128xf32, #tpu.memory_space<vmem>> -> memref<120x128xf32, #tpu.memory_space<vmem>>
        %dma_wait3A_77 = arith.constant 0 : i32
        %dma_wait3A_78 = tpu.memref_slice %arg13[%add3A_65, %dma_wait3A_77] : memref<10000x128xf32, #tpu.memory_space<vmem_shared>> -> memref<120x128xf32, #tpu.memory_space<vmem_shared>>
        %dma_wait3A_79 = arith.constant 0 : i32
        %dma_wait3A_80 = tpu.memref_slice %arg13[%add3A_65, %dma_wait3A_79] : memref<10000x128xf32, #tpu.memory_space<vmem_shared>> -> memref<120x128xf32, #tpu.memory_space<vmem_shared>>
        %dma_wait3A_81 = arith.constant 0 : i32
        %dma_wait3A_82 = arith.constant 0 : i32
        %dma_wait3A_83 = tpu.memref_slice %arg9[%dma_wait3A_81, %dma_wait3A_82] : memref<128x128xf32, #tpu.memory_space<vmem>> -> memref<120x128xf32, #tpu.memory_space<vmem>>
        tpu.wait_dma2 semaphore(%run_scoped3A : memref<!tpu.dma_semaphore, #tpu.memory_space<semaphore_mem>>) src(%dma_wait3A_83 : memref<120x128xf32, #tpu.memory_space<vmem>>) dst(%dma_wait3A_80 : memref<120x128xf32, #tpu.memory_space<vmem_shared>>)
        tpu.yield
      }) : () -> ()
    } else {
    }
    %eq3A = arith.constant 15 : i32
    %eq3A_26 = arith.cmpi eq, %arg1, %eq3A : i32
    %convert_element_type3A_27 = arith.extui %eq3A_26 : i1 to i32
    %cond3A_28 = arith.constant 0 : i32
    %cond3A_29 = arith.cmpi ne, %convert_element_type3A_27, %cond3A_28 : i32
    scf.if %cond3A_29 {
      "tpu.region"() ({
        %run_scoped3A = tpu.sem_alloc : memref<!tpu.dma_semaphore, #tpu.memory_space<semaphore_mem>>
        %dma_start3A = arith.constant 0 : i32
        %dma_start3A_62 = arith.constant 0 : i32
        %dma_start3A_63 = tpu.memref_slice %arg9[%dma_start3A, %dma_start3A_62] : memref<128x128xf32, #tpu.memory_space<vmem>> -> memref<8x128xf32, #tpu.memory_space<vmem>>
        %dma_start3A_64 = arith.constant 9992 : i32
        %dma_start3A_65 = arith.constant 0 : i32
        %dma_start3A_66 = tpu.memref_slice %arg13[%dma_start3A_64, %dma_start3A_65] : memref<10000x128xf32, #tpu.memory_space<vmem_shared>> -> memref<8x128xf32, #tpu.memory_space<vmem_shared>>
        %dma_start3A_67 = arith.constant 9992 : i32
        %dma_start3A_68 = arith.constant 0 : i32
        %dma_start3A_69 = tpu.memref_slice %arg13[%dma_start3A_67, %dma_start3A_68] : memref<10000x128xf32, #tpu.memory_space<vmem_shared>> -> memref<8x128xf32, #tpu.memory_space<vmem_shared>>
        %dma_start3A_70 = arith.constant 0 : i32
        %dma_start3A_71 = arith.constant 0 : i32
        %dma_start3A_72 = tpu.memref_slice %arg9[%dma_start3A_70, %dma_start3A_71] : memref<128x128xf32, #tpu.memory_space<vmem>> -> memref<8x128xf32, #tpu.memory_space<vmem>>
        tpu.enqueue_dma source(%dma_start3A_72 : memref<8x128xf32, #tpu.memory_space<vmem>>) target(%dma_start3A_69 : memref<8x128xf32, #tpu.memory_space<vmem_shared>>) target_semaphore(%run_scoped3A : memref<!tpu.dma_semaphore, #tpu.memory_space<semaphore_mem>>)
        %dma_wait3A = arith.constant 0 : i32
        %dma_wait3A_73 = arith.constant 0 : i32
        %dma_wait3A_74 = tpu.memref_slice %arg9[%dma_wait3A, %dma_wait3A_73] : memref<128x128xf32, #tpu.memory_space<vmem>> -> memref<8x128xf32, #tpu.memory_space<vmem>>
        %dma_wait3A_75 = arith.constant 9992 : i32
        %dma_wait3A_76 = arith.constant 0 : i32
        %dma_wait3A_77 = tpu.memref_slice %arg13[%dma_wait3A_75, %dma_wait3A_76] : memref<10000x128xf32, #tpu.memory_space<vmem_shared>> -> memref<8x128xf32, #tpu.memory_space<vmem_shared>>
        %dma_wait3A_78 = arith.constant 9992 : i32
        %dma_wait3A_79 = arith.constant 0 : i32
        %dma_wait3A_80 = tpu.memref_slice %arg13[%dma_wait3A_78, %dma_wait3A_79] : memref<10000x128xf32, #tpu.memory_space<vmem_shared>> -> memref<8x128xf32, #tpu.memory_space<vmem_shared>>
        %dma_wait3A_81 = arith.constant 0 : i32
        %dma_wait3A_82 = arith.constant 0 : i32
        %dma_wait3A_83 = tpu.memref_slice %arg9[%dma_wait3A_81, %dma_wait3A_82] : memref<128x128xf32, #tpu.memory_space<vmem>> -> memref<8x128xf32, #tpu.memory_space<vmem>>
        tpu.wait_dma2 semaphore(%run_scoped3A : memref<!tpu.dma_semaphore, #tpu.memory_space<semaphore_mem>>) src(%dma_wait3A_83 : memref<8x128xf32, #tpu.memory_space<vmem>>) dst(%dma_wait3A_80 : memref<8x128xf32, #tpu.memory_space<vmem_shared>>)
        tpu.yield
      }) : () -> ()
    } else {
    }
    %barrier3A = arith.constant 0 : index
    tpu.barrier barrier_id(%barrier3A)
    %scan3A_30 = arith.constant 0 : i32
    %scan3A_31 = arith.constant 79 : i32
    %scan3A_32 = arith.addi %scan3A_30, %scan3A_31 : i32
    %scan3A_33 = arith.constant 1 : i32
    scf.for %scan3A_62 = %scan3A_30 to %scan3A_32 step %scan3A_33  : i32 {
      %mul3A_63 = arith.constant 1 : i32
      %mul3A_64 = arith.muli %scan3A_62, %mul3A_63 : i32
      %add3A_65 = arith.constant 0 : i32
      %add3A_66 = arith.addi %add3A_65, %mul3A_64 : i32
      %mul3A_67 = arith.constant 32 : i32
      %mul3A_68 = arith.muli %add3A_66, %mul3A_67 : i32
      %add3A_69 = arith.addi %mul3A_68, %add3A : i32
      %lt3A_70 = arith.constant 2500 : i32
      %lt3A_71 = arith.cmpi slt, %add3A_69, %lt3A_70 : i32
      %convert_element_type3A_72 = arith.extui %lt3A_71 : i1 to i32
      %cond3A_73 = arith.constant 0 : i32
      %cond3A_74 = arith.cmpi ne, %convert_element_type3A_72, %cond3A_73 : i32
      scf.if %cond3A_74 {
        %mul3A_75 = arith.constant 128 : i32
        %mul3A_76 = arith.muli %add3A_69, %mul3A_75 : i32
        "tpu.region"() ({
          %run_scoped3A = tpu.sem_alloc : memref<!tpu.dma_semaphore, #tpu.memory_space<semaphore_mem>>
          %dma_start3A_92 = tpu.memref_slice %arg4[%mul3A_76] : memref<320000xi32, #tpu.memory_space<hbm>> -> memref<128xi32, #tpu.memory_space<hbm>>
          %dma_start3A_93 = tpu.memref_slice %arg4[%mul3A_76] : memref<320000xi32, #tpu.memory_space<hbm>> -> memref<128xi32, #tpu.memory_space<hbm>>
          tpu.enqueue_dma source(%dma_start3A_93 : memref<128xi32, #tpu.memory_space<hbm>>) target(%arg7 : memref<128xi32, #tpu.memory_space<vmem>>) target_semaphore(%run_scoped3A : memref<!tpu.dma_semaphore, #tpu.memory_space<semaphore_mem>>)
          %dma_wait3A_94 = tpu.memref_slice %arg4[%mul3A_76] : memref<320000xi32, #tpu.memory_space<hbm>> -> memref<128xi32, #tpu.memory_space<hbm>>
          %dma_wait3A_95 = tpu.memref_slice %arg4[%mul3A_76] : memref<320000xi32, #tpu.memory_space<hbm>> -> memref<128xi32, #tpu.memory_space<hbm>>
          tpu.wait_dma2 semaphore(%run_scoped3A : memref<!tpu.dma_semaphore, #tpu.memory_space<semaphore_mem>>) src(%dma_wait3A_95 : memref<128xi32, #tpu.memory_space<hbm>>) dst(%arg7 : memref<128xi32, #tpu.memory_space<vmem>>)
          tpu.yield
        }) : () -> ()
        "tpu.region"() ({
          %run_scoped3A = tpu.sem_alloc : memref<!tpu.dma_semaphore, #tpu.memory_space<semaphore_mem>>
          %dma_start3A_92 = tpu.memref_slice %arg5[%mul3A_76] : memref<320000xi32, #tpu.memory_space<hbm>> -> memref<128xi32, #tpu.memory_space<hbm>>
          %dma_start3A_93 = tpu.memref_slice %arg5[%mul3A_76] : memref<320000xi32, #tpu.memory_space<hbm>> -> memref<128xi32, #tpu.memory_space<hbm>>
          tpu.enqueue_dma source(%dma_start3A_93 : memref<128xi32, #tpu.memory_space<hbm>>) target(%arg8 : memref<128xi32, #tpu.memory_space<vmem>>) target_semaphore(%run_scoped3A : memref<!tpu.dma_semaphore, #tpu.memory_space<semaphore_mem>>)
          %dma_wait3A_94 = tpu.memref_slice %arg5[%mul3A_76] : memref<320000xi32, #tpu.memory_space<hbm>> -> memref<128xi32, #tpu.memory_space<hbm>>
          %dma_wait3A_95 = tpu.memref_slice %arg5[%mul3A_76] : memref<320000xi32, #tpu.memory_space<hbm>> -> memref<128xi32, #tpu.memory_space<hbm>>
          tpu.wait_dma2 semaphore(%run_scoped3A : memref<!tpu.dma_semaphore, #tpu.memory_space<semaphore_mem>>) src(%dma_wait3A_95 : memref<128xi32, #tpu.memory_space<hbm>>) dst(%arg8 : memref<128xi32, #tpu.memory_space<vmem>>)
          tpu.yield
        }) : () -> ()
        %dma_start3A = arith.constant 0 : i32
        %dma_start3A_77 = arith.constant 0 : i32
        %dma_start3A_78 = tpu.memref_slice %arg2[%dma_start3A, %dma_start3A_77] : memref<10000x128xf32, #tpu.memory_space<hbm>> -> memref<10000x128xf32, #tpu.memory_space<hbm>>
        tpu.enqueue_indirect_dma source(%dma_start3A_78 : memref<10000x128xf32, #tpu.memory_space<hbm>>) target(%arg9 : memref<128x128xf32, #tpu.memory_space<vmem>>) offsets(%arg7 : memref<128xi32, #tpu.memory_space<vmem>>) semaphore(%arg15 : memref<!tpu.dma_semaphore, #tpu.memory_space<semaphore_mem>>)
        %dma_start3A_79 = arith.constant 0 : i32
        %dma_start3A_80 = arith.constant 0 : i32
        %dma_start3A_81 = tpu.memref_slice %arg3[%dma_start3A_79, %dma_start3A_80] : memref<10000x128xf32, #tpu.memory_space<hbm>> -> memref<10000x128xf32, #tpu.memory_space<hbm>>
        tpu.enqueue_indirect_dma source(%dma_start3A_81 : memref<10000x128xf32, #tpu.memory_space<hbm>>) target(%arg10 : memref<128x128xf32, #tpu.memory_space<vmem>>) offsets(%arg8 : memref<128xi32, #tpu.memory_space<vmem>>) semaphore(%arg16 : memref<!tpu.dma_semaphore, #tpu.memory_space<semaphore_mem>>)
        %dma_wait3A = arith.constant 0 : i32
        %dma_wait3A_82 = arith.constant 0 : i32
        %dma_wait3A_83 = tpu.memref_slice %arg2[%dma_wait3A, %dma_wait3A_82] : memref<10000x128xf32, #tpu.memory_space<hbm>> -> memref<10000x128xf32, #tpu.memory_space<hbm>>
        tpu.wait_indirect_dma semaphore(%arg15 : memref<!tpu.dma_semaphore, #tpu.memory_space<semaphore_mem>>) src(%dma_wait3A_83 : memref<10000x128xf32, #tpu.memory_space<hbm>>) dst(%arg9 : memref<128x128xf32, #tpu.memory_space<vmem>>)
        %dma_wait3A_84 = arith.constant 0 : i32
        %dma_wait3A_85 = arith.constant 0 : i32
        %dma_wait3A_86 = tpu.memref_slice %arg3[%dma_wait3A_84, %dma_wait3A_85] : memref<10000x128xf32, #tpu.memory_space<hbm>> -> memref<10000x128xf32, #tpu.memory_space<hbm>>
        tpu.wait_indirect_dma semaphore(%arg16 : memref<!tpu.dma_semaphore, #tpu.memory_space<semaphore_mem>>) src(%dma_wait3A_86 : memref<10000x128xf32, #tpu.memory_space<hbm>>) dst(%arg10 : memref<128x128xf32, #tpu.memory_space<vmem>>)
        %scan3A_87 = arith.constant 0 : i32
        %scan3A_88 = arith.constant 128 : i32
        %scan3A_89 = arith.addi %scan3A_87, %scan3A_88 : i32
        %scan3A_90 = arith.constant 1 : i32
        scf.for %scan3A_92 = %scan3A_87 to %scan3A_89 step %scan3A_90  : i32 {
          %mul3A_93 = arith.constant 1 : i32
          %mul3A_94 = arith.muli %scan3A_92, %mul3A_93 : i32
          %add3A_95 = arith.constant 0 : i32
          %add3A_96 = arith.addi %add3A_95, %mul3A_94 : i32
          %get3A = arith.index_cast %add3A_96 : i32 to index
          %get3A_97 = arith.constant 0 : index
          %get3A_98 = tpu.vector_load %arg9[%get3A, %get3A_97] {strides = array<i32>} : memref<128x128xf32, #tpu.memory_space<vmem>>, vector<16xf32>,
          %get3A_99 = arith.index_cast %add3A_96 : i32 to index
          %get3A_100 = arith.constant 0 : index
          %get3A_101 = tpu.vector_load %arg10[%get3A_99, %get3A_100] {strides = array<i32>} : memref<128x128xf32, #tpu.memory_space<vmem>>, vector<16xf32>,
          %add3A_102 = arith.addf %get3A_98, %get3A_101 : vector<16xf32>
          %mul3A_103 = arith.mulf %add3A_102, %add3A_102 : vector<16xf32>
          %mul3A_104 = arith.constant 0.0713548139 : f32
          %mul3A_105 = vector.broadcast %mul3A_104 : f32 to vector<16xf32>
          %mul3A_106 = arith.mulf %mul3A_105, %mul3A_103 : vector<16xf32>
          %add3A_107 = arith.constant 1.59576917 : f32
          %add3A_108 = vector.broadcast %add3A_107 : f32 to vector<16xf32>
          %add3A_109 = arith.addf %add3A_108, %mul3A_106 : vector<16xf32>
          %mul3A_110 = arith.mulf %add3A_102, %add3A_109 : vector<16xf32>
          %neg3A = arith.constant 0.000000e+00 : f32
          %neg3A_111 = vector.broadcast %neg3A : f32 to vector<16xf32>
          %neg3A_112 = arith.subf %neg3A_111, %mul3A_110 : vector<16xf32>
          %exp3A = math.exp %neg3A_112 : vector<16xf32>
          %add3A_113 = arith.constant 1.000000e+00 : f32
          %add3A_114 = vector.broadcast %add3A_113 : f32 to vector<16xf32>
          %add3A_115 = arith.addf %add3A_114, %exp3A : vector<16xf32>
          %div3A = arith.divf %add3A_102, %add3A_115 : vector<16xf32>
          %mul3A_116 = arith.mulf %div3A, %div3A : vector<16xf32>
          %get3A_117 = arith.index_cast %add3A_96 : i32 to index
          %get3A_118 = arith.constant 16 : index
          %get3A_119 = tpu.vector_load %arg9[%get3A_117, %get3A_118] {strides = array<i32>} : memref<128x128xf32, #tpu.memory_space<vmem>>, vector<16xf32>,
          %get3A_120 = arith.index_cast %add3A_96 : i32 to index
          %get3A_121 = arith.constant 16 : index
          %get3A_122 = tpu.vector_load %arg10[%get3A_120, %get3A_121] {strides = array<i32>} : memref<128x128xf32, #tpu.memory_space<vmem>>, vector<16xf32>,
          %add3A_123 = arith.addf %get3A_119, %get3A_122 : vector<16xf32>
          %mul3A_124 = arith.mulf %add3A_123, %add3A_123 : vector<16xf32>
          %mul3A_125 = arith.constant 0.0713548139 : f32
          %mul3A_126 = vector.broadcast %mul3A_125 : f32 to vector<16xf32>
          %mul3A_127 = arith.mulf %mul3A_126, %mul3A_124 : vector<16xf32>
          %add3A_128 = arith.constant 1.59576917 : f32
          %add3A_129 = vector.broadcast %add3A_128 : f32 to vector<16xf32>
          %add3A_130 = arith.addf %add3A_129, %mul3A_127 : vector<16xf32>
          %mul3A_131 = arith.mulf %add3A_123, %add3A_130 : vector<16xf32>
          %neg3A_132 = arith.constant 0.000000e+00 : f32
          %neg3A_133 = vector.broadcast %neg3A_132 : f32 to vector<16xf32>
          %neg3A_134 = arith.subf %neg3A_133, %mul3A_131 : vector<16xf32>
          %exp3A_135 = math.exp %neg3A_134 : vector<16xf32>
          %add3A_136 = arith.constant 1.000000e+00 : f32
          %add3A_137 = vector.broadcast %add3A_136 : f32 to vector<16xf32>
          %add3A_138 = arith.addf %add3A_137, %exp3A_135 : vector<16xf32>
          %div3A_139 = arith.divf %add3A_123, %add3A_138 : vector<16xf32>
          %add3A_140 = arith.addf %div3A, %div3A_139 : vector<16xf32>
          %mul3A_141 = arith.mulf %div3A_139, %div3A_139 : vector<16xf32>
          %add3A_142 = arith.addf %mul3A_116, %mul3A_141 : vector<16xf32>
          %get3A_143 = arith.index_cast %add3A_96 : i32 to index
          %get3A_144 = arith.constant 32 : index
          %get3A_145 = tpu.vector_load %arg9[%get3A_143, %get3A_144] {strides = array<i32>} : memref<128x128xf32, #tpu.memory_space<vmem>>, vector<16xf32>,
          %get3A_146 = arith.index_cast %add3A_96 : i32 to index
          %get3A_147 = arith.constant 32 : index
          %get3A_148 = tpu.vector_load %arg10[%get3A_146, %get3A_147] {strides = array<i32>} : memref<128x128xf32, #tpu.memory_space<vmem>>, vector<16xf32>,
          %add3A_149 = arith.addf %get3A_145, %get3A_148 : vector<16xf32>
          %mul3A_150 = arith.mulf %add3A_149, %add3A_149 : vector<16xf32>
          %mul3A_151 = arith.constant 0.0713548139 : f32
          %mul3A_152 = vector.broadcast %mul3A_151 : f32 to vector<16xf32>
          %mul3A_153 = arith.mulf %mul3A_152, %mul3A_150 : vector<16xf32>
          %add3A_154 = arith.constant 1.59576917 : f32
          %add3A_155 = vector.broadcast %add3A_154 : f32 to vector<16xf32>
          %add3A_156 = arith.addf %add3A_155, %mul3A_153 : vector<16xf32>
          %mul3A_157 = arith.mulf %add3A_149, %add3A_156 : vector<16xf32>
          %neg3A_158 = arith.constant 0.000000e+00 : f32
          %neg3A_159 = vector.broadcast %neg3A_158 : f32 to vector<16xf32>
          %neg3A_160 = arith.subf %neg3A_159, %mul3A_157 : vector<16xf32>
          %exp3A_161 = math.exp %neg3A_160 : vector<16xf32>
          %add3A_162 = arith.constant 1.000000e+00 : f32
          %add3A_163 = vector.broadcast %add3A_162 : f32 to vector<16xf32>
          %add3A_164 = arith.addf %add3A_163, %exp3A_161 : vector<16xf32>
          %div3A_165 = arith.divf %add3A_149, %add3A_164 : vector<16xf32>
          %add3A_166 = arith.addf %add3A_140, %div3A_165 : vector<16xf32>
          %mul3A_167 = arith.mulf %div3A_165, %div3A_165 : vector<16xf32>
          %add3A_168 = arith.addf %add3A_142, %mul3A_167 : vector<16xf32>
          %get3A_169 = arith.index_cast %add3A_96 : i32 to index
          %get3A_170 = arith.constant 48 : index
          %get3A_171 = tpu.vector_load %arg9[%get3A_169, %get3A_170] {strides = array<i32>} : memref<128x128xf32, #tpu.memory_space<vmem>>, vector<16xf32>,
          %get3A_172 = arith.index_cast %add3A_96 : i32 to index
          %get3A_173 = arith.constant 48 : index
          %get3A_174 = tpu.vector_load %arg10[%get3A_172, %get3A_173] {strides = array<i32>} : memref<128x128xf32, #tpu.memory_space<vmem>>, vector<16xf32>,
          %add3A_175 = arith.addf %get3A_171, %get3A_174 : vector<16xf32>
          %mul3A_176 = arith.mulf %add3A_175, %add3A_175 : vector<16xf32>
          %mul3A_177 = arith.constant 0.0713548139 : f32
          %mul3A_178 = vector.broadcast %mul3A_177 : f32 to vector<16xf32>
          %mul3A_179 = arith.mulf %mul3A_178, %mul3A_176 : vector<16xf32>
          %add3A_180 = arith.constant 1.59576917 : f32
          %add3A_181 = vector.broadcast %add3A_180 : f32 to vector<16xf32>
          %add3A_182 = arith.addf %add3A_181, %mul3A_179 : vector<16xf32>
          %mul3A_183 = arith.mulf %add3A_175, %add3A_182 : vector<16xf32>
          %neg3A_184 = arith.constant 0.000000e+00 : f32
          %neg3A_185 = vector.broadcast %neg3A_184 : f32 to vector<16xf32>
          %neg3A_186 = arith.subf %neg3A_185, %mul3A_183 : vector<16xf32>
          %exp3A_187 = math.exp %neg3A_186 : vector<16xf32>
          %add3A_188 = arith.constant 1.000000e+00 : f32
          %add3A_189 = vector.broadcast %add3A_188 : f32 to vector<16xf32>
          %add3A_190 = arith.addf %add3A_189, %exp3A_187 : vector<16xf32>
          %div3A_191 = arith.divf %add3A_175, %add3A_190 : vector<16xf32>
          %add3A_192 = arith.addf %add3A_166, %div3A_191 : vector<16xf32>
          %mul3A_193 = arith.mulf %div3A_191, %div3A_191 : vector<16xf32>
          %add3A_194 = arith.addf %add3A_168, %mul3A_193 : vector<16xf32>
          %get3A_195 = arith.index_cast %add3A_96 : i32 to index
          %get3A_196 = arith.constant 64 : index
          %get3A_197 = tpu.vector_load %arg9[%get3A_195, %get3A_196] {strides = array<i32>} : memref<128x128xf32, #tpu.memory_space<vmem>>, vector<16xf32>,
          %get3A_198 = arith.index_cast %add3A_96 : i32 to index
          %get3A_199 = arith.constant 64 : index
          %get3A_200 = tpu.vector_load %arg10[%get3A_198, %get3A_199] {strides = array<i32>} : memref<128x128xf32, #tpu.memory_space<vmem>>, vector<16xf32>,
          %add3A_201 = arith.addf %get3A_197, %get3A_200 : vector<16xf32>
          %mul3A_202 = arith.mulf %add3A_201, %add3A_201 : vector<16xf32>
          %mul3A_203 = arith.constant 0.0713548139 : f32
          %mul3A_204 = vector.broadcast %mul3A_203 : f32 to vector<16xf32>
          %mul3A_205 = arith.mulf %mul3A_204, %mul3A_202 : vector<16xf32>
          %add3A_206 = arith.constant 1.59576917 : f32
          %add3A_207 = vector.broadcast %add3A_206 : f32 to vector<16xf32>
          %add3A_208 = arith.addf %add3A_207, %mul3A_205 : vector<16xf32>
          %mul3A_209 = arith.mulf %add3A_201, %add3A_208 : vector<16xf32>
          %neg3A_210 = arith.constant 0.000000e+00 : f32
          %neg3A_211 = vector.broadcast %neg3A_210 : f32 to vector<16xf32>
          %neg3A_212 = arith.subf %neg3A_211, %mul3A_209 : vector<16xf32>
          %exp3A_213 = math.exp %neg3A_212 : vector<16xf32>
          %add3A_214 = arith.constant 1.000000e+00 : f32
          %add3A_215 = vector.broadcast %add3A_214 : f32 to vector<16xf32>
          %add3A_216 = arith.addf %add3A_215, %exp3A_213 : vector<16xf32>
          %div3A_217 = arith.divf %add3A_201, %add3A_216 : vector<16xf32>
          %add3A_218 = arith.addf %add3A_192, %div3A_217 : vector<16xf32>
          %mul3A_219 = arith.mulf %div3A_217, %div3A_217 : vector<16xf32>
          %add3A_220 = arith.addf %add3A_194, %mul3A_219 : vector<16xf32>
          %get3A_221 = arith.index_cast %add3A_96 : i32 to index
          %get3A_222 = arith.constant 80 : index
          %get3A_223 = tpu.vector_load %arg9[%get3A_221, %get3A_222] {strides = array<i32>} : memref<128x128xf32, #tpu.memory_space<vmem>>, vector<16xf32>,
          %get3A_224 = arith.index_cast %add3A_96 : i32 to index
          %get3A_225 = arith.constant 80 : index
          %get3A_226 = tpu.vector_load %arg10[%get3A_224, %get3A_225] {strides = array<i32>} : memref<128x128xf32, #tpu.memory_space<vmem>>, vector<16xf32>,
          %add3A_227 = arith.addf %get3A_223, %get3A_226 : vector<16xf32>
          %mul3A_228 = arith.mulf %add3A_227, %add3A_227 : vector<16xf32>
          %mul3A_229 = arith.constant 0.0713548139 : f32
          %mul3A_230 = vector.broadcast %mul3A_229 : f32 to vector<16xf32>
          %mul3A_231 = arith.mulf %mul3A_230, %mul3A_228 : vector<16xf32>
          %add3A_232 = arith.constant 1.59576917 : f32
          %add3A_233 = vector.broadcast %add3A_232 : f32 to vector<16xf32>
          %add3A_234 = arith.addf %add3A_233, %mul3A_231 : vector<16xf32>
          %mul3A_235 = arith.mulf %add3A_227, %add3A_234 : vector<16xf32>
          %neg3A_236 = arith.constant 0.000000e+00 : f32
          %neg3A_237 = vector.broadcast %neg3A_236 : f32 to vector<16xf32>
          %neg3A_238 = arith.subf %neg3A_237, %mul3A_235 : vector<16xf32>
          %exp3A_239 = math.exp %neg3A_238 : vector<16xf32>
          %add3A_240 = arith.constant 1.000000e+00 : f32
          %add3A_241 = vector.broadcast %add3A_240 : f32 to vector<16xf32>
          %add3A_242 = arith.addf %add3A_241, %exp3A_239 : vector<16xf32>
          %div3A_243 = arith.divf %add3A_227, %add3A_242 : vector<16xf32>
          %add3A_244 = arith.addf %add3A_218, %div3A_243 : vector<16xf32>
          %mul3A_245 = arith.mulf %div3A_243, %div3A_243 : vector<16xf32>
          %add3A_246 = arith.addf %add3A_220, %mul3A_245 : vector<16xf32>
          %get3A_247 = arith.index_cast %add3A_96 : i32 to index
          %get3A_248 = arith.constant 96 : index
          %get3A_249 = tpu.vector_load %arg9[%get3A_247, %get3A_248] {strides = array<i32>} : memref<128x128xf32, #tpu.memory_space<vmem>>, vector<16xf32>,
          %get3A_250 = arith.index_cast %add3A_96 : i32 to index
          %get3A_251 = arith.constant 96 : index
          %get3A_252 = tpu.vector_load %arg10[%get3A_250, %get3A_251] {strides = array<i32>} : memref<128x128xf32, #tpu.memory_space<vmem>>, vector<16xf32>,
          %add3A_253 = arith.addf %get3A_249, %get3A_252 : vector<16xf32>
          %mul3A_254 = arith.mulf %add3A_253, %add3A_253 : vector<16xf32>
          %mul3A_255 = arith.constant 0.0713548139 : f32
          %mul3A_256 = vector.broadcast %mul3A_255 : f32 to vector<16xf32>
          %mul3A_257 = arith.mulf %mul3A_256, %mul3A_254 : vector<16xf32>
          %add3A_258 = arith.constant 1.59576917 : f32
          %add3A_259 = vector.broadcast %add3A_258 : f32 to vector<16xf32>
          %add3A_260 = arith.addf %add3A_259, %mul3A_257 : vector<16xf32>
          %mul3A_261 = arith.mulf %add3A_253, %add3A_260 : vector<16xf32>
          %neg3A_262 = arith.constant 0.000000e+00 : f32
          %neg3A_263 = vector.broadcast %neg3A_262 : f32 to vector<16xf32>
          %neg3A_264 = arith.subf %neg3A_263, %mul3A_261 : vector<16xf32>
          %exp3A_265 = math.exp %neg3A_264 : vector<16xf32>
          %add3A_266 = arith.constant 1.000000e+00 : f32
          %add3A_267 = vector.broadcast %add3A_266 : f32 to vector<16xf32>
          %add3A_268 = arith.addf %add3A_267, %exp3A_265 : vector<16xf32>
          %div3A_269 = arith.divf %add3A_253, %add3A_268 : vector<16xf32>
          %add3A_270 = arith.addf %add3A_244, %div3A_269 : vector<16xf32>
          %mul3A_271 = arith.mulf %div3A_269, %div3A_269 : vector<16xf32>
          %add3A_272 = arith.addf %add3A_246, %mul3A_271 : vector<16xf32>
          %get3A_273 = arith.index_cast %add3A_96 : i32 to index
          %get3A_274 = arith.constant 112 : index
          %get3A_275 = tpu.vector_load %arg9[%get3A_273, %get3A_274] {strides = array<i32>} : memref<128x128xf32, #tpu.memory_space<vmem>>, vector<16xf32>,
          %get3A_276 = arith.index_cast %add3A_96 : i32 to index
          %get3A_277 = arith.constant 112 : index
          %get3A_278 = tpu.vector_load %arg10[%get3A_276, %get3A_277] {strides = array<i32>} : memref<128x128xf32, #tpu.memory_space<vmem>>, vector<16xf32>,
          %add3A_279 = arith.addf %get3A_275, %get3A_278 : vector<16xf32>
          %mul3A_280 = arith.mulf %add3A_279, %add3A_279 : vector<16xf32>
          %mul3A_281 = arith.constant 0.0713548139 : f32
          %mul3A_282 = vector.broadcast %mul3A_281 : f32 to vector<16xf32>
          %mul3A_283 = arith.mulf %mul3A_282, %mul3A_280 : vector<16xf32>
          %add3A_284 = arith.constant 1.59576917 : f32
          %add3A_285 = vector.broadcast %add3A_284 : f32 to vector<16xf32>
          %add3A_286 = arith.addf %add3A_285, %mul3A_283 : vector<16xf32>
          %mul3A_287 = arith.mulf %add3A_279, %add3A_286 : vector<16xf32>
          %neg3A_288 = arith.constant 0.000000e+00 : f32
          %neg3A_289 = vector.broadcast %neg3A_288 : f32 to vector<16xf32>
          %neg3A_290 = arith.subf %neg3A_289, %mul3A_287 : vector<16xf32>
          %exp3A_291 = math.exp %neg3A_290 : vector<16xf32>
          %add3A_292 = arith.constant 1.000000e+00 : f32
          %add3A_293 = vector.broadcast %add3A_292 : f32 to vector<16xf32>
          %add3A_294 = arith.addf %add3A_293, %exp3A_291 : vector<16xf32>
          %div3A_295 = arith.divf %add3A_279, %add3A_294 : vector<16xf32>
          %add3A_296 = arith.addf %add3A_270, %div3A_295 : vector<16xf32>
          %mul3A_297 = arith.mulf %div3A_295, %div3A_295 : vector<16xf32>
          %add3A_298 = arith.addf %add3A_272, %mul3A_297 : vector<16xf32>
          %reduce_sum3A = arith.constant true
          %reduce_sum3A_299 = vector.broadcast %reduce_sum3A : i1 to vector<16xi1>
          %reduce_sum3A_300 = tpu.scan <sum>, %add3A_296 masked %reduce_sum3A_299 : vector<16xf32>, vector<16xi1> -> vector<16xf32>
          %reduce_sum3A_301 = vector.extract %reduce_sum3A_300[15] : f32 from vector<16xf32>
          %mul3A_302 = arith.constant 7.812500e-03 : f32
          %mul3A_303 = arith.mulf %reduce_sum3A_301, %mul3A_302 : f32
          %reduce_sum3A_304 = arith.constant true
          %reduce_sum3A_305 = vector.broadcast %reduce_sum3A_304 : i1 to vector<16xi1>
          %reduce_sum3A_306 = tpu.scan <sum>, %add3A_298 masked %reduce_sum3A_305 : vector<16xf32>, vector<16xi1> -> vector<16xf32>
          %reduce_sum3A_307 = vector.extract %reduce_sum3A_306[15] : f32 from vector<16xf32>
          %mul3A_308 = arith.constant 7.812500e-03 : f32
          %mul3A_309 = arith.mulf %reduce_sum3A_307, %mul3A_308 : f32
          %mul3A_310 = arith.mulf %mul3A_303, %mul3A_303 : f32
          %sub3A = arith.subf %mul3A_309, %mul3A_310 : f32
          %add3A_311 = arith.constant 9.99999974E-6 : f32
          %add3A_312 = arith.addf %sub3A, %add3A_311 : f32
          %bitcast_convert_type3A = arith.bitcast %add3A_312 : f32 to i32
          %shift_right_logical3A = arith.constant 1 : i32
          %shift_right_logical3A_313 = arith.shrui %bitcast_convert_type3A, %shift_right_logical3A : i32
          %sub3A_314 = arith.constant 1597463007 : i32
          %sub3A_315 = arith.subi %sub3A_314, %shift_right_logical3A_313 : i32
          %bitcast_convert_type3A_316 = arith.bitcast %sub3A_315 : i32 to f32
          %mul3A_317 = arith.constant 5.000000e-01 : f32
          %mul3A_318 = arith.mulf %mul3A_317, %add3A_312 : f32
          %mul3A_319 = arith.mulf %mul3A_318, %bitcast_convert_type3A_316 : f32
          %mul3A_320 = arith.mulf %mul3A_319, %bitcast_convert_type3A_316 : f32
          %sub3A_321 = arith.constant 1.500000e+00 : f32
          %sub3A_322 = arith.subf %sub3A_321, %mul3A_320 : f32
          %mul3A_323 = arith.mulf %bitcast_convert_type3A_316, %sub3A_322 : f32
          %mul3A_324 = arith.constant 5.000000e-01 : f32
          %mul3A_325 = arith.mulf %mul3A_324, %add3A_312 : f32
          %mul3A_326 = arith.mulf %mul3A_325, %mul3A_323 : f32
          %mul3A_327 = arith.mulf %mul3A_326, %mul3A_323 : f32
          %sub3A_328 = arith.constant 1.500000e+00 : f32
          %sub3A_329 = arith.subf %sub3A_328, %mul3A_327 : f32
          %mul3A_330 = arith.mulf %mul3A_323, %sub3A_329 : f32
          %mul3A_331 = arith.constant 5.000000e-01 : f32
          %mul3A_332 = arith.mulf %mul3A_331, %add3A_312 : f32
          %mul3A_333 = arith.mulf %mul3A_332, %mul3A_330 : f32
          %mul3A_334 = arith.mulf %mul3A_333, %mul3A_330 : f32
          %sub3A_335 = arith.constant 1.500000e+00 : f32
          %sub3A_336 = arith.subf %sub3A_335, %mul3A_334 : f32
          %mul3A_337 = arith.mulf %mul3A_330, %sub3A_336 : f32
          %sub3A_338 = vector.broadcast %mul3A_303 : f32 to vector<16xf32>
          %sub3A_339 = arith.subf %div3A, %sub3A_338 : vector<16xf32>
          %mul3A_340 = vector.broadcast %mul3A_337 : f32 to vector<16xf32>
          %mul3A_341 = arith.mulf %sub3A_339, %mul3A_340 : vector<16xf32>
          %swap3A = arith.index_cast %add3A_96 : i32 to index
          %swap3A_342 = arith.constant 0 : index
          %swap3A_343 = tpu.vector_load %arg11[%swap3A, %swap3A_342] {strides = array<i32>} : memref<128x128xf32, #tpu.memory_space<vmem>>, vector<16xf32>,
          tpu.vector_store %arg11[%swap3A, %swap3A_342], %mul3A_341 {strides = array<i32>} : memref<128x128xf32, #tpu.memory_space<vmem>>, vector<16xf32>,
          %sub3A_344 = vector.broadcast %mul3A_303 : f32 to vector<16xf32>
          %sub3A_345 = arith.subf %div3A_139, %sub3A_344 : vector<16xf32>
          %mul3A_346 = vector.broadcast %mul3A_337 : f32 to vector<16xf32>
          %mul3A_347 = arith.mulf %sub3A_345, %mul3A_346 : vector<16xf32>
          %swap3A_348 = arith.index_cast %add3A_96 : i32 to index
          %swap3A_349 = arith.constant 16 : index
          %swap3A_350 = tpu.vector_load %arg11[%swap3A_348, %swap3A_349] {strides = array<i32>} : memref<128x128xf32, #tpu.memory_space<vmem>>, vector<16xf32>,
          tpu.vector_store %arg11[%swap3A_348, %swap3A_349], %mul3A_347 {strides = array<i32>} : memref<128x128xf32, #tpu.memory_space<vmem>>, vector<16xf32>,
          %sub3A_351 = vector.broadcast %mul3A_303 : f32 to vector<16xf32>
          %sub3A_352 = arith.subf %div3A_165, %sub3A_351 : vector<16xf32>
          %mul3A_353 = vector.broadcast %mul3A_337 : f32 to vector<16xf32>
          %mul3A_354 = arith.mulf %sub3A_352, %mul3A_353 : vector<16xf32>
          %swap3A_355 = arith.index_cast %add3A_96 : i32 to index
          %swap3A_356 = arith.constant 32 : index
          %swap3A_357 = tpu.vector_load %arg11[%swap3A_355, %swap3A_356] {strides = array<i32>} : memref<128x128xf32, #tpu.memory_space<vmem>>, vector<16xf32>,
          tpu.vector_store %arg11[%swap3A_355, %swap3A_356], %mul3A_354 {strides = array<i32>} : memref<128x128xf32, #tpu.memory_space<vmem>>, vector<16xf32>,
          %sub3A_358 = vector.broadcast %mul3A_303 : f32 to vector<16xf32>
          %sub3A_359 = arith.subf %div3A_191, %sub3A_358 : vector<16xf32>
          %mul3A_360 = vector.broadcast %mul3A_337 : f32 to vector<16xf32>
          %mul3A_361 = arith.mulf %sub3A_359, %mul3A_360 : vector<16xf32>
          %swap3A_362 = arith.index_cast %add3A_96 : i32 to index
          %swap3A_363 = arith.constant 48 : index
          %swap3A_364 = tpu.vector_load %arg11[%swap3A_362, %swap3A_363] {strides = array<i32>} : memref<128x128xf32, #tpu.memory_space<vmem>>, vector<16xf32>,
          tpu.vector_store %arg11[%swap3A_362, %swap3A_363], %mul3A_361 {strides = array<i32>} : memref<128x128xf32, #tpu.memory_space<vmem>>, vector<16xf32>,
          %sub3A_365 = vector.broadcast %mul3A_303 : f32 to vector<16xf32>
          %sub3A_366 = arith.subf %div3A_217, %sub3A_365 : vector<16xf32>
          %mul3A_367 = vector.broadcast %mul3A_337 : f32 to vector<16xf32>
          %mul3A_368 = arith.mulf %sub3A_366, %mul3A_367 : vector<16xf32>
          %swap3A_369 = arith.index_cast %add3A_96 : i32 to index
          %swap3A_370 = arith.constant 64 : index
          %swap3A_371 = tpu.vector_load %arg11[%swap3A_369, %swap3A_370] {strides = array<i32>} : memref<128x128xf32, #tpu.memory_space<vmem>>, vector<16xf32>,
          tpu.vector_store %arg11[%swap3A_369, %swap3A_370], %mul3A_368 {strides = array<i32>} : memref<128x128xf32, #tpu.memory_space<vmem>>, vector<16xf32>,
          %sub3A_372 = vector.broadcast %mul3A_303 : f32 to vector<16xf32>
          %sub3A_373 = arith.subf %div3A_243, %sub3A_372 : vector<16xf32>
          %mul3A_374 = vector.broadcast %mul3A_337 : f32 to vector<16xf32>
          %mul3A_375 = arith.mulf %sub3A_373, %mul3A_374 : vector<16xf32>
          %swap3A_376 = arith.index_cast %add3A_96 : i32 to index
          %swap3A_377 = arith.constant 80 : index
          %swap3A_378 = tpu.vector_load %arg11[%swap3A_376, %swap3A_377] {strides = array<i32>} : memref<128x128xf32, #tpu.memory_space<vmem>>, vector<16xf32>,
          tpu.vector_store %arg11[%swap3A_376, %swap3A_377], %mul3A_375 {strides = array<i32>} : memref<128x128xf32, #tpu.memory_space<vmem>>, vector<16xf32>,
          %sub3A_379 = vector.broadcast %mul3A_303 : f32 to vector<16xf32>
          %sub3A_380 = arith.subf %div3A_269, %sub3A_379 : vector<16xf32>
          %mul3A_381 = vector.broadcast %mul3A_337 : f32 to vector<16xf32>
          %mul3A_382 = arith.mulf %sub3A_380, %mul3A_381 : vector<16xf32>
          %swap3A_383 = arith.index_cast %add3A_96 : i32 to index
          %swap3A_384 = arith.constant 96 : index
          %swap3A_385 = tpu.vector_load %arg11[%swap3A_383, %swap3A_384] {strides = array<i32>} : memref<128x128xf32, #tpu.memory_space<vmem>>, vector<16xf32>,
          tpu.vector_store %arg11[%swap3A_383, %swap3A_384], %mul3A_382 {strides = array<i32>} : memref<128x128xf32, #tpu.memory_space<vmem>>, vector<16xf32>,
          %sub3A_386 = vector.broadcast %mul3A_303 : f32 to vector<16xf32>
          %sub3A_387 = arith.subf %div3A_295, %sub3A_386 : vector<16xf32>
          %mul3A_388 = vector.broadcast %mul3A_337 : f32 to vector<16xf32>
          %mul3A_389 = arith.mulf %sub3A_387, %mul3A_388 : vector<16xf32>
          %swap3A_390 = arith.index_cast %add3A_96 : i32 to index
          %swap3A_391 = arith.constant 112 : index
          %swap3A_392 = tpu.vector_load %arg11[%swap3A_390, %swap3A_391] {strides = array<i32>} : memref<128x128xf32, #tpu.memory_space<vmem>>, vector<16xf32>,
          tpu.vector_store %arg11[%swap3A_390, %swap3A_391], %mul3A_389 {strides = array<i32>} : memref<128x128xf32, #tpu.memory_space<vmem>>, vector<16xf32>,
        }
        %scan3A_91 = arith.constant 128 : i32
        "tpu.region"() ({
          %run_scoped3A = tpu.sem_alloc : memref<!tpu.dma_semaphore, #tpu.memory_space<semaphore_mem>>
          %dma_start3A_92 = arith.constant 0 : i32
          %dma_start3A_93 = arith.constant 0 : i32
          %dma_start3A_94 = tpu.memref_slice %arg13[%dma_start3A_92, %dma_start3A_93] : memref<10000x128xf32, #tpu.memory_space<vmem_shared>> -> memref<10000x128xf32, #tpu.memory_space<vmem_shared>>
          tpu.enqueue_indirect_dma source(%arg11 : memref<128x128xf32, #tpu.memory_space<vmem>>) target(%dma_start3A_94 : memref<10000x128xf32, #tpu.memory_space<vmem_shared>>) offsets(%arg8 : memref<128xi32, #tpu.memory_space<vmem>>) semaphore(%run_scoped3A : memref<!tpu.dma_semaphore, #tpu.memory_space<semaphore_mem>>) {add = true}
          %dma_wait3A_95 = arith.constant 0 : i32
          %dma_wait3A_96 = arith.constant 0 : i32
          %dma_wait3A_97 = tpu.memref_slice %arg13[%dma_wait3A_95, %dma_wait3A_96] : memref<10000x128xf32, #tpu.memory_space<vmem_shared>> -> memref<10000x128xf32, #tpu.memory_space<vmem_shared>>
          tpu.wait_indirect_dma semaphore(%run_scoped3A : memref<!tpu.dma_semaphore, #tpu.memory_space<semaphore_mem>>) src(%arg11 : memref<128x128xf32, #tpu.memory_space<vmem>>) dst(%dma_wait3A_97 : memref<10000x128xf32, #tpu.memory_space<vmem_shared>>)
          tpu.yield
        }) : () -> ()
      } else {
      }
    }
    %scan3A_34 = arith.constant 79 : i32
    %barrier3A_35 = arith.constant 0 : index
    tpu.barrier barrier_id(%barrier3A_35)
    %mul3A_36 = arith.constant 632 : i32
    %mul3A_37 = arith.muli %arg1, %mul3A_36 : i32
    %add3A_38 = arith.constant 0 : i32
    %add3A_39 = arith.addi %mul3A_37, %add3A_38 : i32
    "tpu.region"() ({
      %run_scoped3A = tpu.sem_alloc : memref<!tpu.dma_semaphore, #tpu.memory_space<semaphore_mem>>
      %dma_start3A = arith.constant 0 : i32
      %dma_start3A_62 = tpu.memref_slice %arg13[%add3A_39, %dma_start3A] : memref<10000x128xf32, #tpu.memory_space<vmem_shared>> -> memref<128x128xf32, #tpu.memory_space<vmem_shared>>
      %dma_start3A_63 = arith.constant 0 : i32
      %dma_start3A_64 = tpu.memref_slice %arg13[%add3A_39, %dma_start3A_63] : memref<10000x128xf32, #tpu.memory_space<vmem_shared>> -> memref<128x128xf32, #tpu.memory_space<vmem_shared>>
      tpu.enqueue_dma source(%dma_start3A_64 : memref<128x128xf32, #tpu.memory_space<vmem_shared>>) target(%arg9 : memref<128x128xf32, #tpu.memory_space<vmem>>) target_semaphore(%run_scoped3A : memref<!tpu.dma_semaphore, #tpu.memory_space<semaphore_mem>>)
      %dma_wait3A = arith.constant 0 : i32
      %dma_wait3A_65 = tpu.memref_slice %arg13[%add3A_39, %dma_wait3A] : memref<10000x128xf32, #tpu.memory_space<vmem_shared>> -> memref<128x128xf32, #tpu.memory_space<vmem_shared>>
      %dma_wait3A_66 = arith.constant 0 : i32
      %dma_wait3A_67 = tpu.memref_slice %arg13[%add3A_39, %dma_wait3A_66] : memref<10000x128xf32, #tpu.memory_space<vmem_shared>> -> memref<128x128xf32, #tpu.memory_space<vmem_shared>>
      tpu.wait_dma2 semaphore(%run_scoped3A : memref<!tpu.dma_semaphore, #tpu.memory_space<semaphore_mem>>) src(%dma_wait3A_67 : memref<128x128xf32, #tpu.memory_space<vmem_shared>>) dst(%arg9 : memref<128x128xf32, #tpu.memory_space<vmem>>)
      tpu.yield
    }) : () -> ()
    "tpu.region"() ({
      %run_scoped3A = tpu.sem_alloc : memref<!tpu.dma_semaphore, #tpu.memory_space<semaphore_mem>>
      %dma_start3A = arith.constant 0 : i32
      %dma_start3A_62 = tpu.memref_slice %arg6[%arg0, %add3A_39, %dma_start3A] : memref<2x10000x128xf32, #tpu.memory_space<hbm>> -> memref<1x128x128xf32, #tpu.memory_space<hbm>>
      %dma_start3A_63 = tpu.memref_squeeze %dma_start3A_62 : memref<1x128x128xf32, #tpu.memory_space<hbm>> -> memref<128x128xf32, #tpu.memory_space<hbm>>
      %dma_start3A_64 = arith.constant 0 : i32
      %dma_start3A_65 = tpu.memref_slice %arg6[%arg0, %add3A_39, %dma_start3A_64] : memref<2x10000x128xf32, #tpu.memory_space<hbm>> -> memref<1x128x128xf32, #tpu.memory_space<hbm>>
      %dma_start3A_66 = tpu.memref_squeeze %dma_start3A_65 : memref<1x128x128xf32, #tpu.memory_space<hbm>> -> memref<128x128xf32, #tpu.memory_space<hbm>>
      tpu.enqueue_dma source(%arg9 : memref<128x128xf32, #tpu.memory_space<vmem>>) target(%dma_start3A_66 : memref<128x128xf32, #tpu.memory_space<hbm>>) target_semaphore(%run_scoped3A : memref<!tpu.dma_semaphore, #tpu.memory_space<semaphore_mem>>)
      %dma_wait3A = arith.constant 0 : i32
      %dma_wait3A_67 = tpu.memref_slice %arg6[%arg0, %add3A_39, %dma_wait3A] : memref<2x10000x128xf32, #tpu.memory_space<hbm>> -> memref<1x128x128xf32, #tpu.memory_space<hbm>>
      %dma_wait3A_68 = tpu.memref_squeeze %dma_wait3A_67 : memref<1x128x128xf32, #tpu.memory_space<hbm>> -> memref<128x128xf32, #tpu.memory_space<hbm>>
      %dma_wait3A_69 = arith.constant 0 : i32
      %dma_wait3A_70 = tpu.memref_slice %arg6[%arg0, %add3A_39, %dma_wait3A_69] : memref<2x10000x128xf32, #tpu.memory_space<hbm>> -> memref<1x128x128xf32, #tpu.memory_space<hbm>>
      %dma_wait3A_71 = tpu.memref_squeeze %dma_wait3A_70 : memref<1x128x128xf32, #tpu.memory_space<hbm>> -> memref<128x128xf32, #tpu.memory_space<hbm>>
      tpu.wait_dma2 semaphore(%run_scoped3A : memref<!tpu.dma_semaphore, #tpu.memory_space<semaphore_mem>>) src(%arg9 : memref<128x128xf32, #tpu.memory_space<vmem>>) dst(%dma_wait3A_71 : memref<128x128xf32, #tpu.memory_space<hbm>>)
      tpu.yield
    }) : () -> ()
    %mul3A_40 = arith.constant 632 : i32
    %mul3A_41 = arith.muli %arg1, %mul3A_40 : i32
    %add3A_42 = arith.constant 128 : i32
    %add3A_43 = arith.addi %mul3A_41, %add3A_42 : i32
    "tpu.region"() ({
      %run_scoped3A = tpu.sem_alloc : memref<!tpu.dma_semaphore, #tpu.memory_space<semaphore_mem>>
      %dma_start3A = arith.constant 0 : i32
      %dma_start3A_62 = tpu.memref_slice %arg13[%add3A_43, %dma_start3A] : memref<10000x128xf32, #tpu.memory_space<vmem_shared>> -> memref<128x128xf32, #tpu.memory_space<vmem_shared>>
      %dma_start3A_63 = arith.constant 0 : i32
      %dma_start3A_64 = tpu.memref_slice %arg13[%add3A_43, %dma_start3A_63] : memref<10000x128xf32, #tpu.memory_space<vmem_shared>> -> memref<128x128xf32, #tpu.memory_space<vmem_shared>>
      tpu.enqueue_dma source(%dma_start3A_64 : memref<128x128xf32, #tpu.memory_space<vmem_shared>>) target(%arg9 : memref<128x128xf32, #tpu.memory_space<vmem>>) target_semaphore(%run_scoped3A : memref<!tpu.dma_semaphore, #tpu.memory_space<semaphore_mem>>)
      %dma_wait3A = arith.constant 0 : i32
      %dma_wait3A_65 = tpu.memref_slice %arg13[%add3A_43, %dma_wait3A] : memref<10000x128xf32, #tpu.memory_space<vmem_shared>> -> memref<128x128xf32, #tpu.memory_space<vmem_shared>>
      %dma_wait3A_66 = arith.constant 0 : i32
      %dma_wait3A_67 = tpu.memref_slice %arg13[%add3A_43, %dma_wait3A_66] : memref<10000x128xf32, #tpu.memory_space<vmem_shared>> -> memref<128x128xf32, #tpu.memory_space<vmem_shared>>
      tpu.wait_dma2 semaphore(%run_scoped3A : memref<!tpu.dma_semaphore, #tpu.memory_space<semaphore_mem>>) src(%dma_wait3A_67 : memref<128x128xf32, #tpu.memory_space<vmem_shared>>) dst(%arg9 : memref<128x128xf32, #tpu.memory_space<vmem>>)
      tpu.yield
    }) : () -> ()
    "tpu.region"() ({
      %run_scoped3A = tpu.sem_alloc : memref<!tpu.dma_semaphore, #tpu.memory_space<semaphore_mem>>
      %dma_start3A = arith.constant 0 : i32
      %dma_start3A_62 = tpu.memref_slice %arg6[%arg0, %add3A_43, %dma_start3A] : memref<2x10000x128xf32, #tpu.memory_space<hbm>> -> memref<1x128x128xf32, #tpu.memory_space<hbm>>
      %dma_start3A_63 = tpu.memref_squeeze %dma_start3A_62 : memref<1x128x128xf32, #tpu.memory_space<hbm>> -> memref<128x128xf32, #tpu.memory_space<hbm>>
      %dma_start3A_64 = arith.constant 0 : i32
      %dma_start3A_65 = tpu.memref_slice %arg6[%arg0, %add3A_43, %dma_start3A_64] : memref<2x10000x128xf32, #tpu.memory_space<hbm>> -> memref<1x128x128xf32, #tpu.memory_space<hbm>>
      %dma_start3A_66 = tpu.memref_squeeze %dma_start3A_65 : memref<1x128x128xf32, #tpu.memory_space<hbm>> -> memref<128x128xf32, #tpu.memory_space<hbm>>
      tpu.enqueue_dma source(%arg9 : memref<128x128xf32, #tpu.memory_space<vmem>>) target(%dma_start3A_66 : memref<128x128xf32, #tpu.memory_space<hbm>>) target_semaphore(%run_scoped3A : memref<!tpu.dma_semaphore, #tpu.memory_space<semaphore_mem>>)
      %dma_wait3A = arith.constant 0 : i32
      %dma_wait3A_67 = tpu.memref_slice %arg6[%arg0, %add3A_43, %dma_wait3A] : memref<2x10000x128xf32, #tpu.memory_space<hbm>> -> memref<1x128x128xf32, #tpu.memory_space<hbm>>
      %dma_wait3A_68 = tpu.memref_squeeze %dma_wait3A_67 : memref<1x128x128xf32, #tpu.memory_space<hbm>> -> memref<128x128xf32, #tpu.memory_space<hbm>>
      %dma_wait3A_69 = arith.constant 0 : i32
      %dma_wait3A_70 = tpu.memref_slice %arg6[%arg0, %add3A_43, %dma_wait3A_69] : memref<2x10000x128xf32, #tpu.memory_space<hbm>> -> memref<1x128x128xf32, #tpu.memory_space<hbm>>
      %dma_wait3A_71 = tpu.memref_squeeze %dma_wait3A_70 : memref<1x128x128xf32, #tpu.memory_space<hbm>> -> memref<128x128xf32, #tpu.memory_space<hbm>>
      tpu.wait_dma2 semaphore(%run_scoped3A : memref<!tpu.dma_semaphore, #tpu.memory_space<semaphore_mem>>) src(%arg9 : memref<128x128xf32, #tpu.memory_space<vmem>>) dst(%dma_wait3A_71 : memref<128x128xf32, #tpu.memory_space<hbm>>)
      tpu.yield
    }) : () -> ()
    %mul3A_44 = arith.constant 632 : i32
    %mul3A_45 = arith.muli %arg1, %mul3A_44 : i32
    %add3A_46 = arith.constant 256 : i32
    %add3A_47 = arith.addi %mul3A_45, %add3A_46 : i32
    "tpu.region"() ({
      %run_scoped3A = tpu.sem_alloc : memref<!tpu.dma_semaphore, #tpu.memory_space<semaphore_mem>>
      %dma_start3A = arith.constant 0 : i32
      %dma_start3A_62 = tpu.memref_slice %arg13[%add3A_47, %dma_start3A] : memref<10000x128xf32, #tpu.memory_space<vmem_shared>> -> memref<128x128xf32, #tpu.memory_space<vmem_shared>>
      %dma_start3A_63 = arith.constant 0 : i32
      %dma_start3A_64 = tpu.memref_slice %arg13[%add3A_47, %dma_start3A_63] : memref<10000x128xf32, #tpu.memory_space<vmem_shared>> -> memref<128x128xf32, #tpu.memory_space<vmem_shared>>
      tpu.enqueue_dma source(%dma_start3A_64 : memref<128x128xf32, #tpu.memory_space<vmem_shared>>) target(%arg9 : memref<128x128xf32, #tpu.memory_space<vmem>>) target_semaphore(%run_scoped3A : memref<!tpu.dma_semaphore, #tpu.memory_space<semaphore_mem>>)
      %dma_wait3A = arith.constant 0 : i32
      %dma_wait3A_65 = tpu.memref_slice %arg13[%add3A_47, %dma_wait3A] : memref<10000x128xf32, #tpu.memory_space<vmem_shared>> -> memref<128x128xf32, #tpu.memory_space<vmem_shared>>
      %dma_wait3A_66 = arith.constant 0 : i32
      %dma_wait3A_67 = tpu.memref_slice %arg13[%add3A_47, %dma_wait3A_66] : memref<10000x128xf32, #tpu.memory_space<vmem_shared>> -> memref<128x128xf32, #tpu.memory_space<vmem_shared>>
      tpu.wait_dma2 semaphore(%run_scoped3A : memref<!tpu.dma_semaphore, #tpu.memory_space<semaphore_mem>>) src(%dma_wait3A_67 : memref<128x128xf32, #tpu.memory_space<vmem_shared>>) dst(%arg9 : memref<128x128xf32, #tpu.memory_space<vmem>>)
      tpu.yield
    }) : () -> ()
    "tpu.region"() ({
      %run_scoped3A = tpu.sem_alloc : memref<!tpu.dma_semaphore, #tpu.memory_space<semaphore_mem>>
      %dma_start3A = arith.constant 0 : i32
      %dma_start3A_62 = tpu.memref_slice %arg6[%arg0, %add3A_47, %dma_start3A] : memref<2x10000x128xf32, #tpu.memory_space<hbm>> -> memref<1x128x128xf32, #tpu.memory_space<hbm>>
      %dma_start3A_63 = tpu.memref_squeeze %dma_start3A_62 : memref<1x128x128xf32, #tpu.memory_space<hbm>> -> memref<128x128xf32, #tpu.memory_space<hbm>>
      %dma_start3A_64 = arith.constant 0 : i32
      %dma_start3A_65 = tpu.memref_slice %arg6[%arg0, %add3A_47, %dma_start3A_64] : memref<2x10000x128xf32, #tpu.memory_space<hbm>> -> memref<1x128x128xf32, #tpu.memory_space<hbm>>
      %dma_start3A_66 = tpu.memref_squeeze %dma_start3A_65 : memref<1x128x128xf32, #tpu.memory_space<hbm>> -> memref<128x128xf32, #tpu.memory_space<hbm>>
      tpu.enqueue_dma source(%arg9 : memref<128x128xf32, #tpu.memory_space<vmem>>) target(%dma_start3A_66 : memref<128x128xf32, #tpu.memory_space<hbm>>) target_semaphore(%run_scoped3A : memref<!tpu.dma_semaphore, #tpu.memory_space<semaphore_mem>>)
      %dma_wait3A = arith.constant 0 : i32
      %dma_wait3A_67 = tpu.memref_slice %arg6[%arg0, %add3A_47, %dma_wait3A] : memref<2x10000x128xf32, #tpu.memory_space<hbm>> -> memref<1x128x128xf32, #tpu.memory_space<hbm>>
      %dma_wait3A_68 = tpu.memref_squeeze %dma_wait3A_67 : memref<1x128x128xf32, #tpu.memory_space<hbm>> -> memref<128x128xf32, #tpu.memory_space<hbm>>
      %dma_wait3A_69 = arith.constant 0 : i32
      %dma_wait3A_70 = tpu.memref_slice %arg6[%arg0, %add3A_47, %dma_wait3A_69] : memref<2x10000x128xf32, #tpu.memory_space<hbm>> -> memref<1x128x128xf32, #tpu.memory_space<hbm>>
      %dma_wait3A_71 = tpu.memref_squeeze %dma_wait3A_70 : memref<1x128x128xf32, #tpu.memory_space<hbm>> -> memref<128x128xf32, #tpu.memory_space<hbm>>
      tpu.wait_dma2 semaphore(%run_scoped3A : memref<!tpu.dma_semaphore, #tpu.memory_space<semaphore_mem>>) src(%arg9 : memref<128x128xf32, #tpu.memory_space<vmem>>) dst(%dma_wait3A_71 : memref<128x128xf32, #tpu.memory_space<hbm>>)
      tpu.yield
    }) : () -> ()
    %mul3A_48 = arith.constant 632 : i32
    %mul3A_49 = arith.muli %arg1, %mul3A_48 : i32
    %add3A_50 = arith.constant 384 : i32
    %add3A_51 = arith.addi %mul3A_49, %add3A_50 : i32
    "tpu.region"() ({
      %run_scoped3A = tpu.sem_alloc : memref<!tpu.dma_semaphore, #tpu.memory_space<semaphore_mem>>
      %dma_start3A = arith.constant 0 : i32
      %dma_start3A_62 = tpu.memref_slice %arg13[%add3A_51, %dma_start3A] : memref<10000x128xf32, #tpu.memory_space<vmem_shared>> -> memref<128x128xf32, #tpu.memory_space<vmem_shared>>
      %dma_start3A_63 = arith.constant 0 : i32
      %dma_start3A_64 = tpu.memref_slice %arg13[%add3A_51, %dma_start3A_63] : memref<10000x128xf32, #tpu.memory_space<vmem_shared>> -> memref<128x128xf32, #tpu.memory_space<vmem_shared>>
      tpu.enqueue_dma source(%dma_start3A_64 : memref<128x128xf32, #tpu.memory_space<vmem_shared>>) target(%arg9 : memref<128x128xf32, #tpu.memory_space<vmem>>) target_semaphore(%run_scoped3A : memref<!tpu.dma_semaphore, #tpu.memory_space<semaphore_mem>>)
      %dma_wait3A = arith.constant 0 : i32
      %dma_wait3A_65 = tpu.memref_slice %arg13[%add3A_51, %dma_wait3A] : memref<10000x128xf32, #tpu.memory_space<vmem_shared>> -> memref<128x128xf32, #tpu.memory_space<vmem_shared>>
      %dma_wait3A_66 = arith.constant 0 : i32
      %dma_wait3A_67 = tpu.memref_slice %arg13[%add3A_51, %dma_wait3A_66] : memref<10000x128xf32, #tpu.memory_space<vmem_shared>> -> memref<128x128xf32, #tpu.memory_space<vmem_shared>>
      tpu.wait_dma2 semaphore(%run_scoped3A : memref<!tpu.dma_semaphore, #tpu.memory_space<semaphore_mem>>) src(%dma_wait3A_67 : memref<128x128xf32, #tpu.memory_space<vmem_shared>>) dst(%arg9 : memref<128x128xf32, #tpu.memory_space<vmem>>)
      tpu.yield
    }) : () -> ()
    "tpu.region"() ({
      %run_scoped3A = tpu.sem_alloc : memref<!tpu.dma_semaphore, #tpu.memory_space<semaphore_mem>>
      %dma_start3A = arith.constant 0 : i32
      %dma_start3A_62 = tpu.memref_slice %arg6[%arg0, %add3A_51, %dma_start3A] : memref<2x10000x128xf32, #tpu.memory_space<hbm>> -> memref<1x128x128xf32, #tpu.memory_space<hbm>>
      %dma_start3A_63 = tpu.memref_squeeze %dma_start3A_62 : memref<1x128x128xf32, #tpu.memory_space<hbm>> -> memref<128x128xf32, #tpu.memory_space<hbm>>
      %dma_start3A_64 = arith.constant 0 : i32
      %dma_start3A_65 = tpu.memref_slice %arg6[%arg0, %add3A_51, %dma_start3A_64] : memref<2x10000x128xf32, #tpu.memory_space<hbm>> -> memref<1x128x128xf32, #tpu.memory_space<hbm>>
      %dma_start3A_66 = tpu.memref_squeeze %dma_start3A_65 : memref<1x128x128xf32, #tpu.memory_space<hbm>> -> memref<128x128xf32, #tpu.memory_space<hbm>>
      tpu.enqueue_dma source(%arg9 : memref<128x128xf32, #tpu.memory_space<vmem>>) target(%dma_start3A_66 : memref<128x128xf32, #tpu.memory_space<hbm>>) target_semaphore(%run_scoped3A : memref<!tpu.dma_semaphore, #tpu.memory_space<semaphore_mem>>)
      %dma_wait3A = arith.constant 0 : i32
      %dma_wait3A_67 = tpu.memref_slice %arg6[%arg0, %add3A_51, %dma_wait3A] : memref<2x10000x128xf32, #tpu.memory_space<hbm>> -> memref<1x128x128xf32, #tpu.memory_space<hbm>>
      %dma_wait3A_68 = tpu.memref_squeeze %dma_wait3A_67 : memref<1x128x128xf32, #tpu.memory_space<hbm>> -> memref<128x128xf32, #tpu.memory_space<hbm>>
      %dma_wait3A_69 = arith.constant 0 : i32
      %dma_wait3A_70 = tpu.memref_slice %arg6[%arg0, %add3A_51, %dma_wait3A_69] : memref<2x10000x128xf32, #tpu.memory_space<hbm>> -> memref<1x128x128xf32, #tpu.memory_space<hbm>>
      %dma_wait3A_71 = tpu.memref_squeeze %dma_wait3A_70 : memref<1x128x128xf32, #tpu.memory_space<hbm>> -> memref<128x128xf32, #tpu.memory_space<hbm>>
      tpu.wait_dma2 semaphore(%run_scoped3A : memref<!tpu.dma_semaphore, #tpu.memory_space<semaphore_mem>>) src(%arg9 : memref<128x128xf32, #tpu.memory_space<vmem>>) dst(%dma_wait3A_71 : memref<128x128xf32, #tpu.memory_space<hbm>>)
      tpu.yield
    }) : () -> ()
    %lt3A_52 = arith.constant 15 : i32
    %lt3A_53 = arith.cmpi slt, %arg1, %lt3A_52 : i32
    %convert_element_type3A_54 = arith.extui %lt3A_53 : i1 to i32
    %cond3A_55 = arith.constant 0 : i32
    %cond3A_56 = arith.cmpi ne, %convert_element_type3A_54, %cond3A_55 : i32
    scf.if %cond3A_56 {
      %mul3A_62 = arith.constant 632 : i32
      %mul3A_63 = arith.muli %arg1, %mul3A_62 : i32
      %add3A_64 = arith.constant 512 : i32
      %add3A_65 = arith.addi %mul3A_63, %add3A_64 : i32
      "tpu.region"() ({
        %run_scoped3A = tpu.sem_alloc : memref<!tpu.dma_semaphore, #tpu.memory_space<semaphore_mem>>
        %dma_start3A = arith.constant 0 : i32
        %dma_start3A_66 = arith.constant 0 : i32
        %dma_start3A_67 = tpu.memref_slice %arg9[%dma_start3A, %dma_start3A_66] : memref<128x128xf32, #tpu.memory_space<vmem>> -> memref<120x128xf32, #tpu.memory_space<vmem>>
        %dma_start3A_68 = arith.constant 0 : i32
        %dma_start3A_69 = tpu.memref_slice %arg13[%add3A_65, %dma_start3A_68] : memref<10000x128xf32, #tpu.memory_space<vmem_shared>> -> memref<120x128xf32, #tpu.memory_space<vmem_shared>>
        %dma_start3A_70 = arith.constant 0 : i32
        %dma_start3A_71 = arith.constant 0 : i32
        %dma_start3A_72 = tpu.memref_slice %arg9[%dma_start3A_70, %dma_start3A_71] : memref<128x128xf32, #tpu.memory_space<vmem>> -> memref<120x128xf32, #tpu.memory_space<vmem>>
        %dma_start3A_73 = arith.constant 0 : i32
        %dma_start3A_74 = tpu.memref_slice %arg13[%add3A_65, %dma_start3A_73] : memref<10000x128xf32, #tpu.memory_space<vmem_shared>> -> memref<120x128xf32, #tpu.memory_space<vmem_shared>>
        tpu.enqueue_dma source(%dma_start3A_74 : memref<120x128xf32, #tpu.memory_space<vmem_shared>>) target(%dma_start3A_72 : memref<120x128xf32, #tpu.memory_space<vmem>>) target_semaphore(%run_scoped3A : memref<!tpu.dma_semaphore, #tpu.memory_space<semaphore_mem>>)
        %dma_wait3A = arith.constant 0 : i32
        %dma_wait3A_75 = arith.constant 0 : i32
        %dma_wait3A_76 = tpu.memref_slice %arg9[%dma_wait3A, %dma_wait3A_75] : memref<128x128xf32, #tpu.memory_space<vmem>> -> memref<120x128xf32, #tpu.memory_space<vmem>>
        %dma_wait3A_77 = arith.constant 0 : i32
        %dma_wait3A_78 = tpu.memref_slice %arg13[%add3A_65, %dma_wait3A_77] : memref<10000x128xf32, #tpu.memory_space<vmem_shared>> -> memref<120x128xf32, #tpu.memory_space<vmem_shared>>
        %dma_wait3A_79 = arith.constant 0 : i32
        %dma_wait3A_80 = arith.constant 0 : i32
        %dma_wait3A_81 = tpu.memref_slice %arg9[%dma_wait3A_79, %dma_wait3A_80] : memref<128x128xf32, #tpu.memory_space<vmem>> -> memref<120x128xf32, #tpu.memory_space<vmem>>
        %dma_wait3A_82 = arith.constant 0 : i32
        %dma_wait3A_83 = tpu.memref_slice %arg13[%add3A_65, %dma_wait3A_82] : memref<10000x128xf32, #tpu.memory_space<vmem_shared>> -> memref<120x128xf32, #tpu.memory_space<vmem_shared>>
        tpu.wait_dma2 semaphore(%run_scoped3A : memref<!tpu.dma_semaphore, #tpu.memory_space<semaphore_mem>>) src(%dma_wait3A_83 : memref<120x128xf32, #tpu.memory_space<vmem_shared>>) dst(%dma_wait3A_81 : memref<120x128xf32, #tpu.memory_space<vmem>>)
        tpu.yield
      }) : () -> ()
      "tpu.region"() ({
        %run_scoped3A = tpu.sem_alloc : memref<!tpu.dma_semaphore, #tpu.memory_space<semaphore_mem>>
        %dma_start3A = arith.constant 0 : i32
        %dma_start3A_66 = arith.constant 0 : i32
        %dma_start3A_67 = tpu.memref_slice %arg9[%dma_start3A, %dma_start3A_66] : memref<128x128xf32, #tpu.memory_space<vmem>> -> memref<120x128xf32, #tpu.memory_space<vmem>>
        %dma_start3A_68 = arith.constant 0 : i32
        %dma_start3A_69 = tpu.memref_slice %arg6[%arg0, %add3A_65, %dma_start3A_68] : memref<2x10000x128xf32, #tpu.memory_space<hbm>> -> memref<1x120x128xf32, #tpu.memory_space<hbm>>
        %dma_start3A_70 = tpu.memref_squeeze %dma_start3A_69 : memref<1x120x128xf32, #tpu.memory_space<hbm>> -> memref<120x128xf32, #tpu.memory_space<hbm>>
        %dma_start3A_71 = arith.constant 0 : i32
        %dma_start3A_72 = tpu.memref_slice %arg6[%arg0, %add3A_65, %dma_start3A_71] : memref<2x10000x128xf32, #tpu.memory_space<hbm>> -> memref<1x120x128xf32, #tpu.memory_space<hbm>>
        %dma_start3A_73 = tpu.memref_squeeze %dma_start3A_72 : memref<1x120x128xf32, #tpu.memory_space<hbm>> -> memref<120x128xf32, #tpu.memory_space<hbm>>
        %dma_start3A_74 = arith.constant 0 : i32
        %dma_start3A_75 = arith.constant 0 : i32
        %dma_start3A_76 = tpu.memref_slice %arg9[%dma_start3A_74, %dma_start3A_75] : memref<128x128xf32, #tpu.memory_space<vmem>> -> memref<120x128xf32, #tpu.memory_space<vmem>>
        tpu.enqueue_dma source(%dma_start3A_76 : memref<120x128xf32, #tpu.memory_space<vmem>>) target(%dma_start3A_73 : memref<120x128xf32, #tpu.memory_space<hbm>>) target_semaphore(%run_scoped3A : memref<!tpu.dma_semaphore, #tpu.memory_space<semaphore_mem>>)
        %dma_wait3A = arith.constant 0 : i32
        %dma_wait3A_77 = arith.constant 0 : i32
        %dma_wait3A_78 = tpu.memref_slice %arg9[%dma_wait3A, %dma_wait3A_77] : memref<128x128xf32, #tpu.memory_space<vmem>> -> memref<120x128xf32, #tpu.memory_space<vmem>>
        %dma_wait3A_79 = arith.constant 0 : i32
        %dma_wait3A_80 = tpu.memref_slice %arg6[%arg0, %add3A_65, %dma_wait3A_79] : memref<2x10000x128xf32, #tpu.memory_space<hbm>> -> memref<1x120x128xf32, #tpu.memory_space<hbm>>
        %dma_wait3A_81 = tpu.memref_squeeze %dma_wait3A_80 : memref<1x120x128xf32, #tpu.memory_space<hbm>> -> memref<120x128xf32, #tpu.memory_space<hbm>>
        %dma_wait3A_82 = arith.constant 0 : i32
        %dma_wait3A_83 = tpu.memref_slice %arg6[%arg0, %add3A_65, %dma_wait3A_82] : memref<2x10000x128xf32, #tpu.memory_space<hbm>> -> memref<1x120x128xf32, #tpu.memory_space<hbm>>
        %dma_wait3A_84 = tpu.memref_squeeze %dma_wait3A_83 : memref<1x120x128xf32, #tpu.memory_space<hbm>> -> memref<120x128xf32, #tpu.memory_space<hbm>>
        %dma_wait3A_85 = arith.constant 0 : i32
        %dma_wait3A_86 = arith.constant 0 : i32
        %dma_wait3A_87 = tpu.memref_slice %arg9[%dma_wait3A_85, %dma_wait3A_86] : memref<128x128xf32, #tpu.memory_space<vmem>> -> memref<120x128xf32, #tpu.memory_space<vmem>>
        tpu.wait_dma2 semaphore(%run_scoped3A : memref<!tpu.dma_semaphore, #tpu.memory_space<semaphore_mem>>) src(%dma_wait3A_87 : memref<120x128xf32, #tpu.memory_space<vmem>>) dst(%dma_wait3A_84 : memref<120x128xf32, #tpu.memory_space<hbm>>)
        tpu.yield
      }) : () -> ()
    } else {
    }
    %eq3A_57 = arith.constant 15 : i32
    %eq3A_58 = arith.cmpi eq, %arg1, %eq3A_57 : i32
    %convert_element_type3A_59 = arith.extui %eq3A_58 : i1 to i32
    %cond3A_60 = arith.constant 0 : i32
    %cond3A_61 = arith.cmpi ne, %convert_element_type3A_59, %cond3A_60 : i32
    scf.if %cond3A_61 {
      "tpu.region"() ({
        %run_scoped3A = tpu.sem_alloc : memref<!tpu.dma_semaphore, #tpu.memory_space<semaphore_mem>>
        %dma_start3A = arith.constant 0 : i32
        %dma_start3A_62 = arith.constant 0 : i32
        %dma_start3A_63 = tpu.memref_slice %arg9[%dma_start3A, %dma_start3A_62] : memref<128x128xf32, #tpu.memory_space<vmem>> -> memref<8x128xf32, #tpu.memory_space<vmem>>
        %dma_start3A_64 = arith.constant 9992 : i32
        %dma_start3A_65 = arith.constant 0 : i32
        %dma_start3A_66 = tpu.memref_slice %arg13[%dma_start3A_64, %dma_start3A_65] : memref<10000x128xf32, #tpu.memory_space<vmem_shared>> -> memref<8x128xf32, #tpu.memory_space<vmem_shared>>
        %dma_start3A_67 = arith.constant 0 : i32
        %dma_start3A_68 = arith.constant 0 : i32
        %dma_start3A_69 = tpu.memref_slice %arg9[%dma_start3A_67, %dma_start3A_68] : memref<128x128xf32, #tpu.memory_space<vmem>> -> memref<8x128xf32, #tpu.memory_space<vmem>>
        %dma_start3A_70 = arith.constant 9992 : i32
        %dma_start3A_71 = arith.constant 0 : i32
        %dma_start3A_72 = tpu.memref_slice %arg13[%dma_start3A_70, %dma_start3A_71] : memref<10000x128xf32, #tpu.memory_space<vmem_shared>> -> memref<8x128xf32, #tpu.memory_space<vmem_shared>>
        tpu.enqueue_dma source(%dma_start3A_72 : memref<8x128xf32, #tpu.memory_space<vmem_shared>>) target(%dma_start3A_69 : memref<8x128xf32, #tpu.memory_space<vmem>>) target_semaphore(%run_scoped3A : memref<!tpu.dma_semaphore, #tpu.memory_space<semaphore_mem>>)
        %dma_wait3A = arith.constant 0 : i32
        %dma_wait3A_73 = arith.constant 0 : i32
        %dma_wait3A_74 = tpu.memref_slice %arg9[%dma_wait3A, %dma_wait3A_73] : memref<128x128xf32, #tpu.memory_space<vmem>> -> memref<8x128xf32, #tpu.memory_space<vmem>>
        %dma_wait3A_75 = arith.constant 9992 : i32
        %dma_wait3A_76 = arith.constant 0 : i32
        %dma_wait3A_77 = tpu.memref_slice %arg13[%dma_wait3A_75, %dma_wait3A_76] : memref<10000x128xf32, #tpu.memory_space<vmem_shared>> -> memref<8x128xf32, #tpu.memory_space<vmem_shared>>
        %dma_wait3A_78 = arith.constant 0 : i32
        %dma_wait3A_79 = arith.constant 0 : i32
        %dma_wait3A_80 = tpu.memref_slice %arg9[%dma_wait3A_78, %dma_wait3A_79] : memref<128x128xf32, #tpu.memory_space<vmem>> -> memref<8x128xf32, #tpu.memory_space<vmem>>
        %dma_wait3A_81 = arith.constant 9992 : i32
        %dma_wait3A_82 = arith.constant 0 : i32
        %dma_wait3A_83 = tpu.memref_slice %arg13[%dma_wait3A_81, %dma_wait3A_82] : memref<10000x128xf32, #tpu.memory_space<vmem_shared>> -> memref<8x128xf32, #tpu.memory_space<vmem_shared>>
        tpu.wait_dma2 semaphore(%run_scoped3A : memref<!tpu.dma_semaphore, #tpu.memory_space<semaphore_mem>>) src(%dma_wait3A_83 : memref<8x128xf32, #tpu.memory_space<vmem_shared>>) dst(%dma_wait3A_80 : memref<8x128xf32, #tpu.memory_space<vmem>>)
        tpu.yield
      }) : () -> ()
      "tpu.region"() ({
        %run_scoped3A = tpu.sem_alloc : memref<!tpu.dma_semaphore, #tpu.memory_space<semaphore_mem>>
        %dma_start3A = arith.constant 0 : i32
        %dma_start3A_62 = arith.constant 0 : i32
        %dma_start3A_63 = tpu.memref_slice %arg9[%dma_start3A, %dma_start3A_62] : memref<128x128xf32, #tpu.memory_space<vmem>> -> memref<8x128xf32, #tpu.memory_space<vmem>>
        %dma_start3A_64 = arith.constant 9992 : i32
        %dma_start3A_65 = arith.constant 0 : i32
        %dma_start3A_66 = tpu.memref_slice %arg6[%arg0, %dma_start3A_64, %dma_start3A_65] : memref<2x10000x128xf32, #tpu.memory_space<hbm>> -> memref<1x8x128xf32, #tpu.memory_space<hbm>>
        %dma_start3A_67 = tpu.memref_squeeze %dma_start3A_66 : memref<1x8x128xf32, #tpu.memory_space<hbm>> -> memref<8x128xf32, #tpu.memory_space<hbm>>
        %dma_start3A_68 = arith.constant 9992 : i32
        %dma_start3A_69 = arith.constant 0 : i32
        %dma_start3A_70 = tpu.memref_slice %arg6[%arg0, %dma_start3A_68, %dma_start3A_69] : memref<2x10000x128xf32, #tpu.memory_space<hbm>> -> memref<1x8x128xf32, #tpu.memory_space<hbm>>
        %dma_start3A_71 = tpu.memref_squeeze %dma_start3A_70 : memref<1x8x128xf32, #tpu.memory_space<hbm>> -> memref<8x128xf32, #tpu.memory_space<hbm>>
        %dma_start3A_72 = arith.constant 0 : i32
        %dma_start3A_73 = arith.constant 0 : i32
        %dma_start3A_74 = tpu.memref_slice %arg9[%dma_start3A_72, %dma_start3A_73] : memref<128x128xf32, #tpu.memory_space<vmem>> -> memref<8x128xf32, #tpu.memory_space<vmem>>
        tpu.enqueue_dma source(%dma_start3A_74 : memref<8x128xf32, #tpu.memory_space<vmem>>) target(%dma_start3A_71 : memref<8x128xf32, #tpu.memory_space<hbm>>) target_semaphore(%run_scoped3A : memref<!tpu.dma_semaphore, #tpu.memory_space<semaphore_mem>>)
        %dma_wait3A = arith.constant 0 : i32
        %dma_wait3A_75 = arith.constant 0 : i32
        %dma_wait3A_76 = tpu.memref_slice %arg9[%dma_wait3A, %dma_wait3A_75] : memref<128x128xf32, #tpu.memory_space<vmem>> -> memref<8x128xf32, #tpu.memory_space<vmem>>
        %dma_wait3A_77 = arith.constant 9992 : i32
        %dma_wait3A_78 = arith.constant 0 : i32
        %dma_wait3A_79 = tpu.memref_slice %arg6[%arg0, %dma_wait3A_77, %dma_wait3A_78] : memref<2x10000x128xf32, #tpu.memory_space<hbm>> -> memref<1x8x128xf32, #tpu.memory_space<hbm>>
        %dma_wait3A_80 = tpu.memref_squeeze %dma_wait3A_79 : memref<1x8x128xf32, #tpu.memory_space<hbm>> -> memref<8x128xf32, #tpu.memory_space<hbm>>
        %dma_wait3A_81 = arith.constant 9992 : i32
        %dma_wait3A_82 = arith.constant 0 : i32
        %dma_wait3A_83 = tpu.memref_slice %arg6[%arg0, %dma_wait3A_81, %dma_wait3A_82] : memref<2x10000x128xf32, #tpu.memory_space<hbm>> -> memref<1x8x128xf32, #tpu.memory_space<hbm>>
        %dma_wait3A_84 = tpu.memref_squeeze %dma_wait3A_83 : memref<1x8x128xf32, #tpu.memory_space<hbm>> -> memref<8x128xf32, #tpu.memory_space<hbm>>
        %dma_wait3A_85 = arith.constant 0 : i32
        %dma_wait3A_86 = arith.constant 0 : i32
        %dma_wait3A_87 = tpu.memref_slice %arg9[%dma_wait3A_85, %dma_wait3A_86] : memref<128x128xf32, #tpu.memory_space<vmem>> -> memref<8x128xf32, #tpu.memory_space<vmem>>
        tpu.wait_dma2 semaphore(%run_scoped3A : memref<!tpu.dma_semaphore, #tpu.memory_space<semaphore_mem>>) src(%dma_wait3A_87 : memref<8x128xf32, #tpu.memory_space<vmem>>) dst(%dma_wait3A_84 : memref<8x128xf32, #tpu.memory_space<hbm>>)
        tpu.yield
      }) : () -> ()
    } else {
    }
    return
  }
}

#map = affine_map<(d0, d1) -> (0, 0)>
#map1 = affine_map<(d0, d1) -> (0)>
#map2 = affine_map<(d0, d1) -> (0, 0, 0)>
module attributes {stable_mosaic.version = 14 : i64} {
  func.func @sc_step(%arg0: i32, %arg1: i32, %arg2: memref<10000x128xf32, #tpu.memory_space<hbm>>, %arg3: memref<10000x128xf32, #tpu.memory_space<hbm>>, %arg4: memref<320000xi32, #tpu.memory_space<hbm>>, %arg5: memref<320000xi32, #tpu.memory_space<hbm>>, %arg6: memref<2x10000x128xf32, #tpu.memory_space<hbm>>, %arg7: memref<2x10240xf32, #tpu.memory_space<hbm>>, %arg8: memref<128xi32, #tpu.memory_space<vmem>>, %arg9: memref<128xi32, #tpu.memory_space<vmem>>, %arg10: memref<128x128xf32, #tpu.memory_space<vmem>>, %arg11: memref<128x128xf32, #tpu.memory_space<vmem>>, %arg12: memref<128x128xf32, #tpu.memory_space<vmem>>, %arg13: memref<640xf32, #tpu.memory_space<vmem>>, %arg14: memref<10000x128xf32, #tpu.memory_space<vmem_shared>>, %arg15: memref<10240xf32, #tpu.memory_space<vmem_shared>>, %arg16: memref<!tpu.dma_semaphore, #tpu.memory_space<semaphore_mem>>, %arg17: memref<!tpu.dma_semaphore, #tpu.memory_space<semaphore_mem>>) attributes {dimension_semantics = [#tpu.dimension_semantics<core_parallel>, #tpu.dimension_semantics<subcore_parallel>], iteration_bounds = array<i64: 2, 16>, scalar_prefetch = 0 : i64, scratch_operands = 10 : i64, tpu.core_type = #tpu.core_type<sc_vector_subcore>, window_params = [{transform_indices = #map}, {transform_indices = #map}, {transform_indices = #map1}, {transform_indices = #map1}, {transform_indices = #map2}, {transform_indices = #map}]} {
    %mul3A = arith.constant 2 : i32
    %mul3A_0 = arith.muli %arg1, %mul3A : i32
    %add3A = arith.addi %mul3A_0, %arg0 : i32
    %broadcast_in_dim3A = arith.constant 0.000000e+00 : f32
    %broadcast_in_dim3A_1 = vector.broadcast %broadcast_in_dim3A : f32 to vector<16xf32>
    %broadcast_in_dim3A_2 = arith.constant 1.000000e+00 : f32
    %broadcast_in_dim3A_3 = vector.broadcast %broadcast_in_dim3A_2 : f32 to vector<16xf32>
    %scan3A = arith.constant 0 : i32
    %scan3A_4 = arith.constant 128 : i32
    %scan3A_5 = arith.addi %scan3A, %scan3A_4 : i32
    %scan3A_6 = arith.constant 1 : i32
    scf.for %scan3A_88 = %scan3A to %scan3A_5 step %scan3A_6  : i32 {
      %mul3A_89 = arith.constant 1 : i32
      %mul3A_90 = arith.muli %scan3A_88, %mul3A_89 : i32
      %add3A_91 = arith.constant 0 : i32
      %add3A_92 = arith.addi %add3A_91, %mul3A_90 : i32
      %swap3A_93 = arith.index_cast %add3A_92 : i32 to index
      %swap3A_94 = arith.constant 0 : index
      %swap3A_95 = tpu.vector_load %arg10[%swap3A_93, %swap3A_94] {strides = array<i32>} : memref<128x128xf32, #tpu.memory_space<vmem>>, vector<16xf32>,
      tpu.vector_store %arg10[%swap3A_93, %swap3A_94], %broadcast_in_dim3A_1 {strides = array<i32>} : memref<128x128xf32, #tpu.memory_space<vmem>>, vector<16xf32>,
      %swap3A_96 = arith.index_cast %add3A_92 : i32 to index
      %swap3A_97 = arith.constant 16 : index
      %swap3A_98 = tpu.vector_load %arg10[%swap3A_96, %swap3A_97] {strides = array<i32>} : memref<128x128xf32, #tpu.memory_space<vmem>>, vector<16xf32>,
      tpu.vector_store %arg10[%swap3A_96, %swap3A_97], %broadcast_in_dim3A_1 {strides = array<i32>} : memref<128x128xf32, #tpu.memory_space<vmem>>, vector<16xf32>,
      %swap3A_99 = arith.index_cast %add3A_92 : i32 to index
      %swap3A_100 = arith.constant 32 : index
      %swap3A_101 = tpu.vector_load %arg10[%swap3A_99, %swap3A_100] {strides = array<i32>} : memref<128x128xf32, #tpu.memory_space<vmem>>, vector<16xf32>,
      tpu.vector_store %arg10[%swap3A_99, %swap3A_100], %broadcast_in_dim3A_1 {strides = array<i32>} : memref<128x128xf32, #tpu.memory_space<vmem>>, vector<16xf32>,
      %swap3A_102 = arith.index_cast %add3A_92 : i32 to index
      %swap3A_103 = arith.constant 48 : index
      %swap3A_104 = tpu.vector_load %arg10[%swap3A_102, %swap3A_103] {strides = array<i32>} : memref<128x128xf32, #tpu.memory_space<vmem>>, vector<16xf32>,
      tpu.vector_store %arg10[%swap3A_102, %swap3A_103], %broadcast_in_dim3A_1 {strides = array<i32>} : memref<128x128xf32, #tpu.memory_space<vmem>>, vector<16xf32>,
      %swap3A_105 = arith.index_cast %add3A_92 : i32 to index
      %swap3A_106 = arith.constant 64 : index
      %swap3A_107 = tpu.vector_load %arg10[%swap3A_105, %swap3A_106] {strides = array<i32>} : memref<128x128xf32, #tpu.memory_space<vmem>>, vector<16xf32>,
      tpu.vector_store %arg10[%swap3A_105, %swap3A_106], %broadcast_in_dim3A_1 {strides = array<i32>} : memref<128x128xf32, #tpu.memory_space<vmem>>, vector<16xf32>,
      %swap3A_108 = arith.index_cast %add3A_92 : i32 to index
      %swap3A_109 = arith.constant 80 : index
      %swap3A_110 = tpu.vector_load %arg10[%swap3A_108, %swap3A_109] {strides = array<i32>} : memref<128x128xf32, #tpu.memory_space<vmem>>, vector<16xf32>,
      tpu.vector_store %arg10[%swap3A_108, %swap3A_109], %broadcast_in_dim3A_1 {strides = array<i32>} : memref<128x128xf32, #tpu.memory_space<vmem>>, vector<16xf32>,
      %swap3A_111 = arith.index_cast %add3A_92 : i32 to index
      %swap3A_112 = arith.constant 96 : index
      %swap3A_113 = tpu.vector_load %arg10[%swap3A_111, %swap3A_112] {strides = array<i32>} : memref<128x128xf32, #tpu.memory_space<vmem>>, vector<16xf32>,
      tpu.vector_store %arg10[%swap3A_111, %swap3A_112], %broadcast_in_dim3A_1 {strides = array<i32>} : memref<128x128xf32, #tpu.memory_space<vmem>>, vector<16xf32>,
      %swap3A_114 = arith.index_cast %add3A_92 : i32 to index
      %swap3A_115 = arith.constant 112 : index
      %swap3A_116 = tpu.vector_load %arg10[%swap3A_114, %swap3A_115] {strides = array<i32>} : memref<128x128xf32, #tpu.memory_space<vmem>>, vector<16xf32>,
      tpu.vector_store %arg10[%swap3A_114, %swap3A_115], %broadcast_in_dim3A_1 {strides = array<i32>} : memref<128x128xf32, #tpu.memory_space<vmem>>, vector<16xf32>,
    }
    %scan3A_7 = arith.constant 128 : i32
    %mul3A_8 = arith.constant 632 : i32
    %mul3A_9 = arith.muli %arg1, %mul3A_8 : i32
    %add3A_10 = arith.constant 0 : i32
    %add3A_11 = arith.addi %mul3A_9, %add3A_10 : i32
    "tpu.region"() ({
      %run_scoped3A = tpu.sem_alloc : memref<!tpu.dma_semaphore, #tpu.memory_space<semaphore_mem>>
      %dma_start3A = arith.constant 0 : i32
      %dma_start3A_88 = tpu.memref_slice %arg14[%add3A_11, %dma_start3A] : memref<10000x128xf32, #tpu.memory_space<vmem_shared>> -> memref<128x128xf32, #tpu.memory_space<vmem_shared>>
      %dma_start3A_89 = arith.constant 0 : i32
      %dma_start3A_90 = tpu.memref_slice %arg14[%add3A_11, %dma_start3A_89] : memref<10000x128xf32, #tpu.memory_space<vmem_shared>> -> memref<128x128xf32, #tpu.memory_space<vmem_shared>>
      tpu.enqueue_dma source(%arg10 : memref<128x128xf32, #tpu.memory_space<vmem>>) target(%dma_start3A_90 : memref<128x128xf32, #tpu.memory_space<vmem_shared>>) target_semaphore(%run_scoped3A : memref<!tpu.dma_semaphore, #tpu.memory_space<semaphore_mem>>)
      %dma_wait3A = arith.constant 0 : i32
      %dma_wait3A_91 = tpu.memref_slice %arg14[%add3A_11, %dma_wait3A] : memref<10000x128xf32, #tpu.memory_space<vmem_shared>> -> memref<128x128xf32, #tpu.memory_space<vmem_shared>>
      %dma_wait3A_92 = arith.constant 0 : i32
      %dma_wait3A_93 = tpu.memref_slice %arg14[%add3A_11, %dma_wait3A_92] : memref<10000x128xf32, #tpu.memory_space<vmem_shared>> -> memref<128x128xf32, #tpu.memory_space<vmem_shared>>
      tpu.wait_dma2 semaphore(%run_scoped3A : memref<!tpu.dma_semaphore, #tpu.memory_space<semaphore_mem>>) src(%arg10 : memref<128x128xf32, #tpu.memory_space<vmem>>) dst(%dma_wait3A_93 : memref<128x128xf32, #tpu.memory_space<vmem_shared>>)
      tpu.yield
    }) : () -> ()
    %mul3A_12 = arith.constant 632 : i32
    %mul3A_13 = arith.muli %arg1, %mul3A_12 : i32
    %add3A_14 = arith.constant 128 : i32
    %add3A_15 = arith.addi %mul3A_13, %add3A_14 : i32
    "tpu.region"() ({
      %run_scoped3A = tpu.sem_alloc : memref<!tpu.dma_semaphore, #tpu.memory_space<semaphore_mem>>
      %dma_start3A = arith.constant 0 : i32
      %dma_start3A_88 = tpu.memref_slice %arg14[%add3A_15, %dma_start3A] : memref<10000x128xf32, #tpu.memory_space<vmem_shared>> -> memref<128x128xf32, #tpu.memory_space<vmem_shared>>
      %dma_start3A_89 = arith.constant 0 : i32
      %dma_start3A_90 = tpu.memref_slice %arg14[%add3A_15, %dma_start3A_89] : memref<10000x128xf32, #tpu.memory_space<vmem_shared>> -> memref<128x128xf32, #tpu.memory_space<vmem_shared>>
      tpu.enqueue_dma source(%arg10 : memref<128x128xf32, #tpu.memory_space<vmem>>) target(%dma_start3A_90 : memref<128x128xf32, #tpu.memory_space<vmem_shared>>) target_semaphore(%run_scoped3A : memref<!tpu.dma_semaphore, #tpu.memory_space<semaphore_mem>>)
      %dma_wait3A = arith.constant 0 : i32
      %dma_wait3A_91 = tpu.memref_slice %arg14[%add3A_15, %dma_wait3A] : memref<10000x128xf32, #tpu.memory_space<vmem_shared>> -> memref<128x128xf32, #tpu.memory_space<vmem_shared>>
      %dma_wait3A_92 = arith.constant 0 : i32
      %dma_wait3A_93 = tpu.memref_slice %arg14[%add3A_15, %dma_wait3A_92] : memref<10000x128xf32, #tpu.memory_space<vmem_shared>> -> memref<128x128xf32, #tpu.memory_space<vmem_shared>>
      tpu.wait_dma2 semaphore(%run_scoped3A : memref<!tpu.dma_semaphore, #tpu.memory_space<semaphore_mem>>) src(%arg10 : memref<128x128xf32, #tpu.memory_space<vmem>>) dst(%dma_wait3A_93 : memref<128x128xf32, #tpu.memory_space<vmem_shared>>)
      tpu.yield
    }) : () -> ()
    %mul3A_16 = arith.constant 632 : i32
    %mul3A_17 = arith.muli %arg1, %mul3A_16 : i32
    %add3A_18 = arith.constant 256 : i32
    %add3A_19 = arith.addi %mul3A_17, %add3A_18 : i32
    "tpu.region"() ({
      %run_scoped3A = tpu.sem_alloc : memref<!tpu.dma_semaphore, #tpu.memory_space<semaphore_mem>>
      %dma_start3A = arith.constant 0 : i32
      %dma_start3A_88 = tpu.memref_slice %arg14[%add3A_19, %dma_start3A] : memref<10000x128xf32, #tpu.memory_space<vmem_shared>> -> memref<128x128xf32, #tpu.memory_space<vmem_shared>>
      %dma_start3A_89 = arith.constant 0 : i32
      %dma_start3A_90 = tpu.memref_slice %arg14[%add3A_19, %dma_start3A_89] : memref<10000x128xf32, #tpu.memory_space<vmem_shared>> -> memref<128x128xf32, #tpu.memory_space<vmem_shared>>
      tpu.enqueue_dma source(%arg10 : memref<128x128xf32, #tpu.memory_space<vmem>>) target(%dma_start3A_90 : memref<128x128xf32, #tpu.memory_space<vmem_shared>>) target_semaphore(%run_scoped3A : memref<!tpu.dma_semaphore, #tpu.memory_space<semaphore_mem>>)
      %dma_wait3A = arith.constant 0 : i32
      %dma_wait3A_91 = tpu.memref_slice %arg14[%add3A_19, %dma_wait3A] : memref<10000x128xf32, #tpu.memory_space<vmem_shared>> -> memref<128x128xf32, #tpu.memory_space<vmem_shared>>
      %dma_wait3A_92 = arith.constant 0 : i32
      %dma_wait3A_93 = tpu.memref_slice %arg14[%add3A_19, %dma_wait3A_92] : memref<10000x128xf32, #tpu.memory_space<vmem_shared>> -> memref<128x128xf32, #tpu.memory_space<vmem_shared>>
      tpu.wait_dma2 semaphore(%run_scoped3A : memref<!tpu.dma_semaphore, #tpu.memory_space<semaphore_mem>>) src(%arg10 : memref<128x128xf32, #tpu.memory_space<vmem>>) dst(%dma_wait3A_93 : memref<128x128xf32, #tpu.memory_space<vmem_shared>>)
      tpu.yield
    }) : () -> ()
    %mul3A_20 = arith.constant 632 : i32
    %mul3A_21 = arith.muli %arg1, %mul3A_20 : i32
    %add3A_22 = arith.constant 384 : i32
    %add3A_23 = arith.addi %mul3A_21, %add3A_22 : i32
    "tpu.region"() ({
      %run_scoped3A = tpu.sem_alloc : memref<!tpu.dma_semaphore, #tpu.memory_space<semaphore_mem>>
      %dma_start3A = arith.constant 0 : i32
      %dma_start3A_88 = tpu.memref_slice %arg14[%add3A_23, %dma_start3A] : memref<10000x128xf32, #tpu.memory_space<vmem_shared>> -> memref<128x128xf32, #tpu.memory_space<vmem_shared>>
      %dma_start3A_89 = arith.constant 0 : i32
      %dma_start3A_90 = tpu.memref_slice %arg14[%add3A_23, %dma_start3A_89] : memref<10000x128xf32, #tpu.memory_space<vmem_shared>> -> memref<128x128xf32, #tpu.memory_space<vmem_shared>>
      tpu.enqueue_dma source(%arg10 : memref<128x128xf32, #tpu.memory_space<vmem>>) target(%dma_start3A_90 : memref<128x128xf32, #tpu.memory_space<vmem_shared>>) target_semaphore(%run_scoped3A : memref<!tpu.dma_semaphore, #tpu.memory_space<semaphore_mem>>)
      %dma_wait3A = arith.constant 0 : i32
      %dma_wait3A_91 = tpu.memref_slice %arg14[%add3A_23, %dma_wait3A] : memref<10000x128xf32, #tpu.memory_space<vmem_shared>> -> memref<128x128xf32, #tpu.memory_space<vmem_shared>>
      %dma_wait3A_92 = arith.constant 0 : i32
      %dma_wait3A_93 = tpu.memref_slice %arg14[%add3A_23, %dma_wait3A_92] : memref<10000x128xf32, #tpu.memory_space<vmem_shared>> -> memref<128x128xf32, #tpu.memory_space<vmem_shared>>
      tpu.wait_dma2 semaphore(%run_scoped3A : memref<!tpu.dma_semaphore, #tpu.memory_space<semaphore_mem>>) src(%arg10 : memref<128x128xf32, #tpu.memory_space<vmem>>) dst(%dma_wait3A_93 : memref<128x128xf32, #tpu.memory_space<vmem_shared>>)
      tpu.yield
    }) : () -> ()
    %lt3A = arith.constant 15 : i32
    %lt3A_24 = arith.cmpi slt, %arg1, %lt3A : i32
    %convert_element_type3A = arith.extui %lt3A_24 : i1 to i32
    %cond3A = arith.constant 0 : i32
    %cond3A_25 = arith.cmpi ne, %convert_element_type3A, %cond3A : i32
    scf.if %cond3A_25 {
      %mul3A_88 = arith.constant 632 : i32
      %mul3A_89 = arith.muli %arg1, %mul3A_88 : i32
      %add3A_90 = arith.constant 512 : i32
      %add3A_91 = arith.addi %mul3A_89, %add3A_90 : i32
      "tpu.region"() ({
        %run_scoped3A = tpu.sem_alloc : memref<!tpu.dma_semaphore, #tpu.memory_space<semaphore_mem>>
        %dma_start3A = arith.constant 0 : i32
        %dma_start3A_92 = arith.constant 0 : i32
        %dma_start3A_93 = tpu.memref_slice %arg10[%dma_start3A, %dma_start3A_92] : memref<128x128xf32, #tpu.memory_space<vmem>> -> memref<120x128xf32, #tpu.memory_space<vmem>>
        %dma_start3A_94 = arith.constant 0 : i32
        %dma_start3A_95 = tpu.memref_slice %arg14[%add3A_91, %dma_start3A_94] : memref<10000x128xf32, #tpu.memory_space<vmem_shared>> -> memref<120x128xf32, #tpu.memory_space<vmem_shared>>
        %dma_start3A_96 = arith.constant 0 : i32
        %dma_start3A_97 = tpu.memref_slice %arg14[%add3A_91, %dma_start3A_96] : memref<10000x128xf32, #tpu.memory_space<vmem_shared>> -> memref<120x128xf32, #tpu.memory_space<vmem_shared>>
        %dma_start3A_98 = arith.constant 0 : i32
        %dma_start3A_99 = arith.constant 0 : i32
        %dma_start3A_100 = tpu.memref_slice %arg10[%dma_start3A_98, %dma_start3A_99] : memref<128x128xf32, #tpu.memory_space<vmem>> -> memref<120x128xf32, #tpu.memory_space<vmem>>
        tpu.enqueue_dma source(%dma_start3A_100 : memref<120x128xf32, #tpu.memory_space<vmem>>) target(%dma_start3A_97 : memref<120x128xf32, #tpu.memory_space<vmem_shared>>) target_semaphore(%run_scoped3A : memref<!tpu.dma_semaphore, #tpu.memory_space<semaphore_mem>>)
        %dma_wait3A = arith.constant 0 : i32
        %dma_wait3A_101 = arith.constant 0 : i32
        %dma_wait3A_102 = tpu.memref_slice %arg10[%dma_wait3A, %dma_wait3A_101] : memref<128x128xf32, #tpu.memory_space<vmem>> -> memref<120x128xf32, #tpu.memory_space<vmem>>
        %dma_wait3A_103 = arith.constant 0 : i32
        %dma_wait3A_104 = tpu.memref_slice %arg14[%add3A_91, %dma_wait3A_103] : memref<10000x128xf32, #tpu.memory_space<vmem_shared>> -> memref<120x128xf32, #tpu.memory_space<vmem_shared>>
        %dma_wait3A_105 = arith.constant 0 : i32
        %dma_wait3A_106 = tpu.memref_slice %arg14[%add3A_91, %dma_wait3A_105] : memref<10000x128xf32, #tpu.memory_space<vmem_shared>> -> memref<120x128xf32, #tpu.memory_space<vmem_shared>>
        %dma_wait3A_107 = arith.constant 0 : i32
        %dma_wait3A_108 = arith.constant 0 : i32
        %dma_wait3A_109 = tpu.memref_slice %arg10[%dma_wait3A_107, %dma_wait3A_108] : memref<128x128xf32, #tpu.memory_space<vmem>> -> memref<120x128xf32, #tpu.memory_space<vmem>>
        tpu.wait_dma2 semaphore(%run_scoped3A : memref<!tpu.dma_semaphore, #tpu.memory_space<semaphore_mem>>) src(%dma_wait3A_109 : memref<120x128xf32, #tpu.memory_space<vmem>>) dst(%dma_wait3A_106 : memref<120x128xf32, #tpu.memory_space<vmem_shared>>)
        tpu.yield
      }) : () -> ()
    } else {
    }
    %eq3A = arith.constant 15 : i32
    %eq3A_26 = arith.cmpi eq, %arg1, %eq3A : i32
    %convert_element_type3A_27 = arith.extui %eq3A_26 : i1 to i32
    %cond3A_28 = arith.constant 0 : i32
    %cond3A_29 = arith.cmpi ne, %convert_element_type3A_27, %cond3A_28 : i32
    scf.if %cond3A_29 {
      "tpu.region"() ({
        %run_scoped3A = tpu.sem_alloc : memref<!tpu.dma_semaphore, #tpu.memory_space<semaphore_mem>>
        %dma_start3A = arith.constant 0 : i32
        %dma_start3A_88 = arith.constant 0 : i32
        %dma_start3A_89 = tpu.memref_slice %arg10[%dma_start3A, %dma_start3A_88] : memref<128x128xf32, #tpu.memory_space<vmem>> -> memref<8x128xf32, #tpu.memory_space<vmem>>
        %dma_start3A_90 = arith.constant 9992 : i32
        %dma_start3A_91 = arith.constant 0 : i32
        %dma_start3A_92 = tpu.memref_slice %arg14[%dma_start3A_90, %dma_start3A_91] : memref<10000x128xf32, #tpu.memory_space<vmem_shared>> -> memref<8x128xf32, #tpu.memory_space<vmem_shared>>
        %dma_start3A_93 = arith.constant 9992 : i32
        %dma_start3A_94 = arith.constant 0 : i32
        %dma_start3A_95 = tpu.memref_slice %arg14[%dma_start3A_93, %dma_start3A_94] : memref<10000x128xf32, #tpu.memory_space<vmem_shared>> -> memref<8x128xf32, #tpu.memory_space<vmem_shared>>
        %dma_start3A_96 = arith.constant 0 : i32
        %dma_start3A_97 = arith.constant 0 : i32
        %dma_start3A_98 = tpu.memref_slice %arg10[%dma_start3A_96, %dma_start3A_97] : memref<128x128xf32, #tpu.memory_space<vmem>> -> memref<8x128xf32, #tpu.memory_space<vmem>>
        tpu.enqueue_dma source(%dma_start3A_98 : memref<8x128xf32, #tpu.memory_space<vmem>>) target(%dma_start3A_95 : memref<8x128xf32, #tpu.memory_space<vmem_shared>>) target_semaphore(%run_scoped3A : memref<!tpu.dma_semaphore, #tpu.memory_space<semaphore_mem>>)
        %dma_wait3A = arith.constant 0 : i32
        %dma_wait3A_99 = arith.constant 0 : i32
        %dma_wait3A_100 = tpu.memref_slice %arg10[%dma_wait3A, %dma_wait3A_99] : memref<128x128xf32, #tpu.memory_space<vmem>> -> memref<8x128xf32, #tpu.memory_space<vmem>>
        %dma_wait3A_101 = arith.constant 9992 : i32
        %dma_wait3A_102 = arith.constant 0 : i32
        %dma_wait3A_103 = tpu.memref_slice %arg14[%dma_wait3A_101, %dma_wait3A_102] : memref<10000x128xf32, #tpu.memory_space<vmem_shared>> -> memref<8x128xf32, #tpu.memory_space<vmem_shared>>
        %dma_wait3A_104 = arith.constant 9992 : i32
        %dma_wait3A_105 = arith.constant 0 : i32
        %dma_wait3A_106 = tpu.memref_slice %arg14[%dma_wait3A_104, %dma_wait3A_105] : memref<10000x128xf32, #tpu.memory_space<vmem_shared>> -> memref<8x128xf32, #tpu.memory_space<vmem_shared>>
        %dma_wait3A_107 = arith.constant 0 : i32
        %dma_wait3A_108 = arith.constant 0 : i32
        %dma_wait3A_109 = tpu.memref_slice %arg10[%dma_wait3A_107, %dma_wait3A_108] : memref<128x128xf32, #tpu.memory_space<vmem>> -> memref<8x128xf32, #tpu.memory_space<vmem>>
        tpu.wait_dma2 semaphore(%run_scoped3A : memref<!tpu.dma_semaphore, #tpu.memory_space<semaphore_mem>>) src(%dma_wait3A_109 : memref<8x128xf32, #tpu.memory_space<vmem>>) dst(%dma_wait3A_106 : memref<8x128xf32, #tpu.memory_space<vmem_shared>>)
        tpu.yield
      }) : () -> ()
    } else {
    }
    %scan3A_30 = arith.constant 0 : i32
    %scan3A_31 = arith.constant 40 : i32
    %scan3A_32 = arith.addi %scan3A_30, %scan3A_31 : i32
    %scan3A_33 = arith.constant 1 : i32
    scf.for %scan3A_88 = %scan3A_30 to %scan3A_32 step %scan3A_33  : i32 {
      %mul3A_89 = arith.constant 1 : i32
      %mul3A_90 = arith.muli %scan3A_88, %mul3A_89 : i32
      %add3A_91 = arith.constant 0 : i32
      %add3A_92 = arith.addi %add3A_91, %mul3A_90 : i32
      %mul3A_93 = arith.constant 16 : i32
      %mul3A_94 = arith.muli %add3A_92, %mul3A_93 : i32
      %swap3A_95 = arith.index_cast %mul3A_94 : i32 to index
      %swap3A_96 = tpu.vector_load %arg13[%swap3A_95] {strides = array<i32>} : memref<640xf32, #tpu.memory_space<vmem>>, vector<16xf32>,
      tpu.vector_store %arg13[%swap3A_95], %broadcast_in_dim3A_1 {strides = array<i32>} : memref<640xf32, #tpu.memory_space<vmem>>, vector<16xf32>,
    }
    %scan3A_34 = arith.constant 40 : i32
    %mul3A_35 = arith.constant 640 : i32
    %mul3A_36 = arith.muli %arg1, %mul3A_35 : i32
    "tpu.region"() ({
      %run_scoped3A = tpu.sem_alloc : memref<!tpu.dma_semaphore, #tpu.memory_space<semaphore_mem>>
      %dma_start3A = tpu.memref_slice %arg15[%mul3A_36] : memref<10240xf32, #tpu.memory_space<vmem_shared>> -> memref<640xf32, #tpu.memory_space<vmem_shared>>
      %dma_start3A_88 = tpu.memref_slice %arg15[%mul3A_36] : memref<10240xf32, #tpu.memory_space<vmem_shared>> -> memref<640xf32, #tpu.memory_space<vmem_shared>>
      tpu.enqueue_dma source(%arg13 : memref<640xf32, #tpu.memory_space<vmem>>) target(%dma_start3A_88 : memref<640xf32, #tpu.memory_space<vmem_shared>>) target_semaphore(%run_scoped3A : memref<!tpu.dma_semaphore, #tpu.memory_space<semaphore_mem>>)
      %dma_wait3A = tpu.memref_slice %arg15[%mul3A_36] : memref<10240xf32, #tpu.memory_space<vmem_shared>> -> memref<640xf32, #tpu.memory_space<vmem_shared>>
      %dma_wait3A_89 = tpu.memref_slice %arg15[%mul3A_36] : memref<10240xf32, #tpu.memory_space<vmem_shared>> -> memref<640xf32, #tpu.memory_space<vmem_shared>>
      tpu.wait_dma2 semaphore(%run_scoped3A : memref<!tpu.dma_semaphore, #tpu.memory_space<semaphore_mem>>) src(%arg13 : memref<640xf32, #tpu.memory_space<vmem>>) dst(%dma_wait3A_89 : memref<640xf32, #tpu.memory_space<vmem_shared>>)
      tpu.yield
    }) : () -> ()
    %swap3A = arith.constant 0 : index
    %swap3A_37 = tpu.vector_load %arg13[%swap3A] {strides = array<i32>} : memref<640xf32, #tpu.memory_space<vmem>>, vector<16xf32>,
    tpu.vector_store %arg13[%swap3A], %broadcast_in_dim3A_3 {strides = array<i32>} : memref<640xf32, #tpu.memory_space<vmem>>, vector<16xf32>,
    %swap3A_38 = arith.constant 16 : index
    %swap3A_39 = tpu.vector_load %arg13[%swap3A_38] {strides = array<i32>} : memref<640xf32, #tpu.memory_space<vmem>>, vector<16xf32>,
    tpu.vector_store %arg13[%swap3A_38], %broadcast_in_dim3A_3 {strides = array<i32>} : memref<640xf32, #tpu.memory_space<vmem>>, vector<16xf32>,
    %swap3A_40 = arith.constant 32 : index
    %swap3A_41 = tpu.vector_load %arg13[%swap3A_40] {strides = array<i32>} : memref<640xf32, #tpu.memory_space<vmem>>, vector<16xf32>,
    tpu.vector_store %arg13[%swap3A_40], %broadcast_in_dim3A_3 {strides = array<i32>} : memref<640xf32, #tpu.memory_space<vmem>>, vector<16xf32>,
    %swap3A_42 = arith.constant 48 : index
    %swap3A_43 = tpu.vector_load %arg13[%swap3A_42] {strides = array<i32>} : memref<640xf32, #tpu.memory_space<vmem>>, vector<16xf32>,
    tpu.vector_store %arg13[%swap3A_42], %broadcast_in_dim3A_3 {strides = array<i32>} : memref<640xf32, #tpu.memory_space<vmem>>, vector<16xf32>,
    %swap3A_44 = arith.constant 64 : index
    %swap3A_45 = tpu.vector_load %arg13[%swap3A_44] {strides = array<i32>} : memref<640xf32, #tpu.memory_space<vmem>>, vector<16xf32>,
    tpu.vector_store %arg13[%swap3A_44], %broadcast_in_dim3A_3 {strides = array<i32>} : memref<640xf32, #tpu.memory_space<vmem>>, vector<16xf32>,
    %swap3A_46 = arith.constant 80 : index
    %swap3A_47 = tpu.vector_load %arg13[%swap3A_46] {strides = array<i32>} : memref<640xf32, #tpu.memory_space<vmem>>, vector<16xf32>,
    tpu.vector_store %arg13[%swap3A_46], %broadcast_in_dim3A_3 {strides = array<i32>} : memref<640xf32, #tpu.memory_space<vmem>>, vector<16xf32>,
    %swap3A_48 = arith.constant 96 : index
    %swap3A_49 = tpu.vector_load %arg13[%swap3A_48] {strides = array<i32>} : memref<640xf32, #tpu.memory_space<vmem>>, vector<16xf32>,
    tpu.vector_store %arg13[%swap3A_48], %broadcast_in_dim3A_3 {strides = array<i32>} : memref<640xf32, #tpu.memory_space<vmem>>, vector<16xf32>,
    %swap3A_50 = arith.constant 112 : index
    %swap3A_51 = tpu.vector_load %arg13[%swap3A_50] {strides = array<i32>} : memref<640xf32, #tpu.memory_space<vmem>>, vector<16xf32>,
    tpu.vector_store %arg13[%swap3A_50], %broadcast_in_dim3A_3 {strides = array<i32>} : memref<640xf32, #tpu.memory_space<vmem>>, vector<16xf32>,
    %barrier3A = arith.constant 0 : index
    tpu.barrier barrier_id(%barrier3A)
    %scan3A_52 = arith.constant 0 : i32
    %scan3A_53 = arith.constant 79 : i32
    %scan3A_54 = arith.addi %scan3A_52, %scan3A_53 : i32
    %scan3A_55 = arith.constant 1 : i32
    scf.for %scan3A_88 = %scan3A_52 to %scan3A_54 step %scan3A_55  : i32 {
      %mul3A_89 = arith.constant 1 : i32
      %mul3A_90 = arith.muli %scan3A_88, %mul3A_89 : i32
      %add3A_91 = arith.constant 0 : i32
      %add3A_92 = arith.addi %add3A_91, %mul3A_90 : i32
      %mul3A_93 = arith.constant 32 : i32
      %mul3A_94 = arith.muli %add3A_92, %mul3A_93 : i32
      %add3A_95 = arith.addi %mul3A_94, %add3A : i32
      %lt3A_96 = arith.constant 2500 : i32
      %lt3A_97 = arith.cmpi slt, %add3A_95, %lt3A_96 : i32
      %convert_element_type3A_98 = arith.extui %lt3A_97 : i1 to i32
      %cond3A_99 = arith.constant 0 : i32
      %cond3A_100 = arith.cmpi ne, %convert_element_type3A_98, %cond3A_99 : i32
      scf.if %cond3A_100 {
        %mul3A_101 = arith.constant 128 : i32
        %mul3A_102 = arith.muli %add3A_95, %mul3A_101 : i32
        "tpu.region"() ({
          %run_scoped3A = tpu.sem_alloc : memref<!tpu.dma_semaphore, #tpu.memory_space<semaphore_mem>>
          %dma_start3A_118 = tpu.memref_slice %arg4[%mul3A_102] : memref<320000xi32, #tpu.memory_space<hbm>> -> memref<128xi32, #tpu.memory_space<hbm>>
          %dma_start3A_119 = tpu.memref_slice %arg4[%mul3A_102] : memref<320000xi32, #tpu.memory_space<hbm>> -> memref<128xi32, #tpu.memory_space<hbm>>
          tpu.enqueue_dma source(%dma_start3A_119 : memref<128xi32, #tpu.memory_space<hbm>>) target(%arg8 : memref<128xi32, #tpu.memory_space<vmem>>) target_semaphore(%run_scoped3A : memref<!tpu.dma_semaphore, #tpu.memory_space<semaphore_mem>>)
          %dma_wait3A_120 = tpu.memref_slice %arg4[%mul3A_102] : memref<320000xi32, #tpu.memory_space<hbm>> -> memref<128xi32, #tpu.memory_space<hbm>>
          %dma_wait3A_121 = tpu.memref_slice %arg4[%mul3A_102] : memref<320000xi32, #tpu.memory_space<hbm>> -> memref<128xi32, #tpu.memory_space<hbm>>
          tpu.wait_dma2 semaphore(%run_scoped3A : memref<!tpu.dma_semaphore, #tpu.memory_space<semaphore_mem>>) src(%dma_wait3A_121 : memref<128xi32, #tpu.memory_space<hbm>>) dst(%arg8 : memref<128xi32, #tpu.memory_space<vmem>>)
          tpu.yield
        }) : () -> ()
        "tpu.region"() ({
          %run_scoped3A = tpu.sem_alloc : memref<!tpu.dma_semaphore, #tpu.memory_space<semaphore_mem>>
          %dma_start3A_118 = tpu.memref_slice %arg5[%mul3A_102] : memref<320000xi32, #tpu.memory_space<hbm>> -> memref<128xi32, #tpu.memory_space<hbm>>
          %dma_start3A_119 = tpu.memref_slice %arg5[%mul3A_102] : memref<320000xi32, #tpu.memory_space<hbm>> -> memref<128xi32, #tpu.memory_space<hbm>>
          tpu.enqueue_dma source(%dma_start3A_119 : memref<128xi32, #tpu.memory_space<hbm>>) target(%arg9 : memref<128xi32, #tpu.memory_space<vmem>>) target_semaphore(%run_scoped3A : memref<!tpu.dma_semaphore, #tpu.memory_space<semaphore_mem>>)
          %dma_wait3A_120 = tpu.memref_slice %arg5[%mul3A_102] : memref<320000xi32, #tpu.memory_space<hbm>> -> memref<128xi32, #tpu.memory_space<hbm>>
          %dma_wait3A_121 = tpu.memref_slice %arg5[%mul3A_102] : memref<320000xi32, #tpu.memory_space<hbm>> -> memref<128xi32, #tpu.memory_space<hbm>>
          tpu.wait_dma2 semaphore(%run_scoped3A : memref<!tpu.dma_semaphore, #tpu.memory_space<semaphore_mem>>) src(%dma_wait3A_121 : memref<128xi32, #tpu.memory_space<hbm>>) dst(%arg9 : memref<128xi32, #tpu.memory_space<vmem>>)
          tpu.yield
        }) : () -> ()
        %dma_start3A = arith.constant 0 : i32
        %dma_start3A_103 = arith.constant 0 : i32
        %dma_start3A_104 = tpu.memref_slice %arg2[%dma_start3A, %dma_start3A_103] : memref<10000x128xf32, #tpu.memory_space<hbm>> -> memref<10000x128xf32, #tpu.memory_space<hbm>>
        tpu.enqueue_indirect_dma source(%dma_start3A_104 : memref<10000x128xf32, #tpu.memory_space<hbm>>) target(%arg10 : memref<128x128xf32, #tpu.memory_space<vmem>>) offsets(%arg8 : memref<128xi32, #tpu.memory_space<vmem>>) semaphore(%arg16 : memref<!tpu.dma_semaphore, #tpu.memory_space<semaphore_mem>>)
        %dma_start3A_105 = arith.constant 0 : i32
        %dma_start3A_106 = arith.constant 0 : i32
        %dma_start3A_107 = tpu.memref_slice %arg3[%dma_start3A_105, %dma_start3A_106] : memref<10000x128xf32, #tpu.memory_space<hbm>> -> memref<10000x128xf32, #tpu.memory_space<hbm>>
        tpu.enqueue_indirect_dma source(%dma_start3A_107 : memref<10000x128xf32, #tpu.memory_space<hbm>>) target(%arg11 : memref<128x128xf32, #tpu.memory_space<vmem>>) offsets(%arg9 : memref<128xi32, #tpu.memory_space<vmem>>) semaphore(%arg17 : memref<!tpu.dma_semaphore, #tpu.memory_space<semaphore_mem>>)
        %dma_wait3A = arith.constant 0 : i32
        %dma_wait3A_108 = arith.constant 0 : i32
        %dma_wait3A_109 = tpu.memref_slice %arg2[%dma_wait3A, %dma_wait3A_108] : memref<10000x128xf32, #tpu.memory_space<hbm>> -> memref<10000x128xf32, #tpu.memory_space<hbm>>
        tpu.wait_indirect_dma semaphore(%arg16 : memref<!tpu.dma_semaphore, #tpu.memory_space<semaphore_mem>>) src(%dma_wait3A_109 : memref<10000x128xf32, #tpu.memory_space<hbm>>) dst(%arg10 : memref<128x128xf32, #tpu.memory_space<vmem>>)
        %dma_wait3A_110 = arith.constant 0 : i32
        %dma_wait3A_111 = arith.constant 0 : i32
        %dma_wait3A_112 = tpu.memref_slice %arg3[%dma_wait3A_110, %dma_wait3A_111] : memref<10000x128xf32, #tpu.memory_space<hbm>> -> memref<10000x128xf32, #tpu.memory_space<hbm>>
        tpu.wait_indirect_dma semaphore(%arg17 : memref<!tpu.dma_semaphore, #tpu.memory_space<semaphore_mem>>) src(%dma_wait3A_112 : memref<10000x128xf32, #tpu.memory_space<hbm>>) dst(%arg11 : memref<128x128xf32, #tpu.memory_space<vmem>>)
        %scan3A_113 = arith.constant 0 : i32
        %scan3A_114 = arith.constant 128 : i32
        %scan3A_115 = arith.addi %scan3A_113, %scan3A_114 : i32
        %scan3A_116 = arith.constant 1 : i32
        scf.for %scan3A_118 = %scan3A_113 to %scan3A_115 step %scan3A_116  : i32 {
          %mul3A_119 = arith.constant 1 : i32
          %mul3A_120 = arith.muli %scan3A_118, %mul3A_119 : i32
          %add3A_121 = arith.constant 0 : i32
          %add3A_122 = arith.addi %add3A_121, %mul3A_120 : i32
          %get3A = arith.index_cast %add3A_122 : i32 to index
          %get3A_123 = arith.constant 0 : index
          %get3A_124 = tpu.vector_load %arg10[%get3A, %get3A_123] {strides = array<i32>} : memref<128x128xf32, #tpu.memory_space<vmem>>, vector<16xf32>,
          %get3A_125 = arith.index_cast %add3A_122 : i32 to index
          %get3A_126 = arith.constant 0 : index
          %get3A_127 = tpu.vector_load %arg11[%get3A_125, %get3A_126] {strides = array<i32>} : memref<128x128xf32, #tpu.memory_space<vmem>>, vector<16xf32>,
          %add3A_128 = arith.addf %get3A_124, %get3A_127 : vector<16xf32>
          %mul3A_129 = arith.mulf %add3A_128, %add3A_128 : vector<16xf32>
          %mul3A_130 = arith.constant 0.0713548139 : f32
          %mul3A_131 = vector.broadcast %mul3A_130 : f32 to vector<16xf32>
          %mul3A_132 = arith.mulf %mul3A_131, %mul3A_129 : vector<16xf32>
          %add3A_133 = arith.constant 1.59576917 : f32
          %add3A_134 = vector.broadcast %add3A_133 : f32 to vector<16xf32>
          %add3A_135 = arith.addf %add3A_134, %mul3A_132 : vector<16xf32>
          %mul3A_136 = arith.mulf %add3A_128, %add3A_135 : vector<16xf32>
          %neg3A = arith.constant 0.000000e+00 : f32
          %neg3A_137 = vector.broadcast %neg3A : f32 to vector<16xf32>
          %neg3A_138 = arith.subf %neg3A_137, %mul3A_136 : vector<16xf32>
          %exp3A = math.exp %neg3A_138 : vector<16xf32>
          %add3A_139 = arith.constant 1.000000e+00 : f32
          %add3A_140 = vector.broadcast %add3A_139 : f32 to vector<16xf32>
          %add3A_141 = arith.addf %add3A_140, %exp3A : vector<16xf32>
          %div3A = arith.divf %add3A_128, %add3A_141 : vector<16xf32>
          %mul3A_142 = arith.mulf %div3A, %div3A : vector<16xf32>
          %get3A_143 = arith.index_cast %add3A_122 : i32 to index
          %get3A_144 = arith.constant 16 : index
          %get3A_145 = tpu.vector_load %arg10[%get3A_143, %get3A_144] {strides = array<i32>} : memref<128x128xf32, #tpu.memory_space<vmem>>, vector<16xf32>,
          %get3A_146 = arith.index_cast %add3A_122 : i32 to index
          %get3A_147 = arith.constant 16 : index
          %get3A_148 = tpu.vector_load %arg11[%get3A_146, %get3A_147] {strides = array<i32>} : memref<128x128xf32, #tpu.memory_space<vmem>>, vector<16xf32>,
          %add3A_149 = arith.addf %get3A_145, %get3A_148 : vector<16xf32>
          %mul3A_150 = arith.mulf %add3A_149, %add3A_149 : vector<16xf32>
          %mul3A_151 = arith.constant 0.0713548139 : f32
          %mul3A_152 = vector.broadcast %mul3A_151 : f32 to vector<16xf32>
          %mul3A_153 = arith.mulf %mul3A_152, %mul3A_150 : vector<16xf32>
          %add3A_154 = arith.constant 1.59576917 : f32
          %add3A_155 = vector.broadcast %add3A_154 : f32 to vector<16xf32>
          %add3A_156 = arith.addf %add3A_155, %mul3A_153 : vector<16xf32>
          %mul3A_157 = arith.mulf %add3A_149, %add3A_156 : vector<16xf32>
          %neg3A_158 = arith.constant 0.000000e+00 : f32
          %neg3A_159 = vector.broadcast %neg3A_158 : f32 to vector<16xf32>
          %neg3A_160 = arith.subf %neg3A_159, %mul3A_157 : vector<16xf32>
          %exp3A_161 = math.exp %neg3A_160 : vector<16xf32>
          %add3A_162 = arith.constant 1.000000e+00 : f32
          %add3A_163 = vector.broadcast %add3A_162 : f32 to vector<16xf32>
          %add3A_164 = arith.addf %add3A_163, %exp3A_161 : vector<16xf32>
          %div3A_165 = arith.divf %add3A_149, %add3A_164 : vector<16xf32>
          %add3A_166 = arith.addf %div3A, %div3A_165 : vector<16xf32>
          %mul3A_167 = arith.mulf %div3A_165, %div3A_165 : vector<16xf32>
          %add3A_168 = arith.addf %mul3A_142, %mul3A_167 : vector<16xf32>
          %get3A_169 = arith.index_cast %add3A_122 : i32 to index
          %get3A_170 = arith.constant 32 : index
          %get3A_171 = tpu.vector_load %arg10[%get3A_169, %get3A_170] {strides = array<i32>} : memref<128x128xf32, #tpu.memory_space<vmem>>, vector<16xf32>,
          %get3A_172 = arith.index_cast %add3A_122 : i32 to index
          %get3A_173 = arith.constant 32 : index
          %get3A_174 = tpu.vector_load %arg11[%get3A_172, %get3A_173] {strides = array<i32>} : memref<128x128xf32, #tpu.memory_space<vmem>>, vector<16xf32>,
          %add3A_175 = arith.addf %get3A_171, %get3A_174 : vector<16xf32>
          %mul3A_176 = arith.mulf %add3A_175, %add3A_175 : vector<16xf32>
          %mul3A_177 = arith.constant 0.0713548139 : f32
          %mul3A_178 = vector.broadcast %mul3A_177 : f32 to vector<16xf32>
          %mul3A_179 = arith.mulf %mul3A_178, %mul3A_176 : vector<16xf32>
          %add3A_180 = arith.constant 1.59576917 : f32
          %add3A_181 = vector.broadcast %add3A_180 : f32 to vector<16xf32>
          %add3A_182 = arith.addf %add3A_181, %mul3A_179 : vector<16xf32>
          %mul3A_183 = arith.mulf %add3A_175, %add3A_182 : vector<16xf32>
          %neg3A_184 = arith.constant 0.000000e+00 : f32
          %neg3A_185 = vector.broadcast %neg3A_184 : f32 to vector<16xf32>
          %neg3A_186 = arith.subf %neg3A_185, %mul3A_183 : vector<16xf32>
          %exp3A_187 = math.exp %neg3A_186 : vector<16xf32>
          %add3A_188 = arith.constant 1.000000e+00 : f32
          %add3A_189 = vector.broadcast %add3A_188 : f32 to vector<16xf32>
          %add3A_190 = arith.addf %add3A_189, %exp3A_187 : vector<16xf32>
          %div3A_191 = arith.divf %add3A_175, %add3A_190 : vector<16xf32>
          %add3A_192 = arith.addf %add3A_166, %div3A_191 : vector<16xf32>
          %mul3A_193 = arith.mulf %div3A_191, %div3A_191 : vector<16xf32>
          %add3A_194 = arith.addf %add3A_168, %mul3A_193 : vector<16xf32>
          %get3A_195 = arith.index_cast %add3A_122 : i32 to index
          %get3A_196 = arith.constant 48 : index
          %get3A_197 = tpu.vector_load %arg10[%get3A_195, %get3A_196] {strides = array<i32>} : memref<128x128xf32, #tpu.memory_space<vmem>>, vector<16xf32>,
          %get3A_198 = arith.index_cast %add3A_122 : i32 to index
          %get3A_199 = arith.constant 48 : index
          %get3A_200 = tpu.vector_load %arg11[%get3A_198, %get3A_199] {strides = array<i32>} : memref<128x128xf32, #tpu.memory_space<vmem>>, vector<16xf32>,
          %add3A_201 = arith.addf %get3A_197, %get3A_200 : vector<16xf32>
          %mul3A_202 = arith.mulf %add3A_201, %add3A_201 : vector<16xf32>
          %mul3A_203 = arith.constant 0.0713548139 : f32
          %mul3A_204 = vector.broadcast %mul3A_203 : f32 to vector<16xf32>
          %mul3A_205 = arith.mulf %mul3A_204, %mul3A_202 : vector<16xf32>
          %add3A_206 = arith.constant 1.59576917 : f32
          %add3A_207 = vector.broadcast %add3A_206 : f32 to vector<16xf32>
          %add3A_208 = arith.addf %add3A_207, %mul3A_205 : vector<16xf32>
          %mul3A_209 = arith.mulf %add3A_201, %add3A_208 : vector<16xf32>
          %neg3A_210 = arith.constant 0.000000e+00 : f32
          %neg3A_211 = vector.broadcast %neg3A_210 : f32 to vector<16xf32>
          %neg3A_212 = arith.subf %neg3A_211, %mul3A_209 : vector<16xf32>
          %exp3A_213 = math.exp %neg3A_212 : vector<16xf32>
          %add3A_214 = arith.constant 1.000000e+00 : f32
          %add3A_215 = vector.broadcast %add3A_214 : f32 to vector<16xf32>
          %add3A_216 = arith.addf %add3A_215, %exp3A_213 : vector<16xf32>
          %div3A_217 = arith.divf %add3A_201, %add3A_216 : vector<16xf32>
          %add3A_218 = arith.addf %add3A_192, %div3A_217 : vector<16xf32>
          %mul3A_219 = arith.mulf %div3A_217, %div3A_217 : vector<16xf32>
          %add3A_220 = arith.addf %add3A_194, %mul3A_219 : vector<16xf32>
          %get3A_221 = arith.index_cast %add3A_122 : i32 to index
          %get3A_222 = arith.constant 64 : index
          %get3A_223 = tpu.vector_load %arg10[%get3A_221, %get3A_222] {strides = array<i32>} : memref<128x128xf32, #tpu.memory_space<vmem>>, vector<16xf32>,
          %get3A_224 = arith.index_cast %add3A_122 : i32 to index
          %get3A_225 = arith.constant 64 : index
          %get3A_226 = tpu.vector_load %arg11[%get3A_224, %get3A_225] {strides = array<i32>} : memref<128x128xf32, #tpu.memory_space<vmem>>, vector<16xf32>,
          %add3A_227 = arith.addf %get3A_223, %get3A_226 : vector<16xf32>
          %mul3A_228 = arith.mulf %add3A_227, %add3A_227 : vector<16xf32>
          %mul3A_229 = arith.constant 0.0713548139 : f32
          %mul3A_230 = vector.broadcast %mul3A_229 : f32 to vector<16xf32>
          %mul3A_231 = arith.mulf %mul3A_230, %mul3A_228 : vector<16xf32>
          %add3A_232 = arith.constant 1.59576917 : f32
          %add3A_233 = vector.broadcast %add3A_232 : f32 to vector<16xf32>
          %add3A_234 = arith.addf %add3A_233, %mul3A_231 : vector<16xf32>
          %mul3A_235 = arith.mulf %add3A_227, %add3A_234 : vector<16xf32>
          %neg3A_236 = arith.constant 0.000000e+00 : f32
          %neg3A_237 = vector.broadcast %neg3A_236 : f32 to vector<16xf32>
          %neg3A_238 = arith.subf %neg3A_237, %mul3A_235 : vector<16xf32>
          %exp3A_239 = math.exp %neg3A_238 : vector<16xf32>
          %add3A_240 = arith.constant 1.000000e+00 : f32
          %add3A_241 = vector.broadcast %add3A_240 : f32 to vector<16xf32>
          %add3A_242 = arith.addf %add3A_241, %exp3A_239 : vector<16xf32>
          %div3A_243 = arith.divf %add3A_227, %add3A_242 : vector<16xf32>
          %add3A_244 = arith.addf %add3A_218, %div3A_243 : vector<16xf32>
          %mul3A_245 = arith.mulf %div3A_243, %div3A_243 : vector<16xf32>
          %add3A_246 = arith.addf %add3A_220, %mul3A_245 : vector<16xf32>
          %get3A_247 = arith.index_cast %add3A_122 : i32 to index
          %get3A_248 = arith.constant 80 : index
          %get3A_249 = tpu.vector_load %arg10[%get3A_247, %get3A_248] {strides = array<i32>} : memref<128x128xf32, #tpu.memory_space<vmem>>, vector<16xf32>,
          %get3A_250 = arith.index_cast %add3A_122 : i32 to index
          %get3A_251 = arith.constant 80 : index
          %get3A_252 = tpu.vector_load %arg11[%get3A_250, %get3A_251] {strides = array<i32>} : memref<128x128xf32, #tpu.memory_space<vmem>>, vector<16xf32>,
          %add3A_253 = arith.addf %get3A_249, %get3A_252 : vector<16xf32>
          %mul3A_254 = arith.mulf %add3A_253, %add3A_253 : vector<16xf32>
          %mul3A_255 = arith.constant 0.0713548139 : f32
          %mul3A_256 = vector.broadcast %mul3A_255 : f32 to vector<16xf32>
          %mul3A_257 = arith.mulf %mul3A_256, %mul3A_254 : vector<16xf32>
          %add3A_258 = arith.constant 1.59576917 : f32
          %add3A_259 = vector.broadcast %add3A_258 : f32 to vector<16xf32>
          %add3A_260 = arith.addf %add3A_259, %mul3A_257 : vector<16xf32>
          %mul3A_261 = arith.mulf %add3A_253, %add3A_260 : vector<16xf32>
          %neg3A_262 = arith.constant 0.000000e+00 : f32
          %neg3A_263 = vector.broadcast %neg3A_262 : f32 to vector<16xf32>
          %neg3A_264 = arith.subf %neg3A_263, %mul3A_261 : vector<16xf32>
          %exp3A_265 = math.exp %neg3A_264 : vector<16xf32>
          %add3A_266 = arith.constant 1.000000e+00 : f32
          %add3A_267 = vector.broadcast %add3A_266 : f32 to vector<16xf32>
          %add3A_268 = arith.addf %add3A_267, %exp3A_265 : vector<16xf32>
          %div3A_269 = arith.divf %add3A_253, %add3A_268 : vector<16xf32>
          %add3A_270 = arith.addf %add3A_244, %div3A_269 : vector<16xf32>
          %mul3A_271 = arith.mulf %div3A_269, %div3A_269 : vector<16xf32>
          %add3A_272 = arith.addf %add3A_246, %mul3A_271 : vector<16xf32>
          %get3A_273 = arith.index_cast %add3A_122 : i32 to index
          %get3A_274 = arith.constant 96 : index
          %get3A_275 = tpu.vector_load %arg10[%get3A_273, %get3A_274] {strides = array<i32>} : memref<128x128xf32, #tpu.memory_space<vmem>>, vector<16xf32>,
          %get3A_276 = arith.index_cast %add3A_122 : i32 to index
          %get3A_277 = arith.constant 96 : index
          %get3A_278 = tpu.vector_load %arg11[%get3A_276, %get3A_277] {strides = array<i32>} : memref<128x128xf32, #tpu.memory_space<vmem>>, vector<16xf32>,
          %add3A_279 = arith.addf %get3A_275, %get3A_278 : vector<16xf32>
          %mul3A_280 = arith.mulf %add3A_279, %add3A_279 : vector<16xf32>
          %mul3A_281 = arith.constant 0.0713548139 : f32
          %mul3A_282 = vector.broadcast %mul3A_281 : f32 to vector<16xf32>
          %mul3A_283 = arith.mulf %mul3A_282, %mul3A_280 : vector<16xf32>
          %add3A_284 = arith.constant 1.59576917 : f32
          %add3A_285 = vector.broadcast %add3A_284 : f32 to vector<16xf32>
          %add3A_286 = arith.addf %add3A_285, %mul3A_283 : vector<16xf32>
          %mul3A_287 = arith.mulf %add3A_279, %add3A_286 : vector<16xf32>
          %neg3A_288 = arith.constant 0.000000e+00 : f32
          %neg3A_289 = vector.broadcast %neg3A_288 : f32 to vector<16xf32>
          %neg3A_290 = arith.subf %neg3A_289, %mul3A_287 : vector<16xf32>
          %exp3A_291 = math.exp %neg3A_290 : vector<16xf32>
          %add3A_292 = arith.constant 1.000000e+00 : f32
          %add3A_293 = vector.broadcast %add3A_292 : f32 to vector<16xf32>
          %add3A_294 = arith.addf %add3A_293, %exp3A_291 : vector<16xf32>
          %div3A_295 = arith.divf %add3A_279, %add3A_294 : vector<16xf32>
          %add3A_296 = arith.addf %add3A_270, %div3A_295 : vector<16xf32>
          %mul3A_297 = arith.mulf %div3A_295, %div3A_295 : vector<16xf32>
          %add3A_298 = arith.addf %add3A_272, %mul3A_297 : vector<16xf32>
          %get3A_299 = arith.index_cast %add3A_122 : i32 to index
          %get3A_300 = arith.constant 112 : index
          %get3A_301 = tpu.vector_load %arg10[%get3A_299, %get3A_300] {strides = array<i32>} : memref<128x128xf32, #tpu.memory_space<vmem>>, vector<16xf32>,
          %get3A_302 = arith.index_cast %add3A_122 : i32 to index
          %get3A_303 = arith.constant 112 : index
          %get3A_304 = tpu.vector_load %arg11[%get3A_302, %get3A_303] {strides = array<i32>} : memref<128x128xf32, #tpu.memory_space<vmem>>, vector<16xf32>,
          %add3A_305 = arith.addf %get3A_301, %get3A_304 : vector<16xf32>
          %mul3A_306 = arith.mulf %add3A_305, %add3A_305 : vector<16xf32>
          %mul3A_307 = arith.constant 0.0713548139 : f32
          %mul3A_308 = vector.broadcast %mul3A_307 : f32 to vector<16xf32>
          %mul3A_309 = arith.mulf %mul3A_308, %mul3A_306 : vector<16xf32>
          %add3A_310 = arith.constant 1.59576917 : f32
          %add3A_311 = vector.broadcast %add3A_310 : f32 to vector<16xf32>
          %add3A_312 = arith.addf %add3A_311, %mul3A_309 : vector<16xf32>
          %mul3A_313 = arith.mulf %add3A_305, %add3A_312 : vector<16xf32>
          %neg3A_314 = arith.constant 0.000000e+00 : f32
          %neg3A_315 = vector.broadcast %neg3A_314 : f32 to vector<16xf32>
          %neg3A_316 = arith.subf %neg3A_315, %mul3A_313 : vector<16xf32>
          %exp3A_317 = math.exp %neg3A_316 : vector<16xf32>
          %add3A_318 = arith.constant 1.000000e+00 : f32
          %add3A_319 = vector.broadcast %add3A_318 : f32 to vector<16xf32>
          %add3A_320 = arith.addf %add3A_319, %exp3A_317 : vector<16xf32>
          %div3A_321 = arith.divf %add3A_305, %add3A_320 : vector<16xf32>
          %add3A_322 = arith.addf %add3A_296, %div3A_321 : vector<16xf32>
          %mul3A_323 = arith.mulf %div3A_321, %div3A_321 : vector<16xf32>
          %add3A_324 = arith.addf %add3A_298, %mul3A_323 : vector<16xf32>
          %reduce_sum3A = arith.constant true
          %reduce_sum3A_325 = vector.broadcast %reduce_sum3A : i1 to vector<16xi1>
          %reduce_sum3A_326 = tpu.scan <sum>, %add3A_322 masked %reduce_sum3A_325 : vector<16xf32>, vector<16xi1> -> vector<16xf32>
          %reduce_sum3A_327 = vector.extract %reduce_sum3A_326[15] : f32 from vector<16xf32>
          %mul3A_328 = arith.constant 7.812500e-03 : f32
          %mul3A_329 = arith.mulf %reduce_sum3A_327, %mul3A_328 : f32
          %reduce_sum3A_330 = arith.constant true
          %reduce_sum3A_331 = vector.broadcast %reduce_sum3A_330 : i1 to vector<16xi1>
          %reduce_sum3A_332 = tpu.scan <sum>, %add3A_324 masked %reduce_sum3A_331 : vector<16xf32>, vector<16xi1> -> vector<16xf32>
          %reduce_sum3A_333 = vector.extract %reduce_sum3A_332[15] : f32 from vector<16xf32>
          %mul3A_334 = arith.constant 7.812500e-03 : f32
          %mul3A_335 = arith.mulf %reduce_sum3A_333, %mul3A_334 : f32
          %mul3A_336 = arith.mulf %mul3A_329, %mul3A_329 : f32
          %sub3A = arith.subf %mul3A_335, %mul3A_336 : f32
          %add3A_337 = arith.constant 9.99999974E-6 : f32
          %add3A_338 = arith.addf %sub3A, %add3A_337 : f32
          %bitcast_convert_type3A = arith.bitcast %add3A_338 : f32 to i32
          %shift_right_logical3A = arith.constant 1 : i32
          %shift_right_logical3A_339 = arith.shrui %bitcast_convert_type3A, %shift_right_logical3A : i32
          %sub3A_340 = arith.constant 1597463007 : i32
          %sub3A_341 = arith.subi %sub3A_340, %shift_right_logical3A_339 : i32
          %bitcast_convert_type3A_342 = arith.bitcast %sub3A_341 : i32 to f32
          %mul3A_343 = arith.constant 5.000000e-01 : f32
          %mul3A_344 = arith.mulf %mul3A_343, %add3A_338 : f32
          %mul3A_345 = arith.mulf %mul3A_344, %bitcast_convert_type3A_342 : f32
          %mul3A_346 = arith.mulf %mul3A_345, %bitcast_convert_type3A_342 : f32
          %sub3A_347 = arith.constant 1.500000e+00 : f32
          %sub3A_348 = arith.subf %sub3A_347, %mul3A_346 : f32
          %mul3A_349 = arith.mulf %bitcast_convert_type3A_342, %sub3A_348 : f32
          %mul3A_350 = arith.constant 5.000000e-01 : f32
          %mul3A_351 = arith.mulf %mul3A_350, %add3A_338 : f32
          %mul3A_352 = arith.mulf %mul3A_351, %mul3A_349 : f32
          %mul3A_353 = arith.mulf %mul3A_352, %mul3A_349 : f32
          %sub3A_354 = arith.constant 1.500000e+00 : f32
          %sub3A_355 = arith.subf %sub3A_354, %mul3A_353 : f32
          %mul3A_356 = arith.mulf %mul3A_349, %sub3A_355 : f32
          %mul3A_357 = arith.constant 5.000000e-01 : f32
          %mul3A_358 = arith.mulf %mul3A_357, %add3A_338 : f32
          %mul3A_359 = arith.mulf %mul3A_358, %mul3A_356 : f32
          %mul3A_360 = arith.mulf %mul3A_359, %mul3A_356 : f32
          %sub3A_361 = arith.constant 1.500000e+00 : f32
          %sub3A_362 = arith.subf %sub3A_361, %mul3A_360 : f32
          %mul3A_363 = arith.mulf %mul3A_356, %sub3A_362 : f32
          %sub3A_364 = vector.broadcast %mul3A_329 : f32 to vector<16xf32>
          %sub3A_365 = arith.subf %div3A, %sub3A_364 : vector<16xf32>
          %mul3A_366 = vector.broadcast %mul3A_363 : f32 to vector<16xf32>
          %mul3A_367 = arith.mulf %sub3A_365, %mul3A_366 : vector<16xf32>
          %swap3A_368 = arith.index_cast %add3A_122 : i32 to index
          %swap3A_369 = arith.constant 0 : index
          %swap3A_370 = tpu.vector_load %arg12[%swap3A_368, %swap3A_369] {strides = array<i32>} : memref<128x128xf32, #tpu.memory_space<vmem>>, vector<16xf32>,
          tpu.vector_store %arg12[%swap3A_368, %swap3A_369], %mul3A_367 {strides = array<i32>} : memref<128x128xf32, #tpu.memory_space<vmem>>, vector<16xf32>,
          %sub3A_371 = vector.broadcast %mul3A_329 : f32 to vector<16xf32>
          %sub3A_372 = arith.subf %div3A_165, %sub3A_371 : vector<16xf32>
          %mul3A_373 = vector.broadcast %mul3A_363 : f32 to vector<16xf32>
          %mul3A_374 = arith.mulf %sub3A_372, %mul3A_373 : vector<16xf32>
          %swap3A_375 = arith.index_cast %add3A_122 : i32 to index
          %swap3A_376 = arith.constant 16 : index
          %swap3A_377 = tpu.vector_load %arg12[%swap3A_375, %swap3A_376] {strides = array<i32>} : memref<128x128xf32, #tpu.memory_space<vmem>>, vector<16xf32>,
          tpu.vector_store %arg12[%swap3A_375, %swap3A_376], %mul3A_374 {strides = array<i32>} : memref<128x128xf32, #tpu.memory_space<vmem>>, vector<16xf32>,
          %sub3A_378 = vector.broadcast %mul3A_329 : f32 to vector<16xf32>
          %sub3A_379 = arith.subf %div3A_191, %sub3A_378 : vector<16xf32>
          %mul3A_380 = vector.broadcast %mul3A_363 : f32 to vector<16xf32>
          %mul3A_381 = arith.mulf %sub3A_379, %mul3A_380 : vector<16xf32>
          %swap3A_382 = arith.index_cast %add3A_122 : i32 to index
          %swap3A_383 = arith.constant 32 : index
          %swap3A_384 = tpu.vector_load %arg12[%swap3A_382, %swap3A_383] {strides = array<i32>} : memref<128x128xf32, #tpu.memory_space<vmem>>, vector<16xf32>,
          tpu.vector_store %arg12[%swap3A_382, %swap3A_383], %mul3A_381 {strides = array<i32>} : memref<128x128xf32, #tpu.memory_space<vmem>>, vector<16xf32>,
          %sub3A_385 = vector.broadcast %mul3A_329 : f32 to vector<16xf32>
          %sub3A_386 = arith.subf %div3A_217, %sub3A_385 : vector<16xf32>
          %mul3A_387 = vector.broadcast %mul3A_363 : f32 to vector<16xf32>
          %mul3A_388 = arith.mulf %sub3A_386, %mul3A_387 : vector<16xf32>
          %swap3A_389 = arith.index_cast %add3A_122 : i32 to index
          %swap3A_390 = arith.constant 48 : index
          %swap3A_391 = tpu.vector_load %arg12[%swap3A_389, %swap3A_390] {strides = array<i32>} : memref<128x128xf32, #tpu.memory_space<vmem>>, vector<16xf32>,
          tpu.vector_store %arg12[%swap3A_389, %swap3A_390], %mul3A_388 {strides = array<i32>} : memref<128x128xf32, #tpu.memory_space<vmem>>, vector<16xf32>,
          %sub3A_392 = vector.broadcast %mul3A_329 : f32 to vector<16xf32>
          %sub3A_393 = arith.subf %div3A_243, %sub3A_392 : vector<16xf32>
          %mul3A_394 = vector.broadcast %mul3A_363 : f32 to vector<16xf32>
          %mul3A_395 = arith.mulf %sub3A_393, %mul3A_394 : vector<16xf32>
          %swap3A_396 = arith.index_cast %add3A_122 : i32 to index
          %swap3A_397 = arith.constant 64 : index
          %swap3A_398 = tpu.vector_load %arg12[%swap3A_396, %swap3A_397] {strides = array<i32>} : memref<128x128xf32, #tpu.memory_space<vmem>>, vector<16xf32>,
          tpu.vector_store %arg12[%swap3A_396, %swap3A_397], %mul3A_395 {strides = array<i32>} : memref<128x128xf32, #tpu.memory_space<vmem>>, vector<16xf32>,
          %sub3A_399 = vector.broadcast %mul3A_329 : f32 to vector<16xf32>
          %sub3A_400 = arith.subf %div3A_269, %sub3A_399 : vector<16xf32>
          %mul3A_401 = vector.broadcast %mul3A_363 : f32 to vector<16xf32>
          %mul3A_402 = arith.mulf %sub3A_400, %mul3A_401 : vector<16xf32>
          %swap3A_403 = arith.index_cast %add3A_122 : i32 to index
          %swap3A_404 = arith.constant 80 : index
          %swap3A_405 = tpu.vector_load %arg12[%swap3A_403, %swap3A_404] {strides = array<i32>} : memref<128x128xf32, #tpu.memory_space<vmem>>, vector<16xf32>,
          tpu.vector_store %arg12[%swap3A_403, %swap3A_404], %mul3A_402 {strides = array<i32>} : memref<128x128xf32, #tpu.memory_space<vmem>>, vector<16xf32>,
          %sub3A_406 = vector.broadcast %mul3A_329 : f32 to vector<16xf32>
          %sub3A_407 = arith.subf %div3A_295, %sub3A_406 : vector<16xf32>
          %mul3A_408 = vector.broadcast %mul3A_363 : f32 to vector<16xf32>
          %mul3A_409 = arith.mulf %sub3A_407, %mul3A_408 : vector<16xf32>
          %swap3A_410 = arith.index_cast %add3A_122 : i32 to index
          %swap3A_411 = arith.constant 96 : index
          %swap3A_412 = tpu.vector_load %arg12[%swap3A_410, %swap3A_411] {strides = array<i32>} : memref<128x128xf32, #tpu.memory_space<vmem>>, vector<16xf32>,
          tpu.vector_store %arg12[%swap3A_410, %swap3A_411], %mul3A_409 {strides = array<i32>} : memref<128x128xf32, #tpu.memory_space<vmem>>, vector<16xf32>,
          %sub3A_413 = vector.broadcast %mul3A_329 : f32 to vector<16xf32>
          %sub3A_414 = arith.subf %div3A_321, %sub3A_413 : vector<16xf32>
          %mul3A_415 = vector.broadcast %mul3A_363 : f32 to vector<16xf32>
          %mul3A_416 = arith.mulf %sub3A_414, %mul3A_415 : vector<16xf32>
          %swap3A_417 = arith.index_cast %add3A_122 : i32 to index
          %swap3A_418 = arith.constant 112 : index
          %swap3A_419 = tpu.vector_load %arg12[%swap3A_417, %swap3A_418] {strides = array<i32>} : memref<128x128xf32, #tpu.memory_space<vmem>>, vector<16xf32>,
          tpu.vector_store %arg12[%swap3A_417, %swap3A_418], %mul3A_416 {strides = array<i32>} : memref<128x128xf32, #tpu.memory_space<vmem>>, vector<16xf32>,
        }
        %scan3A_117 = arith.constant 128 : i32
        "tpu.region"() ({
          %run_scoped3A = tpu.sem_alloc : memref<!tpu.dma_semaphore, #tpu.memory_space<semaphore_mem>>
          %dma_start3A_118 = arith.constant 0 : i32
          %dma_start3A_119 = arith.constant 0 : i32
          %dma_start3A_120 = tpu.memref_slice %arg14[%dma_start3A_118, %dma_start3A_119] : memref<10000x128xf32, #tpu.memory_space<vmem_shared>> -> memref<10000x128xf32, #tpu.memory_space<vmem_shared>>
          tpu.enqueue_indirect_dma source(%arg12 : memref<128x128xf32, #tpu.memory_space<vmem>>) target(%dma_start3A_120 : memref<10000x128xf32, #tpu.memory_space<vmem_shared>>) offsets(%arg9 : memref<128xi32, #tpu.memory_space<vmem>>) semaphore(%run_scoped3A : memref<!tpu.dma_semaphore, #tpu.memory_space<semaphore_mem>>) {add = true}
          %dma_wait3A_121 = arith.constant 0 : i32
          %dma_wait3A_122 = arith.constant 0 : i32
          %dma_wait3A_123 = tpu.memref_slice %arg14[%dma_wait3A_121, %dma_wait3A_122] : memref<10000x128xf32, #tpu.memory_space<vmem_shared>> -> memref<10000x128xf32, #tpu.memory_space<vmem_shared>>
          tpu.wait_indirect_dma semaphore(%run_scoped3A : memref<!tpu.dma_semaphore, #tpu.memory_space<semaphore_mem>>) src(%arg12 : memref<128x128xf32, #tpu.memory_space<vmem>>) dst(%dma_wait3A_123 : memref<10000x128xf32, #tpu.memory_space<vmem_shared>>)
          tpu.yield
        }) : () -> ()
        "tpu.region"() ({
          %run_scoped3A = tpu.sem_alloc : memref<!tpu.dma_semaphore, #tpu.memory_space<semaphore_mem>>
          %dma_start3A_118 = arith.constant 0 : i32
          %dma_start3A_119 = tpu.memref_slice %arg13[%dma_start3A_118] : memref<640xf32, #tpu.memory_space<vmem>> -> memref<128xf32, #tpu.memory_space<vmem>>
          %dma_start3A_120 = arith.constant 0 : i32
          %dma_start3A_121 = tpu.memref_slice %arg15[%dma_start3A_120] : memref<10240xf32, #tpu.memory_space<vmem_shared>> -> memref<10240xf32, #tpu.memory_space<vmem_shared>>
          tpu.enqueue_indirect_dma source(%dma_start3A_119 : memref<128xf32, #tpu.memory_space<vmem>>) target(%dma_start3A_121 : memref<10240xf32, #tpu.memory_space<vmem_shared>>) offsets(%arg9 : memref<128xi32, #tpu.memory_space<vmem>>) semaphore(%run_scoped3A : memref<!tpu.dma_semaphore, #tpu.memory_space<semaphore_mem>>) {add = true}
          %dma_wait3A_122 = arith.constant 0 : i32
          %dma_wait3A_123 = tpu.memref_slice %arg13[%dma_wait3A_122] : memref<640xf32, #tpu.memory_space<vmem>> -> memref<128xf32, #tpu.memory_space<vmem>>
          %dma_wait3A_124 = arith.constant 0 : i32
          %dma_wait3A_125 = tpu.memref_slice %arg15[%dma_wait3A_124] : memref<10240xf32, #tpu.memory_space<vmem_shared>> -> memref<10240xf32, #tpu.memory_space<vmem_shared>>
          tpu.wait_indirect_dma semaphore(%run_scoped3A : memref<!tpu.dma_semaphore, #tpu.memory_space<semaphore_mem>>) src(%dma_wait3A_123 : memref<128xf32, #tpu.memory_space<vmem>>) dst(%dma_wait3A_125 : memref<10240xf32, #tpu.memory_space<vmem_shared>>)
          tpu.yield
        }) : () -> ()
      } else {
      }
    }
    %scan3A_56 = arith.constant 79 : i32
    %barrier3A_57 = arith.constant 0 : index
    tpu.barrier barrier_id(%barrier3A_57)
    %mul3A_58 = arith.constant 632 : i32
    %mul3A_59 = arith.muli %arg1, %mul3A_58 : i32
    %add3A_60 = arith.constant 0 : i32
    %add3A_61 = arith.addi %mul3A_59, %add3A_60 : i32
    "tpu.region"() ({
      %run_scoped3A = tpu.sem_alloc : memref<!tpu.dma_semaphore, #tpu.memory_space<semaphore_mem>>
      %dma_start3A = arith.constant 0 : i32
      %dma_start3A_88 = tpu.memref_slice %arg14[%add3A_61, %dma_start3A] : memref<10000x128xf32, #tpu.memory_space<vmem_shared>> -> memref<128x128xf32, #tpu.memory_space<vmem_shared>>
      %dma_start3A_89 = arith.constant 0 : i32
      %dma_start3A_90 = tpu.memref_slice %arg14[%add3A_61, %dma_start3A_89] : memref<10000x128xf32, #tpu.memory_space<vmem_shared>> -> memref<128x128xf32, #tpu.memory_space<vmem_shared>>
      tpu.enqueue_dma source(%dma_start3A_90 : memref<128x128xf32, #tpu.memory_space<vmem_shared>>) target(%arg10 : memref<128x128xf32, #tpu.memory_space<vmem>>) target_semaphore(%run_scoped3A : memref<!tpu.dma_semaphore, #tpu.memory_space<semaphore_mem>>)
      %dma_wait3A = arith.constant 0 : i32
      %dma_wait3A_91 = tpu.memref_slice %arg14[%add3A_61, %dma_wait3A] : memref<10000x128xf32, #tpu.memory_space<vmem_shared>> -> memref<128x128xf32, #tpu.memory_space<vmem_shared>>
      %dma_wait3A_92 = arith.constant 0 : i32
      %dma_wait3A_93 = tpu.memref_slice %arg14[%add3A_61, %dma_wait3A_92] : memref<10000x128xf32, #tpu.memory_space<vmem_shared>> -> memref<128x128xf32, #tpu.memory_space<vmem_shared>>
      tpu.wait_dma2 semaphore(%run_scoped3A : memref<!tpu.dma_semaphore, #tpu.memory_space<semaphore_mem>>) src(%dma_wait3A_93 : memref<128x128xf32, #tpu.memory_space<vmem_shared>>) dst(%arg10 : memref<128x128xf32, #tpu.memory_space<vmem>>)
      tpu.yield
    }) : () -> ()
    "tpu.region"() ({
      %run_scoped3A = tpu.sem_alloc : memref<!tpu.dma_semaphore, #tpu.memory_space<semaphore_mem>>
      %dma_start3A = arith.constant 0 : i32
      %dma_start3A_88 = tpu.memref_slice %arg6[%arg0, %add3A_61, %dma_start3A] : memref<2x10000x128xf32, #tpu.memory_space<hbm>> -> memref<1x128x128xf32, #tpu.memory_space<hbm>>
      %dma_start3A_89 = tpu.memref_squeeze %dma_start3A_88 : memref<1x128x128xf32, #tpu.memory_space<hbm>> -> memref<128x128xf32, #tpu.memory_space<hbm>>
      %dma_start3A_90 = arith.constant 0 : i32
      %dma_start3A_91 = tpu.memref_slice %arg6[%arg0, %add3A_61, %dma_start3A_90] : memref<2x10000x128xf32, #tpu.memory_space<hbm>> -> memref<1x128x128xf32, #tpu.memory_space<hbm>>
      %dma_start3A_92 = tpu.memref_squeeze %dma_start3A_91 : memref<1x128x128xf32, #tpu.memory_space<hbm>> -> memref<128x128xf32, #tpu.memory_space<hbm>>
      tpu.enqueue_dma source(%arg10 : memref<128x128xf32, #tpu.memory_space<vmem>>) target(%dma_start3A_92 : memref<128x128xf32, #tpu.memory_space<hbm>>) target_semaphore(%run_scoped3A : memref<!tpu.dma_semaphore, #tpu.memory_space<semaphore_mem>>)
      %dma_wait3A = arith.constant 0 : i32
      %dma_wait3A_93 = tpu.memref_slice %arg6[%arg0, %add3A_61, %dma_wait3A] : memref<2x10000x128xf32, #tpu.memory_space<hbm>> -> memref<1x128x128xf32, #tpu.memory_space<hbm>>
      %dma_wait3A_94 = tpu.memref_squeeze %dma_wait3A_93 : memref<1x128x128xf32, #tpu.memory_space<hbm>> -> memref<128x128xf32, #tpu.memory_space<hbm>>
      %dma_wait3A_95 = arith.constant 0 : i32
      %dma_wait3A_96 = tpu.memref_slice %arg6[%arg0, %add3A_61, %dma_wait3A_95] : memref<2x10000x128xf32, #tpu.memory_space<hbm>> -> memref<1x128x128xf32, #tpu.memory_space<hbm>>
      %dma_wait3A_97 = tpu.memref_squeeze %dma_wait3A_96 : memref<1x128x128xf32, #tpu.memory_space<hbm>> -> memref<128x128xf32, #tpu.memory_space<hbm>>
      tpu.wait_dma2 semaphore(%run_scoped3A : memref<!tpu.dma_semaphore, #tpu.memory_space<semaphore_mem>>) src(%arg10 : memref<128x128xf32, #tpu.memory_space<vmem>>) dst(%dma_wait3A_97 : memref<128x128xf32, #tpu.memory_space<hbm>>)
      tpu.yield
    }) : () -> ()
    %mul3A_62 = arith.constant 632 : i32
    %mul3A_63 = arith.muli %arg1, %mul3A_62 : i32
    %add3A_64 = arith.constant 128 : i32
    %add3A_65 = arith.addi %mul3A_63, %add3A_64 : i32
    "tpu.region"() ({
      %run_scoped3A = tpu.sem_alloc : memref<!tpu.dma_semaphore, #tpu.memory_space<semaphore_mem>>
      %dma_start3A = arith.constant 0 : i32
      %dma_start3A_88 = tpu.memref_slice %arg14[%add3A_65, %dma_start3A] : memref<10000x128xf32, #tpu.memory_space<vmem_shared>> -> memref<128x128xf32, #tpu.memory_space<vmem_shared>>
      %dma_start3A_89 = arith.constant 0 : i32
      %dma_start3A_90 = tpu.memref_slice %arg14[%add3A_65, %dma_start3A_89] : memref<10000x128xf32, #tpu.memory_space<vmem_shared>> -> memref<128x128xf32, #tpu.memory_space<vmem_shared>>
      tpu.enqueue_dma source(%dma_start3A_90 : memref<128x128xf32, #tpu.memory_space<vmem_shared>>) target(%arg10 : memref<128x128xf32, #tpu.memory_space<vmem>>) target_semaphore(%run_scoped3A : memref<!tpu.dma_semaphore, #tpu.memory_space<semaphore_mem>>)
      %dma_wait3A = arith.constant 0 : i32
      %dma_wait3A_91 = tpu.memref_slice %arg14[%add3A_65, %dma_wait3A] : memref<10000x128xf32, #tpu.memory_space<vmem_shared>> -> memref<128x128xf32, #tpu.memory_space<vmem_shared>>
      %dma_wait3A_92 = arith.constant 0 : i32
      %dma_wait3A_93 = tpu.memref_slice %arg14[%add3A_65, %dma_wait3A_92] : memref<10000x128xf32, #tpu.memory_space<vmem_shared>> -> memref<128x128xf32, #tpu.memory_space<vmem_shared>>
      tpu.wait_dma2 semaphore(%run_scoped3A : memref<!tpu.dma_semaphore, #tpu.memory_space<semaphore_mem>>) src(%dma_wait3A_93 : memref<128x128xf32, #tpu.memory_space<vmem_shared>>) dst(%arg10 : memref<128x128xf32, #tpu.memory_space<vmem>>)
      tpu.yield
    }) : () -> ()
    "tpu.region"() ({
      %run_scoped3A = tpu.sem_alloc : memref<!tpu.dma_semaphore, #tpu.memory_space<semaphore_mem>>
      %dma_start3A = arith.constant 0 : i32
      %dma_start3A_88 = tpu.memref_slice %arg6[%arg0, %add3A_65, %dma_start3A] : memref<2x10000x128xf32, #tpu.memory_space<hbm>> -> memref<1x128x128xf32, #tpu.memory_space<hbm>>
      %dma_start3A_89 = tpu.memref_squeeze %dma_start3A_88 : memref<1x128x128xf32, #tpu.memory_space<hbm>> -> memref<128x128xf32, #tpu.memory_space<hbm>>
      %dma_start3A_90 = arith.constant 0 : i32
      %dma_start3A_91 = tpu.memref_slice %arg6[%arg0, %add3A_65, %dma_start3A_90] : memref<2x10000x128xf32, #tpu.memory_space<hbm>> -> memref<1x128x128xf32, #tpu.memory_space<hbm>>
      %dma_start3A_92 = tpu.memref_squeeze %dma_start3A_91 : memref<1x128x128xf32, #tpu.memory_space<hbm>> -> memref<128x128xf32, #tpu.memory_space<hbm>>
      tpu.enqueue_dma source(%arg10 : memref<128x128xf32, #tpu.memory_space<vmem>>) target(%dma_start3A_92 : memref<128x128xf32, #tpu.memory_space<hbm>>) target_semaphore(%run_scoped3A : memref<!tpu.dma_semaphore, #tpu.memory_space<semaphore_mem>>)
      %dma_wait3A = arith.constant 0 : i32
      %dma_wait3A_93 = tpu.memref_slice %arg6[%arg0, %add3A_65, %dma_wait3A] : memref<2x10000x128xf32, #tpu.memory_space<hbm>> -> memref<1x128x128xf32, #tpu.memory_space<hbm>>
      %dma_wait3A_94 = tpu.memref_squeeze %dma_wait3A_93 : memref<1x128x128xf32, #tpu.memory_space<hbm>> -> memref<128x128xf32, #tpu.memory_space<hbm>>
      %dma_wait3A_95 = arith.constant 0 : i32
      %dma_wait3A_96 = tpu.memref_slice %arg6[%arg0, %add3A_65, %dma_wait3A_95] : memref<2x10000x128xf32, #tpu.memory_space<hbm>> -> memref<1x128x128xf32, #tpu.memory_space<hbm>>
      %dma_wait3A_97 = tpu.memref_squeeze %dma_wait3A_96 : memref<1x128x128xf32, #tpu.memory_space<hbm>> -> memref<128x128xf32, #tpu.memory_space<hbm>>
      tpu.wait_dma2 semaphore(%run_scoped3A : memref<!tpu.dma_semaphore, #tpu.memory_space<semaphore_mem>>) src(%arg10 : memref<128x128xf32, #tpu.memory_space<vmem>>) dst(%dma_wait3A_97 : memref<128x128xf32, #tpu.memory_space<hbm>>)
      tpu.yield
    }) : () -> ()
    %mul3A_66 = arith.constant 632 : i32
    %mul3A_67 = arith.muli %arg1, %mul3A_66 : i32
    %add3A_68 = arith.constant 256 : i32
    %add3A_69 = arith.addi %mul3A_67, %add3A_68 : i32
    "tpu.region"() ({
      %run_scoped3A = tpu.sem_alloc : memref<!tpu.dma_semaphore, #tpu.memory_space<semaphore_mem>>
      %dma_start3A = arith.constant 0 : i32
      %dma_start3A_88 = tpu.memref_slice %arg14[%add3A_69, %dma_start3A] : memref<10000x128xf32, #tpu.memory_space<vmem_shared>> -> memref<128x128xf32, #tpu.memory_space<vmem_shared>>
      %dma_start3A_89 = arith.constant 0 : i32
      %dma_start3A_90 = tpu.memref_slice %arg14[%add3A_69, %dma_start3A_89] : memref<10000x128xf32, #tpu.memory_space<vmem_shared>> -> memref<128x128xf32, #tpu.memory_space<vmem_shared>>
      tpu.enqueue_dma source(%dma_start3A_90 : memref<128x128xf32, #tpu.memory_space<vmem_shared>>) target(%arg10 : memref<128x128xf32, #tpu.memory_space<vmem>>) target_semaphore(%run_scoped3A : memref<!tpu.dma_semaphore, #tpu.memory_space<semaphore_mem>>)
      %dma_wait3A = arith.constant 0 : i32
      %dma_wait3A_91 = tpu.memref_slice %arg14[%add3A_69, %dma_wait3A] : memref<10000x128xf32, #tpu.memory_space<vmem_shared>> -> memref<128x128xf32, #tpu.memory_space<vmem_shared>>
      %dma_wait3A_92 = arith.constant 0 : i32
      %dma_wait3A_93 = tpu.memref_slice %arg14[%add3A_69, %dma_wait3A_92] : memref<10000x128xf32, #tpu.memory_space<vmem_shared>> -> memref<128x128xf32, #tpu.memory_space<vmem_shared>>
      tpu.wait_dma2 semaphore(%run_scoped3A : memref<!tpu.dma_semaphore, #tpu.memory_space<semaphore_mem>>) src(%dma_wait3A_93 : memref<128x128xf32, #tpu.memory_space<vmem_shared>>) dst(%arg10 : memref<128x128xf32, #tpu.memory_space<vmem>>)
      tpu.yield
    }) : () -> ()
    "tpu.region"() ({
      %run_scoped3A = tpu.sem_alloc : memref<!tpu.dma_semaphore, #tpu.memory_space<semaphore_mem>>
      %dma_start3A = arith.constant 0 : i32
      %dma_start3A_88 = tpu.memref_slice %arg6[%arg0, %add3A_69, %dma_start3A] : memref<2x10000x128xf32, #tpu.memory_space<hbm>> -> memref<1x128x128xf32, #tpu.memory_space<hbm>>
      %dma_start3A_89 = tpu.memref_squeeze %dma_start3A_88 : memref<1x128x128xf32, #tpu.memory_space<hbm>> -> memref<128x128xf32, #tpu.memory_space<hbm>>
      %dma_start3A_90 = arith.constant 0 : i32
      %dma_start3A_91 = tpu.memref_slice %arg6[%arg0, %add3A_69, %dma_start3A_90] : memref<2x10000x128xf32, #tpu.memory_space<hbm>> -> memref<1x128x128xf32, #tpu.memory_space<hbm>>
      %dma_start3A_92 = tpu.memref_squeeze %dma_start3A_91 : memref<1x128x128xf32, #tpu.memory_space<hbm>> -> memref<128x128xf32, #tpu.memory_space<hbm>>
      tpu.enqueue_dma source(%arg10 : memref<128x128xf32, #tpu.memory_space<vmem>>) target(%dma_start3A_92 : memref<128x128xf32, #tpu.memory_space<hbm>>) target_semaphore(%run_scoped3A : memref<!tpu.dma_semaphore, #tpu.memory_space<semaphore_mem>>)
      %dma_wait3A = arith.constant 0 : i32
      %dma_wait3A_93 = tpu.memref_slice %arg6[%arg0, %add3A_69, %dma_wait3A] : memref<2x10000x128xf32, #tpu.memory_space<hbm>> -> memref<1x128x128xf32, #tpu.memory_space<hbm>>
      %dma_wait3A_94 = tpu.memref_squeeze %dma_wait3A_93 : memref<1x128x128xf32, #tpu.memory_space<hbm>> -> memref<128x128xf32, #tpu.memory_space<hbm>>
      %dma_wait3A_95 = arith.constant 0 : i32
      %dma_wait3A_96 = tpu.memref_slice %arg6[%arg0, %add3A_69, %dma_wait3A_95] : memref<2x10000x128xf32, #tpu.memory_space<hbm>> -> memref<1x128x128xf32, #tpu.memory_space<hbm>>
      %dma_wait3A_97 = tpu.memref_squeeze %dma_wait3A_96 : memref<1x128x128xf32, #tpu.memory_space<hbm>> -> memref<128x128xf32, #tpu.memory_space<hbm>>
      tpu.wait_dma2 semaphore(%run_scoped3A : memref<!tpu.dma_semaphore, #tpu.memory_space<semaphore_mem>>) src(%arg10 : memref<128x128xf32, #tpu.memory_space<vmem>>) dst(%dma_wait3A_97 : memref<128x128xf32, #tpu.memory_space<hbm>>)
      tpu.yield
    }) : () -> ()
    %mul3A_70 = arith.constant 632 : i32
    %mul3A_71 = arith.muli %arg1, %mul3A_70 : i32
    %add3A_72 = arith.constant 384 : i32
    %add3A_73 = arith.addi %mul3A_71, %add3A_72 : i32
    "tpu.region"() ({
      %run_scoped3A = tpu.sem_alloc : memref<!tpu.dma_semaphore, #tpu.memory_space<semaphore_mem>>
      %dma_start3A = arith.constant 0 : i32
      %dma_start3A_88 = tpu.memref_slice %arg14[%add3A_73, %dma_start3A] : memref<10000x128xf32, #tpu.memory_space<vmem_shared>> -> memref<128x128xf32, #tpu.memory_space<vmem_shared>>
      %dma_start3A_89 = arith.constant 0 : i32
      %dma_start3A_90 = tpu.memref_slice %arg14[%add3A_73, %dma_start3A_89] : memref<10000x128xf32, #tpu.memory_space<vmem_shared>> -> memref<128x128xf32, #tpu.memory_space<vmem_shared>>
      tpu.enqueue_dma source(%dma_start3A_90 : memref<128x128xf32, #tpu.memory_space<vmem_shared>>) target(%arg10 : memref<128x128xf32, #tpu.memory_space<vmem>>) target_semaphore(%run_scoped3A : memref<!tpu.dma_semaphore, #tpu.memory_space<semaphore_mem>>)
      %dma_wait3A = arith.constant 0 : i32
      %dma_wait3A_91 = tpu.memref_slice %arg14[%add3A_73, %dma_wait3A] : memref<10000x128xf32, #tpu.memory_space<vmem_shared>> -> memref<128x128xf32, #tpu.memory_space<vmem_shared>>
      %dma_wait3A_92 = arith.constant 0 : i32
      %dma_wait3A_93 = tpu.memref_slice %arg14[%add3A_73, %dma_wait3A_92] : memref<10000x128xf32, #tpu.memory_space<vmem_shared>> -> memref<128x128xf32, #tpu.memory_space<vmem_shared>>
      tpu.wait_dma2 semaphore(%run_scoped3A : memref<!tpu.dma_semaphore, #tpu.memory_space<semaphore_mem>>) src(%dma_wait3A_93 : memref<128x128xf32, #tpu.memory_space<vmem_shared>>) dst(%arg10 : memref<128x128xf32, #tpu.memory_space<vmem>>)
      tpu.yield
    }) : () -> ()
    "tpu.region"() ({
      %run_scoped3A = tpu.sem_alloc : memref<!tpu.dma_semaphore, #tpu.memory_space<semaphore_mem>>
      %dma_start3A = arith.constant 0 : i32
      %dma_start3A_88 = tpu.memref_slice %arg6[%arg0, %add3A_73, %dma_start3A] : memref<2x10000x128xf32, #tpu.memory_space<hbm>> -> memref<1x128x128xf32, #tpu.memory_space<hbm>>
      %dma_start3A_89 = tpu.memref_squeeze %dma_start3A_88 : memref<1x128x128xf32, #tpu.memory_space<hbm>> -> memref<128x128xf32, #tpu.memory_space<hbm>>
      %dma_start3A_90 = arith.constant 0 : i32
      %dma_start3A_91 = tpu.memref_slice %arg6[%arg0, %add3A_73, %dma_start3A_90] : memref<2x10000x128xf32, #tpu.memory_space<hbm>> -> memref<1x128x128xf32, #tpu.memory_space<hbm>>
      %dma_start3A_92 = tpu.memref_squeeze %dma_start3A_91 : memref<1x128x128xf32, #tpu.memory_space<hbm>> -> memref<128x128xf32, #tpu.memory_space<hbm>>
      tpu.enqueue_dma source(%arg10 : memref<128x128xf32, #tpu.memory_space<vmem>>) target(%dma_start3A_92 : memref<128x128xf32, #tpu.memory_space<hbm>>) target_semaphore(%run_scoped3A : memref<!tpu.dma_semaphore, #tpu.memory_space<semaphore_mem>>)
      %dma_wait3A = arith.constant 0 : i32
      %dma_wait3A_93 = tpu.memref_slice %arg6[%arg0, %add3A_73, %dma_wait3A] : memref<2x10000x128xf32, #tpu.memory_space<hbm>> -> memref<1x128x128xf32, #tpu.memory_space<hbm>>
      %dma_wait3A_94 = tpu.memref_squeeze %dma_wait3A_93 : memref<1x128x128xf32, #tpu.memory_space<hbm>> -> memref<128x128xf32, #tpu.memory_space<hbm>>
      %dma_wait3A_95 = arith.constant 0 : i32
      %dma_wait3A_96 = tpu.memref_slice %arg6[%arg0, %add3A_73, %dma_wait3A_95] : memref<2x10000x128xf32, #tpu.memory_space<hbm>> -> memref<1x128x128xf32, #tpu.memory_space<hbm>>
      %dma_wait3A_97 = tpu.memref_squeeze %dma_wait3A_96 : memref<1x128x128xf32, #tpu.memory_space<hbm>> -> memref<128x128xf32, #tpu.memory_space<hbm>>
      tpu.wait_dma2 semaphore(%run_scoped3A : memref<!tpu.dma_semaphore, #tpu.memory_space<semaphore_mem>>) src(%arg10 : memref<128x128xf32, #tpu.memory_space<vmem>>) dst(%dma_wait3A_97 : memref<128x128xf32, #tpu.memory_space<hbm>>)
      tpu.yield
    }) : () -> ()
    %lt3A_74 = arith.constant 15 : i32
    %lt3A_75 = arith.cmpi slt, %arg1, %lt3A_74 : i32
    %convert_element_type3A_76 = arith.extui %lt3A_75 : i1 to i32
    %cond3A_77 = arith.constant 0 : i32
    %cond3A_78 = arith.cmpi ne, %convert_element_type3A_76, %cond3A_77 : i32
    scf.if %cond3A_78 {
      %mul3A_88 = arith.constant 632 : i32
      %mul3A_89 = arith.muli %arg1, %mul3A_88 : i32
      %add3A_90 = arith.constant 512 : i32
      %add3A_91 = arith.addi %mul3A_89, %add3A_90 : i32
      "tpu.region"() ({
        %run_scoped3A = tpu.sem_alloc : memref<!tpu.dma_semaphore, #tpu.memory_space<semaphore_mem>>
        %dma_start3A = arith.constant 0 : i32
        %dma_start3A_92 = arith.constant 0 : i32
        %dma_start3A_93 = tpu.memref_slice %arg10[%dma_start3A, %dma_start3A_92] : memref<128x128xf32, #tpu.memory_space<vmem>> -> memref<120x128xf32, #tpu.memory_space<vmem>>
        %dma_start3A_94 = arith.constant 0 : i32
        %dma_start3A_95 = tpu.memref_slice %arg14[%add3A_91, %dma_start3A_94] : memref<10000x128xf32, #tpu.memory_space<vmem_shared>> -> memref<120x128xf32, #tpu.memory_space<vmem_shared>>
        %dma_start3A_96 = arith.constant 0 : i32
        %dma_start3A_97 = arith.constant 0 : i32
        %dma_start3A_98 = tpu.memref_slice %arg10[%dma_start3A_96, %dma_start3A_97] : memref<128x128xf32, #tpu.memory_space<vmem>> -> memref<120x128xf32, #tpu.memory_space<vmem>>
        %dma_start3A_99 = arith.constant 0 : i32
        %dma_start3A_100 = tpu.memref_slice %arg14[%add3A_91, %dma_start3A_99] : memref<10000x128xf32, #tpu.memory_space<vmem_shared>> -> memref<120x128xf32, #tpu.memory_space<vmem_shared>>
        tpu.enqueue_dma source(%dma_start3A_100 : memref<120x128xf32, #tpu.memory_space<vmem_shared>>) target(%dma_start3A_98 : memref<120x128xf32, #tpu.memory_space<vmem>>) target_semaphore(%run_scoped3A : memref<!tpu.dma_semaphore, #tpu.memory_space<semaphore_mem>>)
        %dma_wait3A = arith.constant 0 : i32
        %dma_wait3A_101 = arith.constant 0 : i32
        %dma_wait3A_102 = tpu.memref_slice %arg10[%dma_wait3A, %dma_wait3A_101] : memref<128x128xf32, #tpu.memory_space<vmem>> -> memref<120x128xf32, #tpu.memory_space<vmem>>
        %dma_wait3A_103 = arith.constant 0 : i32
        %dma_wait3A_104 = tpu.memref_slice %arg14[%add3A_91, %dma_wait3A_103] : memref<10000x128xf32, #tpu.memory_space<vmem_shared>> -> memref<120x128xf32, #tpu.memory_space<vmem_shared>>
        %dma_wait3A_105 = arith.constant 0 : i32
        %dma_wait3A_106 = arith.constant 0 : i32
        %dma_wait3A_107 = tpu.memref_slice %arg10[%dma_wait3A_105, %dma_wait3A_106] : memref<128x128xf32, #tpu.memory_space<vmem>> -> memref<120x128xf32, #tpu.memory_space<vmem>>
        %dma_wait3A_108 = arith.constant 0 : i32
        %dma_wait3A_109 = tpu.memref_slice %arg14[%add3A_91, %dma_wait3A_108] : memref<10000x128xf32, #tpu.memory_space<vmem_shared>> -> memref<120x128xf32, #tpu.memory_space<vmem_shared>>
        tpu.wait_dma2 semaphore(%run_scoped3A : memref<!tpu.dma_semaphore, #tpu.memory_space<semaphore_mem>>) src(%dma_wait3A_109 : memref<120x128xf32, #tpu.memory_space<vmem_shared>>) dst(%dma_wait3A_107 : memref<120x128xf32, #tpu.memory_space<vmem>>)
        tpu.yield
      }) : () -> ()
      "tpu.region"() ({
        %run_scoped3A = tpu.sem_alloc : memref<!tpu.dma_semaphore, #tpu.memory_space<semaphore_mem>>
        %dma_start3A = arith.constant 0 : i32
        %dma_start3A_92 = arith.constant 0 : i32
        %dma_start3A_93 = tpu.memref_slice %arg10[%dma_start3A, %dma_start3A_92] : memref<128x128xf32, #tpu.memory_space<vmem>> -> memref<120x128xf32, #tpu.memory_space<vmem>>
        %dma_start3A_94 = arith.constant 0 : i32
        %dma_start3A_95 = tpu.memref_slice %arg6[%arg0, %add3A_91, %dma_start3A_94] : memref<2x10000x128xf32, #tpu.memory_space<hbm>> -> memref<1x120x128xf32, #tpu.memory_space<hbm>>
        %dma_start3A_96 = tpu.memref_squeeze %dma_start3A_95 : memref<1x120x128xf32, #tpu.memory_space<hbm>> -> memref<120x128xf32, #tpu.memory_space<hbm>>
        %dma_start3A_97 = arith.constant 0 : i32
        %dma_start3A_98 = tpu.memref_slice %arg6[%arg0, %add3A_91, %dma_start3A_97] : memref<2x10000x128xf32, #tpu.memory_space<hbm>> -> memref<1x120x128xf32, #tpu.memory_space<hbm>>
        %dma_start3A_99 = tpu.memref_squeeze %dma_start3A_98 : memref<1x120x128xf32, #tpu.memory_space<hbm>> -> memref<120x128xf32, #tpu.memory_space<hbm>>
        %dma_start3A_100 = arith.constant 0 : i32
        %dma_start3A_101 = arith.constant 0 : i32
        %dma_start3A_102 = tpu.memref_slice %arg10[%dma_start3A_100, %dma_start3A_101] : memref<128x128xf32, #tpu.memory_space<vmem>> -> memref<120x128xf32, #tpu.memory_space<vmem>>
        tpu.enqueue_dma source(%dma_start3A_102 : memref<120x128xf32, #tpu.memory_space<vmem>>) target(%dma_start3A_99 : memref<120x128xf32, #tpu.memory_space<hbm>>) target_semaphore(%run_scoped3A : memref<!tpu.dma_semaphore, #tpu.memory_space<semaphore_mem>>)
        %dma_wait3A = arith.constant 0 : i32
        %dma_wait3A_103 = arith.constant 0 : i32
        %dma_wait3A_104 = tpu.memref_slice %arg10[%dma_wait3A, %dma_wait3A_103] : memref<128x128xf32, #tpu.memory_space<vmem>> -> memref<120x128xf32, #tpu.memory_space<vmem>>
        %dma_wait3A_105 = arith.constant 0 : i32
        %dma_wait3A_106 = tpu.memref_slice %arg6[%arg0, %add3A_91, %dma_wait3A_105] : memref<2x10000x128xf32, #tpu.memory_space<hbm>> -> memref<1x120x128xf32, #tpu.memory_space<hbm>>
        %dma_wait3A_107 = tpu.memref_squeeze %dma_wait3A_106 : memref<1x120x128xf32, #tpu.memory_space<hbm>> -> memref<120x128xf32, #tpu.memory_space<hbm>>
        %dma_wait3A_108 = arith.constant 0 : i32
        %dma_wait3A_109 = tpu.memref_slice %arg6[%arg0, %add3A_91, %dma_wait3A_108] : memref<2x10000x128xf32, #tpu.memory_space<hbm>> -> memref<1x120x128xf32, #tpu.memory_space<hbm>>
        %dma_wait3A_110 = tpu.memref_squeeze %dma_wait3A_109 : memref<1x120x128xf32, #tpu.memory_space<hbm>> -> memref<120x128xf32, #tpu.memory_space<hbm>>
        %dma_wait3A_111 = arith.constant 0 : i32
        %dma_wait3A_112 = arith.constant 0 : i32
        %dma_wait3A_113 = tpu.memref_slice %arg10[%dma_wait3A_111, %dma_wait3A_112] : memref<128x128xf32, #tpu.memory_space<vmem>> -> memref<120x128xf32, #tpu.memory_space<vmem>>
        tpu.wait_dma2 semaphore(%run_scoped3A : memref<!tpu.dma_semaphore, #tpu.memory_space<semaphore_mem>>) src(%dma_wait3A_113 : memref<120x128xf32, #tpu.memory_space<vmem>>) dst(%dma_wait3A_110 : memref<120x128xf32, #tpu.memory_space<hbm>>)
        tpu.yield
      }) : () -> ()
    } else {
    }
    %eq3A_79 = arith.constant 15 : i32
    %eq3A_80 = arith.cmpi eq, %arg1, %eq3A_79 : i32
    %convert_element_type3A_81 = arith.extui %eq3A_80 : i1 to i32
    %cond3A_82 = arith.constant 0 : i32
    %cond3A_83 = arith.cmpi ne, %convert_element_type3A_81, %cond3A_82 : i32
    scf.if %cond3A_83 {
      "tpu.region"() ({
        %run_scoped3A = tpu.sem_alloc : memref<!tpu.dma_semaphore, #tpu.memory_space<semaphore_mem>>
        %dma_start3A = arith.constant 0 : i32
        %dma_start3A_88 = arith.constant 0 : i32
        %dma_start3A_89 = tpu.memref_slice %arg10[%dma_start3A, %dma_start3A_88] : memref<128x128xf32, #tpu.memory_space<vmem>> -> memref<8x128xf32, #tpu.memory_space<vmem>>
        %dma_start3A_90 = arith.constant 9992 : i32
        %dma_start3A_91 = arith.constant 0 : i32
        %dma_start3A_92 = tpu.memref_slice %arg14[%dma_start3A_90, %dma_start3A_91] : memref<10000x128xf32, #tpu.memory_space<vmem_shared>> -> memref<8x128xf32, #tpu.memory_space<vmem_shared>>
        %dma_start3A_93 = arith.constant 0 : i32
        %dma_start3A_94 = arith.constant 0 : i32
        %dma_start3A_95 = tpu.memref_slice %arg10[%dma_start3A_93, %dma_start3A_94] : memref<128x128xf32, #tpu.memory_space<vmem>> -> memref<8x128xf32, #tpu.memory_space<vmem>>
        %dma_start3A_96 = arith.constant 9992 : i32
        %dma_start3A_97 = arith.constant 0 : i32
        %dma_start3A_98 = tpu.memref_slice %arg14[%dma_start3A_96, %dma_start3A_97] : memref<10000x128xf32, #tpu.memory_space<vmem_shared>> -> memref<8x128xf32, #tpu.memory_space<vmem_shared>>
        tpu.enqueue_dma source(%dma_start3A_98 : memref<8x128xf32, #tpu.memory_space<vmem_shared>>) target(%dma_start3A_95 : memref<8x128xf32, #tpu.memory_space<vmem>>) target_semaphore(%run_scoped3A : memref<!tpu.dma_semaphore, #tpu.memory_space<semaphore_mem>>)
        %dma_wait3A = arith.constant 0 : i32
        %dma_wait3A_99 = arith.constant 0 : i32
        %dma_wait3A_100 = tpu.memref_slice %arg10[%dma_wait3A, %dma_wait3A_99] : memref<128x128xf32, #tpu.memory_space<vmem>> -> memref<8x128xf32, #tpu.memory_space<vmem>>
        %dma_wait3A_101 = arith.constant 9992 : i32
        %dma_wait3A_102 = arith.constant 0 : i32
        %dma_wait3A_103 = tpu.memref_slice %arg14[%dma_wait3A_101, %dma_wait3A_102] : memref<10000x128xf32, #tpu.memory_space<vmem_shared>> -> memref<8x128xf32, #tpu.memory_space<vmem_shared>>
        %dma_wait3A_104 = arith.constant 0 : i32
        %dma_wait3A_105 = arith.constant 0 : i32
        %dma_wait3A_106 = tpu.memref_slice %arg10[%dma_wait3A_104, %dma_wait3A_105] : memref<128x128xf32, #tpu.memory_space<vmem>> -> memref<8x128xf32, #tpu.memory_space<vmem>>
        %dma_wait3A_107 = arith.constant 9992 : i32
        %dma_wait3A_108 = arith.constant 0 : i32
        %dma_wait3A_109 = tpu.memref_slice %arg14[%dma_wait3A_107, %dma_wait3A_108] : memref<10000x128xf32, #tpu.memory_space<vmem_shared>> -> memref<8x128xf32, #tpu.memory_space<vmem_shared>>
        tpu.wait_dma2 semaphore(%run_scoped3A : memref<!tpu.dma_semaphore, #tpu.memory_space<semaphore_mem>>) src(%dma_wait3A_109 : memref<8x128xf32, #tpu.memory_space<vmem_shared>>) dst(%dma_wait3A_106 : memref<8x128xf32, #tpu.memory_space<vmem>>)
        tpu.yield
      }) : () -> ()
      "tpu.region"() ({
        %run_scoped3A = tpu.sem_alloc : memref<!tpu.dma_semaphore, #tpu.memory_space<semaphore_mem>>
        %dma_start3A = arith.constant 0 : i32
        %dma_start3A_88 = arith.constant 0 : i32
        %dma_start3A_89 = tpu.memref_slice %arg10[%dma_start3A, %dma_start3A_88] : memref<128x128xf32, #tpu.memory_space<vmem>> -> memref<8x128xf32, #tpu.memory_space<vmem>>
        %dma_start3A_90 = arith.constant 9992 : i32
        %dma_start3A_91 = arith.constant 0 : i32
        %dma_start3A_92 = tpu.memref_slice %arg6[%arg0, %dma_start3A_90, %dma_start3A_91] : memref<2x10000x128xf32, #tpu.memory_space<hbm>> -> memref<1x8x128xf32, #tpu.memory_space<hbm>>
        %dma_start3A_93 = tpu.memref_squeeze %dma_start3A_92 : memref<1x8x128xf32, #tpu.memory_space<hbm>> -> memref<8x128xf32, #tpu.memory_space<hbm>>
        %dma_start3A_94 = arith.constant 9992 : i32
        %dma_start3A_95 = arith.constant 0 : i32
        %dma_start3A_96 = tpu.memref_slice %arg6[%arg0, %dma_start3A_94, %dma_start3A_95] : memref<2x10000x128xf32, #tpu.memory_space<hbm>> -> memref<1x8x128xf32, #tpu.memory_space<hbm>>
        %dma_start3A_97 = tpu.memref_squeeze %dma_start3A_96 : memref<1x8x128xf32, #tpu.memory_space<hbm>> -> memref<8x128xf32, #tpu.memory_space<hbm>>
        %dma_start3A_98 = arith.constant 0 : i32
        %dma_start3A_99 = arith.constant 0 : i32
        %dma_start3A_100 = tpu.memref_slice %arg10[%dma_start3A_98, %dma_start3A_99] : memref<128x128xf32, #tpu.memory_space<vmem>> -> memref<8x128xf32, #tpu.memory_space<vmem>>
        tpu.enqueue_dma source(%dma_start3A_100 : memref<8x128xf32, #tpu.memory_space<vmem>>) target(%dma_start3A_97 : memref<8x128xf32, #tpu.memory_space<hbm>>) target_semaphore(%run_scoped3A : memref<!tpu.dma_semaphore, #tpu.memory_space<semaphore_mem>>)
        %dma_wait3A = arith.constant 0 : i32
        %dma_wait3A_101 = arith.constant 0 : i32
        %dma_wait3A_102 = tpu.memref_slice %arg10[%dma_wait3A, %dma_wait3A_101] : memref<128x128xf32, #tpu.memory_space<vmem>> -> memref<8x128xf32, #tpu.memory_space<vmem>>
        %dma_wait3A_103 = arith.constant 9992 : i32
        %dma_wait3A_104 = arith.constant 0 : i32
        %dma_wait3A_105 = tpu.memref_slice %arg6[%arg0, %dma_wait3A_103, %dma_wait3A_104] : memref<2x10000x128xf32, #tpu.memory_space<hbm>> -> memref<1x8x128xf32, #tpu.memory_space<hbm>>
        %dma_wait3A_106 = tpu.memref_squeeze %dma_wait3A_105 : memref<1x8x128xf32, #tpu.memory_space<hbm>> -> memref<8x128xf32, #tpu.memory_space<hbm>>
        %dma_wait3A_107 = arith.constant 9992 : i32
        %dma_wait3A_108 = arith.constant 0 : i32
        %dma_wait3A_109 = tpu.memref_slice %arg6[%arg0, %dma_wait3A_107, %dma_wait3A_108] : memref<2x10000x128xf32, #tpu.memory_space<hbm>> -> memref<1x8x128xf32, #tpu.memory_space<hbm>>
        %dma_wait3A_110 = tpu.memref_squeeze %dma_wait3A_109 : memref<1x8x128xf32, #tpu.memory_space<hbm>> -> memref<8x128xf32, #tpu.memory_space<hbm>>
        %dma_wait3A_111 = arith.constant 0 : i32
        %dma_wait3A_112 = arith.constant 0 : i32
        %dma_wait3A_113 = tpu.memref_slice %arg10[%dma_wait3A_111, %dma_wait3A_112] : memref<128x128xf32, #tpu.memory_space<vmem>> -> memref<8x128xf32, #tpu.memory_space<vmem>>
        tpu.wait_dma2 semaphore(%run_scoped3A : memref<!tpu.dma_semaphore, #tpu.memory_space<semaphore_mem>>) src(%dma_wait3A_113 : memref<8x128xf32, #tpu.memory_space<vmem>>) dst(%dma_wait3A_110 : memref<8x128xf32, #tpu.memory_space<hbm>>)
        tpu.yield
      }) : () -> ()
    } else {
    }
    %mul3A_84 = arith.constant 640 : i32
    %mul3A_85 = arith.muli %arg1, %mul3A_84 : i32
    "tpu.region"() ({
      %run_scoped3A = tpu.sem_alloc : memref<!tpu.dma_semaphore, #tpu.memory_space<semaphore_mem>>
      %dma_start3A = tpu.memref_slice %arg15[%mul3A_85] : memref<10240xf32, #tpu.memory_space<vmem_shared>> -> memref<640xf32, #tpu.memory_space<vmem_shared>>
      %dma_start3A_88 = tpu.memref_slice %arg15[%mul3A_85] : memref<10240xf32, #tpu.memory_space<vmem_shared>> -> memref<640xf32, #tpu.memory_space<vmem_shared>>
      tpu.enqueue_dma source(%dma_start3A_88 : memref<640xf32, #tpu.memory_space<vmem_shared>>) target(%arg13 : memref<640xf32, #tpu.memory_space<vmem>>) target_semaphore(%run_scoped3A : memref<!tpu.dma_semaphore, #tpu.memory_space<semaphore_mem>>)
      %dma_wait3A = tpu.memref_slice %arg15[%mul3A_85] : memref<10240xf32, #tpu.memory_space<vmem_shared>> -> memref<640xf32, #tpu.memory_space<vmem_shared>>
      %dma_wait3A_89 = tpu.memref_slice %arg15[%mul3A_85] : memref<10240xf32, #tpu.memory_space<vmem_shared>> -> memref<640xf32, #tpu.memory_space<vmem_shared>>
      tpu.wait_dma2 semaphore(%run_scoped3A : memref<!tpu.dma_semaphore, #tpu.memory_space<semaphore_mem>>) src(%dma_wait3A_89 : memref<640xf32, #tpu.memory_space<vmem_shared>>) dst(%arg13 : memref<640xf32, #tpu.memory_space<vmem>>)
      tpu.yield
    }) : () -> ()
    %mul3A_86 = arith.constant 640 : i32
    %mul3A_87 = arith.muli %arg1, %mul3A_86 : i32
    "tpu.region"() ({
      %run_scoped3A = tpu.sem_alloc : memref<!tpu.dma_semaphore, #tpu.memory_space<semaphore_mem>>
      %dma_start3A = tpu.memref_slice %arg7[%arg0, %mul3A_87] : memref<2x10240xf32, #tpu.memory_space<hbm>> -> memref<1x640xf32, #tpu.memory_space<hbm>>
      %dma_start3A_88 = tpu.memref_squeeze %dma_start3A : memref<1x640xf32, #tpu.memory_space<hbm>> -> memref<640xf32, #tpu.memory_space<hbm>>
      %dma_start3A_89 = tpu.memref_slice %arg7[%arg0, %mul3A_87] : memref<2x10240xf32, #tpu.memory_space<hbm>> -> memref<1x640xf32, #tpu.memory_space<hbm>>
      %dma_start3A_90 = tpu.memref_squeeze %dma_start3A_89 : memref<1x640xf32, #tpu.memory_space<hbm>> -> memref<640xf32, #tpu.memory_space<hbm>>
      tpu.enqueue_dma source(%arg13 : memref<640xf32, #tpu.memory_space<vmem>>) target(%dma_start3A_90 : memref<640xf32, #tpu.memory_space<hbm>>) target_semaphore(%run_scoped3A : memref<!tpu.dma_semaphore, #tpu.memory_space<semaphore_mem>>)
      %dma_wait3A = tpu.memref_slice %arg7[%arg0, %mul3A_87] : memref<2x10240xf32, #tpu.memory_space<hbm>> -> memref<1x640xf32, #tpu.memory_space<hbm>>
      %dma_wait3A_91 = tpu.memref_squeeze %dma_wait3A : memref<1x640xf32, #tpu.memory_space<hbm>> -> memref<640xf32, #tpu.memory_space<hbm>>
      %dma_wait3A_92 = tpu.memref_slice %arg7[%arg0, %mul3A_87] : memref<2x10240xf32, #tpu.memory_space<hbm>> -> memref<1x640xf32, #tpu.memory_space<hbm>>
      %dma_wait3A_93 = tpu.memref_squeeze %dma_wait3A_92 : memref<1x640xf32, #tpu.memory_space<hbm>> -> memref<640xf32, #tpu.memory_space<hbm>>
      tpu.wait_dma2 semaphore(%run_scoped3A : memref<!tpu.dma_semaphore, #tpu.memory_space<semaphore_mem>>) src(%arg13 : memref<640xf32, #tpu.memory_space<vmem>>) dst(%dma_wait3A_93 : memref<640xf32, #tpu.memory_space<hbm>>)
      tpu.yield
    }) : () -> ()
    return
  }
}

module attributes {stable_mosaic.version = 14 : i64} {
  func.func @_tc_embed_body(%arg0: i32, %arg1: memref<2000x128xf32, #tpu.memory_space<vmem>>, %arg2: memref<2000x8xf32, #tpu.memory_space<vmem>>, %arg3: memref<128x128xf32, #tpu.memory_space<vmem>>, %arg4: memref<1x128xf32, #tpu.memory_space<vmem>>, %arg5: memref<128x128xf32, #tpu.memory_space<vmem>>, %arg6: memref<128x128xf32, #tpu.memory_space<vmem>>, %arg7: memref<8x128xf32, #tpu.memory_space<vmem>>, %arg8: memref<1x128xf32, #tpu.memory_space<vmem>>, %arg9: memref<2000x128xf32, #tpu.memory_space<vmem>>, %arg10: memref<2000x128xf32, #tpu.memory_space<vmem>>, %arg11: memref<2000x128xf32, #tpu.memory_space<vmem>>) attributes {dimension_semantics = [#tpu.dimension_semantics<arbitrary>], iteration_bounds = array<i64: 5>, scalar_prefetch = 0 : i64, scratch_operands = 0 : i64, tpu.core_type = #tpu.core_type<tc>, window_params = [{transform_indices = @transform_0, window_bounds = array<i64: 2000, 128>}, {transform_indices = @transform_1, window_bounds = array<i64: 2000, 8>}, {pipeline_mode = #tpu.pipeline_mode<synchronous>, transform_indices = @transform_2, window_bounds = array<i64: 128, 128>}, {pipeline_mode = #tpu.pipeline_mode<synchronous>, transform_indices = @transform_3, window_bounds = array<i64: 1, 128>}, {pipeline_mode = #tpu.pipeline_mode<synchronous>, transform_indices = @transform_4, window_bounds = array<i64: 128, 128>}, {pipeline_mode = #tpu.pipeline_mode<synchronous>, transform_indices = @transform_5, window_bounds = array<i64: 128, 128>}, {pipeline_mode = #tpu.pipeline_mode<synchronous>, transform_indices = @transform_6, window_bounds = array<i64: 8, 128>}, {pipeline_mode = #tpu.pipeline_mode<synchronous>, transform_indices = @transform_7, window_bounds = array<i64: 1, 128>}, {transform_indices = @transform_8, window_bounds = array<i64: 2000, 128>}, {transform_indices = @transform_9, window_bounds = array<i64: 2000, 128>}, {transform_indices = @transform_10, window_bounds = array<i64: 2000, 128>}]} {
    %get3A = arith.constant 0 : index
    %get3A_0 = arith.constant 0 : index
    %get3A_1 = vector.load %arg1[%get3A, %get3A_0] : memref<2000x128xf32, #tpu.memory_space<vmem>>, vector<2000x128xf32>
    %get3A_2 = arith.constant 0 : index
    %get3A_3 = arith.constant 0 : index
    %get3A_4 = vector.load %arg3[%get3A_2, %get3A_3] : memref<128x128xf32, #tpu.memory_space<vmem>>, vector<128x128xf32>
    %dot_general3A = arith.constant dense<0.000000e+00> : vector<2000x128xf32>
    %dot_general3A_5 = tpu.matmul %get3A_1, %get3A_4, %dot_general3A {dimension_numbers = #tpu.dot_dimension_numbers<[1], [0], [0], [1], [0, 0, 1, 1], [], []>, transpose_lhs_hint = false} : vector<2000x128xf32>, vector<128x128xf32>, vector<2000x128xf32> -> vector<2000x128xf32>
    %get3A_6 = arith.constant 0 : index
    %get3A_7 = arith.constant 0 : index
    %get3A_8 = vector.load %arg4[%get3A_6, %get3A_7] : memref<1x128xf32, #tpu.memory_space<vmem>>, vector<1x128xf32>
    %add3A = vector.broadcast %get3A_8 : vector<1x128xf32> to vector<2000x128xf32>
    %add3A_9 = arith.addf %dot_general3A_5, %add3A : vector<2000x128xf32>
    %get3A_10 = arith.constant 0 : index
    %get3A_11 = arith.constant 0 : index
    %get3A_12 = vector.load %arg2[%get3A_10, %get3A_11] : memref<2000x8xf32, #tpu.memory_space<vmem>>, vector<2000x8xf32>
    %get3A_13 = arith.constant 0 : index
    %get3A_14 = arith.constant 0 : index
    %get3A_15 = vector.load %arg7[%get3A_13, %get3A_14] : memref<8x128xf32, #tpu.memory_space<vmem>>, vector<8x128xf32>
    %dot_general3A_16 = arith.constant dense<0.000000e+00> : vector<2000x128xf32>
    %dot_general3A_17 = tpu.matmul %get3A_12, %get3A_15, %dot_general3A_16 {dimension_numbers = #tpu.dot_dimension_numbers<[1], [0], [0], [1], [0, 0, 1, 1], [], []>, transpose_lhs_hint = false} : vector<2000x8xf32>, vector<8x128xf32>, vector<2000x128xf32> -> vector<2000x128xf32>
    %swap3A = arith.constant 0 : index
    %swap3A_18 = arith.constant 0 : index
    %swap3A_19 = vector.load %arg9[%swap3A, %swap3A_18] : memref<2000x128xf32, #tpu.memory_space<vmem>>, vector<2000x128xf32>
    tpu.vector_store %arg9[%swap3A, %swap3A_18], %add3A_9 {strides = array<i32>} : memref<2000x128xf32, #tpu.memory_space<vmem>>, vector<2000x128xf32>,
    %get3A_20 = arith.constant 0 : index
    %get3A_21 = arith.constant 0 : index
    %get3A_22 = vector.load %arg5[%get3A_20, %get3A_21] : memref<128x128xf32, #tpu.memory_space<vmem>>, vector<128x128xf32>
    %dot_general3A_23 = arith.constant dense<0.000000e+00> : vector<2000x128xf32>
    %dot_general3A_24 = tpu.matmul %add3A_9, %get3A_22, %dot_general3A_23 {dimension_numbers = #tpu.dot_dimension_numbers<[1], [0], [0], [1], [0, 0, 1, 1], [], []>, transpose_lhs_hint = false} : vector<2000x128xf32>, vector<128x128xf32>, vector<2000x128xf32> -> vector<2000x128xf32>
    %add3A_25 = arith.addf %dot_general3A_24, %dot_general3A_17 : vector<2000x128xf32>
    %swap3A_26 = arith.constant 0 : index
    %swap3A_27 = arith.constant 0 : index
    %swap3A_28 = vector.load %arg10[%swap3A_26, %swap3A_27] : memref<2000x128xf32, #tpu.memory_space<vmem>>, vector<2000x128xf32>
    tpu.vector_store %arg10[%swap3A_26, %swap3A_27], %add3A_25 {strides = array<i32>} : memref<2000x128xf32, #tpu.memory_space<vmem>>, vector<2000x128xf32>,
    %get3A_29 = arith.constant 0 : index
    %get3A_30 = arith.constant 0 : index
    %get3A_31 = vector.load %arg6[%get3A_29, %get3A_30] : memref<128x128xf32, #tpu.memory_space<vmem>>, vector<128x128xf32>
    %dot_general3A_32 = arith.constant dense<0.000000e+00> : vector<2000x128xf32>
    %dot_general3A_33 = tpu.matmul %add3A_9, %get3A_31, %dot_general3A_32 {dimension_numbers = #tpu.dot_dimension_numbers<[1], [0], [0], [1], [0, 0, 1, 1], [], []>, transpose_lhs_hint = false} : vector<2000x128xf32>, vector<128x128xf32>, vector<2000x128xf32> -> vector<2000x128xf32>
    %sub3A = arith.subf %dot_general3A_33, %dot_general3A_17 : vector<2000x128xf32>
    %get3A_34 = arith.constant 0 : index
    %get3A_35 = arith.constant 0 : index
    %get3A_36 = vector.load %arg8[%get3A_34, %get3A_35] : memref<1x128xf32, #tpu.memory_space<vmem>>, vector<1x128xf32>
    %add3A_37 = vector.broadcast %get3A_36 : vector<1x128xf32> to vector<2000x128xf32>
    %add3A_38 = arith.addf %sub3A, %add3A_37 : vector<2000x128xf32>
    %swap3A_39 = arith.constant 0 : index
    %swap3A_40 = arith.constant 0 : index
    %swap3A_41 = vector.load %arg11[%swap3A_39, %swap3A_40] : memref<2000x128xf32, #tpu.memory_space<vmem>>, vector<2000x128xf32>
    tpu.vector_store %arg11[%swap3A_39, %swap3A_40], %add3A_38 {strides = array<i32>} : memref<2000x128xf32, #tpu.memory_space<vmem>>, vector<2000x128xf32>,
    return
  }
  func.func @transform_0(%arg0: i32) -> (i32, i32) {
    %c0_i32 = arith.constant 0 : i32
    %c0_i32_0 = arith.constant 0 : i32
    return %arg0, %c0_i32 : i32, i32
  }
  func.func @transform_1(%arg0: i32) -> (i32, i32) {
    %c0_i32 = arith.constant 0 : i32
    %c0_i32_0 = arith.constant 0 : i32
    return %arg0, %c0_i32 : i32, i32
  }
  func.func @transform_2(%arg0: i32) -> (i32, i32) {
    %c0_i32 = arith.constant 0 : i32
    %c0_i32_0 = arith.constant 0 : i32
    %c0_i32_1 = arith.constant 0 : i32
    return %c0_i32, %c0_i32_0 : i32, i32
  }
  func.func @transform_3(%arg0: i32) -> (i32, i32) {
    %c0_i32 = arith.constant 0 : i32
    %c0_i32_0 = arith.constant 0 : i32
    %c0_i32_1 = arith.constant 0 : i32
    return %c0_i32, %c0_i32_0 : i32, i32
  }
  func.func @transform_4(%arg0: i32) -> (i32, i32) {
    %c0_i32 = arith.constant 0 : i32
    %c0_i32_0 = arith.constant 0 : i32
    %c0_i32_1 = arith.constant 0 : i32
    return %c0_i32, %c0_i32_0 : i32, i32
  }
  func.func @transform_5(%arg0: i32) -> (i32, i32) {
    %c0_i32 = arith.constant 0 : i32
    %c0_i32_0 = arith.constant 0 : i32
    %c0_i32_1 = arith.constant 0 : i32
    return %c0_i32, %c0_i32_0 : i32, i32
  }
  func.func @transform_6(%arg0: i32) -> (i32, i32) {
    %c0_i32 = arith.constant 0 : i32
    %c0_i32_0 = arith.constant 0 : i32
    %c0_i32_1 = arith.constant 0 : i32
    return %c0_i32, %c0_i32_0 : i32, i32
  }
  func.func @transform_7(%arg0: i32) -> (i32, i32) {
    %c0_i32 = arith.constant 0 : i32
    %c0_i32_0 = arith.constant 0 : i32
    %c0_i32_1 = arith.constant 0 : i32
    return %c0_i32, %c0_i32_0 : i32, i32
  }
  func.func @transform_8(%arg0: i32) -> (i32, i32) {
    %c0_i32 = arith.constant 0 : i32
    %c0_i32_0 = arith.constant 0 : i32
    return %arg0, %c0_i32 : i32, i32
  }
  func.func @transform_9(%arg0: i32) -> (i32, i32) {
    %c0_i32 = arith.constant 0 : i32
    %c0_i32_0 = arith.constant 0 : i32
    return %arg0, %c0_i32 : i32, i32
  }
  func.func @transform_10(%arg0: i32) -> (i32, i32) {
    %c0_i32 = arith.constant 0 : i32
    %c0_i32_0 = arith.constant 0 : i32
    return %arg0, %c0_i32 : i32, i32
  }
}

module attributes {stable_mosaic.version = 14 : i64} {
  func.func @body(%arg0: i32, %arg1: memref<2000x128xf32, #tpu.memory_space<vmem>>, %arg2: memref<2000x128xf32, #tpu.memory_space<vmem>>, %arg3: memref<2000x128xf32, #tpu.memory_space<vmem>>, %arg4: memref<2000x1xf32, #tpu.memory_space<vmem>>, %arg5: memref<2000x1xf32, #tpu.memory_space<vmem>>, %arg6: memref<128x128xf32, #tpu.memory_space<vmem>>, %arg7: memref<128x128xf32, #tpu.memory_space<vmem>>, %arg8: memref<1x128xf32, #tpu.memory_space<vmem>>, %arg9: memref<2000x8xf32, #tpu.memory_space<vmem>>, %arg10: memref<128x128xf32, #tpu.memory_space<vmem>>, %arg11: memref<128x128xf32, #tpu.memory_space<vmem>>, %arg12: memref<8x128xf32, #tpu.memory_space<vmem>>, %arg13: memref<1x128xf32, #tpu.memory_space<vmem>>, %arg14: memref<2000x128xf32, #tpu.memory_space<vmem>>, %arg15: memref<2000x128xf32, #tpu.memory_space<vmem>>, %arg16: memref<2000x128xf32, #tpu.memory_space<vmem>>) attributes {dimension_semantics = [#tpu.dimension_semantics<arbitrary>], iteration_bounds = array<i64: 5>, scalar_prefetch = 0 : i64, scratch_operands = 0 : i64, tpu.core_type = #tpu.core_type<tc>, window_params = [{transform_indices = @transform_0, window_bounds = array<i64: 2000, 128>}, {transform_indices = @transform_1, window_bounds = array<i64: 2000, 128>}, {transform_indices = @transform_2, window_bounds = array<i64: 2000, 128>}, {transform_indices = @transform_3, window_bounds = array<i64: 2000, 1>}, {transform_indices = @transform_4, window_bounds = array<i64: 2000, 1>}, {pipeline_mode = #tpu.pipeline_mode<synchronous>, transform_indices = @transform_5, window_bounds = array<i64: 128, 128>}, {pipeline_mode = #tpu.pipeline_mode<synchronous>, transform_indices = @transform_6, window_bounds = array<i64: 128, 128>}, {pipeline_mode = #tpu.pipeline_mode<synchronous>, transform_indices = @transform_7, window_bounds = array<i64: 1, 128>}, {transform_indices = @transform_8, window_bounds = array<i64: 2000, 8>}, {pipeline_mode = #tpu.pipeline_mode<synchronous>, transform_indices = @transform_9, window_bounds = array<i64: 128, 128>}, {pipeline_mode = #tpu.pipeline_mode<synchronous>, transform_indices = @transform_10, window_bounds = array<i64: 128, 128>}, {pipeline_mode = #tpu.pipeline_mode<synchronous>, transform_indices = @transform_11, window_bounds = array<i64: 8, 128>}, {pipeline_mode = #tpu.pipeline_mode<synchronous>, transform_indices = @transform_12, window_bounds = array<i64: 1, 128>}, {transform_indices = @transform_13, window_bounds = array<i64: 2000, 128>}, {transform_indices = @transform_14, window_bounds = array<i64: 2000, 128>}, {transform_indices = @transform_15, window_bounds = array<i64: 2000, 128>}]} {
    %get3A = arith.constant 0 : index
    %get3A_0 = arith.constant 0 : index
    %get3A_1 = vector.load %arg4[%get3A, %get3A_0] : memref<2000x1xf32, #tpu.memory_space<vmem>>, vector<2000x1xf32>
    %get3A_2 = arith.constant 0 : index
    %get3A_3 = arith.constant 0 : index
    %get3A_4 = vector.load %arg5[%get3A_2, %get3A_3] : memref<2000x1xf32, #tpu.memory_space<vmem>>, vector<2000x1xf32>
    %add3A = arith.addf %get3A_1, %get3A_4 : vector<2000x1xf32>
    %max3A = arith.constant 1.000000e+00 : f32
    %max3A_5 = vector.broadcast %max3A : f32 to vector<2000x1xf32>
    %max3A_6 = arith.maximumf %add3A, %max3A_5 : vector<2000x1xf32>
    %get3A_7 = arith.constant 0 : index
    %get3A_8 = arith.constant 0 : index
    %get3A_9 = vector.load %arg2[%get3A_7, %get3A_8] : memref<2000x128xf32, #tpu.memory_space<vmem>>, vector<2000x128xf32>
    %get3A_10 = arith.constant 0 : index
    %get3A_11 = arith.constant 0 : index
    %get3A_12 = vector.load %arg3[%get3A_10, %get3A_11] : memref<2000x128xf32, #tpu.memory_space<vmem>>, vector<2000x128xf32>
    %add3A_13 = arith.addf %get3A_9, %get3A_12 : vector<2000x128xf32>
    %div3A = vector.broadcast %max3A_6 : vector<2000x1xf32> to vector<2000x128xf32>
    %div3A_14 = arith.divf %add3A_13, %div3A : vector<2000x128xf32>
    %get3A_15 = arith.constant 0 : index
    %get3A_16 = arith.constant 0 : index
    %get3A_17 = vector.load %arg1[%get3A_15, %get3A_16] : memref<2000x128xf32, #tpu.memory_space<vmem>>, vector<2000x128xf32>
    %get3A_18 = arith.constant 0 : index
    %get3A_19 = arith.constant 0 : index
    %get3A_20 = vector.load %arg6[%get3A_18, %get3A_19] : memref<128x128xf32, #tpu.memory_space<vmem>>, vector<128x128xf32>
    %dot_general3A = arith.constant dense<0.000000e+00> : vector<2000x128xf32>
    %dot_general3A_21 = tpu.matmul %get3A_17, %get3A_20, %dot_general3A {dimension_numbers = #tpu.dot_dimension_numbers<[1], [0], [0], [1], [0, 0, 1, 1], [], []>, transpose_lhs_hint = false} : vector<2000x128xf32>, vector<128x128xf32>, vector<2000x128xf32> -> vector<2000x128xf32>
    %get3A_22 = arith.constant 0 : index
    %get3A_23 = arith.constant 0 : index
    %get3A_24 = vector.load %arg7[%get3A_22, %get3A_23] : memref<128x128xf32, #tpu.memory_space<vmem>>, vector<128x128xf32>
    %dot_general3A_25 = arith.constant dense<0.000000e+00> : vector<2000x128xf32>
    %dot_general3A_26 = tpu.matmul %div3A_14, %get3A_24, %dot_general3A_25 {dimension_numbers = #tpu.dot_dimension_numbers<[1], [0], [0], [1], [0, 0, 1, 1], [], []>, transpose_lhs_hint = false} : vector<2000x128xf32>, vector<128x128xf32>, vector<2000x128xf32> -> vector<2000x128xf32>
    %add3A_27 = arith.addf %dot_general3A_21, %dot_general3A_26 : vector<2000x128xf32>
    %get3A_28 = arith.constant 0 : index
    %get3A_29 = arith.constant 0 : index
    %get3A_30 = vector.load %arg8[%get3A_28, %get3A_29] : memref<1x128xf32, #tpu.memory_space<vmem>>, vector<1x128xf32>
    %add3A_31 = vector.broadcast %get3A_30 : vector<1x128xf32> to vector<2000x128xf32>
    %add3A_32 = arith.addf %add3A_27, %add3A_31 : vector<2000x128xf32>
    %reduce_sum3A = arith.constant dense<0.000000e+00> : vector<2000xf32>
    %reduce_sum3A_33 = vector.multi_reduction <add>, %add3A_32, %reduce_sum3A [1] : vector<2000x128xf32> to vector<2000xf32>
    %broadcast_in_dim3A = vector.shape_cast %reduce_sum3A_33 : vector<2000xf32> to vector<2000x1xf32>
    %div3A_34 = arith.constant 1.280000e+02 : f32
    %div3A_35 = vector.broadcast %div3A_34 : f32 to vector<2000x1xf32>
    %div3A_36 = arith.divf %broadcast_in_dim3A, %div3A_35 : vector<2000x1xf32>
    %mul3A = arith.mulf %add3A_32, %add3A_32 : vector<2000x128xf32>
    %reduce_sum3A_37 = arith.constant dense<0.000000e+00> : vector<2000xf32>
    %reduce_sum3A_38 = vector.multi_reduction <add>, %mul3A, %reduce_sum3A_37 [1] : vector<2000x128xf32> to vector<2000xf32>
    %broadcast_in_dim3A_39 = vector.shape_cast %reduce_sum3A_38 : vector<2000xf32> to vector<2000x1xf32>
    %div3A_40 = arith.constant 1.280000e+02 : f32
    %div3A_41 = vector.broadcast %div3A_40 : f32 to vector<2000x1xf32>
    %div3A_42 = arith.divf %broadcast_in_dim3A_39, %div3A_41 : vector<2000x1xf32>
    %mul3A_43 = arith.mulf %div3A_36, %div3A_36 : vector<2000x1xf32>
    %sub3A = arith.subf %div3A_42, %mul3A_43 : vector<2000x1xf32>
    %sub3A_44 = vector.broadcast %div3A_36 : vector<2000x1xf32> to vector<2000x128xf32>
    %sub3A_45 = arith.subf %add3A_32, %sub3A_44 : vector<2000x128xf32>
    %add3A_46 = arith.constant 9.99999974E-6 : f32
    %add3A_47 = vector.broadcast %add3A_46 : f32 to vector<2000x1xf32>
    %add3A_48 = arith.addf %sub3A, %add3A_47 : vector<2000x1xf32>
    %rsqrt3A = math.rsqrt %add3A_48 : vector<2000x1xf32>
    %mul3A_49 = vector.broadcast %rsqrt3A : vector<2000x1xf32> to vector<2000x128xf32>
    %mul3A_50 = arith.mulf %sub3A_45, %mul3A_49 : vector<2000x128xf32>
    %add3A_51 = arith.addf %get3A_17, %mul3A_50 : vector<2000x128xf32>
    %swap3A = arith.constant 0 : index
    %swap3A_52 = arith.constant 0 : index
    %swap3A_53 = vector.load %arg14[%swap3A, %swap3A_52] : memref<2000x128xf32, #tpu.memory_space<vmem>>, vector<2000x128xf32>
    tpu.vector_store %arg14[%swap3A, %swap3A_52], %add3A_51 {strides = array<i32>} : memref<2000x128xf32, #tpu.memory_space<vmem>>, vector<2000x128xf32>,
    %get3A_54 = arith.constant 0 : index
    %get3A_55 = arith.constant 0 : index
    %get3A_56 = vector.load %arg9[%get3A_54, %get3A_55] : memref<2000x8xf32, #tpu.memory_space<vmem>>, vector<2000x8xf32>
    %get3A_57 = arith.constant 0 : index
    %get3A_58 = arith.constant 0 : index
    %get3A_59 = vector.load %arg12[%get3A_57, %get3A_58] : memref<8x128xf32, #tpu.memory_space<vmem>>, vector<8x128xf32>
    %dot_general3A_60 = arith.constant dense<0.000000e+00> : vector<2000x128xf32>
    %dot_general3A_61 = tpu.matmul %get3A_56, %get3A_59, %dot_general3A_60 {dimension_numbers = #tpu.dot_dimension_numbers<[1], [0], [0], [1], [0, 0, 1, 1], [], []>, transpose_lhs_hint = false} : vector<2000x8xf32>, vector<8x128xf32>, vector<2000x128xf32> -> vector<2000x128xf32>
    %get3A_62 = arith.constant 0 : index
    %get3A_63 = arith.constant 0 : index
    %get3A_64 = vector.load %arg10[%get3A_62, %get3A_63] : memref<128x128xf32, #tpu.memory_space<vmem>>, vector<128x128xf32>
    %dot_general3A_65 = arith.constant dense<0.000000e+00> : vector<2000x128xf32>
    %dot_general3A_66 = tpu.matmul %add3A_51, %get3A_64, %dot_general3A_65 {dimension_numbers = #tpu.dot_dimension_numbers<[1], [0], [0], [1], [0, 0, 1, 1], [], []>, transpose_lhs_hint = false} : vector<2000x128xf32>, vector<128x128xf32>, vector<2000x128xf32> -> vector<2000x128xf32>
    %add3A_67 = arith.addf %dot_general3A_66, %dot_general3A_61 : vector<2000x128xf32>
    %swap3A_68 = arith.constant 0 : index
    %swap3A_69 = arith.constant 0 : index
    %swap3A_70 = vector.load %arg15[%swap3A_68, %swap3A_69] : memref<2000x128xf32, #tpu.memory_space<vmem>>, vector<2000x128xf32>
    tpu.vector_store %arg15[%swap3A_68, %swap3A_69], %add3A_67 {strides = array<i32>} : memref<2000x128xf32, #tpu.memory_space<vmem>>, vector<2000x128xf32>,
    %get3A_71 = arith.constant 0 : index
    %get3A_72 = arith.constant 0 : index
    %get3A_73 = vector.load %arg11[%get3A_71, %get3A_72] : memref<128x128xf32, #tpu.memory_space<vmem>>, vector<128x128xf32>
    %dot_general3A_74 = arith.constant dense<0.000000e+00> : vector<2000x128xf32>
    %dot_general3A_75 = tpu.matmul %add3A_51, %get3A_73, %dot_general3A_74 {dimension_numbers = #tpu.dot_dimension_numbers<[1], [0], [0], [1], [0, 0, 1, 1], [], []>, transpose_lhs_hint = false} : vector<2000x128xf32>, vector<128x128xf32>, vector<2000x128xf32> -> vector<2000x128xf32>
    %sub3A_76 = arith.subf %dot_general3A_75, %dot_general3A_61 : vector<2000x128xf32>
    %get3A_77 = arith.constant 0 : index
    %get3A_78 = arith.constant 0 : index
    %get3A_79 = vector.load %arg13[%get3A_77, %get3A_78] : memref<1x128xf32, #tpu.memory_space<vmem>>, vector<1x128xf32>
    %add3A_80 = vector.broadcast %get3A_79 : vector<1x128xf32> to vector<2000x128xf32>
    %add3A_81 = arith.addf %sub3A_76, %add3A_80 : vector<2000x128xf32>
    %swap3A_82 = arith.constant 0 : index
    %swap3A_83 = arith.constant 0 : index
    %swap3A_84 = vector.load %arg16[%swap3A_82, %swap3A_83] : memref<2000x128xf32, #tpu.memory_space<vmem>>, vector<2000x128xf32>
    tpu.vector_store %arg16[%swap3A_82, %swap3A_83], %add3A_81 {strides = array<i32>} : memref<2000x128xf32, #tpu.memory_space<vmem>>, vector<2000x128xf32>,
    return
  }
  func.func @transform_0(%arg0: i32) -> (i32, i32) {
    %c0_i32 = arith.constant 0 : i32
    %c0_i32_0 = arith.constant 0 : i32
    return %arg0, %c0_i32 : i32, i32
  }
  func.func @transform_1(%arg0: i32) -> (i32, i32) {
    %c0_i32 = arith.constant 0 : i32
    %c0_i32_0 = arith.constant 0 : i32
    return %arg0, %c0_i32 : i32, i32
  }
  func.func @transform_2(%arg0: i32) -> (i32, i32) {
    %c0_i32 = arith.constant 0 : i32
    %c0_i32_0 = arith.constant 0 : i32
    return %arg0, %c0_i32 : i32, i32
  }
  func.func @transform_3(%arg0: i32) -> (i32, i32) {
    %c0_i32 = arith.constant 0 : i32
    %c0_i32_0 = arith.constant 0 : i32
    return %arg0, %c0_i32 : i32, i32
  }
  func.func @transform_4(%arg0: i32) -> (i32, i32) {
    %c0_i32 = arith.constant 0 : i32
    %c0_i32_0 = arith.constant 0 : i32
    return %arg0, %c0_i32 : i32, i32
  }
  func.func @transform_5(%arg0: i32) -> (i32, i32) {
    %c0_i32 = arith.constant 0 : i32
    %c0_i32_0 = arith.constant 0 : i32
    %c0_i32_1 = arith.constant 0 : i32
    return %c0_i32, %c0_i32_0 : i32, i32
  }
  func.func @transform_6(%arg0: i32) -> (i32, i32) {
    %c0_i32 = arith.constant 0 : i32
    %c0_i32_0 = arith.constant 0 : i32
    %c0_i32_1 = arith.constant 0 : i32
    return %c0_i32, %c0_i32_0 : i32, i32
  }
  func.func @transform_7(%arg0: i32) -> (i32, i32) {
    %c0_i32 = arith.constant 0 : i32
    %c0_i32_0 = arith.constant 0 : i32
    %c0_i32_1 = arith.constant 0 : i32
    return %c0_i32, %c0_i32_0 : i32, i32
  }
  func.func @transform_8(%arg0: i32) -> (i32, i32) {
    %c0_i32 = arith.constant 0 : i32
    %c0_i32_0 = arith.constant 0 : i32
    return %arg0, %c0_i32 : i32, i32
  }
  func.func @transform_9(%arg0: i32) -> (i32, i32) {
    %c0_i32 = arith.constant 0 : i32
    %c0_i32_0 = arith.constant 0 : i32
    %c0_i32_1 = arith.constant 0 : i32
    return %c0_i32, %c0_i32_0 : i32, i32
  }
  func.func @transform_10(%arg0: i32) -> (i32, i32) {
    %c0_i32 = arith.constant 0 : i32
    %c0_i32_0 = arith.constant 0 : i32
    %c0_i32_1 = arith.constant 0 : i32
    return %c0_i32, %c0_i32_0 : i32, i32
  }
  func.func @transform_11(%arg0: i32) -> (i32, i32) {
    %c0_i32 = arith.constant 0 : i32
    %c0_i32_0 = arith.constant 0 : i32
    %c0_i32_1 = arith.constant 0 : i32
    return %c0_i32, %c0_i32_0 : i32, i32
  }
  func.func @transform_12(%arg0: i32) -> (i32, i32) {
    %c0_i32 = arith.constant 0 : i32
    %c0_i32_0 = arith.constant 0 : i32
    %c0_i32_1 = arith.constant 0 : i32
    return %c0_i32, %c0_i32_0 : i32, i32
  }
  func.func @transform_13(%arg0: i32) -> (i32, i32) {
    %c0_i32 = arith.constant 0 : i32
    %c0_i32_0 = arith.constant 0 : i32
    return %arg0, %c0_i32 : i32, i32
  }
  func.func @transform_14(%arg0: i32) -> (i32, i32) {
    %c0_i32 = arith.constant 0 : i32
    %c0_i32_0 = arith.constant 0 : i32
    return %arg0, %c0_i32 : i32, i32
  }
  func.func @transform_15(%arg0: i32) -> (i32, i32) {
    %c0_i32 = arith.constant 0 : i32
    %c0_i32_0 = arith.constant 0 : i32
    return %arg0, %c0_i32 : i32, i32
  }
}

module attributes {stable_mosaic.version = 14 : i64} {
  func.func @body(%arg0: i32, %arg1: memref<2000x128xf32, #tpu.memory_space<vmem>>, %arg2: memref<2000x128xf32, #tpu.memory_space<vmem>>, %arg3: memref<2000x128xf32, #tpu.memory_space<vmem>>, %arg4: memref<2000x1xf32, #tpu.memory_space<vmem>>, %arg5: memref<2000x1xf32, #tpu.memory_space<vmem>>, %arg6: memref<128x128xf32, #tpu.memory_space<vmem>>, %arg7: memref<128x128xf32, #tpu.memory_space<vmem>>, %arg8: memref<1x128xf32, #tpu.memory_space<vmem>>, %arg9: memref<2000x128xf32, #tpu.memory_space<vmem>>) attributes {dimension_semantics = [#tpu.dimension_semantics<arbitrary>], iteration_bounds = array<i64: 5>, scalar_prefetch = 0 : i64, scratch_operands = 0 : i64, tpu.core_type = #tpu.core_type<tc>, window_params = [{transform_indices = @transform_0, window_bounds = array<i64: 2000, 128>}, {transform_indices = @transform_1, window_bounds = array<i64: 2000, 128>}, {transform_indices = @transform_2, window_bounds = array<i64: 2000, 128>}, {transform_indices = @transform_3, window_bounds = array<i64: 2000, 1>}, {transform_indices = @transform_4, window_bounds = array<i64: 2000, 1>}, {pipeline_mode = #tpu.pipeline_mode<synchronous>, transform_indices = @transform_5, window_bounds = array<i64: 128, 128>}, {pipeline_mode = #tpu.pipeline_mode<synchronous>, transform_indices = @transform_6, window_bounds = array<i64: 128, 128>}, {pipeline_mode = #tpu.pipeline_mode<synchronous>, transform_indices = @transform_7, window_bounds = array<i64: 1, 128>}, {transform_indices = @transform_8, window_bounds = array<i64: 2000, 128>}]} {
    %get3A = arith.constant 0 : index
    %get3A_0 = arith.constant 0 : index
    %get3A_1 = vector.load %arg4[%get3A, %get3A_0] : memref<2000x1xf32, #tpu.memory_space<vmem>>, vector<2000x1xf32>
    %get3A_2 = arith.constant 0 : index
    %get3A_3 = arith.constant 0 : index
    %get3A_4 = vector.load %arg5[%get3A_2, %get3A_3] : memref<2000x1xf32, #tpu.memory_space<vmem>>, vector<2000x1xf32>
    %add3A = arith.addf %get3A_1, %get3A_4 : vector<2000x1xf32>
    %max3A = arith.constant 1.000000e+00 : f32
    %max3A_5 = vector.broadcast %max3A : f32 to vector<2000x1xf32>
    %max3A_6 = arith.maximumf %add3A, %max3A_5 : vector<2000x1xf32>
    %get3A_7 = arith.constant 0 : index
    %get3A_8 = arith.constant 0 : index
    %get3A_9 = vector.load %arg2[%get3A_7, %get3A_8] : memref<2000x128xf32, #tpu.memory_space<vmem>>, vector<2000x128xf32>
    %get3A_10 = arith.constant 0 : index
    %get3A_11 = arith.constant 0 : index
    %get3A_12 = vector.load %arg3[%get3A_10, %get3A_11] : memref<2000x128xf32, #tpu.memory_space<vmem>>, vector<2000x128xf32>
    %add3A_13 = arith.addf %get3A_9, %get3A_12 : vector<2000x128xf32>
    %div3A = vector.broadcast %max3A_6 : vector<2000x1xf32> to vector<2000x128xf32>
    %div3A_14 = arith.divf %add3A_13, %div3A : vector<2000x128xf32>
    %get3A_15 = arith.constant 0 : index
    %get3A_16 = arith.constant 0 : index
    %get3A_17 = vector.load %arg1[%get3A_15, %get3A_16] : memref<2000x128xf32, #tpu.memory_space<vmem>>, vector<2000x128xf32>
    %get3A_18 = arith.constant 0 : index
    %get3A_19 = arith.constant 0 : index
    %get3A_20 = vector.load %arg6[%get3A_18, %get3A_19] : memref<128x128xf32, #tpu.memory_space<vmem>>, vector<128x128xf32>
    %dot_general3A = arith.constant dense<0.000000e+00> : vector<2000x128xf32>
    %dot_general3A_21 = tpu.matmul %get3A_17, %get3A_20, %dot_general3A {dimension_numbers = #tpu.dot_dimension_numbers<[1], [0], [0], [1], [0, 0, 1, 1], [], []>, transpose_lhs_hint = false} : vector<2000x128xf32>, vector<128x128xf32>, vector<2000x128xf32> -> vector<2000x128xf32>
    %get3A_22 = arith.constant 0 : index
    %get3A_23 = arith.constant 0 : index
    %get3A_24 = vector.load %arg7[%get3A_22, %get3A_23] : memref<128x128xf32, #tpu.memory_space<vmem>>, vector<128x128xf32>
    %dot_general3A_25 = arith.constant dense<0.000000e+00> : vector<2000x128xf32>
    %dot_general3A_26 = tpu.matmul %div3A_14, %get3A_24, %dot_general3A_25 {dimension_numbers = #tpu.dot_dimension_numbers<[1], [0], [0], [1], [0, 0, 1, 1], [], []>, transpose_lhs_hint = false} : vector<2000x128xf32>, vector<128x128xf32>, vector<2000x128xf32> -> vector<2000x128xf32>
    %add3A_27 = arith.addf %dot_general3A_21, %dot_general3A_26 : vector<2000x128xf32>
    %get3A_28 = arith.constant 0 : index
    %get3A_29 = arith.constant 0 : index
    %get3A_30 = vector.load %arg8[%get3A_28, %get3A_29] : memref<1x128xf32, #tpu.memory_space<vmem>>, vector<1x128xf32>
    %add3A_31 = vector.broadcast %get3A_30 : vector<1x128xf32> to vector<2000x128xf32>
    %add3A_32 = arith.addf %add3A_27, %add3A_31 : vector<2000x128xf32>
    %reduce_sum3A = arith.constant dense<0.000000e+00> : vector<2000xf32>
    %reduce_sum3A_33 = vector.multi_reduction <add>, %add3A_32, %reduce_sum3A [1] : vector<2000x128xf32> to vector<2000xf32>
    %broadcast_in_dim3A = vector.shape_cast %reduce_sum3A_33 : vector<2000xf32> to vector<2000x1xf32>
    %div3A_34 = arith.constant 1.280000e+02 : f32
    %div3A_35 = vector.broadcast %div3A_34 : f32 to vector<2000x1xf32>
    %div3A_36 = arith.divf %broadcast_in_dim3A, %div3A_35 : vector<2000x1xf32>
    %mul3A = arith.mulf %add3A_32, %add3A_32 : vector<2000x128xf32>
    %reduce_sum3A_37 = arith.constant dense<0.000000e+00> : vector<2000xf32>
    %reduce_sum3A_38 = vector.multi_reduction <add>, %mul3A, %reduce_sum3A_37 [1] : vector<2000x128xf32> to vector<2000xf32>
    %broadcast_in_dim3A_39 = vector.shape_cast %reduce_sum3A_38 : vector<2000xf32> to vector<2000x1xf32>
    %div3A_40 = arith.constant 1.280000e+02 : f32
    %div3A_41 = vector.broadcast %div3A_40 : f32 to vector<2000x1xf32>
    %div3A_42 = arith.divf %broadcast_in_dim3A_39, %div3A_41 : vector<2000x1xf32>
    %mul3A_43 = arith.mulf %div3A_36, %div3A_36 : vector<2000x1xf32>
    %sub3A = arith.subf %div3A_42, %mul3A_43 : vector<2000x1xf32>
    %sub3A_44 = vector.broadcast %div3A_36 : vector<2000x1xf32> to vector<2000x128xf32>
    %sub3A_45 = arith.subf %add3A_32, %sub3A_44 : vector<2000x128xf32>
    %add3A_46 = arith.constant 9.99999974E-6 : f32
    %add3A_47 = vector.broadcast %add3A_46 : f32 to vector<2000x1xf32>
    %add3A_48 = arith.addf %sub3A, %add3A_47 : vector<2000x1xf32>
    %rsqrt3A = math.rsqrt %add3A_48 : vector<2000x1xf32>
    %mul3A_49 = vector.broadcast %rsqrt3A : vector<2000x1xf32> to vector<2000x128xf32>
    %mul3A_50 = arith.mulf %sub3A_45, %mul3A_49 : vector<2000x128xf32>
    %add3A_51 = arith.addf %get3A_17, %mul3A_50 : vector<2000x128xf32>
    %swap3A = arith.constant 0 : index
    %swap3A_52 = arith.constant 0 : index
    %swap3A_53 = vector.load %arg9[%swap3A, %swap3A_52] : memref<2000x128xf32, #tpu.memory_space<vmem>>, vector<2000x128xf32>
    tpu.vector_store %arg9[%swap3A, %swap3A_52], %add3A_51 {strides = array<i32>} : memref<2000x128xf32, #tpu.memory_space<vmem>>, vector<2000x128xf32>,
    return
  }
  func.func @transform_0(%arg0: i32) -> (i32, i32) {
    %c0_i32 = arith.constant 0 : i32
    %c0_i32_0 = arith.constant 0 : i32
    return %arg0, %c0_i32 : i32, i32
  }
  func.func @transform_1(%arg0: i32) -> (i32, i32) {
    %c0_i32 = arith.constant 0 : i32
    %c0_i32_0 = arith.constant 0 : i32
    return %arg0, %c0_i32 : i32, i32
  }
  func.func @transform_2(%arg0: i32) -> (i32, i32) {
    %c0_i32 = arith.constant 0 : i32
    %c0_i32_0 = arith.constant 0 : i32
    return %arg0, %c0_i32 : i32, i32
  }
  func.func @transform_3(%arg0: i32) -> (i32, i32) {
    %c0_i32 = arith.constant 0 : i32
    %c0_i32_0 = arith.constant 0 : i32
    return %arg0, %c0_i32 : i32, i32
  }
  func.func @transform_4(%arg0: i32) -> (i32, i32) {
    %c0_i32 = arith.constant 0 : i32
    %c0_i32_0 = arith.constant 0 : i32
    return %arg0, %c0_i32 : i32, i32
  }
  func.func @transform_5(%arg0: i32) -> (i32, i32) {
    %c0_i32 = arith.constant 0 : i32
    %c0_i32_0 = arith.constant 0 : i32
    %c0_i32_1 = arith.constant 0 : i32
    return %c0_i32, %c0_i32_0 : i32, i32
  }
  func.func @transform_6(%arg0: i32) -> (i32, i32) {
    %c0_i32 = arith.constant 0 : i32
    %c0_i32_0 = arith.constant 0 : i32
    %c0_i32_1 = arith.constant 0 : i32
    return %c0_i32, %c0_i32_0 : i32, i32
  }
  func.func @transform_7(%arg0: i32) -> (i32, i32) {
    %c0_i32 = arith.constant 0 : i32
    %c0_i32_0 = arith.constant 0 : i32
    %c0_i32_1 = arith.constant 0 : i32
    return %c0_i32, %c0_i32_0 : i32, i32
  }
  func.func @transform_8(%arg0: i32) -> (i32, i32) {
    %c0_i32 = arith.constant 0 : i32
    %c0_i32_0 = arith.constant 0 : i32
    return %arg0, %c0_i32 : i32, i32
  }
}

</mosaic_0001>

<sc_bundles>
// kernel: kernel.10.cloned.1.call-start
scs
__scs_entry_jumppad:
0x0: {  	(pc) =	sbr.rel $0x88, $3  }
0x1: {  	(tag) =	ssettag $0x0;
	lr =	simm.s32 $0x1  }
0x2: {  	[smem:$0x3F94] =	sst lr;
	_ =	strace $0xD0000000  }
0x3: {  	_ = 	snop  }
0x4: {  	_ = 	snop  }
0x5: {  	_ = 	snop  }
0x6: {  	_ = 	snop  }
0x7: {  	_ = 	snop  }
__scs_overlays_trampoline_lowered:
0x8: {  	[smem:$0x3FA3] =	sst s0  }
0x9: {  	[smem:$0x3FA4] =	sst s1  }
0xa: {  	[smem:$0x3FA5] =	sst s2  }
0xb: {  	[smem:$0x3FA6] =	sst s3  }
0xc: {  	[smem:$0x3FA7] =	sst s4  }
0xd: {  	[smem:$0x3FA8] =	sst s5  }
0xe: {  	[smem:$0x3FA9] =	sst s6  }
0xf: {  	[smem:$0x3FAA] =	sst s7  }
0x10: {  	[smem:$0x3FAB] =	sst s8  }
0x11: {  	[smem:$0x3FAC] =	sst s9;
	s0 =	simm.s32 @!p0 $0x0  }
0x12: {  	s1 =	sld [smem:$0x3F92];
	s0 =	simm.s32 @p0 $0x1  }
0x13: {  	[smem:$0x3FAD] =	sst s0;
	s0 =	simm.s32 @!p1 $0x0  }
0x14: {  	s2 =	sld [smem:$0x3F91];
	s0 =	simm.s32 @p1 $0x1  }
0x15: {  	[smem:$0x3FAE] =	sst s0;
	s0 =	simm.s32 @!p2 $0x0  }
0x16: {  	s3 =	sld [smem:$0x3FDB];
	s0 =	simm.s32 @p2 $0x1  }
0x17: {  	s4 =	simm.s32 $0x1BF5;
	[smem:$0x3FB0] =	sst s0  }
0x18: {  	s0 =	sld [smem:$0x3F93];
	_ =	swait.ge [sflag:s4], $0x0  }
0x19: {  	s7 =	sld [smem:$0x3F94]  }
0x1a: {  	s8 =	sadd.s32 $0xFFFFE003, lr  }
0x1b: {  	s9 =	sadd.s32 $0xFFFFFEF7, lr;
	s5 =	simm.s32 $0xFFFFFFFF;
	p2 =	slt.u32 s8, $0xFFFFF086  }
0x1c: {  	p1 =	slt.u32 s9, $0xF7A;
	s5 =	simm.s32 @!p2 $0x0  }
0x1d: {  	s5 =	simm.s32 @p1 $0x1;
	p0 =	seq.s32 s7, s2  }
0x1e: {  	s7 =	smul.u32 @!p0 $0xF7A, s2;
	p2 =	seq.s32 @!p0 s5, $0x0  }
0x1f: {  	s9 =	smul.u32 $0xF7A, s1;
	s8 =	simm.s32 @!p0 $0x1BF5;
	p2 =	por !p2, p0  }
0x20: {  	[sflag:s8] =	ssyncset.s32 @!p0 $0xFFFFF086;
	s6 =	sadd.s32 @!p0 s3, s7;
	s7 =	simm.s32 @!p0 $0x108  }
0x21: {  	s3 =	sadd.s32 s3, s9;
	s6 =	sadd.s32 @!p0 $0x88, s6;
	s7 =	simm.s32 @p2 $0x1082  }
0x22: {  	[simem:s7], [sflag:s8] =	dma.local @!p0 [hbm:s6], $0xF7A  }
0x23: {  	s9 =	sor.u32 $0xD0000000, s2;
	s6 =	simm.s32 $0x108;
	_ =	swait.ge @!p0 [sflag:s8], $0x0  }
0x24: {  	s3 =	sadd.s32 $0x88, s3;
	s6 =	simm.s32 @!p1 $0x1082;
	[sflag:s4] =	ssyncset.s32 $0xFFFFF086  }
0x25: {  	[simem:s6], [sflag:s4] =	dma.local [hbm:s3], $0xF7A  }
0x26: {  	[smem:$0x3F94] =	sst s1;
	(tag) =	ssettag s2;
	_ =	strace s9  }
0x27: {  	s1 =	sld [smem:$0x3FA4]  }
0x28: {  	s2 =	sld [smem:$0x3FA5]  }
0x29: {  	s4 =	sld [smem:$0x3FA7]  }
0x2a: {  	p0 =	seq.s32 s5, $0x0;
	s5 =	sld [smem:$0x3FA8]  }
0x2b: {  	s6 =	sld [smem:$0x3FA9]  }
0x2c: {  	s7 =	sld [smem:$0x3FAA]  }
0x2d: {  	s3 =	simm.s32 $0x108;
	s8 =	sld [smem:$0x3FAB]  }
0x2e: {  	s3 =	simm.s32 @!p0 $0x1082;
	s9 =	sld [smem:$0x3FAC]  }
0x2f: {  	lr =	sadd.s32 s0, s3;
	s0 =	sld [smem:$0x3FA3]  }
0x30: {  	s3 =	sld [smem:$0x3FA6]  }
0x31: {  	[smem:$0x3FAF] =	sst s10  }
0x32: {  	s10 =	sld [smem:$0x3FAD];
	_ =	sdelay $0x3  }
0x33: {  	p0 =	seq.s32 s10, $0x1;
	s10 =	sld [smem:$0x3FAF];
	_ =	sdelay $0x3  }
0x34: {  	[smem:$0x3FAF] =	sst s10  }
0x35: {  	s10 =	sld [smem:$0x3FAE];
	_ =	sdelay $0x3  }
0x36: {  	p1 =	seq.s32 s10, $0x1;
	s10 =	sld [smem:$0x3FAF];
	_ =	sdelay $0x3  }
0x37: {  	[smem:$0x3FAF] =	sst s10  }
0x38: {  	s10 =	sld [smem:$0x3FB0]  }
0x39: {  	_ = 	snop;
	(pc) =	sbr.ind lr, $3  }
0x3a: {  	_ = 	snop  }
0x3b: {  	_ = 	snop  }
0x3c: {  	p2 =	seq.s32 s10, $0x1;
	s10 =	sld [smem:$0x3FAF]  }
0x3d: {  	_ =	shalt  }
0x3e: {  	_ =	shalt  }
0x3f: {  	_ =	shalt  }
0x40: {  	_ =	shalt  }
0x41: {  	_ =	shalt  }
0x42: {  	_ =	shalt  }
0x43: {  	_ =	shalt  }
0x44: {  	_ =	shalt  }
0x45: {  	_ =	shalt  }
0x46: {  	_ =	shalt  }
0x47: {  	_ =	shalt  }
0x48: {  	_ =	shalt  }
0x49: {  	_ =	shalt  }
0x4a: {  	_ =	shalt  }
0x4b: {  	_ =	shalt  }
0x4c: {  	_ =	shalt  }
0x4d: {  	_ =	shalt  }
0x4e: {  	_ =	shalt  }
0x4f: {  	_ =	shalt  }
0x50: {  	_ =	shalt  }
0x51: {  	_ =	shalt  }
0x52: {  	_ =	shalt  }
0x53: {  	_ =	shalt  }
0x54: {  	_ =	shalt  }
0x55: {  	_ =	shalt  }
0x56: {  	_ =	shalt  }
0x57: {  	_ =	shalt  }
0x58: {  	_ =	shalt  }
0x59: {  	_ =	shalt  }
0x5a: {  	_ =	shalt  }
0x5b: {  	_ =	shalt  }
0x5c: {  	_ =	shalt  }
0x5d: {  	_ =	shalt  }
0x5e: {  	_ =	shalt  }
0x5f: {  	_ =	shalt  }
0x60: {  	_ =	shalt  }
0x61: {  	_ =	shalt  }
0x62: {  	_ =	shalt  }
0x63: {  	_ =	shalt  }
0x64: {  	_ =	shalt  }
0x65: {  	_ =	shalt  }
0x66: {  	_ =	shalt  }
0x67: {  	_ =	shalt  }
0x68: {  	_ =	shalt  }
0x69: {  	_ =	shalt  }
0x6a: {  	_ =	shalt  }
0x6b: {  	_ =	shalt  }
0x6c: {  	_ =	shalt  }
0x6d: {  	_ =	shalt  }
0x6e: {  	_ =	shalt  }
0x6f: {  	_ =	shalt  }
0x70: {  	_ =	shalt  }
0x71: {  	_ =	shalt  }
0x72: {  	_ =	shalt  }
0x73: {  	_ =	shalt  }
0x74: {  	_ =	shalt  }
0x75: {  	_ =	shalt  }
0x76: {  	_ =	shalt  }
0x77: {  	_ =	shalt  }
0x78: {  	_ =	shalt  }
0x79: {  	_ =	shalt  }
0x7a: {  	_ =	shalt  }
0x7b: {  	_ =	shalt  }
0x7c: {  	_ =	shalt  }
0x7d: {  	_ =	shalt  }
0x7e: {  	_ =	shalt  }
0x7f: {  	_ =	shalt  }
0x80: {  	_ =	shalt  }
0x81: {  	_ =	shalt  }
0x82: {  	_ =	shalt  }
0x83: {  	_ =	shalt  }
0x84: {  	_ =	shalt  }
0x85: {  	_ =	shalt  }
0x86: {  	_ =	shalt  }
0x87: {  	_ =	shalt  }
.Lfunc_end0:
.L_simem_size_0:
called_computation.1_lowered:
.L_overlay_start_0:
0x88: {  	s2 =	sld [smem:$0x3FD9]  }
0x89: {  	s3 =	sld [smem:$0x3FFE];
	_ =	sdelay $0x1  }
0x8a: {  	s1 =	srdreg.scid  }
0x8b: {  	s0 =	sand.u32 $0x1, s1  }
0x8c: {  	s17 =	sshll.u32 s0, $0xA;
	s2 =	sadd.s32 s3, s2  }
0x8d: {  	s2 =	sadd.s32 s2, s17  }
0x8e: {  	[smem:$0x3FBB] =	sst s2  }
0x8f: {  	_ = 	snop  }
0x90: {  	s2 =	sld [smem:$0x3FD0];
	(tm) =	ssettm $0x1  }
0x91: {  	s18 =	sld [smem:$0x3FFB];
	_ =	sdelay $0x3  }
0x92: {  	_ =	strace s18  }
0x93: {  	s3 =	sld [smem:$0x3FFC];
	_ =	sdelay $0x3  }
0x94: {  	_ =	strace s3  }
0x95: {  	s3 =	sld [smem:$0x3FFD];
	_ =	sdelay $0x3  }
0x96: {  	_ =	strace s3  }
0x97: {  	_ =	strace $0x8FFFFFFF  }
0x98: {  	s19 =	sld [smem:$0x3FDB];
	_ =	sdelay $0x1  }
0x99: {  	s4 =	simm.s32 $_scs_section_size  }
0x9a: {  	s5 =	simm.s32 $_size__tile_overlayer_lowered;
	s6 =	simm.s32 $_tile_overlayer_lowered  }
0x9b: {  	s22 =	simm.s32 $0x1BFF;
	s21 =	sshll.u32 s6, $0x1;
	s3 =	sadd.s32 s4, s19  }
0x9c: {  	s7 =	simm.s32 $0x0;
	s20 =	sshll.u32 s5, $0x1;
	s5 =	sadd.s32 s21, s3  }
0x9d: {  	[timem:s7], [sflag:s22] =	dma.local [hbm:s5], s20  }
0x9e: {  	_ =	swait.ge [sflag:s22], s20  }
0x9f: {  	s4 =	ssub.s32 $0x0, s20;
	[sflag:s22] =	ssyncset.done $0x0  }
0xa0: {  	[sflag:s22] =	ssyncadd.s32 s4;
	_ =	sdelay $0x1  }
0xa1: {  	s23 =	simm.s32 $0x1B8B  }
0xa2: {  	_ =	swait.ge [sflag:s23], $0x1  }
0xa3: {  	[sflag:s23] =	ssyncset.done $0x0  }
0xa4: {  	s25 =	simm.s32 $0x1B8E;
	s24 =	sld [smem:$0x3FFE];
	[sflag:s23] =	ssyncadd.s32 $0xFFFFFFFF  }
0xa5: {  	s26 =	simm.s32 $execute0_lowered;
	[smem:$0x3FD2] =	sst s25  }
0xa6: {  	s5 =	sshll.u32 s26, $0x1;
	_ =	strace $0x80000049;
	[dreg:$0x1] =	wrdreg $0xFFFFFFFF  }
0xa7: {  	s28 =	simm.s32 $_size_execute0_lowered;
	s3 =	sadd.s32 s3, s5;
	[dreg:$0x0] =	wrdreg $0x0  }
0xa8: {  	s5 =	sshll.u32 s28, $0x1;
	[dreg:$0x2] =	wrdreg s3  }
0xa9: {  	[dreg:$0x3] =	wrdreg s5  }
0xaa: {  	[dreg:$0x4] =	wrdreg $0xC0  }
0xab: {  	_ =	task [dreg:s7], $0x5FFFF  }
0xac: {  	[dreg:$0x1] =	wrdreg $0xFFFFFFFF  }
0xad: {  	[dreg:$0x0] =	wrdreg $0x60  }
0xae: {  	[dreg:$0x2] =	wrdreg s2  }
0xaf: {  	[dreg:$0x3] =	wrdreg s24  }
0xb0: {  	[dreg:$0x4] =	wrdreg $0xC1000  }
0xb1: {  	[dreg:$0x5] =	wrdreg $0x9  }
0xb2: {  	_ =	task.clear_ibuf [dreg:s7], $0x6FFFF;
	_ =	strace $0x90000049  }
0xb3: {  	s29 =	simm.s32 $0x9;
	_ =	strace $0x8000004B  }
0xb4: {  	_ =	swait.ge [sflag:s29], $0x1  }
0xb5: {  	[sflag:s29] =	ssyncadd.s32 $0xFFFFFFFF  }
0xb6: {  	_ =	strace $0x9000004B  }
0xb7: {  	_ =	sfence  }
0xb8: {  	s30 =	sld [smem:$0x0];
	_ =	sdelay $0x2  }
0xb9: {  	s31 =	sshll.u32 s1, $0xD;
	s1 =	sshrl.u32 s1, $0x2  }
0xba: {  	s3 =	sand.u32 $0x4000, s31;
	s1 =	sadd.s32 s1, s30  }
0xbb: {  	s0 =	sor.u32 s3, s0;
	s1 =	sshll.u32 s1, $0x11  }
0xbc: {  	s0 =	sor.u32 s1, s0  }
0xbd: {  	s0 =	sadd.s32 $0x8F2B, s0  }
0xbe: {  	[sflag:s0] =	ssyncadd.remote.s32 $0x1  }
0xbf: {  	_ =	sfence.sel $0xFFFF  }
0xc0: {  	[dreg:$0x0] =	wrdreg $0xFFFFFFFF;
	(pc) =	sbr.abs _section_cstart, $3  }
0xc1: {  	[dreg:$0x1] =	wrdreg $0xFFFFFFFF  }
0xc2: {  	_ =	task.clear_ibuf [dreg:s7], $0x2FFFF;
	_ =	strace $0x9FFFFFFF  }
0xc3: {  	(tm) =	ssettm $0x7FFFFFFF  }
tec
execute0_lowered:
.L_overlay_start_1:
0x0: {  	(tag) =	ssettag $0x1  }
0x1: {  	s0 =	rddreg [dreg:$0x1]  }
0x2: {  	s2 =	rddreg [dreg:$0x2];
	s1 =	simm.s32 $0x0  }
0x3: {  	s3 =	srdreg.scid;
	s28 =	simm.s32 $0x80;
	s29 =	simm.s32 $0x4100  }
0x4: {  	s30 =	simm.s32 $0x1;
	s31 =	simm.s32 $0x2;
	[smem:$0x7FF] =	sst s1  }
0x5: {  	s5 =	sadd.s32 $0x66400, s0;
	s6 =	sand.u32 $0x1, s3;
	s1 =	stileid.u32  }
0x6: {  	s7 =	sadd.s32 $0xE200, s0;
	s8 =	sadd.s32 $0x4400, s0;
	s4 =	smul.u32 $0x4F000, s1  }
0x7: {  	s0 =	sadd.s32 $0x8D600, s0;
	s13 =	sadd.s32 $0x138400, s2;
	s14 =	smul.u32 $0x13C00, s1  }
0x8: {  	_ =	strace $0x8000004A;
	s3 =	ssub.s32 $0x2, s6;
	s18 =	smul.u32 $0x138800, s6  }
0x9: {  	[dreg:$0x9] =	wrdreg s13;
	p0 =	seq.s32 s1, $0xF;
	s9 =	sshrl.u32 s3, $0x1  }
0xa: {  	s3 =	ssub.s32 s3, s9;
	s4 =	sshrl.u32 s4, $0x2;
	s9 =	sshll.u32 s1, $0x1  }
0xb: {  	s25 =	sadd.s32 $0x4000, s14;
	s16 =	sadd.s32 $0x8000, s14;
	s17 =	sadd.s32 $0xC000, s14  }
0xc: {  	s19 =	sadd.s32 s14, s18;
	s14 =	sadd.s32 $0x10000, s14;
	s24 =	sshrl.u32 s18, $0x3  }
0xd: {  	s10 =	sadd.s32 s4, s2;
	s11 =	sadd.s32 s25, s2;
	s26 =	sadd.s32 s16, s2  }
0xe: {  	s12 =	sadd.s32 s17, s2;
	s4 =	sadd.s32 s18, s25;
	[dreg:$0x5] =	wrdreg s11  }
0xf: {  	s19 =	sshrl.u32 s19, $0x3;
	s20 =	sadd.s32 s18, s17;
	[dreg:$0x6] =	wrdreg s26  }
0x10: {  	s22 =	sadd.s32 s18, s14;
	s25 =	sadd.s32 s14, s2;
	[dreg:$0x7] =	wrdreg s12  }
0x11: {  	[dreg:$0x4] =	wrdreg s10;
	s10 =	sadd.s32 $0x10000, s10;
	s4 =	sshrl.u32 s4, $0x3  }
0x12: {  	s15 =	sadd.s32 s0, s19;
	s19 =	sadd.s32 s18, s16;
	[dreg:$0xe] =	wrdreg s25  }
0x13: {  	s21 =	sshrl.u32 s20, $0x3;
	s23 =	sshrl.u32 s22, $0x3;
	[dreg:$0x8] =	wrdreg s10  }
0x14: {  	s26 =	smax.u32 s3, $0x1;
	[dreg:$0xa] =	wrdreg s15;
	s4 =	sadd.s32 s0, s4  }
0x15: {  	s25 =	simm.s32 $0x3;
	[dreg:$0xb] =	wrdreg s4;
	s4 =	sshrl.u32 s19, $0x3  }
.Ltmp0:
0x16: {  	[dreg:$0x11] =	wrdreg s26;
	s4 =	sadd.s32 s0, s4;
	(pc) =	sbr.rel .LBB2_1-.Ltmp0, $4  }
0x17: {  	s26 =	simm.s32 $0x4;
	[dreg:$0xc] =	wrdreg s4;
	s4 =	sadd.s32 s0, s21  }
0x18: {  	[dreg:$0xd] =	wrdreg s4;
	s4 =	sadd.s32 s0, s23;
	s0 =	sadd.s32 s0, s24  }
0x19: {  	s24 =	simm.s32 $0x100;
	[dreg:$0xf] =	wrdreg s4;
	s0 =	sadd.s32 $0x27080, s0  }
0x1a: {  	v0 =	vimm.f32 $0.0e+00;
	s4 =	simm.s32 $0x0;
	[dreg:$0x10] =	wrdreg s0;
	s0 =	simm.s32 $0x8100  }
.LBB2_9:
0x1b: {  	[bflag:$0x0] =	sbarrier.arrive $0xFFFF  }
0x1c: {  	s1 =	rddreg [dreg:$0x4]  }
0x1d: {  	[tilespmem:s24], [sflag:$0x3] =	stream.linear.gather [spmem:s1], $0x4000, $0x38;
	[tilespmem:$0x1F980] =	vst v63  }
0x1e: {  	_ =	swait.ge [sflag:s25], $0x4000  }
0x1f: {  	[sflag:s25] =	ssyncset.done $0x0  }
0x20: {  	s15 =	simm.s32 $0x0;
	s3 =	rddreg [dreg:$0xa];
	[sflag:s25] =	ssyncadd.s32 $0xFFFFC000  }
0x21: {  	[hbm4b:s3+s15] =	stream.linear.scatter [tilespmem:s24], [sflag:$0x3], $0x4000, $0x38;
	[tilespmem:$0x1F980] =	vst v63  }
0x22: {  	_ =	swait.ge [sflag:s25], $0x4000  }
0x23: {  	[sflag:s25] =	ssyncset.done $0x0  }
0x24: {  	s16 =	rddreg [dreg:$0x5];
	[sflag:s25] =	ssyncadd.s32 $0xFFFFC000  }
0x25: {  	[tilespmem:s24], [sflag:$0x3] =	stream.linear.gather [spmem:s16], $0x4000, $0x38;
	[tilespmem:$0x1F980] =	vst v63  }
0x26: {  	_ =	swait.ge [sflag:s25], $0x4000  }
0x27: {  	[sflag:s25] =	ssyncset.done $0x0  }
0x28: {  	s17 =	rddreg [dreg:$0xb];
	[sflag:s25] =	ssyncadd.s32 $0xFFFFC000  }
0x29: {  	[hbm4b:s17+s15] =	stream.linear.scatter [tilespmem:s24], [sflag:$0x3], $0x4000, $0x38;
	[tilespmem:$0x1F980] =	vst v63  }
0x2a: {  	_ =	swait.ge [sflag:s25], $0x4000  }
0x2b: {  	[sflag:s25] =	ssyncset.done $0x0  }
0x2c: {  	s18 =	rddreg [dreg:$0x6];
	[sflag:s25] =	ssyncadd.s32 $0xFFFFC000  }
0x2d: {  	[tilespmem:s24], [sflag:$0x3] =	stream.linear.gather [spmem:s18], $0x4000, $0x38;
	[tilespmem:$0x1F980] =	vst v63  }
0x2e: {  	_ =	swait.ge [sflag:s25], $0x4000  }
0x2f: {  	[sflag:s25] =	ssyncset.done $0x0  }
0x30: {  	s19 =	rddreg [dreg:$0xc];
	[sflag:s25] =	ssyncadd.s32 $0xFFFFC000  }
0x31: {  	[hbm4b:s19+s15] =	stream.linear.scatter [tilespmem:s24], [sflag:$0x3], $0x4000, $0x38;
	[tilespmem:$0x1F980] =	vst v63  }
0x32: {  	_ =	swait.ge [sflag:s25], $0x4000  }
0x33: {  	[sflag:s25] =	ssyncset.done $0x0  }
0x34: {  	s20 =	rddreg [dreg:$0x7];
	[sflag:s25] =	ssyncadd.s32 $0xFFFFC000  }
0x35: {  	[tilespmem:s24], [sflag:$0x3] =	stream.linear.gather [spmem:s20], $0x4000, $0x38;
	[tilespmem:$0x1F980] =	vst v63  }
0x36: {  	_ =	swait.ge [sflag:s25], $0x4000  }
0x37: {  	[sflag:s25] =	ssyncset.done $0x0  }
0x38: {  	s21 =	rddreg [dreg:$0xd];
	[sflag:s25] =	ssyncadd.s32 $0xFFFFC000  }
0x39: {  	[hbm4b:s21+s15] =	stream.linear.scatter [tilespmem:s24], [sflag:$0x3], $0x4000, $0x38;
	[tilespmem:$0x1F980] =	vst v63  }
0x3a: {  	_ =	swait.ge [sflag:s25], $0x4000  }
0x3b: {  	[sflag:s25] =	ssyncset.done $0x0  }
0x3c: {  	s1 =	simm.s32 @p0 $0x100;
	s3 =	rddreg [dreg:$0x9];
	[sflag:s25] =	ssyncadd.s32 $0xFFFFC000  }
0x3d: {  	[tilespmem:s1], [sflag:$0x3] =	stream.linear.gather @p0 [spmem:s3], $0x400, $0x38;
	[tilespmem:$0x1F980] =	vst v63  }
0x3e: {  	s3 =	simm.s32 @p0 $0x3  }
0x3f: {  	_ =	swait.ge @p0 [sflag:s3], $0x400  }
0x40: {  	[sflag:s3] =	ssyncset.done @p0 $0x0  }
0x41: {  	s4 =	simm.s32 @p0 $0x0;
	s10 =	rddreg [dreg:$0x10];
	[sflag:s3] =	ssyncadd.s32 @p0 $0xFFFFFC00  }
0x42: {  	[hbm4b:s10+s4] =	stream.linear.scatter @p0 [tilespmem:s1], [sflag:$0x3], $0x400, $0x38;
	[tilespmem:$0x1F980] =	vst v63  }
0x43: {  	_ =	swait.ge @p0 [sflag:s3], $0x400  }
0x44: {  	[sflag:s3] =	ssyncset.done @p0 $0x0  }
0x45: {  	s1 =	simm.s32 @!p0 $0x100;
	[sflag:s3] =	ssyncadd.s32 @p0 $0xFFFFFC00;
	s3 =	rddreg [dreg:$0xe]  }
0x46: {  	[tilespmem:s1], [sflag:$0x3] =	stream.linear.gather @!p0 [spmem:s3], $0x3C00, $0x38;
	[tilespmem:$0x1F980] =	vst v63  }
0x47: {  	s3 =	simm.s32 @!p0 $0x3  }
0x48: {  	_ =	swait.ge @!p0 [sflag:s3], $0x3C00  }
0x49: {  	[sflag:s3] =	ssyncset.done @!p0 $0x0  }
0x4a: {  	s4 =	simm.s32 @!p0 $0x0;
	s10 =	rddreg [dreg:$0xf];
	[sflag:s3] =	ssyncadd.s32 @!p0 $0xFFFFC400  }
0x4b: {  	[hbm4b:s10+s4] =	stream.linear.scatter @!p0 [tilespmem:s1], [sflag:$0x3], $0x3C00, $0x38;
	[tilespmem:$0x1F980] =	vst v63  }
0x4c: {  	_ =	swait.ge @!p0 [sflag:s3], $0x3C00  }
0x4d: {  	s22 =	rddreg [dreg:$0x12]  }
0x4e: {  	s23 =	rddreg [dreg:$0x11];
	s4 =	sadd.s32 $0x1, s22  }
0x4f: {  	p1 =	sne.s32 s4, s23  }
.Ltmp1:
0x50: {  	_ = 	snop;
	(pc) =	sbr.rel @!p1 .LBB2_10-.Ltmp1, $3  }
0x51: {  	_ =	sdelay $0x1  }
0x52: {  	[sflag:s3] =	ssyncset.done @!p0 $0x0  }
0x53: {  	[sflag:s3] =	ssyncadd.s32 @!p0 $0xFFFFC400  }
.LBB2_1:
0x54: {  	s3 =	simm.s32 $0x0;
	s14 =	simm.s32 $0x200  }
.LBB2_2:
0x55: {  	p1 =	sne.s32 s14, $0xFE00;
	[tilespmem:s3+$0x170] =	vst v0  }
0x56: {  	[tilespmem:s3+$0x100] =	vst v0  }
0x57: {  	[tilespmem:s3+$0x110] =	vst v0  }
.Ltmp2:
0x58: {  	[tilespmem:s3+$0x120] =	vst v0;
	(pc) =	sbr.rel @p1 .LBB2_2-.Ltmp2, $4  }
0x59: {  	[tilespmem:s3+$0x130] =	vst v0  }
0x5a: {  	[tilespmem:s3+$0x140] =	vst v0  }
0x5b: {  	[tilespmem:s3+$0x150] =	vst v0  }
0x5c: {  	[tilespmem:s3+$0x160] =	vst v0;
	s3 =	sshra.s32 s14, $0x2;
	s14 =	sadd.s32 $0x200, s14  }
0x5d: {  	[tilespmem:s3+$0x170] =	vst v0  }
0x5e: {  	[tilespmem:s3+$0x100] =	vst v0  }
0x5f: {  	[tilespmem:s3+$0x110] =	vst v0  }
0x60: {  	[tilespmem:s3+$0x120] =	vst v0  }
0x61: {  	[tilespmem:s3+$0x130] =	vst v0  }
0x62: {  	[tilespmem:s3+$0x140] =	vst v0  }
0x63: {  	[dreg:$0x12] =	wrdreg s4;
	[tilespmem:s3+$0x150] =	vst v0  }
0x64: {  	[tilespmem:s3+$0x160] =	vst v0;
	s1 =	rddreg [dreg:$0x4]  }
0x65: {  	[spmem:s1] =	stream.linear.scatter [tilespmem:s24], [sflag:$0x3], $0x4000, $0x38;
	[tilespmem:$0x1F980] =	vst v63  }
0x66: {  	_ =	swait.ge [sflag:s25], $0x4000  }
0x67: {  	[sflag:s25] =	ssyncset.done $0x0  }
0x68: {  	s21 =	rddreg [dreg:$0x5];
	[sflag:s25] =	ssyncadd.s32 $0xFFFFC000  }
0x69: {  	[spmem:s21] =	stream.linear.scatter [tilespmem:s24], [sflag:$0x3], $0x4000, $0x38;
	[tilespmem:$0x1F980] =	vst v63  }
0x6a: {  	_ =	swait.ge [sflag:s25], $0x4000  }
0x6b: {  	[sflag:s25] =	ssyncset.done $0x0  }
0x6c: {  	s22 =	rddreg [dreg:$0x6];
	[sflag:s25] =	ssyncadd.s32 $0xFFFFC000  }
0x6d: {  	[spmem:s22] =	stream.linear.scatter [tilespmem:s24], [sflag:$0x3], $0x4000, $0x38;
	[tilespmem:$0x1F980] =	vst v63  }
0x6e: {  	_ =	swait.ge [sflag:s25], $0x4000  }
0x6f: {  	[sflag:s25] =	ssyncset.done $0x0  }
0x70: {  	s23 =	rddreg [dreg:$0x7];
	[sflag:s25] =	ssyncadd.s32 $0xFFFFC000  }
0x71: {  	[spmem:s23] =	stream.linear.scatter [tilespmem:s24], [sflag:$0x3], $0x4000, $0x38;
	[tilespmem:$0x1F980] =	vst v63  }
0x72: {  	_ =	swait.ge [sflag:s25], $0x4000  }
0x73: {  	[sflag:s25] =	ssyncset.done $0x0  }
0x74: {  	s3 =	simm.s32 @p0 $0x100;
	s1 =	rddreg [dreg:$0x9];
	[sflag:s25] =	ssyncadd.s32 $0xFFFFC000  }
0x75: {  	[spmem:s1] =	stream.linear.scatter @p0 [tilespmem:s3], [sflag:$0x3], $0x400, $0x38;
	[tilespmem:$0x1F980] =	vst v63  }
0x76: {  	s3 =	simm.s32 @p0 $0x3  }
0x77: {  	_ =	swait.ge @p0 [sflag:s3], $0x400  }
0x78: {  	[sflag:s3] =	ssyncset.done @p0 $0x0  }
0x79: {  	s1 =	rddreg [dreg:$0x8];
	[sflag:s3] =	ssyncadd.s32 @p0 $0xFFFFFC00;
	s3 =	simm.s32 @!p0 $0x100  }
0x7a: {  	[spmem:s1] =	stream.linear.scatter @!p0 [tilespmem:s3], [sflag:$0x3], $0x3C00, $0x38;
	[tilespmem:$0x1F980] =	vst v63  }
0x7b: {  	s3 =	simm.s32 @!p0 $0x3  }
.Ltmp3:
0x7c: {  	_ =	swait.ge @!p0 [sflag:s3], $0x3C00;
	(pc) =	sbr.rel .LBB2_4-.Ltmp3, $4  }
0x7d: {  	[sflag:s3] =	ssyncset.done @!p0 $0x0  }
0x7e: {  	[sflag:s3] =	ssyncadd.s32 @!p0 $0xFFFFC400  }
0x7f: {  	[bflag:$0x0] =	sbarrier.arrive $0xFFFF  }
0x80: {  	s14 =	simm.s32 $0x0  }
.LBB2_8:
0x81: {  	s14 =	sadd.s32 $0x1, s14  }
0x82: {  	p1 =	sne.s32 s14, $0x4F  }
.Ltmp4:
0x83: {  	_ = 	snop;
	(pc) =	sbr.rel @!p1 .LBB2_9-.Ltmp4, $1  }
0x84: {  	_ =	sdelay $0x3  }
.LBB2_4:
0x85: {  	s3 =	sshll.u32 s14, $0x5  }
0x86: {  	s3 =	sor.u32 s9, s3  }
0x87: {  	p1 =	sgt.u32 s3, $0x9C3  }
.Ltmp5:
0x88: {  	_ = 	snop;
	(pc) =	sbr.rel @p1 .LBB2_8-.Ltmp5, $1  }
0x89: {  	_ =	sdelay $0x3  }
0x8a: {  	s3 =	sor.u32 s6, s3  }
0x8b: {  	s3 =	sshll.u32 s3, $0x4  }
0x8c: {  	s17 =	simm.s32 $0x0;
	s16 =	sadd.s32 s7, s3  }
0x8d: {  	[tilespmem:s17], [sflag:$0x4] =	stream.linear.gather [hbm4b:s16+s17], $0x80, $0x38;
	[tilespmem:$0x1F980] =	vst v63  }
0x8e: {  	_ =	swait.ge [sflag:s26], $0x80  }
0x8f: {  	[sflag:s26] =	ssyncset.done $0x0  }
0x90: {  	s3 =	sadd.s32 s8, s3;
	[sflag:s26] =	ssyncadd.s32 $0xFFFFFF80  }
0x91: {  	[tilespmem:s28], [sflag:$0x4] =	stream.linear.gather [hbm4b:s3+s17], $0x80, $0x38;
	[tilespmem:$0x1F980] =	vst v63  }
0x92: {  	_ =	swait.ge [sflag:s26], $0x80  }
0x93: {  	[sflag:s26] =	ssyncset.done $0x0  }
0x94: {  	[sflag:s26] =	ssyncadd.s32 $0xFFFFFF80  }
0x95: {  	s1 =	rddreg [dreg:$0x0]  }
0x96: {  	[tilespmem:s24], [sflag:$0x1] =	stream.indirect.gather [hbm4b:s1+s28], $0x80, s17, s28, $0xb8;
	[tilespmem:$0x1F980] =	vst v63  }
0x97: {  	_ = 	snop  }
0x98: {  	[tilespmem:s29], [sflag:$0x2] =	stream.indirect.gather [hbm4b:s5+s28], $0x80, s28, s28, $0xb8;
	[tilespmem:$0x1F980] =	vst v63  }
0x99: {  	_ =	swait.ge [sflag:s30], $0x4000  }
0x9a: {  	[sflag:s30] =	ssyncset.done $0x0  }
0x9b: {  	[sflag:s30] =	ssyncadd.s32 $0xFFFFC000  }
0x9c: {  	_ =	swait.ge [sflag:s31], $0x4000  }
0x9d: {  	[sflag:s31] =	ssyncset.done $0x0  }
0x9e: {  	s16 =	simm.s32 $0x0;
	[sflag:s31] =	ssyncadd.s32 $0xFFFFC000  }
0x9f: {  	v1 =	vld [tilespmem:s16+$0x170]  }
0xa0: {  	v2 =	vld [tilespmem:s16+$0x4170]  }
0xa1: {  	v3 =	vld [tilespmem:s16+$0x160]  }
0xa2: {  	v4 =	vld [tilespmem:s16+$0x4160]  }
0xa3: {  	v5 =	vld [tilespmem:s16+$0x150]  }
0xa4: {  	v6 =	vld [tilespmem:s16+$0x4150]  }
0xa5: {  	v7 =	vld [tilespmem:s16+$0x140]  }
0xa6: {  	v8 =	vld [tilespmem:s16+$0x4140]  }
0xa7: {  	v9 =	vld [tilespmem:s16+$0x100]  }
0xa8: {  	v10 =	vld [tilespmem:s16+$0x4100]  }
0xa9: {  	v11 =	vld [tilespmem:s16+$0x110]  }
0xaa: {  	v12 =	vld [tilespmem:s16+$0x4110]  }
0xab: {  	v13 =	vld [tilespmem:s16+$0x120]  }
0xac: {  	v14 =	vld [tilespmem:s16+$0x4120]  }
0xad: {  	v15 =	vld [tilespmem:s16+$0x130]  }
0xae: {  	v16 =	vld [tilespmem:s16+$0x4130];
	v10 =	vadd.f32 v10, v9  }
0xaf: {  	v1 =	vadd.f32 v2, v1  }
0xb0: {  	v11 =	vadd.f32 v12, v11;
	v2 =	vadd.f32 v4, v3;
	v3 =	vmul.f32 v10, v10  }
0xb1: {  	v9 =	vadd.f32 v6, v5;
	v4 =	vadd.f32 v14, v13;
	v5 =	vmul.f32 v1, v1  }
0xb2: {  	v12 =	vadd.f32 v8, v7;
	v6 =	vmul.f32 v11, v11;
	v3 =	vmul.f32 $7.135481390e-02, v3  }
0xb3: {  	v13 =	vadd.f32 v16, v15;
	v7 =	vmul.f32 v9, v9;
	v8 =	vmul.f32 v4, v4  }
0xb4: {  	v14 =	vmul.f32 v2, v2;
	v6 =	vmul.f32 $7.135481390e-02, v6;
	v3 =	vadd.f32 $1.595769170e+00, v3  }
0xb5: {  	v15 =	vmul.f32 v12, v12;
	v16 =	vmul.f32 v13, v13  }
0xb6: {  	v8 =	vmul.f32 $7.135481390e-02, v8;
	v6 =	vadd.f32 $1.595769170e+00, v6;
	v3 =	vmul.f32 v3, v10  }
0xb7: {  	v5 =	vmul.f32 $7.135481390e-02, v5;
	v16 =	vmul.f32 $7.135481390e-02, v16  }
0xb8: {  	v8 =	vadd.f32 $1.595769170e+00, v8;
	v6 =	vmul.f32 v6, v11;
	v3 =	vsub.f32 $0.0e+00, v3  }
0xb9: {  	v14 =	vmul.f32 $7.135481390e-02, v14;
	v15 =	vmul.f32 $7.135481390e-02, v15  }
0xba: {  	v8 =	vmul.f32 v8, v4;
	v6 =	vsub.f32 $0.0e+00, v6;
	v3 =	vmul.f32 $1.442695020e+00, v3  }
0xbb: {  	v7 =	vmul.f32 $7.135481390e-02, v7;
	v16 =	vadd.f32 $1.595769170e+00, v16;
	v15 =	vadd.f32 $1.595769170e+00, v15  }
0xbc: {  	v8 =	vsub.f32 $0.0e+00, v8;
	v6 =	vmul.f32 $1.442695020e+00, v6;
	(erf) = vpow2.f32 v3  }
0xbd: {  	v7 =	vadd.f32 $1.595769170e+00, v7;
	v16 =	vmul.f32 v16, v13;
	v15 =	vmul.f32 v15, v12  }
0xbe: {  	v3 =	vmul.f32 $1.442695020e+00, v8;
	(erf) = vpow2.f32 v6  }
0xbf: {  	v6 =	vmul.f32 v7, v9;
	v7 =	vadd.f32 $1.595769170e+00, v14;
	v14 =	vsub.f32 $0.0e+00, v15  }
0xc0: {  	v8 =	vsub.f32 $0.0e+00, v16;
	(erf) = vpow2.f32 v3  }
0xc1: {  	v5 =	vadd.f32 $1.595769170e+00, v5;
	v3 =	vmul.f32 v7, v2;
	v7 =	vmul.f32 $1.442695020e+00, v14  }
0xc2: {  	v8 =	vmul.f32 $1.442695020e+00, v8;
	v6 =	vsub.f32 $0.0e+00, v6  }
0xc3: {  	v5 =	vmul.f32 v5, v1  }
0xc4: {  	(erf) = vpow2.f32 v8;
	v3 =	vsub.f32 $0.0e+00, v3;
	v6 =	vmul.f32 $1.442695020e+00, v6  }
0xc5: {  	v5 =	vsub.f32 $0.0e+00, v5;
	(erf) = vpow2.f32 v7;
	v7 =	vpop (erf)  }
0xc6: {  	v3 =	vmul.f32 $1.442695020e+00, v3;
	(erf) = vpow2.f32 v6;
	v6 =	vadd.f32 $1.000000000e+00, v7  }
0xc7: {  	v5 =	vmul.f32 $1.442695020e+00, v5  }
0xc8: {  	v7 =	vpop (erf);
	(erf) = vpow2.f32 v3  }
0xc9: {  	(erf) = vpow2.f32 v5  }
0xca: {  	v7 =	vadd.f32 $1.000000000e+00, v7;
	(erf) = vrcp.f32 v6;
	v6 =	vpop (erf)  }
0xcb: {  	s17 =	simm.s32 $0x80;
	v6 =	vadd.f32 $1.000000000e+00, v6  }
0xcc: {  	v17 =	vld [tilespmem:s17+$0x140]  }
0xcd: {  	v19 =	vld [tilespmem:s17+$0x130]  }
0xce: {  	v16 =	vld [tilespmem:s17+$0x4150];
	(erf) = vrcp.f32 v7;
	v7 =	vpop (erf)  }
0xcf: {  	v15 =	vld [tilespmem:s17+$0x150];
	v7 =	vadd.f32 $1.000000000e+00, v7;
	(erf) = vrcp.f32 v6;
	v6 =	vpop (erf)  }
0xd0: {  	v3 =	vld [tilespmem:s17+$0x170];
	v6 =	vadd.f32 $1.000000000e+00, v6  }
0xd1: {  	v5 =	vld [tilespmem:s17+$0x4170]  }
0xd2: {  	v14 =	vld [tilespmem:s17+$0x4160]  }
0xd3: {  	v8 =	vld [tilespmem:s17+$0x160];
	(erf) = vrcp.f32 v7;
	v7 =	vpop (erf)  }
0xd4: {  	v21 =	vld [tilespmem:s17+$0x4140];
	v7 =	vadd.f32 $1.000000000e+00, v7;
	(erf) = vrcp.f32 v6;
	v6 =	vpop (erf)  }
0xd5: {  	v20 =	vld [tilespmem:s17+$0x4130];
	v18 =	vadd.f32 $1.000000000e+00, v6;
	v22 =	vpop (erf)  }
0xd6: {  	v23 =	vld [tilespmem:s17+$0x120];
	(erf) = vrcp.f32 v7;
	v7 =	vadd.f32 v5, v3;
	v24 =	vpop (erf)  }
0xd7: {  	v25 =	vld [tilespmem:s17+$0x4120];
	v5 =	vadd.f32 v16, v15;
	v3 =	vpop (erf);
	(erf) = vrcp.f32 v18;
	v18 =	vmul.f32 v24, v10  }
0xd8: {  	v26 =	vld [tilespmem:s17+$0x100];
	v6 =	vadd.f32 v14, v8;
	v8 =	vadd.f32 $1.000000000e+00, v22;
	v14 =	vmul.f32 v3, v11;
	v11 =	vpop (erf)  }
0xd9: {  	v10 =	vld [tilespmem:s17+$0x4100];
	v15 =	vmul.f32 v11, v4;
	v4 =	vadd.f32 v21, v17;
	v17 =	vmul.f32 v18, v18  }
0xda: {  	v3 =	vadd.f32 v20, v19;
	v11 =	vld [tilespmem:s17+$0x110];
	v19 =	vmul.f32 v14, v14  }
0xdb: {  	(erf) = vrcp.f32 v8;
	v21 =	vld [tilespmem:s17+$0x4110];
	v16 =	vadd.f32 v14, v18  }
0xdc: {  	v8 =	vadd.f32 v25, v23;
	v20 =	vpop (erf);
	v19 =	vadd.f32 v19, v17  }
0xdd: {  	v23 =	vadd.f32 v15, v16;
	v16 =	vmul.f32 v20, v13;
	v20 =	vmul.f32 v15, v15;
	v17 =	vpop (erf)  }
0xde: {  	v22 =	vadd.f32 v10, v26;
	v17 =	vmul.f32 v17, v12  }
0xdf: {  	v10 =	vadd.f32 v16, v23;
	v20 =	vadd.f32 v20, v19  }
0xe0: {  	v24 =	vmul.f32 v16, v16;
	v23 =	vadd.f32 v21, v11;
	v19 =	vpop (erf);
	v21 =	vmul.f32 v17, v17  }
0xe1: {  	v27 =	vmul.f32 v8, v8;
	v10 =	vadd.f32 v17, v10;
	v19 =	vmul.f32 v19, v9  }
0xe2: {  	v25 =	vmul.f32 v6, v6;
	v13 =	vmul.f32 v7, v7;
	v11 =	vadd.f32 v24, v20;
	v9 =	vpop (erf)  }
0xe3: {  	v27 =	vmul.f32 $7.135481390e-02, v27;
	v20 =	vmul.f32 v9, v2;
	v10 =	vadd.f32 v19, v10  }
0xe4: {  	v12 =	vmul.f32 v5, v5;
	v9 =	vadd.f32 v21, v11;
	v11 =	vmul.f32 v19, v19;
	v21 =	vpop (erf)  }
0xe5: {  	v26 =	vmul.f32 v22, v22;
	v10 =	vadd.f32 v20, v10;
	v21 =	vmul.f32 v21, v1  }
0xe6: {  	v1 =	vmul.f32 v23, v23;
	v9 =	vadd.f32 v11, v9;
	v11 =	vmul.f32 v20, v20  }
0xe7: {  	v26 =	vmul.f32 $7.135481390e-02, v26;
	v2 =	vmul.f32 v3, v3;
	v10 =	vadd.f32 v21, v10  }
0xe8: {  	v1 =	vmul.f32 $7.135481390e-02, v1;
	v9 =	vadd.f32 v11, v9;
	v11 =	vmul.f32 v21, v21  }
0xe9: {  	v13 =	vmul.f32 $7.135481390e-02, v13;
	v24 =	vmul.f32 v4, v4;
	v26 =	vadd.f32 $1.595769170e+00, v26;
	(xrf2) =	vadd.scan.msk.f32 $0xffff, v10  }
0xea: {  	v2 =	vmul.f32 $7.135481390e-02, v2;
	v1 =	vadd.f32 $1.595769170e+00, v1;
	v9 =	vadd.f32 v11, v9  }
0xeb: {  	v10 =	vmul.f32 $7.135481390e-02, v25;
	v11 =	vmul.f32 v26, v22;
	v25 =	vadd.f32 $1.595769170e+00, v27  }
0xec: {  	v24 =	vmul.f32 $7.135481390e-02, v24;
	v2 =	vadd.f32 $1.595769170e+00, v2;
	v1 =	vmul.f32 v1, v23;
	(xrf2) =	vadd.scan.msk.f32 $0xffff, v9  }
0xed: {  	v12 =	vmul.f32 $7.135481390e-02, v12;
	v9 =	vsub.f32 $0.0e+00, v11;
	v11 =	vmul.f32 v25, v8  }
0xee: {  	v24 =	vadd.f32 $1.595769170e+00, v24;
	v2 =	vmul.f32 v2, v3;
	v1 =	vsub.f32 $0.0e+00, v1  }
0xef: {  	v12 =	vadd.f32 $1.595769170e+00, v12;
	v9 =	vmul.f32 $1.442695020e+00, v9;
	v11 =	vsub.f32 $0.0e+00, v11  }
0xf0: {  	v24 =	vmul.f32 v24, v4;
	v2 =	vsub.f32 $0.0e+00, v2;
	v1 =	vmul.f32 $1.442695020e+00, v1  }
0xf1: {  	v10 =	vadd.f32 $1.595769170e+00, v10;
	(erf) = vpow2.f32 v9;
	v9 =	vmul.f32 $1.442695020e+00, v11  }
0xf2: {  	v2 =	vmul.f32 $1.442695020e+00, v2;
	v11 =	vadd.f32 $1.595769170e+00, v13;
	(erf) = vpow2.f32 v1  }
0xf3: {  	v13 =	vsub.f32 $0.0e+00, v24;
	v1 =	vmul.f32 v12, v5;
	(erf) = vpow2.f32 v9;
	v12, _, _ =	vpop (xrf2)  }
0xf4: {  	v9 =	vmul.f32 v10, v6;
	v10 =	vmul.f32 v11, v7;
	(v2sf) =	vpush v12, $0xF  }
0xf5: {  	v11 =	vmul.f32 $1.442695020e+00, v13  }
0xf6: {  	s18 =	simm.s32 $0x100;
	v1 =	vsub.f32 $0.0e+00, v1;
	(erf) = vpow2.f32 v2;
	v10 =	vsub.f32 $0.0e+00, v10;
	v2, _, _ =	vpop (xrf2)  }
0xf7: {  	v28 =	vld [tilespmem:s18+$0x4130];
	v9 =	vsub.f32 $0.0e+00, v9;
	(erf) = vpow2.f32 v11;
	(v2sf) =	vpush v2, $0xF  }
0xf8: {  	v29 =	vld [tilespmem:s18+$0x120];
	v1 =	vmul.f32 $1.442695020e+00, v1;
	v10 =	vmul.f32 $1.442695020e+00, v10  }
0xf9: {  	v26 =	vld [tilespmem:s18+$0x140];
	v9 =	vmul.f32 $1.442695020e+00, v9  }
0xfa: {  	v25 =	vld [tilespmem:s18+$0x150];
	(erf) = vpow2.f32 v1;
	v13 =	vpop (erf)  }
0xfb: {  	v11 =	vld [tilespmem:s18+$0x4170];
	(erf) = vpow2.f32 v9;
	v13 =	vadd.f32 $1.000000000e+00, v13;
	v24 =	vpop (erf)  }
0xfc: {  	v12 =	vld [tilespmem:s18+$0x160];
	(erf) = vpow2.f32 v10;
	v9 =	vadd.f32 $1.000000000e+00, v24;
	v10 =	vpop (erf)  }
0xfd: {  	v2 =	vld [tilespmem:s18+$0x170];
	(erf) = vrcp.f32 v13;
	v10 =	vadd.f32 $1.000000000e+00, v10  }
0xfe: {  	v13 =	vld [tilespmem:s18+$0x130];
	(erf) = vrcp.f32 v9  }
0xff: {  	v1 =	vld [tilespmem:s18+$0x4160]  }
0x100: {  	v24 =	vld [tilespmem:s18+$0x4150];
	v9 =	vpop (erf);
	(erf) = vrcp.f32 v10  }
0x101: {  	v27 =	vld [tilespmem:s18+$0x4140];
	v9 =	vadd.f32 $1.000000000e+00, v9;
	v10 =	vpop (erf)  }
0x102: {  	v34 =	vld [tilespmem:s18+$0x110];
	v10 =	vadd.f32 $1.000000000e+00, v10  }
0x103: {  	v13 =	vadd.f32 v28, v13;
	v28 =	vld [tilespmem:s18+$0x4110];
	v31 =	vpop (erf);
	(erf) = vrcp.f32 v9;
	v9 =	vadd.f32 v11, v2;
	s12 =	spop (v2sf)  }
0x104: {  	v30 =	vld [tilespmem:s18+$0x4120];
	v2 =	vadd.f32 $1.000000000e+00, v31;
	v11 =	vpop (erf);
	(erf) = vrcp.f32 v10;
	v10 =	vadd.f32 v1, v12;
	s3 =	smul.f32 $7.812500000e-03, s12  }
0x105: {  	v44 =	vmul.f32 v13, v13;
	v1 =	vadd.f32 $1.000000000e+00, v11;
	v33 =	vpop (erf);
	v11 =	vadd.f32 v24, v25  }
0x106: {  	v32 =	vld [tilespmem:s18+$0x100];
	v12 =	vadd.f32 v27, v26;
	v24 =	vpop (erf);
	(erf) = vrcp.f32 v2;
	v26 =	vmul.f32 v9, v9;
	s20 =	spop (v2sf);
	s19 =	smul.f32 s3, s3  }
0x107: {  	v31 =	vld [tilespmem:s18+$0x4100];
	(erf) = vrcp.f32 v1;
	v2 =	vmul.f32 v24, v22;
	v22 =	vadd.f32 $1.000000000e+00, v33;
	v25 =	vpop (erf);
	s20 =	smul.f32 $7.812500000e-03, s20  }
0x108: {  	v24 =	vmul.f32 v10, v10;
	v28 =	vadd.f32 v28, v34;
	v1 =	vmul.f32 v25, v23  }
0x109: {  	v33 =	vmul.f32 $7.135481390e-02, v44;
	v25 =	vadd.f32 v30, v29;
	v23 =	vmul.f32 v11, v11;
	v27 =	vpop (erf);
	s19 =	ssub.f32 s20, s19  }
0x10a: {  	(erf) = vrcp.f32 v22;
	v29 =	vadd.f32 v1, v2;
	v8 =	vmul.f32 v27, v8  }
0x10b: {  	v22 =	vmul.f32 v2, v2;
	v30 =	vmul.f32 v1, v1;
	s19 =	sadd.f32 $9.999999740e-06, s19  }
0x10c: {  	v47 =	vmul.f32 v28, v28;
	v27 =	vadd.f32 v31, v32;
	v31 =	vpop (erf);
	v29 =	vadd.f32 v8, v29  }
0x10d: {  	v22 =	vadd.f32 v30, v22;
	v30 =	vmul.f32 v8, v8;
	v3 =	vmul.f32 v31, v3;
	v43 =	vpop (erf);
	s21 =	sshrl.u32 s19, $0x1;
	s13 =	smul.f32 $5.000000000e-01, s19  }
0x10e: {  	v45 =	vmul.f32 v25, v25;
	v4 =	vmul.f32 v43, v4;
	s15 =	ssub.s32 $0x5F3759DF, s21  }
0x10f: {  	v22 =	vadd.f32 v30, v22;
	v46 =	vpop (erf);
	v29 =	vadd.f32 v3, v29;
	v30 =	vmul.f32 v3, v3;
	s21 =	smul.f32 s15, s13  }
0x110: {  	v35 =	vmul.f32 v27, v27;
	v5 =	vmul.f32 v46, v5  }
0x111: {  	v36 =	vpop (erf);
	v29 =	vadd.f32 v4, v29;
	v22 =	vadd.f32 v30, v22;
	v30 =	vmul.f32 v4, v4;
	s21 =	smul.f32 s15, s21  }
0x112: {  	v35 =	vmul.f32 $7.135481390e-02, v35;
	v6 =	vmul.f32 v36, v6  }
0x113: {  	v48 =	vpop (erf);
	v29 =	vadd.f32 v5, v29;
	v22 =	vadd.f32 v30, v22;
	v30 =	vmul.f32 v5, v5;
	s21 =	ssub.f32 $1.500000000e+00, s21  }
0x114: {  	v32 =	vmul.f32 $7.135481390e-02, v45;
	v35 =	vadd.f32 $1.595769170e+00, v35;
	v7 =	vmul.f32 v48, v7  }
0x115: {  	v29 =	vadd.f32 v6, v29;
	v22 =	vadd.f32 v30, v22;
	v30 =	vmul.f32 v6, v6;
	s19 =	smul.f32 s15, s21  }
0x116: {  	v34 =	vmul.f32 $7.135481390e-02, v47;
	v32 =	vadd.f32 $1.595769170e+00, v32;
	v35 =	vmul.f32 v35, v27  }
0x117: {  	v29 =	vadd.f32 v7, v29;
	v22 =	vadd.f32 v30, v22;
	s21 =	smul.f32 s19, s13;
	v30 =	vmul.f32 v7, v7  }
0x118: {  	v49 =	vadd.f32 $1.595769170e+00, v33;
	v34 =	vadd.f32 $1.595769170e+00, v34;
	v31 =	vmul.f32 v12, v12  }
0x119: {  	(xrf2) =	vadd.scan.msk.f32 $0xffff, v29;
	v29 =	vsub.f32 $0.0e+00, v35;
	s21 =	smul.f32 s21, s19;
	v22 =	vadd.f32 v30, v22;
	v30 =	vmul.f32 v32, v25  }
0x11a: {  	v34 =	vmul.f32 v34, v28;
	v31 =	vmul.f32 $7.135481390e-02, v31  }
0x11b: {  	s21 =	ssub.f32 $1.500000000e+00, s21;
	v29 =	vmul.f32 $1.442695020e+00, v29;
	(xrf2) =	vadd.scan.msk.f32 $0xffff, v22;
	v22 =	vsub.f32 $0.0e+00, v30;
	v30 =	vmul.f32 v49, v13  }
0x11c: {  	v26 =	vmul.f32 $7.135481390e-02, v26;
	v23 =	vmul.f32 $7.135481390e-02, v23;
	v31 =	vadd.f32 $1.595769170e+00, v31  }
0x11d: {  	v50 =	vsub.f32 $0.0e+00, v34;
	s21 =	smul.f32 s21, s19;
	(erf) = vpow2.f32 v29;
	v29 =	vsub.f32 $0.0e+00, v30  }
0x11e: {  	v24 =	vmul.f32 $7.135481390e-02, v24;
	v26 =	vadd.f32 $1.595769170e+00, v26;
	v31 =	vmul.f32 v31, v12  }
0x11f: {  	v23 =	vadd.f32 $1.595769170e+00, v23;
	v51 =	vmul.f32 $1.442695020e+00, v50;
	s20 =	smul.f32 s21, s13;
	v29 =	vmul.f32 $1.442695020e+00, v29  }
0x120: {  	v26 =	vmul.f32 v26, v9;
	v31 =	vsub.f32 $0.0e+00, v31;
	v22 =	vmul.f32 $1.442695020e+00, v22  }
0x121: {  	v24 =	vadd.f32 $1.595769170e+00, v24;
	v23 =	vmul.f32 v23, v11;
	s19 =	simm.s32 $0x180;
	(erf) = vpow2.f32 v51;
	s20 =	smul.f32 s20, s21  }
0x122: {  	v31 =	vmul.f32 $1.442695020e+00, v31;
	v30 =	vld [tilespmem:s19+$0x170];
	(erf) = vpow2.f32 v22  }
0x123: {  	v52 =	vld [tilespmem:s19+$0x4170];
	v22 =	vmul.f32 v24, v10;
	(erf) = vpow2.f32 v29;
	v29, _, _ =	vpop (xrf2);
	s20 =	ssub.f32 $1.500000000e+00, s20  }
0x124: {  	v23 =	vsub.f32 $0.0e+00, v23;
	v53 =	vld [tilespmem:s19+$0x4160];
	(v2sf) =	vpush v29, $0xF;
	v29 =	vmov s3  }
0x125: {  	v54 =	vld [tilespmem:s19+$0x150];
	v22 =	vsub.f32 $0.0e+00, v22;
	(erf) = vpow2.f32 v31;
	s20 =	smul.f32 s20, s21;
	v21 =	vsub.f32 v21, v29  }
0x126: {  	v23 =	vmul.f32 $1.442695020e+00, v23;
	v55 =	vld [tilespmem:s19+$0x4150];
	v18 =	vsub.f32 v18, v29  }
0x127: {  	v26 =	vsub.f32 $0.0e+00, v26;
	v37 =	vld [tilespmem:s19+$0x4140];
	v22 =	vmul.f32 $1.442695020e+00, v22;
	v21 =	vmul.f32 s20, v21  }
0x128: {  	v39 =	vld [tilespmem:s19+$0x130];
	(erf) = vpow2.f32 v23;
	v56, _, _ =	vpop (xrf2);
	v14 =	vsub.f32 v14, v29;
	v18 =	vmul.f32 s20, v18  }
0x129: {  	v26 =	vmul.f32 $1.442695020e+00, v26;
	v58 =	vld [tilespmem:s19+$0x4130];
	v38 =	vpop (erf);
	(v2sf) =	vpush v56, $0xF  }
0x12a: {  	v24 =	vld [tilespmem:s19+$0x160];
	(erf) = vpow2.f32 v22;
	v23 =	vadd.f32 $1.000000000e+00, v38;
	v57 =	vpop (erf);
	v14 =	vmul.f32 s20, v14  }
0x12b: {  	v31 =	vld [tilespmem:s19+$0x140];
	(erf) = vpow2.f32 v26;
	v22 =	vadd.f32 $1.000000000e+00, v57;
	[tilespmem:s16+$0x8170] =	vst v21;
	v21 =	vpop (erf)  }
0x12c: {  	v15 =	vsub.f32 v15, v29;
	(erf) = vrcp.f32 v23;
	v59 =	vld [tilespmem:s19+$0x120];
	[tilespmem:s16+$0x8100] =	vst v18;
	v18 =	vpop (erf)  }
0x12d: {  	(erf) = vrcp.f32 v22;
	v40 =	vld [tilespmem:s19+$0x4120];
	v21 =	vadd.f32 $1.000000000e+00, v21;
	v18 =	vadd.f32 $1.000000000e+00, v18  }
0x12e: {  	v16 =	vsub.f32 v16, v29;
	v41 =	vld [tilespmem:s19+$0x100];
	[tilespmem:s16+$0x8110] =	vst v14;
	v14 =	vpop (erf)  }
0x12f: {  	v15 =	vmul.f32 s20, v15;
	(erf) = vrcp.f32 v21;
	v14 =	vadd.f32 $1.000000000e+00, v14  }
0x130: {  	v19 =	vsub.f32 v19, v29;
	v16 =	vmul.f32 s20, v16  }
0x131: {  	v22 =	vsub.f32 v17, v29;
	v17 =	vsub.f32 v20, v29;
	v20 =	vld [tilespmem:s19+$0x4100];
	[tilespmem:s16+$0x8120] =	vst v15;
	(erf) = vrcp.f32 v18;
	v18 =	vpop (erf)  }
0x132: {  	v26 =	vadd.f32 v58, v39;
	v62 =	vmul.f32 s20, v19;
	v61 =	vld [tilespmem:s19+$0x110];
	[tilespmem:s16+$0x8130] =	vst v16;
	v15 =	vadd.f32 $1.000000000e+00, v18  }
0x133: {  	v23 =	vadd.f32 v55, v54;
	v21 =	vadd.f32 v52, v30;
	v63 =	vld [tilespmem:s19+$0x4110];
	(erf) = vrcp.f32 v14;
	v14 =	vpop (erf)  }
0x134: {  	v60 =	vmul.f32 s20, v22;
	v22 =	vadd.f32 v53, v24;
	v14 =	vadd.f32 $1.000000000e+00, v14;
	v30 =	vpop (erf)  }
0x135: {  	v24 =	vadd.f32 v37, v31;
	v29 =	vmul.f32 v21, v21;
	s21 =	spop (v2sf);
	v16 =	vpop (erf);
	(erf) = vrcp.f32 v15  }
0x136: {  	v19 =	vadd.f32 v20, v41;
	v18 =	vadd.f32 v40, v59;
	s21 =	smul.f32 $7.812500000e-03, s21;
	v15 =	vpop (erf);
	(erf) = vrcp.f32 v14  }
0x137: {  	v31 =	vadd.f32 $1.000000000e+00, v30;
	v16 =	vmul.f32 v16, v27;
	v15 =	vmul.f32 v15, v28  }
0x138: {  	v20 =	vadd.f32 v63, v61;
	v30 =	vmul.f32 v22, v22;
	v27 =	vmul.f32 v23, v23;
	s22 =	spop (v2sf);
	s23 =	smul.f32 s21, s21;
	v14 =	vpop (erf)  }
0x139: {  	[tilespmem:s16+$0x8150] =	vst v62;
	s3 =	smul.f32 $7.812500000e-03, s22;
	(erf) = vrcp.f32 v31;
	v14 =	vmul.f32 v14, v25;
	v28 =	vadd.f32 v15, v16  }
0x13a: {  	[tilespmem:s16+$0x8140] =	vst v60;
	v33 =	vmov v18;
	s22 =	simm.s32 $0x800;
	v31 =	vmul.f32 v16, v16;
	v25 =	vpop (erf);
	v32 =	vmul.f32 v15, v15  }
.LBB2_6:
0x13b: {  	p1 =	sne.s32 s22, $0xFE00;
	v34 =	vmul.f32 v24, v24;
	v28 =	vadd.f32 v14, v28;
	v25 =	vmul.f32 v25, v13;
	s3 =	ssub.f32 s3, s23;
	v13 =	vmovc v26  }
0x13c: {  	v35 =	vmul.f32 v26, v13;
	v31 =	vadd.f32 v32, v31;
	v32 =	vmul.f32 v14, v14;
	v26 =	vpop (erf)  }
0x13d: {  	v33 =	vmul.f32 v33, v18;
	v28 =	vadd.f32 v25, v28;
	v26 =	vmul.f32 v26, v12;
	s3 =	sadd.f32 $9.999999740e-06, s3;
	v12 =	vmovc v24  }
0x13e: {  	v36 =	vmul.f32 v19, v19;
	v31 =	vadd.f32 v32, v31;
	v32 =	vmul.f32 v25, v25;
	v24 =	vpop (erf)  }
0x13f: {  	v37 =	vmul.f32 v20, v20;
	v28 =	vadd.f32 v26, v28;
	v24 =	vmul.f32 v24, v11;
	v38 =	vpop (erf);
	s23 =	sshrl.u32 s3, $0x1;
	s3 =	smul.f32 $5.000000000e-01, s3  }
0x140: {  	v29 =	vmul.f32 $7.135481390e-02, v29;
	v11 =	vmovc v23;
	v31 =	vadd.f32 v32, v31;
	v32 =	vmul.f32 v26, v26;
	s23 =	ssub.s32 $0x5F3759DF, s23  }
0x141: {  	v30 =	vmul.f32 $7.135481390e-02, v30;
	v23 =	vmul.f32 v38, v10;
	v10 =	vmovc v22;
	v28 =	vadd.f32 v24, v28;
	s11 =	smul.f32 s23, s3  }
0x142: {  	v22 =	vmul.f32 $7.135481390e-02, v36;
	v31 =	vadd.f32 v32, v31;
	v32 =	vmul.f32 v24, v24;
	v36 =	vpop (erf)  }
0x143: {  	v37 =	vmul.f32 $7.135481390e-02, v37;
	v28 =	vadd.f32 v23, v28;
	v36 =	vmul.f32 v36, v9;
	s11 =	smul.f32 s23, s11;
	v9 =	vmovc v21  }
0x144: {  	v21 =	vadd.f32 $1.595769170e+00, v22;
	v22 =	vadd.f32 v32, v31;
	v31 =	vmul.f32 v23, v23  }
0x145: {  	v33 =	vmul.f32 $7.135481390e-02, v33;
	v32 =	vadd.f32 $1.595769170e+00, v37;
	v28 =	vadd.f32 v36, v28;
	s11 =	ssub.f32 $1.500000000e+00, s11  }
0x146: {  	v21 =	vmul.f32 v21, v19;
	v22 =	vadd.f32 v31, v22;
	v31 =	vmul.f32 v36, v36  }
0x147: {  	v35 =	vmul.f32 $7.135481390e-02, v35;
	v33 =	vadd.f32 $1.595769170e+00, v33;
	v32 =	vmul.f32 v32, v20;
	(xrf2) =	vadd.scan.msk.f32 $0xffff, v28;
	s11 =	smul.f32 s23, s11  }
0x148: {  	v21 =	vsub.f32 $0.0e+00, v21;
	v28 =	vmul.f32 $7.135481390e-02, v34;
	v22 =	vadd.f32 v31, v22  }
0x149: {  	v31 =	vsub.f32 $0.0e+00, v32;
	v32 =	vmul.f32 v33, v18;
	v33 =	vadd.f32 $1.595769170e+00, v35;
	s23 =	smul.f32 s11, s3  }
0x14a: {  	v27 =	vmul.f32 $7.135481390e-02, v27;
	v21 =	vmul.f32 $1.442695020e+00, v21;
	v28 =	vadd.f32 $1.595769170e+00, v28;
	(xrf2) =	vadd.scan.msk.f32 $0xffff, v22  }
0x14b: {  	v22 =	vmul.f32 $1.442695020e+00, v31;
	v31 =	vsub.f32 $0.0e+00, v32;
	v32 =	vmul.f32 v33, v13;
	s23 =	smul.f32 s23, s11  }
0x14c: {  	v27 =	vadd.f32 $1.595769170e+00, v27;
	v28 =	vmul.f32 v28, v12;
	(erf) = vpow2.f32 v21  }
0x14d: {  	v21 =	vmul.f32 $1.442695020e+00, v31;
	v31 =	vsub.f32 $0.0e+00, v32;
	(erf) = vpow2.f32 v22;
	s23 =	ssub.f32 $1.500000000e+00, s23  }
0x14e: {  	v32 =	vadd.f32 $1.595769170e+00, v29;
	v22 =	vmul.f32 v27, v11;
	v27 =	vadd.f32 $1.595769170e+00, v30  }
0x14f: {  	v28 =	vsub.f32 $0.0e+00, v28;
	v30 =	vmul.f32 $1.442695020e+00, v31;
	(erf) = vpow2.f32 v21;
	s11 =	smul.f32 s23, s11  }
0x150: {  	v21 =	vmul.f32 v27, v10;
	v27 =	vmul.f32 v32, v9  }
0x151: {  	s23 =	sshra.s32 s22, $0x2;
	v28 =	vmul.f32 $1.442695020e+00, v28;
	v22 =	vsub.f32 $0.0e+00, v22;
	(erf) = vpow2.f32 v30;
	v29, _, _ =	vpop (xrf2);
	s3 =	smul.f32 s11, s3  }
0x152: {  	v17 =	vmul.f32 s20, v17;
	v21 =	vsub.f32 $0.0e+00, v21;
	v30 =	vld [tilespmem:s23+$0x170];
	(v2sf) =	vpush v29, $0xF  }
0x153: {  	v22 =	vmul.f32 $1.442695020e+00, v22;
	v33 =	vsub.f32 $0.0e+00, v27;
	v29 =	vld [tilespmem:s23+$0x4170];
	(erf) = vpow2.f32 v28;
	s3 =	smul.f32 s3, s11  }
0x154: {  	v21 =	vmul.f32 $1.442695020e+00, v21;
	v28 =	vld [tilespmem:s23+$0x160];
	v31, _, _ =	vpop (xrf2);
	[tilespmem:s16+$0x8160] =	vst v17;
	s16 =	smov.u32 s17;
	s17 =	smov.u32 s18;
	s18 =	smov.u32 s19  }
0x155: {  	v17 =	vmul.f32 $1.442695020e+00, v33;
	s19 =	smov.u32 s23;
	v32 =	vld [tilespmem:s23+$0x4160];
	v27 =	vpop (erf);
	(erf) = vpow2.f32 v22;
	(v2sf) =	vpush v31, $0xF;
	s3 =	ssub.f32 $1.500000000e+00, s3  }
0x156: {  	v31 =	vld [tilespmem:s19+$0x150];
	v35 =	vadd.f32 $1.000000000e+00, v27;
	v27 =	vpop (erf);
	(erf) = vpow2.f32 v21;
	v21 =	vmov s21  }
0x157: {  	v33 =	vld [tilespmem:s19+$0x4150];
	v27 =	vadd.f32 $1.000000000e+00, v27;
	(erf) = vpow2.f32 v17;
	s20 =	smul.f32 s3, s11;
	v17 =	vsub.f32 v7, v21;
	v7 =	vmovc v36  }
0x158: {  	v36 =	vsub.f32 v1, v21;
	v34 =	vld [tilespmem:s19+$0x140];
	(erf) = vrcp.f32 v35;
	v22 =	vpop (erf);
	v35 =	vsub.f32 v2, v21  }
0x159: {  	v1 =	vmovc v15;
	v2 =	vmovc v16;
	v37 =	vld [tilespmem:s19+$0x4140];
	v22 =	vadd.f32 $1.000000000e+00, v22;
	(erf) = vrcp.f32 v27;
	v17 =	vmul.f32 s20, v17  }
0x15a: {  	v8 =	vsub.f32 v8, v21;
	v15 =	vld [tilespmem:s19+$0x130];
	v16 =	vpop (erf);
	v27 =	vmul.f32 s20, v35;
	v35 =	vsub.f32 v3, v21  }
0x15b: {  	v3 =	vmovc v25;
	v38 =	vld [tilespmem:s19+$0x4130];
	v41 =	vadd.f32 $1.000000000e+00, v16;
	(erf) = vrcp.f32 v22;
	v22 =	vsub.f32 v4, v21;
	[tilespmem:s16+$0x8170] =	vst v17;
	v4 =	vmovc v26  }
0x15c: {  	v17 =	vsub.f32 v6, v21;
	v25 =	vld [tilespmem:s19+$0x120];
	v26 =	vpop (erf);
	[tilespmem:s16+$0x8100] =	vst v27;
	v27 =	vmul.f32 s20, v36;
	v36 =	vsub.f32 v5, v21  }
0x15d: {  	v8 =	vmul.f32 s20, v8;
	v6 =	vmovc v23;
	v5 =	vmovc v24;
	v39 =	vld [tilespmem:s19+$0x4120];
	v42 =	vadd.f32 $1.000000000e+00, v26;
	(erf) = vrcp.f32 v41  }
0x15e: {  	v21 =	vadd.f32 v29, v30;
	v24 =	vmul.f32 s20, v35;
	v40 =	vld [tilespmem:s19+$0x100];
	v16 =	vpop (erf);
	[tilespmem:s16+$0x8110] =	vst v27;
	v27 =	vmul.f32 s20, v22  }
0x15f: {  	v22 =	vadd.f32 v32, v28;
	v30 =	vld [tilespmem:s19+$0x4100];
	v16 =	vadd.f32 $1.000000000e+00, v16;
	(erf) = vrcp.f32 v42;
	v26 =	vpop (erf);
	[tilespmem:s16+$0x8120] =	vst v8  }
0x160: {  	v23 =	vadd.f32 v33, v31;
	v31 =	vmul.f32 s20, v36;
	v32 =	vld [tilespmem:s19+$0x110];
	v41 =	vadd.f32 $1.000000000e+00, v26;
	v28 =	vpop (erf);
	[tilespmem:s16+$0x8130] =	vst v24  }
0x161: {  	s3 =	spop (v2sf)  }
0x162: {  	v26 =	vadd.f32 v38, v15;
	v24 =	vadd.f32 v37, v34;
	v35 =	vld [tilespmem:s19+$0x4110];
	v15 =	vpop (erf);
	(erf) = vrcp.f32 v16;
	[tilespmem:s16+$0x8140] =	vst v27;
	s21 =	smul.f32 $7.812500000e-03, s3  }
.Ltmp6:
0x163: {  	v29 =	vmul.f32 v21, v21;
	v33 =	vadd.f32 v39, v25;
	v25 =	vpop (erf);
	(erf) = vrcp.f32 v41;
	[tilespmem:s16+$0x8150] =	vst v31;
	(pc) =	sbr.rel @p1 .LBB2_6-.Ltmp6, $4  }
0x164: {  	v8 =	vmovc v14;
	v16 =	vmul.f32 v15, v19;
	v15 =	vmul.f32 v25, v20;
	v20 =	vadd.f32 $1.000000000e+00, v28  }
0x165: {  	v27 =	vmul.f32 v23, v23;
	v19 =	vadd.f32 v30, v40;
	v30 =	vmul.f32 v22, v22;
	v14 =	vpop (erf);
	s23 =	smul.f32 s21, s21;
	s3 =	spop (v2sf)  }
0x166: {  	v28 =	vadd.f32 v15, v16;
	v14 =	vmul.f32 v14, v18;
	(erf) = vrcp.f32 v20;
	s3 =	smul.f32 $7.812500000e-03, s3;
	v18 =	vmovc v33  }
0x167: {  	s22 =	sadd.s32 $0x200, s22;
	v31 =	vmul.f32 v16, v16;
	v20 =	vadd.f32 v35, v32;
	v32 =	vmul.f32 v15, v15;
	v25 =	vpop (erf)  }
0x168: {  	v34 =	vmul.f32 v19, v19  }
0x169: {  	v35 =	vmul.f32 v20, v20  }
0x16a: {  	v34 =	vmul.f32 $7.135481390e-02, v34  }
0x16b: {  	v33 =	vmul.f32 v33, v18;
	v35 =	vmul.f32 $7.135481390e-02, v35  }
0x16c: {  	v36 =	vmul.f32 v24, v24;
	v34 =	vadd.f32 $1.595769170e+00, v34  }
0x16d: {  	v37 =	vmul.f32 v26, v26;
	v33 =	vmul.f32 $7.135481390e-02, v33;
	v35 =	vadd.f32 $1.595769170e+00, v35  }
0x16e: {  	v29 =	vmul.f32 $7.135481390e-02, v29;
	v34 =	vmul.f32 v34, v19  }
0x16f: {  	v37 =	vmul.f32 $7.135481390e-02, v37;
	v33 =	vadd.f32 $1.595769170e+00, v33;
	v35 =	vmul.f32 v35, v20  }
0x170: {  	v30 =	vmul.f32 $7.135481390e-02, v30;
	v36 =	vmul.f32 $7.135481390e-02, v36;
	v34 =	vsub.f32 $0.0e+00, v34  }
0x171: {  	v37 =	vadd.f32 $1.595769170e+00, v37;
	v33 =	vmul.f32 v33, v18;
	v35 =	vsub.f32 $0.0e+00, v35  }
0x172: {  	v27 =	vmul.f32 $7.135481390e-02, v27;
	v36 =	vadd.f32 $1.595769170e+00, v36;
	v34 =	vmul.f32 $1.442695020e+00, v34  }
0x173: {  	v37 =	vmul.f32 v37, v26;
	v33 =	vsub.f32 $0.0e+00, v33;
	v35 =	vmul.f32 $1.442695020e+00, v35  }
0x174: {  	v27 =	vadd.f32 $1.595769170e+00, v27;
	v36 =	vmul.f32 v36, v24;
	(erf) = vpow2.f32 v34  }
0x175: {  	v52 =	vsub.f32 $0.0e+00, v37;
	v33 =	vmul.f32 $1.442695020e+00, v33;
	(erf) = vpow2.f32 v35  }
0x176: {  	v30 =	vadd.f32 $1.595769170e+00, v30;
	v29 =	vadd.f32 $1.595769170e+00, v29;
	v27 =	vmul.f32 v27, v23  }
0x177: {  	v53 =	vsub.f32 $0.0e+00, v36;
	v34 =	vmul.f32 $1.442695020e+00, v52;
	(erf) = vpow2.f32 v33  }
0x178: {  	v30 =	vmul.f32 v30, v22;
	v29 =	vmul.f32 v29, v21  }
0x179: {  	v54 =	vpop (erf);
	v27 =	vsub.f32 $0.0e+00, v27;
	v35 =	vmul.f32 $1.442695020e+00, v53;
	(erf) = vpow2.f32 v34  }
0x17a: {  	v55 =	vpop (erf);
	v30 =	vsub.f32 $0.0e+00, v30  }
0x17b: {  	v56 =	vpop (erf);
	v29 =	vsub.f32 $0.0e+00, v29;
	v27 =	vmul.f32 $1.442695020e+00, v27;
	(erf) = vpow2.f32 v35  }
0x17c: {  	v57 =	vpop (erf);
	v30 =	vmul.f32 $1.442695020e+00, v30  }
0x17d: {  	v29 =	vmul.f32 $1.442695020e+00, v29;
	(erf) = vpow2.f32 v27;
	v58 =	vpop (erf)  }
0x17e: {  	(erf) = vpow2.f32 v30;
	v59 =	vadd.f32 $1.000000000e+00, v58;
	v60 =	vpop (erf)  }
0x17f: {  	(erf) = vpow2.f32 v29;
	v61 =	vadd.f32 $1.000000000e+00, v60  }
0x180: {  	v62 =	vpop (erf);
	(erf) = vrcp.f32 v59  }
0x181: {  	v63 =	vadd.f32 $1.000000000e+00, v62;
	(erf) = vrcp.f32 v61  }
0x182: {  	v28 =	vadd.f32 v14, v28;
	v13 =	vmul.f32 v25, v13;
	v39 =	vpop (erf)  }
0x183: {  	v38 =	vmul.f32 v14, v14;
	v30 =	vadd.f32 $1.000000000e+00, v39;
	(erf) = vrcp.f32 v63  }
0x184: {  	v12 =	vmul.f32 v54, v12;
	v28 =	vadd.f32 v13, v28;
	v37 =	vadd.f32 v32, v31;
	v42 =	vpop (erf)  }
0x185: {  	v41 =	vmul.f32 v13, v13;
	v29 =	vadd.f32 $1.000000000e+00, v42;
	(erf) = vrcp.f32 v30  }
0x186: {  	v44 =	vmul.f32 v12, v12;
	v28 =	vadd.f32 v12, v28;
	v40 =	vadd.f32 v38, v37;
	v43 =	vpop (erf)  }
0x187: {  	v11 =	vmul.f32 v55, v11;
	v45 =	vadd.f32 $1.000000000e+00, v43;
	v46 =	vpop (erf);
	(erf) = vrcp.f32 v29  }
0x188: {  	v25 =	vmul.f32 v56, v10;
	v27 =	vadd.f32 v41, v40;
	v47 =	vadd.f32 $1.000000000e+00, v46;
	v48 =	vpop (erf)  }
0x189: {  	v28 =	vadd.f32 v11, v28;
	v50 =	vmul.f32 v11, v11;
	(erf) = vrcp.f32 v45;
	v49 =	vpop (erf)  }
0x18a: {  	v54 =	vmul.f32 v25, v25;
	v30 =	vadd.f32 v44, v27;
	(erf) = vrcp.f32 v47;
	v51 =	vpop (erf)  }
0x18b: {  	v52 =	vadd.f32 $1.000000000e+00, v48;
	v19 =	vmul.f32 v49, v19;
	v10 =	vmul.f32 v51, v20  }
0x18c: {  	v28 =	vadd.f32 v25, v28;
	v27 =	vmul.f32 v57, v9;
	v53 =	vadd.f32 v50, v30;
	v55 =	vpop (erf)  }
0x18d: {  	(erf) = vrcp.f32 v52;
	v9 =	vmul.f32 v55, v18;
	v56 =	vadd.f32 v10, v19  }
0x18e: {  	v57 =	vadd.f32 v27, v28;
	v58 =	vmul.f32 v19, v19;
	v59 =	vpop (erf);
	v32 =	vmul.f32 v10, v10  }
0x18f: {  	v61 =	vmul.f32 v27, v27;
	v18 =	vmul.f32 v59, v26;
	v60 =	vadd.f32 v9, v56  }
0x190: {  	v29 =	vadd.f32 v54, v53;
	v63 =	vpop (erf);
	v62 =	vmul.f32 v9, v9;
	v28 =	vadd.f32 v32, v58  }
0x191: {  	(xrf2) =	vadd.scan.msk.f32 $0xffff, v57;
	v33 =	vmul.f32 v63, v24;
	v30 =	vadd.f32 v18, v60  }
0x192: {  	v34 =	vadd.f32 v61, v29;
	v37 =	vpop (erf);
	v36 =	vmul.f32 v18, v18;
	v35 =	vadd.f32 v62, v28  }
0x193: {  	v38 =	vmul.f32 v37, v23;
	v30 =	vadd.f32 v33, v30  }
0x194: {  	(xrf2) =	vadd.scan.msk.f32 $0xffff, v34;
	v39 =	vpop (erf);
	v40 =	vmul.f32 v33, v33;
	v26 =	vadd.f32 v36, v35  }
0x195: {  	v41 =	vmul.f32 v39, v22;
	v29 =	vadd.f32 v38, v30  }
0x196: {  	v43 =	vmul.f32 v38, v38;
	v44 =	vpop (erf);
	v42 =	vadd.f32 v40, v26  }
0x197: {  	v45 =	vmul.f32 v44, v21;
	v29 =	vadd.f32 v41, v29  }
0x198: {  	v46 =	vmul.f32 v41, v41;
	v24 =	vadd.f32 v43, v42  }
0x199: {  	v28 =	vadd.f32 v45, v29  }
0x19a: {  	v47 =	vmul.f32 v45, v45;
	v24 =	vadd.f32 v46, v24  }
0x19b: {  	v48, _, _ =	vpop (xrf2);
	(xrf2) =	vadd.scan.msk.f32 $0xffff, v28  }
0x19c: {  	(v2sf) =	vpush v48, $0xF;
	v24 =	vadd.f32 v47, v24;
	_ =	sdelay $0x1  }
0x19d: {  	v49, _, _ =	vpop (xrf2);
	(xrf2) =	vadd.scan.msk.f32 $0xffff, v24  }
0x19e: {  	s3 =	ssub.f32 s3, s23;
	(v2sf) =	vpush v49, $0xF;
	_ =	sdelay $0x1  }
0x19f: {  	s3 =	sadd.f32 $9.999999740e-06, s3;
	_ =	sdelay $0x1  }
0x1a0: {  	s11 =	sshrl.u32 s3, $0x1;
	s23 =	smul.f32 $5.000000000e-01, s3  }
0x1a1: {  	s1 =	ssub.s32 $0x5F3759DF, s11  }
0x1a2: {  	s11 =	smul.f32 s1, s23;
	v50, _, _ =	vpop (xrf2)  }
0x1a3: {  	(v2sf) =	vpush v50, $0xF  }
0x1a4: {  	s11 =	smul.f32 s1, s11  }
0x1a5: {  	v51, _, _ =	vpop (xrf2)  }
0x1a6: {  	s11 =	ssub.f32 $1.500000000e+00, s11;
	(v2sf) =	vpush v51, $0xF;
	_ =	sdelay $0x1  }
0x1a7: {  	s3 =	smul.f32 s1, s11;
	s22 =	spop (v2sf)  }
0x1a8: {  	s22 =	smul.f32 $7.812500000e-03, s22  }
0x1a9: {  	s11 =	smul.f32 s3, s23  }
0x1aa: {  	s13 =	smul.f32 s22, s22;
	s12 =	spop (v2sf)  }
0x1ab: {  	s12 =	smul.f32 $7.812500000e-03, s12  }
0x1ac: {  	s11 =	smul.f32 s11, s3  }
0x1ad: {  	s12 =	ssub.f32 s12, s13  }
0x1ae: {  	s11 =	ssub.f32 $1.500000000e+00, s11  }
0x1af: {  	s12 =	sadd.f32 $9.999999740e-06, s12  }
0x1b0: {  	s11 =	smul.f32 s11, s3  }
0x1b1: {  	s4 =	sshrl.u32 s12, $0x1;
	s12 =	smul.f32 $5.000000000e-01, s12;
	s10 =	spop (v2sf)  }
0x1b2: {  	s15 =	ssub.s32 $0x5F3759DF, s4;
	s3 =	smul.f32 $7.812500000e-03, s10  }
0x1b3: {  	s1 =	smul.f32 s15, s12  }
0x1b4: {  	s4 =	spop (v2sf);
	s10 =	smul.f32 s3, s3  }
0x1b5: {  	s4 =	smul.f32 $7.812500000e-03, s4  }
0x1b6: {  	s13 =	smul.f32 s15, s1  }
0x1b7: {  	s23 =	smul.f32 s11, s23;
	s4 =	ssub.f32 s4, s10  }
0x1b8: {  	s1 =	ssub.f32 $1.500000000e+00, s13  }
0x1b9: {  	s13 =	smul.f32 s23, s11;
	s4 =	sadd.f32 $9.999999740e-06, s4  }
0x1ba: {  	s10 =	smul.f32 s15, s1  }
0x1bb: {  	s1 =	sshrl.u32 s4, $0x1;
	s4 =	smul.f32 $5.000000000e-01, s4  }
0x1bc: {  	s23 =	smul.f32 s10, s12;
	s15 =	ssub.s32 $0x5F3759DF, s1  }
0x1bd: {  	s1 =	smul.f32 s15, s4  }
0x1be: {  	s23 =	smul.f32 s23, s10  }
0x1bf: {  	s13 =	ssub.f32 $1.500000000e+00, s13;
	s1 =	smul.f32 s15, s1  }
0x1c0: {  	s23 =	ssub.f32 $1.500000000e+00, s23  }
0x1c1: {  	s11 =	smul.f32 s13, s11;
	s1 =	ssub.f32 $1.500000000e+00, s1  }
0x1c2: {  	v52 =	vmov s21;
	s10 =	smul.f32 s23, s10  }
0x1c3: {  	v7 =	vsub.f32 v7, v52;
	s1 =	smul.f32 s15, s1  }
0x1c4: {  	v17 =	vmul.f32 s20, v17;
	v2 =	vsub.f32 v2, v52;
	s12 =	smul.f32 s10, s12  }
0x1c5: {  	v1 =	vsub.f32 v1, v52;
	v7 =	vmul.f32 s11, v7;
	s23 =	smul.f32 s1, s4  }
0x1c6: {  	[tilespmem:s16+$0x8160] =	vst v17;
	v8 =	vsub.f32 v8, v52;
	v2 =	vmul.f32 s11, v2;
	s12 =	smul.f32 s12, s10  }
0x1c7: {  	v3 =	vsub.f32 v3, v52;
	v1 =	vmul.f32 s11, v1;
	[tilespmem:s17+$0x8170] =	vst v7;
	s13 =	smul.f32 s23, s1  }
0x1c8: {  	v4 =	vsub.f32 v4, v52;
	[tilespmem:s17+$0x8100] =	vst v2;
	v2 =	vmul.f32 s11, v8;
	s12 =	ssub.f32 $1.500000000e+00, s12  }
0x1c9: {  	v5 =	vsub.f32 v5, v52;
	[tilespmem:s17+$0x8110] =	vst v1;
	v1 =	vmul.f32 s11, v3;
	s13 =	ssub.f32 $1.500000000e+00, s13  }
0x1ca: {  	v6 =	vsub.f32 v6, v52;
	v4 =	vmul.f32 s11, v4;
	v3 =	vmov s22;
	[tilespmem:s17+$0x8120] =	vst v2;
	s10 =	smul.f32 s12, s10  }
0x1cb: {  	[tilespmem:s17+$0x8130] =	vst v1;
	v1 =	vmul.f32 s11, v5;
	v2 =	vsub.f32 v27, v3;
	s1 =	smul.f32 s13, s1  }
0x1cc: {  	v53 =	vmul.f32 s11, v6;
	[tilespmem:s17+$0x8140] =	vst v4;
	v54 =	vsub.f32 v16, v3  }
0x1cd: {  	[tilespmem:s17+$0x8150] =	vst v1;
	v1 =	vsub.f32 v15, v3;
	v2 =	vmul.f32 s10, v2;
	s4 =	smul.f32 s1, s4  }
0x1ce: {  	[tilespmem:s17+$0x8160] =	vst v53;
	v56 =	vsub.f32 v14, v3;
	v55 =	vmul.f32 s10, v54  }
0x1cf: {  	v57 =	vsub.f32 v13, v3;
	v1 =	vmul.f32 s10, v1;
	[tilespmem:s18+$0x8170] =	vst v2;
	s4 =	smul.f32 s4, s1  }
0x1d0: {  	v58 =	vmul.f32 s10, v56;
	v2 =	vsub.f32 v12, v3;
	[tilespmem:s18+$0x8100] =	vst v55  }
0x1d1: {  	v59 =	vsub.f32 v11, v3;
	[tilespmem:s18+$0x8110] =	vst v1;
	v1 =	vmul.f32 s10, v57;
	s4 =	ssub.f32 $1.500000000e+00, s4  }
0x1d2: {  	v60 =	vmov s3;
	v3 =	vsub.f32 v25, v3;
	[tilespmem:s18+$0x8120] =	vst v58;
	v2 =	vmul.f32 s10, v2  }
0x1d3: {  	v61 =	vsub.f32 v45, v60;
	[tilespmem:s18+$0x8130] =	vst v1;
	v1 =	vmul.f32 s10, v59;
	s1 =	smul.f32 s4, s1  }
0x1d4: {  	[tilespmem:s18+$0x8140] =	vst v2;
	v2 =	vmul.f32 s10, v3;
	v3 =	vsub.f32 v19, v60  }
0x1d5: {  	[tilespmem:s18+$0x8150] =	vst v1;
	v1 =	vsub.f32 v10, v60;
	v5 =	vmul.f32 s1, v61  }
0x1d6: {  	[tilespmem:s18+$0x8160] =	vst v2;
	v2 =	vmul.f32 s1, v3;
	v3 =	vsub.f32 v9, v60  }
0x1d7: {  	v62 =	vsub.f32 v18, v60;
	v1 =	vmul.f32 s1, v1;
	[tilespmem:s19+$0x8170] =	vst v5  }
0x1d8: {  	v63 =	vsub.f32 v33, v60;
	[tilespmem:s19+$0x8100] =	vst v2;
	v2 =	vmul.f32 s1, v3  }
0x1d9: {  	v3 =	vsub.f32 v38, v60;
	[tilespmem:s19+$0x8110] =	vst v1;
	v1 =	vmul.f32 s1, v62  }
0x1da: {  	v4 =	vsub.f32 v41, v60;
	v5 =	vmul.f32 s1, v63;
	[tilespmem:s19+$0x8120] =	vst v2  }
0x1db: {  	[tilespmem:s19+$0x8130] =	vst v1;
	v1 =	vmul.f32 s1, v3  }
0x1dc: {  	[tilespmem:s19+$0x8140] =	vst v5;
	v2 =	vmul.f32 s1, v4  }
0x1dd: {  	[tilespmem:s19+$0x8150] =	vst v1  }
.Ltmp7:
0x1de: {  	[tilespmem:s19+$0x8160] =	vst v2;
	(pc) =	sbr.rel .LBB2_8-.Ltmp7, $4  }
0x1df: {  	[spmem:s2] =	stream.indirect.scatter.add.f32 [tilespmem:s0], [sflag:$0x3], $0x80, s28, s28, $0xb8;
	[tilespmem:$0x1F980] =	vst v63  }
0x1e0: {  	_ =	swait.ge [sflag:s25], $0x4000  }
0x1e1: {  	[sflag:s25] =	ssyncset.done $0x0  }
0x1e2: {  	[sflag:s25] =	ssyncadd.s32 $0xFFFFC000  }
.LBB2_10:
0x1e3: {  	_ =	sfence.sel $0x180000  }
0x1e4: {  	[bflag:$0x0] =	sbarrier.arrive $0xFFFF  }
0x1e5: {  	_ =	strace $0x9000004A  }
0x1e6: {  	s0 =	stileid.u32;
	[bflag:$0x2] =	sbarrier.arrive $0xFFFF  }
0x1e7: {  	p0 =	sne.s32 s0, $0x0;
	s0 =	rddreg [dreg:$0x3]  }
0x1e8: {  	s0 =	sadd.s32 @!p0 $0x100000, s0  }
0x1e9: {  	[sflag:s0] =	ssyncadd.tile.s32 @!p0 $0x1;
	_ =	shalt  }
.Lfunc_end2:
_tile_overlayer_lowered:
.L_overlay_start_2:
0x1ea: {  	(tag) =	ssettag $0x2  }
0x1eb: {  	s0 =	rddreg [dreg:$0x0];
	s2 =	stileid.u32  }
0x1ec: {  	s1 =	rddreg [dreg:$0x1];
	p0 =	sne.s32 s2, $0x0  }
0x1ed: {  	s3 =	rddreg [dreg:$0x2];
	[bflag:$0x3] =	sbarrier.arrive $0xFFFF;
	s2 =	simm.s32 @!p0 $0x1C03  }
0x1ee: {  	[timem:s3], [sflag:s2] =	dma.local @!p0 [hbm:s0], s1  }
0x1ef: {  	s0 =	simm.s32 @!p0 $0x3  }
0x1f0: {  	_ =	swait.ge @!p0 [sflag:s0], s1  }
0x1f1: {  	s1 =	ssub.s32 @!p0 $0x0, s1;
	[sflag:s0] =	ssyncset.done @!p0 $0x0  }
0x1f2: {  	[sflag:s0] =	ssyncadd.s32 @!p0 s1  }
0x1f3: {  	[bflag:$0x3] =	sbarrier.arrive $0xFFFF  }
0x1f4: {  	_ =	shalt  }

// kernel: kernel.7.cloned.1.call-start
scs
__scs_entry_jumppad:
0x0: {  	(pc) =	sbr.rel $0x88, $3  }
0x1: {  	(tag) =	ssettag $0x0;
	lr =	simm.s32 $0x1  }
0x2: {  	[smem:$0x3F94] =	sst lr;
	_ =	strace $0xD0000000  }
0x3: {  	_ = 	snop  }
0x4: {  	_ = 	snop  }
0x5: {  	_ = 	snop  }
0x6: {  	_ = 	snop  }
0x7: {  	_ = 	snop  }
__scs_overlays_trampoline_lowered:
0x8: {  	[smem:$0x3FA3] =	sst s0  }
0x9: {  	[smem:$0x3FA4] =	sst s1  }
0xa: {  	[smem:$0x3FA5] =	sst s2  }
0xb: {  	[smem:$0x3FA6] =	sst s3  }
0xc: {  	[smem:$0x3FA7] =	sst s4  }
0xd: {  	[smem:$0x3FA8] =	sst s5  }
0xe: {  	[smem:$0x3FA9] =	sst s6  }
0xf: {  	[smem:$0x3FAA] =	sst s7  }
0x10: {  	[smem:$0x3FAB] =	sst s8  }
0x11: {  	[smem:$0x3FAC] =	sst s9;
	s0 =	simm.s32 @!p0 $0x0  }
0x12: {  	s1 =	sld [smem:$0x3F92];
	s0 =	simm.s32 @p0 $0x1  }
0x13: {  	[smem:$0x3FAD] =	sst s0;
	s0 =	simm.s32 @!p1 $0x0  }
0x14: {  	s2 =	sld [smem:$0x3F91];
	s0 =	simm.s32 @p1 $0x1  }
0x15: {  	[smem:$0x3FAE] =	sst s0;
	s0 =	simm.s32 @!p2 $0x0  }
0x16: {  	s3 =	sld [smem:$0x3FDB];
	s0 =	simm.s32 @p2 $0x1  }
0x17: {  	s4 =	simm.s32 $0x1BF5;
	[smem:$0x3FB0] =	sst s0  }
0x18: {  	s0 =	sld [smem:$0x3F93];
	_ =	swait.ge [sflag:s4], $0x0  }
0x19: {  	s7 =	sld [smem:$0x3F94]  }
0x1a: {  	s8 =	sadd.s32 $0xFFFFE003, lr  }
0x1b: {  	s9 =	sadd.s32 $0xFFFFFEF7, lr;
	s5 =	simm.s32 $0xFFFFFFFF;
	p2 =	slt.u32 s8, $0xFFFFF086  }
0x1c: {  	p1 =	slt.u32 s9, $0xF7A;
	s5 =	simm.s32 @!p2 $0x0  }
0x1d: {  	s5 =	simm.s32 @p1 $0x1;
	p0 =	seq.s32 s7, s2  }
0x1e: {  	s7 =	smul.u32 @!p0 $0xF7A, s2;
	p2 =	seq.s32 @!p0 s5, $0x0  }
0x1f: {  	s9 =	smul.u32 $0xF7A, s1;
	s8 =	simm.s32 @!p0 $0x1BF5;
	p2 =	por !p2, p0  }
0x20: {  	[sflag:s8] =	ssyncset.s32 @!p0 $0xFFFFF086;
	s6 =	sadd.s32 @!p0 s3, s7;
	s7 =	simm.s32 @!p0 $0x108  }
0x21: {  	s3 =	sadd.s32 s3, s9;
	s6 =	sadd.s32 @!p0 $0x88, s6;
	s7 =	simm.s32 @p2 $0x1082  }
0x22: {  	[simem:s7], [sflag:s8] =	dma.local @!p0 [hbm:s6], $0xF7A  }
0x23: {  	s9 =	sor.u32 $0xD0000000, s2;
	s6 =	simm.s32 $0x108;
	_ =	swait.ge @!p0 [sflag:s8], $0x0  }
0x24: {  	s3 =	sadd.s32 $0x88, s3;
	s6 =	simm.s32 @!p1 $0x1082;
	[sflag:s4] =	ssyncset.s32 $0xFFFFF086  }
0x25: {  	[simem:s6], [sflag:s4] =	dma.local [hbm:s3], $0xF7A  }
0x26: {  	[smem:$0x3F94] =	sst s1;
	(tag) =	ssettag s2;
	_ =	strace s9  }
0x27: {  	s1 =	sld [smem:$0x3FA4]  }
0x28: {  	s2 =	sld [smem:$0x3FA5]  }
0x29: {  	s4 =	sld [smem:$0x3FA7]  }
0x2a: {  	p0 =	seq.s32 s5, $0x0;
	s5 =	sld [smem:$0x3FA8]  }
0x2b: {  	s6 =	sld [smem:$0x3FA9]  }
0x2c: {  	s7 =	sld [smem:$0x3FAA]  }
0x2d: {  	s3 =	simm.s32 $0x108;
	s8 =	sld [smem:$0x3FAB]  }
0x2e: {  	s3 =	simm.s32 @!p0 $0x1082;
	s9 =	sld [smem:$0x3FAC]  }
0x2f: {  	lr =	sadd.s32 s0, s3;
	s0 =	sld [smem:$0x3FA3]  }
0x30: {  	s3 =	sld [smem:$0x3FA6]  }
0x31: {  	[smem:$0x3FAF] =	sst s10  }
0x32: {  	s10 =	sld [smem:$0x3FAD];
	_ =	sdelay $0x3  }
0x33: {  	p0 =	seq.s32 s10, $0x1;
	s10 =	sld [smem:$0x3FAF];
	_ =	sdelay $0x3  }
0x34: {  	[smem:$0x3FAF] =	sst s10  }
0x35: {  	s10 =	sld [smem:$0x3FAE];
	_ =	sdelay $0x3  }
0x36: {  	p1 =	seq.s32 s10, $0x1;
	s10 =	sld [smem:$0x3FAF];
	_ =	sdelay $0x3  }
0x37: {  	[smem:$0x3FAF] =	sst s10  }
0x38: {  	s10 =	sld [smem:$0x3FB0]  }
0x39: {  	_ = 	snop;
	(pc) =	sbr.ind lr, $3  }
0x3a: {  	_ = 	snop  }
0x3b: {  	_ = 	snop  }
0x3c: {  	p2 =	seq.s32 s10, $0x1;
	s10 =	sld [smem:$0x3FAF]  }
0x3d: {  	_ =	shalt  }
0x3e: {  	_ =	shalt  }
0x3f: {  	_ =	shalt  }
0x40: {  	_ =	shalt  }
0x41: {  	_ =	shalt  }
0x42: {  	_ =	shalt  }
0x43: {  	_ =	shalt  }
0x44: {  	_ =	shalt  }
0x45: {  	_ =	shalt  }
0x46: {  	_ =	shalt  }
0x47: {  	_ =	shalt  }
0x48: {  	_ =	shalt  }
0x49: {  	_ =	shalt  }
0x4a: {  	_ =	shalt  }
0x4b: {  	_ =	shalt  }
0x4c: {  	_ =	shalt  }
0x4d: {  	_ =	shalt  }
0x4e: {  	_ =	shalt  }
0x4f: {  	_ =	shalt  }
0x50: {  	_ =	shalt  }
0x51: {  	_ =	shalt  }
0x52: {  	_ =	shalt  }
0x53: {  	_ =	shalt  }
0x54: {  	_ =	shalt  }
0x55: {  	_ =	shalt  }
0x56: {  	_ =	shalt  }
0x57: {  	_ =	shalt  }
0x58: {  	_ =	shalt  }
0x59: {  	_ =	shalt  }
0x5a: {  	_ =	shalt  }
0x5b: {  	_ =	shalt  }
0x5c: {  	_ =	shalt  }
0x5d: {  	_ =	shalt  }
0x5e: {  	_ =	shalt  }
0x5f: {  	_ =	shalt  }
0x60: {  	_ =	shalt  }
0x61: {  	_ =	shalt  }
0x62: {  	_ =	shalt  }
0x63: {  	_ =	shalt  }
0x64: {  	_ =	shalt  }
0x65: {  	_ =	shalt  }
0x66: {  	_ =	shalt  }
0x67: {  	_ =	shalt  }
0x68: {  	_ =	shalt  }
0x69: {  	_ =	shalt  }
0x6a: {  	_ =	shalt  }
0x6b: {  	_ =	shalt  }
0x6c: {  	_ =	shalt  }
0x6d: {  	_ =	shalt  }
0x6e: {  	_ =	shalt  }
0x6f: {  	_ =	shalt  }
0x70: {  	_ =	shalt  }
0x71: {  	_ =	shalt  }
0x72: {  	_ =	shalt  }
0x73: {  	_ =	shalt  }
0x74: {  	_ =	shalt  }
0x75: {  	_ =	shalt  }
0x76: {  	_ =	shalt  }
0x77: {  	_ =	shalt  }
0x78: {  	_ =	shalt  }
0x79: {  	_ =	shalt  }
0x7a: {  	_ =	shalt  }
0x7b: {  	_ =	shalt  }
0x7c: {  	_ =	shalt  }
0x7d: {  	_ =	shalt  }
0x7e: {  	_ =	shalt  }
0x7f: {  	_ =	shalt  }
0x80: {  	_ =	shalt  }
0x81: {  	_ =	shalt  }
0x82: {  	_ =	shalt  }
0x83: {  	_ =	shalt  }
0x84: {  	_ =	shalt  }
0x85: {  	_ =	shalt  }
0x86: {  	_ =	shalt  }
0x87: {  	_ =	shalt  }
.Lfunc_end0:
.L_simem_size_0:
called_computation_lowered:
.L_overlay_start_0:
0x88: {  	s2 =	sld [smem:$0x3FD9]  }
0x89: {  	s3 =	sld [smem:$0x3FFE];
	_ =	sdelay $0x1  }
0x8a: {  	s1 =	srdreg.scid  }
0x8b: {  	s0 =	sand.u32 $0x1, s1  }
0x8c: {  	s16 =	sshll.u32 s0, $0xA;
	s2 =	sadd.s32 s3, s2  }
0x8d: {  	s2 =	sadd.s32 s2, s16  }
0x8e: {  	[smem:$0x3FBB] =	sst s2  }
0x8f: {  	_ = 	snop  }
0x90: {  	(tm) =	ssettm $0x1  }
0x91: {  	s17 =	sld [smem:$0x3FFB];
	_ =	sdelay $0x3  }
0x92: {  	_ =	strace s17  }
0x93: {  	s2 =	sld [smem:$0x3FFC];
	_ =	sdelay $0x3  }
0x94: {  	_ =	strace s2  }
0x95: {  	s2 =	sld [smem:$0x3FFD];
	_ =	sdelay $0x3  }
0x96: {  	_ =	strace s2  }
0x97: {  	_ =	strace $0x8FFFFFFF  }
0x98: {  	s18 =	sld [smem:$0x3FDB];
	_ =	sdelay $0x1  }
0x99: {  	s19 =	simm.s32 $_scs_section_size  }
0x9a: {  	s4 =	simm.s32 $_size__tile_overlayer_lowered;
	s5 =	simm.s32 $_tile_overlayer_lowered  }
0x9b: {  	s22 =	simm.s32 $0x1BFF;
	s21 =	sshll.u32 s5, $0x1;
	s2 =	sadd.s32 s19, s18  }
0x9c: {  	s6 =	simm.s32 $0x0;
	s20 =	sshll.u32 s4, $0x1;
	s4 =	sadd.s32 s21, s2  }
0x9d: {  	[timem:s6], [sflag:s22] =	dma.local [hbm:s4], s20  }
0x9e: {  	_ =	swait.ge [sflag:s22], s20  }
0x9f: {  	s3 =	ssub.s32 $0x0, s20;
	[sflag:s22] =	ssyncset.done $0x0  }
0xa0: {  	[sflag:s22] =	ssyncadd.s32 s3;
	_ =	sdelay $0x1  }
0xa1: {  	s23 =	simm.s32 $0x1B8B  }
0xa2: {  	_ =	swait.ge [sflag:s23], $0x1  }
0xa3: {  	[sflag:s23] =	ssyncset.done $0x0  }
0xa4: {  	s25 =	simm.s32 $0x1B8E;
	s24 =	sld [smem:$0x3FFE];
	[sflag:s23] =	ssyncadd.s32 $0xFFFFFFFF  }
0xa5: {  	s26 =	simm.s32 $execute0_lowered;
	[smem:$0x3FD2] =	sst s25  }
0xa6: {  	s4 =	sshll.u32 s26, $0x1;
	_ =	strace $0x80000046;
	[dreg:$0x1] =	wrdreg $0xFFFFFFFF  }
0xa7: {  	s28 =	simm.s32 $_size_execute0_lowered;
	s2 =	sadd.s32 s2, s4;
	[dreg:$0x0] =	wrdreg $0x0  }
0xa8: {  	s4 =	sshll.u32 s28, $0x1;
	[dreg:$0x2] =	wrdreg s2  }
0xa9: {  	[dreg:$0x3] =	wrdreg s4  }
0xaa: {  	[dreg:$0x4] =	wrdreg $0xC0  }
0xab: {  	_ =	task [dreg:s6], $0x5FFFF  }
0xac: {  	[dreg:$0x1] =	wrdreg $0xFFFFFFFF  }
0xad: {  	[dreg:$0x0] =	wrdreg $0x60  }
0xae: {  	[dreg:$0x2] =	wrdreg s24  }
0xaf: {  	[dreg:$0x3] =	wrdreg $0xC3800  }
0xb0: {  	[dreg:$0x4] =	wrdreg $0x1FC000  }
0xb1: {  	[dreg:$0x5] =	wrdreg $0x9  }
0xb2: {  	_ =	task.clear_ibuf [dreg:s6], $0x6FFFF;
	_ =	strace $0x90000046  }
0xb3: {  	s29 =	simm.s32 $0x9;
	_ =	strace $0x80000048  }
0xb4: {  	_ =	swait.ge [sflag:s29], $0x1  }
0xb5: {  	[sflag:s29] =	ssyncadd.s32 $0xFFFFFFFF  }
0xb6: {  	_ =	strace $0x90000048  }
0xb7: {  	_ =	sfence  }
0xb8: {  	s30 =	sld [smem:$0x0];
	_ =	sdelay $0x2  }
0xb9: {  	s31 =	sshll.u32 s1, $0xD;
	s1 =	sshrl.u32 s1, $0x2  }
0xba: {  	s3 =	sand.u32 $0x4000, s31;
	s1 =	sadd.s32 s1, s30  }
0xbb: {  	s0 =	sor.u32 s3, s0;
	s1 =	sshll.u32 s1, $0x11  }
0xbc: {  	s0 =	sor.u32 s1, s0  }
0xbd: {  	s0 =	sadd.s32 $0x8F2B, s0  }
0xbe: {  	[sflag:s0] =	ssyncadd.remote.s32 $0x1  }
0xbf: {  	_ =	sfence.sel $0xFFFF  }
0xc0: {  	[dreg:$0x0] =	wrdreg $0xFFFFFFFF;
	(pc) =	sbr.abs _section_cstart, $3  }
0xc1: {  	[dreg:$0x1] =	wrdreg $0xFFFFFFFF  }
0xc2: {  	_ =	task.clear_ibuf [dreg:s6], $0x2FFFF;
	_ =	strace $0x9FFFFFFF  }
0xc3: {  	(tm) =	ssettm $0x7FFFFFFF  }
tec
execute0_lowered:
.L_overlay_start_1:
0x0: {  	(tag) =	ssettag $0x1  }
0x1: {  	s0 =	rddreg [dreg:$0x0]  }
0x2: {  	s1 =	rddreg [dreg:$0x1]  }
0x3: {  	s2 =	rddreg [dreg:$0x2];
	s3 =	simm.s32 $0x0  }
0x4: {  	s20 =	srdreg.scid;
	s19 =	stileid.u32;
	s28 =	simm.s32 $0x100  }
0x5: {  	s29 =	simm.s32 $0x3;
	s30 =	simm.s32 $0xC100;
	s31 =	simm.s32 $0x4  }
0x6: {  	[smem:$0x7FF] =	sst s3;
	s5 =	sadd.s32 $0x18000, s0;
	s21 =	smul.u32 $0x500, s19  }
0x7: {  	s6 =	sadd.s32 $0x3F200, s0;
	s7 =	sand.u32 $0x1, s20;
	s11 =	smul.u32 $0x4F000, s19  }
0x8: {  	s8 =	sadd.s32 $0xE200, s0;
	s9 =	sadd.s32 $0x4400, s0;
	s12 =	smul.u32 $0x13C00, s19  }
0x9: {  	s13 =	sadd.s32 $0x66E00, s0;
	s17 =	smul.u32 $0xA00, s19;
	p0 =	seq.s32 s19, $0xF  }
0xa: {  	_ =	strace $0x80000047;
	s4 =	sshll.u32 s7, $0x7;
	s22 =	ssub.s32 $0x2, s7  }
0xb: {  	s25 =	smul.u32 $0x138800, s7;
	s3 =	sor.u32 s4, s21;
	s10 =	sshrl.u32 s22, $0x1  }
0xc: {  	s23 =	sshrl.u32 s11, $0x2;
	s14 =	sadd.s32 $0x4000, s12;
	s15 =	sadd.s32 $0x8000, s12  }
0xd: {  	s16 =	sadd.s32 $0xC000, s12;
	s17 =	sshrl.u32 s17, $0x2;
	s3 =	sshrl.u32 s3, $0x3  }
0xe: {  	s11 =	sadd.s32 s23, s1;
	s24 =	sadd.s32 s14, s1;
	s18 =	sadd.s32 s15, s1  }
0xf: {  	s26 =	sadd.s32 s16, s1;
	s20 =	sadd.s32 s12, s25;
	s14 =	sadd.s32 s25, s14  }
0x10: {  	s15 =	sadd.s32 s25, s15;
	s12 =	sadd.s32 $0x10000, s12;
	[dreg:$0x5] =	wrdreg s24  }
0x11: {  	s4 =	sshrl.u32 s25, $0x3;
	s2 =	sadd.s32 s17, s2;
	[dreg:$0x6] =	wrdreg s18  }
0x12: {  	s17 =	smov.u32 s1;
	s0 =	sadd.s32 s3, s0;
	[dreg:$0x7] =	wrdreg s26  }
0x13: {  	s3 =	ssub.s32 s22, s10;
	s18 =	sshrl.u32 s20, $0x3;
	[dreg:$0x4] =	wrdreg s11  }
0x14: {  	s22 =	sadd.s32 s25, s16;
	s11 =	sadd.s32 $0x10000, s11;
	[dreg:$0xe] =	wrdreg s2  }
0x15: {  	s23 =	sadd.s32 s25, s12;
	s25 =	sadd.s32 s12, s1;
	[dreg:$0xd] =	wrdreg s11  }
0x16: {  	s14 =	sshrl.u32 s14, $0x3;
	s18 =	sadd.s32 s13, s18;
	[dreg:$0xf] =	wrdreg s25  }
0x17: {  	s4 =	sadd.s32 s13, s4;
	s14 =	sadd.s32 s13, s14;
	[dreg:$0x8] =	wrdreg s18  }
0x18: {  	s10 =	sshll.u32 s19, $0x1;
	s4 =	sadd.s32 $0x27080, s4;
	[dreg:$0x9] =	wrdreg s14  }
0x19: {  	s21 =	sshrl.u32 s15, $0x3;
	s0 =	sadd.s32 $0x66400, s0;
	[dreg:$0x10] =	wrdreg s4  }
0x1a: {  	s16 =	simm.s32 $0x2;
	s26 =	smax.u32 s3, $0x1;
	[dreg:$0x11] =	wrdreg s0  }
.Ltmp0:
0x1b: {  	s11 =	sadd.s32 $0x138400, s1;
	[dreg:$0x12] =	wrdreg s26;
	(pc) =	sbr.rel .LBB2_1-.Ltmp0, $4  }
0x1c: {  	s15 =	sshrl.u32 s23, $0x3;
	s14 =	sadd.s32 s13, s21;
	[dreg:$0x13] =	wrdreg s11  }
0x1d: {  	s24 =	sadd.s32 s13, s15;
	[dreg:$0xa] =	wrdreg s14;
	s14 =	sshrl.u32 s22, $0x3  }
0x1e: {  	s3 =	simm.s32 $0x0;
	[dreg:$0xc] =	wrdreg s24;
	s14 =	sadd.s32 s13, s14  }
0x1f: {  	v0 =	vimm.f32 $0.0e+00;
	v1 =	vimm.f32 $1.000000000e+00;
	s0 =	simm.s32 $0x80;
	s15 =	simm.s32 $0x1;
	[dreg:$0xb] =	wrdreg s14  }
.LBB2_9:
0x20: {  	[bflag:$0x0] =	sbarrier.arrive $0xFFFF  }
0x21: {  	s1 =	rddreg [dreg:$0x4]  }
0x22: {  	[tilespmem:s28], [sflag:$0x3] =	stream.linear.gather [spmem:s1], $0x4000, $0x38;
	[tilespmem:$0x1FE80] =	vst v63  }
0x23: {  	_ =	swait.ge [sflag:s29], $0x4000  }
0x24: {  	[sflag:s29] =	ssyncset.done $0x0  }
0x25: {  	s14 =	simm.s32 $0x0;
	s2 =	rddreg [dreg:$0x8];
	[sflag:s29] =	ssyncadd.s32 $0xFFFFC000  }
0x26: {  	[hbm4b:s2+s14] =	stream.linear.scatter [tilespmem:s28], [sflag:$0x3], $0x4000, $0x38;
	[tilespmem:$0x1FE80] =	vst v63  }
0x27: {  	_ =	swait.ge [sflag:s29], $0x4000  }
0x28: {  	[sflag:s29] =	ssyncset.done $0x0  }
0x29: {  	s18 =	rddreg [dreg:$0x5];
	[sflag:s29] =	ssyncadd.s32 $0xFFFFC000  }
0x2a: {  	[tilespmem:s28], [sflag:$0x3] =	stream.linear.gather [spmem:s18], $0x4000, $0x38;
	[tilespmem:$0x1FE80] =	vst v63  }
0x2b: {  	_ =	swait.ge [sflag:s29], $0x4000  }
0x2c: {  	[sflag:s29] =	ssyncset.done $0x0  }
0x2d: {  	s19 =	rddreg [dreg:$0x9];
	[sflag:s29] =	ssyncadd.s32 $0xFFFFC000  }
0x2e: {  	[hbm4b:s19+s14] =	stream.linear.scatter [tilespmem:s28], [sflag:$0x3], $0x4000, $0x38;
	[tilespmem:$0x1FE80] =	vst v63  }
0x2f: {  	_ =	swait.ge [sflag:s29], $0x4000  }
0x30: {  	[sflag:s29] =	ssyncset.done $0x0  }
0x31: {  	s20 =	rddreg [dreg:$0x6];
	[sflag:s29] =	ssyncadd.s32 $0xFFFFC000  }
0x32: {  	[tilespmem:s28], [sflag:$0x3] =	stream.linear.gather [spmem:s20], $0x4000, $0x38;
	[tilespmem:$0x1FE80] =	vst v63  }
0x33: {  	_ =	swait.ge [sflag:s29], $0x4000  }
0x34: {  	[sflag:s29] =	ssyncset.done $0x0  }
0x35: {  	s21 =	rddreg [dreg:$0xa];
	[sflag:s29] =	ssyncadd.s32 $0xFFFFC000  }
0x36: {  	[hbm4b:s21+s14] =	stream.linear.scatter [tilespmem:s28], [sflag:$0x3], $0x4000, $0x38;
	[tilespmem:$0x1FE80] =	vst v63  }
0x37: {  	_ =	swait.ge [sflag:s29], $0x4000  }
0x38: {  	[sflag:s29] =	ssyncset.done $0x0  }
0x39: {  	s22 =	rddreg [dreg:$0x7];
	[sflag:s29] =	ssyncadd.s32 $0xFFFFC000  }
0x3a: {  	[tilespmem:s28], [sflag:$0x3] =	stream.linear.gather [spmem:s22], $0x4000, $0x38;
	[tilespmem:$0x1FE80] =	vst v63  }
0x3b: {  	_ =	swait.ge [sflag:s29], $0x4000  }
0x3c: {  	[sflag:s29] =	ssyncset.done $0x0  }
0x3d: {  	s23 =	rddreg [dreg:$0xb];
	[sflag:s29] =	ssyncadd.s32 $0xFFFFC000  }
0x3e: {  	[hbm4b:s23+s14] =	stream.linear.scatter [tilespmem:s28], [sflag:$0x3], $0x4000, $0x38;
	[tilespmem:$0x1FE80] =	vst v63  }
0x3f: {  	_ =	swait.ge [sflag:s29], $0x4000  }
0x40: {  	s1 =	simm.s32 @p0 $0x100;
	[sflag:s29] =	ssyncset.done $0x0  }
0x41: {  	s2 =	simm.s32 @p0 $0x3;
	s11 =	rddreg [dreg:$0x13];
	[sflag:s29] =	ssyncadd.s32 $0xFFFFC000  }
0x42: {  	[tilespmem:s1], [sflag:$0x3] =	stream.linear.gather @p0 [spmem:s11], $0x400, $0x38;
	[tilespmem:$0x1FE80] =	vst v63  }
0x43: {  	_ =	swait.ge @p0 [sflag:s2], $0x400  }
0x44: {  	[sflag:s2] =	ssyncset.done @p0 $0x0  }
0x45: {  	s3 =	simm.s32 @p0 $0x0;
	s4 =	rddreg [dreg:$0x10];
	[sflag:s2] =	ssyncadd.s32 @p0 $0xFFFFFC00  }
0x46: {  	[hbm4b:s4+s3] =	stream.linear.scatter @p0 [tilespmem:s1], [sflag:$0x3], $0x400, $0x38;
	[tilespmem:$0x1FE80] =	vst v63  }
0x47: {  	_ =	swait.ge @p0 [sflag:s2], $0x400  }
0x48: {  	[sflag:s2] =	ssyncset.done @p0 $0x0  }
0x49: {  	s1 =	simm.s32 @!p0 $0x100;
	[sflag:s2] =	ssyncadd.s32 @p0 $0xFFFFFC00;
	s2 =	rddreg [dreg:$0xf]  }
0x4a: {  	[tilespmem:s1], [sflag:$0x3] =	stream.linear.gather @!p0 [spmem:s2], $0x3C00, $0x38;
	[tilespmem:$0x1FE80] =	vst v63  }
0x4b: {  	s2 =	simm.s32 @!p0 $0x3  }
0x4c: {  	_ =	swait.ge @!p0 [sflag:s2], $0x3C00  }
0x4d: {  	[sflag:s2] =	ssyncset.done @!p0 $0x0  }
0x4e: {  	s3 =	simm.s32 @!p0 $0x0;
	s4 =	rddreg [dreg:$0xc];
	[sflag:s2] =	ssyncadd.s32 @!p0 $0xFFFFC400  }
0x4f: {  	[hbm4b:s4+s3] =	stream.linear.scatter @!p0 [tilespmem:s1], [sflag:$0x3], $0x3C00, $0x38;
	[tilespmem:$0x1FE80] =	vst v63  }
0x50: {  	_ =	swait.ge @!p0 [sflag:s2], $0x3C00  }
0x51: {  	[sflag:s2] =	ssyncset.done @!p0 $0x0  }
0x52: {  	[sflag:s2] =	ssyncadd.s32 @!p0 $0xFFFFC400;
	s2 =	rddreg [dreg:$0xe]  }
0x53: {  	[tilespmem:s30], [sflag:$0x3] =	stream.linear.gather [spmem:s2], $0x280, $0x38;
	[tilespmem:$0x1FE80] =	vst v63  }
0x54: {  	_ =	swait.ge [sflag:s29], $0x280  }
0x55: {  	[sflag:s29] =	ssyncset.done $0x0  }
0x56: {  	s24 =	rddreg [dreg:$0x11];
	[sflag:s29] =	ssyncadd.s32 $0xFFFFFD80  }
0x57: {  	[hbm4b:s24+s0] =	stream.strided.scatter [tilespmem:s30], [sflag:$0x3], $0x280, s28, s0, $0x38;
	[tilespmem:$0x1FE80] =	vst v63  }
0x58: {  	_ =	swait.ge [sflag:s29], $0x280  }
0x59: {  	s25 =	rddreg [dreg:$0x14]  }
0x5a: {  	s26 =	rddreg [dreg:$0x12];
	s3 =	sadd.s32 $0x1, s25  }
0x5b: {  	p1 =	sne.s32 s3, s26  }
.Ltmp1:
0x5c: {  	_ = 	snop;
	(pc) =	sbr.rel @!p1 .LBB2_10-.Ltmp1, $3  }
0x5d: {  	_ =	sdelay $0x1  }
0x5e: {  	[sflag:s29] =	ssyncset.done $0x0  }
0x5f: {  	[sflag:s29] =	ssyncadd.s32 $0xFFFFFD80  }
.LBB2_1:
0x60: {  	[dreg:$0x14] =	wrdreg s3;
	s3 =	simm.s32 $0x0;
	s12 =	simm.s32 $0x200  }
.LBB2_2:
0x61: {  	p1 =	sne.s32 s12, $0xFE00;
	[tilespmem:s3+$0x170] =	vst v0  }
0x62: {  	[tilespmem:s3+$0x100] =	vst v0  }
0x63: {  	[tilespmem:s3+$0x110] =	vst v0  }
.Ltmp2:
0x64: {  	[tilespmem:s3+$0x120] =	vst v0;
	(pc) =	sbr.rel @p1 .LBB2_2-.Ltmp2, $4  }
0x65: {  	[tilespmem:s3+$0x130] =	vst v0  }
0x66: {  	[tilespmem:s3+$0x140] =	vst v0  }
0x67: {  	[tilespmem:s3+$0x150] =	vst v0  }
0x68: {  	[tilespmem:s3+$0x160] =	vst v0;
	s3 =	sshra.s32 s12, $0x2;
	s12 =	sadd.s32 $0x200, s12  }
0x69: {  	[tilespmem:s3+$0x170] =	vst v0  }
0x6a: {  	[tilespmem:s3+$0x100] =	vst v0  }
0x6b: {  	[tilespmem:s3+$0x110] =	vst v0  }
0x6c: {  	[tilespmem:s3+$0x120] =	vst v0  }
0x6d: {  	[tilespmem:s3+$0x130] =	vst v0  }
0x6e: {  	[tilespmem:s3+$0x140] =	vst v0  }
0x6f: {  	[tilespmem:s3+$0x150] =	vst v0  }
0x70: {  	[tilespmem:s3+$0x160] =	vst v0;
	s1 =	rddreg [dreg:$0x4]  }
0x71: {  	[spmem:s1] =	stream.linear.scatter [tilespmem:s28], [sflag:$0x3], $0x4000, $0x38;
	[tilespmem:$0x1FE80] =	vst v63  }
0x72: {  	_ =	swait.ge [sflag:s29], $0x4000  }
0x73: {  	[sflag:s29] =	ssyncset.done $0x0  }
0x74: {  	s24 =	rddreg [dreg:$0x5];
	[sflag:s29] =	ssyncadd.s32 $0xFFFFC000  }
0x75: {  	[spmem:s24] =	stream.linear.scatter [tilespmem:s28], [sflag:$0x3], $0x4000, $0x38;
	[tilespmem:$0x1FE80] =	vst v63  }
0x76: {  	_ =	swait.ge [sflag:s29], $0x4000  }
0x77: {  	[sflag:s29] =	ssyncset.done $0x0  }
0x78: {  	s25 =	rddreg [dreg:$0x6];
	[sflag:s29] =	ssyncadd.s32 $0xFFFFC000  }
0x79: {  	[spmem:s25] =	stream.linear.scatter [tilespmem:s28], [sflag:$0x3], $0x4000, $0x38;
	[tilespmem:$0x1FE80] =	vst v63  }
0x7a: {  	_ =	swait.ge [sflag:s29], $0x4000  }
0x7b: {  	[sflag:s29] =	ssyncset.done $0x0  }
0x7c: {  	s26 =	rddreg [dreg:$0x7];
	[sflag:s29] =	ssyncadd.s32 $0xFFFFC000  }
0x7d: {  	[spmem:s26] =	stream.linear.scatter [tilespmem:s28], [sflag:$0x3], $0x4000, $0x38;
	[tilespmem:$0x1FE80] =	vst v63  }
0x7e: {  	_ =	swait.ge [sflag:s29], $0x4000  }
0x7f: {  	[sflag:s29] =	ssyncset.done $0x0  }
0x80: {  	s3 =	simm.s32 @p0 $0x100;
	[sflag:s29] =	ssyncadd.s32 $0xFFFFC000  }
0x81: {  	[spmem:s11] =	stream.linear.scatter @p0 [tilespmem:s3], [sflag:$0x3], $0x400, $0x38;
	[tilespmem:$0x1FE80] =	vst v63  }
0x82: {  	s3 =	simm.s32 @p0 $0x3  }
0x83: {  	_ =	swait.ge @p0 [sflag:s3], $0x400  }
0x84: {  	[sflag:s3] =	ssyncset.done @p0 $0x0  }
0x85: {  	s1 =	rddreg [dreg:$0xd];
	[sflag:s3] =	ssyncadd.s32 @p0 $0xFFFFFC00;
	s3 =	simm.s32 @!p0 $0x100  }
0x86: {  	[spmem:s1] =	stream.linear.scatter @!p0 [tilespmem:s3], [sflag:$0x3], $0x3C00, $0x38;
	[tilespmem:$0x1FE80] =	vst v63  }
0x87: {  	s3 =	simm.s32 @!p0 $0x3  }
0x88: {  	_ =	swait.ge @!p0 [sflag:s3], $0x3C00  }
0x89: {  	[sflag:s3] =	ssyncset.done @!p0 $0x0  }
0x8a: {  	[sflag:s3] =	ssyncadd.s32 @!p0 $0xFFFFC400  }
0x8b: {  	[tilespmem:$0xC100] =	vst v0  }
0x8c: {  	[tilespmem:$0xC110] =	vst v0  }
0x8d: {  	[tilespmem:$0xC120] =	vst v0  }
0x8e: {  	[tilespmem:$0xC130] =	vst v0  }
0x8f: {  	[tilespmem:$0xC140] =	vst v0  }
0x90: {  	[tilespmem:$0xC150] =	vst v0  }
0x91: {  	[tilespmem:$0xC160] =	vst v0  }
0x92: {  	[tilespmem:$0xC170] =	vst v0  }
0x93: {  	[tilespmem:$0xC180] =	vst v0  }
0x94: {  	[tilespmem:$0xC190] =	vst v0  }
0x95: {  	[tilespmem:$0xC1A0] =	vst v0  }
0x96: {  	[tilespmem:$0xC1B0] =	vst v0  }
0x97: {  	[tilespmem:$0xC1C0] =	vst v0  }
0x98: {  	[tilespmem:$0xC1D0] =	vst v0  }
0x99: {  	[tilespmem:$0xC1E0] =	vst v0  }
0x9a: {  	[tilespmem:$0xC1F0] =	vst v0  }
0x9b: {  	[tilespmem:$0xC200] =	vst v0  }
0x9c: {  	[tilespmem:$0xC210] =	vst v0  }
0x9d: {  	[tilespmem:$0xC220] =	vst v0  }
0x9e: {  	[tilespmem:$0xC230] =	vst v0  }
0x9f: {  	[tilespmem:$0xC240] =	vst v0  }
0xa0: {  	[tilespmem:$0xC250] =	vst v0  }
0xa1: {  	[tilespmem:$0xC260] =	vst v0  }
0xa2: {  	[tilespmem:$0xC270] =	vst v0  }
0xa3: {  	[tilespmem:$0xC280] =	vst v0  }
0xa4: {  	[tilespmem:$0xC290] =	vst v0  }
0xa5: {  	[tilespmem:$0xC2A0] =	vst v0  }
0xa6: {  	[tilespmem:$0xC2B0] =	vst v0  }
0xa7: {  	[tilespmem:$0xC2C0] =	vst v0  }
0xa8: {  	[tilespmem:$0xC2D0] =	vst v0  }
0xa9: {  	[tilespmem:$0xC2E0] =	vst v0  }
0xaa: {  	[tilespmem:$0xC2F0] =	vst v0  }
0xab: {  	[tilespmem:$0xC300] =	vst v0  }
0xac: {  	[tilespmem:$0xC310] =	vst v0  }
0xad: {  	[tilespmem:$0xC320] =	vst v0  }
0xae: {  	[tilespmem:$0xC330] =	vst v0  }
0xaf: {  	[tilespmem:$0xC340] =	vst v0  }
0xb0: {  	[tilespmem:$0xC350] =	vst v0  }
0xb1: {  	[tilespmem:$0xC360] =	vst v0  }
0xb2: {  	[tilespmem:$0xC370] =	vst v0  }
0xb3: {  	[spmem:s2] =	stream.linear.scatter [tilespmem:s30], [sflag:$0x3], $0x280, $0x38;
	[tilespmem:$0x1FE80] =	vst v63  }
0xb4: {  	_ =	swait.ge [sflag:s29], $0x280  }
0xb5: {  	[sflag:s29] =	ssyncset.done $0x0  }
0xb6: {  	[sflag:s29] =	ssyncadd.s32 $0xFFFFFD80  }
0xb7: {  	[tilespmem:$0xC100] =	vst v1  }
0xb8: {  	[tilespmem:$0xC110] =	vst v1  }
0xb9: {  	[tilespmem:$0xC120] =	vst v1  }
0xba: {  	[tilespmem:$0xC130] =	vst v1  }
0xbb: {  	[tilespmem:$0xC140] =	vst v1  }
.Ltmp3:
0xbc: {  	[tilespmem:$0xC150] =	vst v1;
	(pc) =	sbr.rel .LBB2_4-.Ltmp3, $4  }
0xbd: {  	[tilespmem:$0xC160] =	vst v1  }
0xbe: {  	[tilespmem:$0xC170] =	vst v1  }
0xbf: {  	[bflag:$0x0] =	sbarrier.arrive $0xFFFF  }
0xc0: {  	s19 =	simm.s32 $0x0  }
.LBB2_8:
0xc1: {  	s19 =	sadd.s32 $0x1, s19  }
0xc2: {  	p1 =	sne.s32 s19, $0x4F  }
.Ltmp4:
0xc3: {  	_ = 	snop;
	(pc) =	sbr.rel @!p1 .LBB2_9-.Ltmp4, $1  }
0xc4: {  	_ =	sdelay $0x3  }
.LBB2_4:
0xc5: {  	s3 =	sshll.u32 s19, $0x5  }
0xc6: {  	s3 =	sor.u32 s10, s3  }
0xc7: {  	p1 =	sgt.u32 s3, $0x9C3  }
.Ltmp5:
0xc8: {  	_ = 	snop;
	(pc) =	sbr.rel @p1 .LBB2_8-.Ltmp5, $1  }
0xc9: {  	_ =	sdelay $0x3  }
0xca: {  	s3 =	sor.u32 s7, s3  }
0xcb: {  	s3 =	sshll.u32 s3, $0x4  }
0xcc: {  	s13 =	simm.s32 $0x0;
	s12 =	sadd.s32 s8, s3  }
0xcd: {  	[tilespmem:s13], [sflag:$0x4] =	stream.linear.gather [hbm4b:s12+s13], $0x80, $0x38;
	[tilespmem:$0x1FE80] =	vst v63  }
0xce: {  	_ =	swait.ge [sflag:s31], $0x80  }
0xcf: {  	[sflag:s31] =	ssyncset.done $0x0  }
0xd0: {  	s3 =	sadd.s32 s9, s3;
	[sflag:s31] =	ssyncadd.s32 $0xFFFFFF80  }
0xd1: {  	[tilespmem:s0], [sflag:$0x4] =	stream.linear.gather [hbm4b:s3+s13], $0x80, $0x38;
	[tilespmem:$0x1FE80] =	vst v63  }
0xd2: {  	_ =	swait.ge [sflag:s31], $0x80  }
0xd3: {  	[sflag:s31] =	ssyncset.done $0x0  }
0xd4: {  	[sflag:s31] =	ssyncadd.s32 $0xFFFFFF80  }
0xd5: {  	[tilespmem:s28], [sflag:$0x1] =	stream.indirect.gather [hbm4b:s5+s0], $0x80, s13, s0, $0xb8;
	[tilespmem:$0x1FE80] =	vst v63  }
0xd6: {  	s1 =	simm.s32 $0x4100  }
0xd7: {  	[tilespmem:s1], [sflag:$0x2] =	stream.indirect.gather [hbm4b:s6+s0], $0x80, s0, s0, $0xb8;
	[tilespmem:$0x1FE80] =	vst v63  }
0xd8: {  	_ =	swait.ge [sflag:s15], $0x4000  }
0xd9: {  	[sflag:s15] =	ssyncset.done $0x0  }
0xda: {  	[sflag:s15] =	ssyncadd.s32 $0xFFFFC000  }
0xdb: {  	_ =	swait.ge [sflag:s16], $0x4000  }
0xdc: {  	[sflag:s16] =	ssyncset.done $0x0  }
0xdd: {  	s20 =	simm.s32 $0x0;
	[sflag:s16] =	ssyncadd.s32 $0xFFFFC000  }
0xde: {  	v2 =	vld [tilespmem:s20+$0x170]  }
0xdf: {  	v3 =	vld [tilespmem:s20+$0x4170]  }
0xe0: {  	v4 =	vld [tilespmem:s20+$0x160]  }
0xe1: {  	v5 =	vld [tilespmem:s20+$0x4160]  }
0xe2: {  	v6 =	vld [tilespmem:s20+$0x150]  }
0xe3: {  	v7 =	vld [tilespmem:s20+$0x4150]  }
0xe4: {  	v8 =	vld [tilespmem:s20+$0x140]  }
0xe5: {  	v9 =	vld [tilespmem:s20+$0x4140]  }
0xe6: {  	v10 =	vld [tilespmem:s20+$0x100]  }
0xe7: {  	v11 =	vld [tilespmem:s20+$0x4100]  }
0xe8: {  	v12 =	vld [tilespmem:s20+$0x110]  }
0xe9: {  	v13 =	vld [tilespmem:s20+$0x4110]  }
0xea: {  	v14 =	vld [tilespmem:s20+$0x120]  }
0xeb: {  	v15 =	vld [tilespmem:s20+$0x4120]  }
0xec: {  	v16 =	vld [tilespmem:s20+$0x130]  }
0xed: {  	v17 =	vld [tilespmem:s20+$0x4130];
	v11 =	vadd.f32 v11, v10  }
0xee: {  	v2 =	vadd.f32 v3, v2  }
0xef: {  	v12 =	vadd.f32 v13, v12;
	v3 =	vadd.f32 v5, v4;
	v4 =	vmul.f32 v11, v11  }
0xf0: {  	v10 =	vadd.f32 v7, v6;
	v5 =	vadd.f32 v15, v14;
	v6 =	vmul.f32 v2, v2  }
0xf1: {  	v13 =	vadd.f32 v9, v8;
	v7 =	vmul.f32 v12, v12;
	v4 =	vmul.f32 $7.135481390e-02, v4  }
0xf2: {  	v14 =	vadd.f32 v17, v16;
	v8 =	vmul.f32 v10, v10;
	v9 =	vmul.f32 v5, v5  }
0xf3: {  	v15 =	vmul.f32 v3, v3;
	v7 =	vmul.f32 $7.135481390e-02, v7;
	v4 =	vadd.f32 $1.595769170e+00, v4  }
0xf4: {  	v16 =	vmul.f32 v13, v13;
	v17 =	vmul.f32 v14, v14  }
0xf5: {  	v9 =	vmul.f32 $7.135481390e-02, v9;
	v7 =	vadd.f32 $1.595769170e+00, v7;
	v4 =	vmul.f32 v4, v11  }
0xf6: {  	v6 =	vmul.f32 $7.135481390e-02, v6;
	v17 =	vmul.f32 $7.135481390e-02, v17  }
0xf7: {  	v9 =	vadd.f32 $1.595769170e+00, v9;
	v7 =	vmul.f32 v7, v12;
	v4 =	vsub.f32 $0.0e+00, v4  }
0xf8: {  	v15 =	vmul.f32 $7.135481390e-02, v15;
	v16 =	vmul.f32 $7.135481390e-02, v16  }
0xf9: {  	v9 =	vmul.f32 v9, v5;
	v7 =	vsub.f32 $0.0e+00, v7;
	v4 =	vmul.f32 $1.442695020e+00, v4  }
0xfa: {  	v8 =	vmul.f32 $7.135481390e-02, v8;
	v17 =	vadd.f32 $1.595769170e+00, v17;
	v16 =	vadd.f32 $1.595769170e+00, v16  }
0xfb: {  	v9 =	vsub.f32 $0.0e+00, v9;
	v7 =	vmul.f32 $1.442695020e+00, v7;
	(erf) = vpow2.f32 v4  }
0xfc: {  	v8 =	vadd.f32 $1.595769170e+00, v8;
	v17 =	vmul.f32 v17, v14;
	v16 =	vmul.f32 v16, v13  }
0xfd: {  	v4 =	vmul.f32 $1.442695020e+00, v9;
	(erf) = vpow2.f32 v7  }
0xfe: {  	v7 =	vmul.f32 v8, v10;
	v8 =	vadd.f32 $1.595769170e+00, v15;
	v15 =	vsub.f32 $0.0e+00, v16  }
0xff: {  	v9 =	vsub.f32 $0.0e+00, v17;
	(erf) = vpow2.f32 v4  }
0x100: {  	v6 =	vadd.f32 $1.595769170e+00, v6;
	v4 =	vmul.f32 v8, v3;
	v8 =	vmul.f32 $1.442695020e+00, v15  }
0x101: {  	v9 =	vmul.f32 $1.442695020e+00, v9;
	v7 =	vsub.f32 $0.0e+00, v7  }
0x102: {  	v6 =	vmul.f32 v6, v2  }
0x103: {  	(erf) = vpow2.f32 v9;
	v4 =	vsub.f32 $0.0e+00, v4;
	v7 =	vmul.f32 $1.442695020e+00, v7  }
0x104: {  	v6 =	vsub.f32 $0.0e+00, v6;
	(erf) = vpow2.f32 v8;
	v8 =	vpop (erf)  }
0x105: {  	v4 =	vmul.f32 $1.442695020e+00, v4;
	(erf) = vpow2.f32 v7;
	v7 =	vadd.f32 $1.000000000e+00, v8  }
0x106: {  	v6 =	vmul.f32 $1.442695020e+00, v6  }
0x107: {  	v8 =	vpop (erf);
	(erf) = vpow2.f32 v4  }
0x108: {  	(erf) = vpow2.f32 v6  }
0x109: {  	v8 =	vadd.f32 $1.000000000e+00, v8;
	(erf) = vrcp.f32 v7;
	v7 =	vpop (erf)  }
0x10a: {  	s22 =	simm.s32 $0x80;
	v7 =	vadd.f32 $1.000000000e+00, v7  }
0x10b: {  	v18 =	vld [tilespmem:s22+$0x140]  }
0x10c: {  	v20 =	vld [tilespmem:s22+$0x130]  }
0x10d: {  	v17 =	vld [tilespmem:s22+$0x4150];
	(erf) = vrcp.f32 v8;
	v8 =	vpop (erf)  }
0x10e: {  	v16 =	vld [tilespmem:s22+$0x150];
	v8 =	vadd.f32 $1.000000000e+00, v8;
	(erf) = vrcp.f32 v7;
	v7 =	vpop (erf)  }
0x10f: {  	v4 =	vld [tilespmem:s22+$0x170];
	v7 =	vadd.f32 $1.000000000e+00, v7  }
0x110: {  	v6 =	vld [tilespmem:s22+$0x4170]  }
0x111: {  	v15 =	vld [tilespmem:s22+$0x4160]  }
0x112: {  	v9 =	vld [tilespmem:s22+$0x160];
	(erf) = vrcp.f32 v8;
	v8 =	vpop (erf)  }
0x113: {  	v22 =	vld [tilespmem:s22+$0x4140];
	v8 =	vadd.f32 $1.000000000e+00, v8;
	(erf) = vrcp.f32 v7;
	v7 =	vpop (erf)  }
0x114: {  	v21 =	vld [tilespmem:s22+$0x4130];
	v19 =	vadd.f32 $1.000000000e+00, v7;
	v23 =	vpop (erf)  }
0x115: {  	v24 =	vld [tilespmem:s22+$0x120];
	(erf) = vrcp.f32 v8;
	v8 =	vadd.f32 v6, v4;
	v25 =	vpop (erf)  }
0x116: {  	v26 =	vld [tilespmem:s22+$0x4120];
	v6 =	vadd.f32 v17, v16;
	v4 =	vpop (erf);
	(erf) = vrcp.f32 v19;
	v19 =	vmul.f32 v25, v11  }
0x117: {  	v27 =	vld [tilespmem:s22+$0x100];
	v7 =	vadd.f32 v15, v9;
	v9 =	vadd.f32 $1.000000000e+00, v23;
	v15 =	vmul.f32 v4, v12;
	v12 =	vpop (erf)  }
0x118: {  	v11 =	vld [tilespmem:s22+$0x4100];
	v16 =	vmul.f32 v12, v5;
	v5 =	vadd.f32 v22, v18;
	v18 =	vmul.f32 v19, v19  }
0x119: {  	v4 =	vadd.f32 v21, v20;
	v12 =	vld [tilespmem:s22+$0x110];
	v20 =	vmul.f32 v15, v15  }
0x11a: {  	(erf) = vrcp.f32 v9;
	v22 =	vld [tilespmem:s22+$0x4110];
	v17 =	vadd.f32 v15, v19  }
0x11b: {  	v9 =	vadd.f32 v26, v24;
	v21 =	vpop (erf);
	v20 =	vadd.f32 v20, v18  }
0x11c: {  	v24 =	vadd.f32 v16, v17;
	v17 =	vmul.f32 v21, v14;
	v21 =	vmul.f32 v16, v16;
	v18 =	vpop (erf)  }
0x11d: {  	v23 =	vadd.f32 v11, v27;
	v18 =	vmul.f32 v18, v13  }
0x11e: {  	v11 =	vadd.f32 v17, v24;
	v21 =	vadd.f32 v21, v20  }
0x11f: {  	v25 =	vmul.f32 v17, v17;
	v24 =	vadd.f32 v22, v12;
	v20 =	vpop (erf);
	v22 =	vmul.f32 v18, v18  }
0x120: {  	v28 =	vmul.f32 v9, v9;
	v11 =	vadd.f32 v18, v11;
	v20 =	vmul.f32 v20, v10  }
0x121: {  	v26 =	vmul.f32 v7, v7;
	v14 =	vmul.f32 v8, v8;
	v12 =	vadd.f32 v25, v21;
	v10 =	vpop (erf)  }
0x122: {  	v28 =	vmul.f32 $7.135481390e-02, v28;
	v21 =	vmul.f32 v10, v3;
	v11 =	vadd.f32 v20, v11  }
0x123: {  	v13 =	vmul.f32 v6, v6;
	v10 =	vadd.f32 v22, v12;
	v12 =	vmul.f32 v20, v20;
	v22 =	vpop (erf)  }
0x124: {  	v27 =	vmul.f32 v23, v23;
	v11 =	vadd.f32 v21, v11;
	v22 =	vmul.f32 v22, v2  }
0x125: {  	v2 =	vmul.f32 v24, v24;
	v10 =	vadd.f32 v12, v10;
	v12 =	vmul.f32 v21, v21  }
0x126: {  	v27 =	vmul.f32 $7.135481390e-02, v27;
	v3 =	vmul.f32 v4, v4;
	v11 =	vadd.f32 v22, v11  }
0x127: {  	v2 =	vmul.f32 $7.135481390e-02, v2;
	v10 =	vadd.f32 v12, v10;
	v12 =	vmul.f32 v22, v22  }
0x128: {  	v14 =	vmul.f32 $7.135481390e-02, v14;
	v25 =	vmul.f32 v5, v5;
	v27 =	vadd.f32 $1.595769170e+00, v27;
	(xrf2) =	vadd.scan.msk.f32 $0xffff, v11  }
0x129: {  	v3 =	vmul.f32 $7.135481390e-02, v3;
	v2 =	vadd.f32 $1.595769170e+00, v2;
	v10 =	vadd.f32 v12, v10  }
0x12a: {  	v11 =	vmul.f32 $7.135481390e-02, v26;
	v12 =	vmul.f32 v27, v23;
	v26 =	vadd.f32 $1.595769170e+00, v28  }
0x12b: {  	v25 =	vmul.f32 $7.135481390e-02, v25;
	v3 =	vadd.f32 $1.595769170e+00, v3;
	v2 =	vmul.f32 v2, v24;
	(xrf2) =	vadd.scan.msk.f32 $0xffff, v10  }
0x12c: {  	v13 =	vmul.f32 $7.135481390e-02, v13;
	v10 =	vsub.f32 $0.0e+00, v12;
	v12 =	vmul.f32 v26, v9  }
0x12d: {  	v25 =	vadd.f32 $1.595769170e+00, v25;
	v3 =	vmul.f32 v3, v4;
	v2 =	vsub.f32 $0.0e+00, v2  }
0x12e: {  	v13 =	vadd.f32 $1.595769170e+00, v13;
	v10 =	vmul.f32 $1.442695020e+00, v10;
	v12 =	vsub.f32 $0.0e+00, v12  }
0x12f: {  	v25 =	vmul.f32 v25, v5;
	v3 =	vsub.f32 $0.0e+00, v3;
	v2 =	vmul.f32 $1.442695020e+00, v2  }
0x130: {  	v11 =	vadd.f32 $1.595769170e+00, v11;
	(erf) = vpow2.f32 v10;
	v10 =	vmul.f32 $1.442695020e+00, v12  }
0x131: {  	v3 =	vmul.f32 $1.442695020e+00, v3;
	v12 =	vadd.f32 $1.595769170e+00, v14;
	(erf) = vpow2.f32 v2  }
0x132: {  	v14 =	vsub.f32 $0.0e+00, v25;
	v2 =	vmul.f32 v13, v6;
	(erf) = vpow2.f32 v10;
	v13, _, _ =	vpop (xrf2)  }
0x133: {  	v10 =	vmul.f32 v11, v7;
	v11 =	vmul.f32 v12, v8;
	(v2sf) =	vpush v13, $0xF  }
0x134: {  	v12 =	vmul.f32 $1.442695020e+00, v14  }
0x135: {  	s23 =	simm.s32 $0x100;
	v2 =	vsub.f32 $0.0e+00, v2;
	(erf) = vpow2.f32 v3;
	v11 =	vsub.f32 $0.0e+00, v11;
	v3, _, _ =	vpop (xrf2)  }
0x136: {  	v29 =	vld [tilespmem:s23+$0x4130];
	v10 =	vsub.f32 $0.0e+00, v10;
	(erf) = vpow2.f32 v12;
	(v2sf) =	vpush v3, $0xF  }
0x137: {  	v30 =	vld [tilespmem:s23+$0x120];
	v2 =	vmul.f32 $1.442695020e+00, v2;
	v11 =	vmul.f32 $1.442695020e+00, v11  }
0x138: {  	v27 =	vld [tilespmem:s23+$0x140];
	v10 =	vmul.f32 $1.442695020e+00, v10  }
0x139: {  	v26 =	vld [tilespmem:s23+$0x150];
	(erf) = vpow2.f32 v2;
	v14 =	vpop (erf)  }
0x13a: {  	v12 =	vld [tilespmem:s23+$0x4170];
	(erf) = vpow2.f32 v10;
	v14 =	vadd.f32 $1.000000000e+00, v14;
	v25 =	vpop (erf)  }
0x13b: {  	v13 =	vld [tilespmem:s23+$0x160];
	(erf) = vpow2.f32 v11;
	v10 =	vadd.f32 $1.000000000e+00, v25;
	v11 =	vpop (erf)  }
0x13c: {  	v3 =	vld [tilespmem:s23+$0x170];
	(erf) = vrcp.f32 v14;
	v11 =	vadd.f32 $1.000000000e+00, v11  }
0x13d: {  	v14 =	vld [tilespmem:s23+$0x130];
	(erf) = vrcp.f32 v10  }
0x13e: {  	v2 =	vld [tilespmem:s23+$0x4160]  }
0x13f: {  	v25 =	vld [tilespmem:s23+$0x4150];
	v10 =	vpop (erf);
	(erf) = vrcp.f32 v11  }
0x140: {  	v28 =	vld [tilespmem:s23+$0x4140];
	v10 =	vadd.f32 $1.000000000e+00, v10;
	v11 =	vpop (erf)  }
0x141: {  	v31 =	vld [tilespmem:s23+$0x4120];
	v11 =	vadd.f32 $1.000000000e+00, v11  }
0x142: {  	v35 =	vld [tilespmem:s23+$0x110];
	v14 =	vadd.f32 v29, v14;
	v32 =	vpop (erf);
	(erf) = vrcp.f32 v10;
	v10 =	vadd.f32 v12, v3;
	s4 =	spop (v2sf)  }
0x143: {  	v29 =	vld [tilespmem:s23+$0x4110];
	v3 =	vadd.f32 $1.000000000e+00, v32;
	v12 =	vpop (erf);
	(erf) = vrcp.f32 v11;
	v11 =	vadd.f32 v2, v13;
	s3 =	smul.f32 $7.812500000e-03, s4  }
0x144: {  	v42 =	vmul.f32 v14, v14;
	v2 =	vadd.f32 $1.000000000e+00, v12;
	v34 =	vpop (erf);
	v12 =	vadd.f32 v25, v26  }
0x145: {  	v13 =	vadd.f32 v28, v27;
	v25 =	vpop (erf);
	(erf) = vrcp.f32 v3;
	v27 =	vmul.f32 v10, v10;
	s14 =	spop (v2sf);
	s11 =	smul.f32 s3, s3  }
0x146: {  	(erf) = vrcp.f32 v2;
	v3 =	vmul.f32 v25, v23;
	v26 =	vpop (erf);
	s13 =	smul.f32 $7.812500000e-03, s14  }
0x147: {  	v33 =	vld [tilespmem:s23+$0x100];
	v23 =	vadd.f32 $1.000000000e+00, v34;
	v25 =	vmul.f32 v11, v11;
	v2 =	vmul.f32 v26, v24  }
0x148: {  	v38 =	vld [tilespmem:s23+$0x4100];
	v29 =	vadd.f32 v29, v35;
	v40 =	vmul.f32 v13, v13;
	v26 =	vadd.f32 v31, v30;
	v28 =	vpop (erf);
	s12 =	ssub.f32 s13, s11  }
0x149: {  	(erf) = vrcp.f32 v23;
	v30 =	vadd.f32 v2, v3;
	v9 =	vmul.f32 v28, v9  }
0x14a: {  	v23 =	vmul.f32 v3, v3;
	v31 =	vmul.f32 v2, v2;
	s12 =	sadd.f32 $9.999999740e-06, s12  }
0x14b: {  	v34 =	vmul.f32 $7.135481390e-02, v42;
	v45 =	vmul.f32 v29, v29;
	v39 =	vpop (erf);
	v30 =	vadd.f32 v9, v30  }
0x14c: {  	v23 =	vadd.f32 v31, v23;
	v31 =	vmul.f32 v9, v9;
	v4 =	vmul.f32 v39, v4;
	v41 =	vpop (erf);
	s18 =	sshrl.u32 s12, $0x1;
	s12 =	smul.f32 $5.000000000e-01, s12  }
0x14d: {  	v28 =	vadd.f32 v38, v33;
	v43 =	vmul.f32 v26, v26;
	v5 =	vmul.f32 v41, v5;
	s13 =	ssub.s32 $0x5F3759DF, s18  }
0x14e: {  	v23 =	vadd.f32 v31, v23;
	v44 =	vpop (erf);
	v30 =	vadd.f32 v4, v30;
	v31 =	vmul.f32 v4, v4;
	s14 =	smul.f32 s13, s12  }
0x14f: {  	v36 =	vmul.f32 v28, v28;
	v6 =	vmul.f32 v44, v6  }
0x150: {  	v37 =	vpop (erf);
	v30 =	vadd.f32 v5, v30;
	v23 =	vadd.f32 v31, v23;
	v31 =	vmul.f32 v5, v5;
	s14 =	smul.f32 s13, s14  }
0x151: {  	v36 =	vmul.f32 $7.135481390e-02, v36;
	v7 =	vmul.f32 v37, v7  }
0x152: {  	v46 =	vpop (erf);
	v30 =	vadd.f32 v6, v30;
	v23 =	vadd.f32 v31, v23;
	v31 =	vmul.f32 v6, v6;
	s14 =	ssub.f32 $1.500000000e+00, s14  }
0x153: {  	v33 =	vmul.f32 $7.135481390e-02, v43;
	v36 =	vadd.f32 $1.595769170e+00, v36;
	v8 =	vmul.f32 v46, v8  }
0x154: {  	v30 =	vadd.f32 v7, v30;
	v23 =	vadd.f32 v31, v23;
	v31 =	vmul.f32 v7, v7;
	s13 =	smul.f32 s13, s14  }
0x155: {  	v35 =	vmul.f32 $7.135481390e-02, v45;
	v33 =	vadd.f32 $1.595769170e+00, v33;
	v36 =	vmul.f32 v36, v28  }
0x156: {  	v30 =	vadd.f32 v8, v30;
	v23 =	vadd.f32 v31, v23;
	s14 =	smul.f32 s13, s12;
	v31 =	vmul.f32 v8, v8  }
0x157: {  	v24 =	vmul.f32 v12, v12;
	v47 =	vadd.f32 $1.595769170e+00, v34;
	v35 =	vadd.f32 $1.595769170e+00, v35  }
0x158: {  	(xrf2) =	vadd.scan.msk.f32 $0xffff, v30;
	v30 =	vsub.f32 $0.0e+00, v36;
	s14 =	smul.f32 s14, s13;
	v23 =	vadd.f32 v31, v23;
	v31 =	vmul.f32 v33, v26  }
0x159: {  	v32 =	vmul.f32 $7.135481390e-02, v40;
	v35 =	vmul.f32 v35, v29  }
0x15a: {  	s14 =	ssub.f32 $1.500000000e+00, s14;
	v30 =	vmul.f32 $1.442695020e+00, v30;
	(xrf2) =	vadd.scan.msk.f32 $0xffff, v23;
	v23 =	vsub.f32 $0.0e+00, v31;
	v31 =	vmul.f32 v47, v14  }
0x15b: {  	v27 =	vmul.f32 $7.135481390e-02, v27;
	v32 =	vadd.f32 $1.595769170e+00, v32;
	v24 =	vmul.f32 $7.135481390e-02, v24  }
0x15c: {  	v48 =	vsub.f32 $0.0e+00, v35;
	s13 =	smul.f32 s14, s13;
	(erf) = vpow2.f32 v30;
	v30 =	vsub.f32 $0.0e+00, v31  }
0x15d: {  	v25 =	vmul.f32 $7.135481390e-02, v25;
	v27 =	vadd.f32 $1.595769170e+00, v27;
	v32 =	vmul.f32 v32, v13  }
0x15e: {  	v24 =	vadd.f32 $1.595769170e+00, v24;
	v49 =	vmul.f32 $1.442695020e+00, v48;
	s12 =	smul.f32 s13, s12;
	v30 =	vmul.f32 $1.442695020e+00, v30  }
0x15f: {  	v27 =	vmul.f32 v27, v10;
	v32 =	vsub.f32 $0.0e+00, v32;
	v23 =	vmul.f32 $1.442695020e+00, v23  }
0x160: {  	s24 =	simm.s32 $0x180;
	v25 =	vadd.f32 $1.595769170e+00, v25;
	v24 =	vmul.f32 v24, v12;
	(erf) = vpow2.f32 v49;
	s12 =	smul.f32 s12, s13  }
0x161: {  	v50 =	vld [tilespmem:s24+$0x4170];
	v32 =	vmul.f32 $1.442695020e+00, v32;
	(erf) = vpow2.f32 v23  }
0x162: {  	v51 =	vld [tilespmem:s24+$0x4160];
	v23 =	vmul.f32 v25, v11;
	(erf) = vpow2.f32 v30;
	v30, _, _ =	vpop (xrf2);
	s12 =	ssub.f32 $1.500000000e+00, s12  }
0x163: {  	v52 =	vld [tilespmem:s24+$0x150];
	v24 =	vsub.f32 $0.0e+00, v24;
	(v2sf) =	vpush v30, $0xF;
	v30 =	vmov s3  }
0x164: {  	v53 =	vld [tilespmem:s24+$0x4150];
	v23 =	vsub.f32 $0.0e+00, v23;
	(erf) = vpow2.f32 v32;
	s25 =	smul.f32 s12, s13;
	v22 =	vsub.f32 v22, v30  }
0x165: {  	v54 =	vld [tilespmem:s24+$0x140];
	v24 =	vmul.f32 $1.442695020e+00, v24;
	v19 =	vsub.f32 v19, v30  }
0x166: {  	v57 =	vld [tilespmem:s24+$0x4130];
	v27 =	vsub.f32 $0.0e+00, v27;
	v23 =	vmul.f32 $1.442695020e+00, v23;
	v22 =	vmul.f32 s25, v22  }
0x167: {  	v40 =	vld [tilespmem:s24+$0x130];
	(erf) = vpow2.f32 v24;
	v55, _, _ =	vpop (xrf2);
	v15 =	vsub.f32 v15, v30;
	v19 =	vmul.f32 s25, v19  }
0x168: {  	v38 =	vld [tilespmem:s24+$0x4140];
	v27 =	vmul.f32 $1.442695020e+00, v27;
	v39 =	vpop (erf);
	(v2sf) =	vpush v55, $0xF  }
0x169: {  	v31 =	vld [tilespmem:s24+$0x170];
	(erf) = vpow2.f32 v23;
	v24 =	vadd.f32 $1.000000000e+00, v39;
	v56 =	vpop (erf);
	v15 =	vmul.f32 s25, v15  }
0x16a: {  	v25 =	vld [tilespmem:s24+$0x160];
	(erf) = vpow2.f32 v27;
	v23 =	vadd.f32 $1.000000000e+00, v56;
	[tilespmem:s20+$0x8170] =	vst v22;
	v22 =	vpop (erf)  }
0x16b: {  	v16 =	vsub.f32 v16, v30;
	(erf) = vrcp.f32 v24;
	v58 =	vld [tilespmem:s24+$0x120];
	[tilespmem:s20+$0x8100] =	vst v19;
	v19 =	vpop (erf)  }
0x16c: {  	(erf) = vrcp.f32 v23;
	v41 =	vld [tilespmem:s24+$0x4120];
	v22 =	vadd.f32 $1.000000000e+00, v22;
	v19 =	vadd.f32 $1.000000000e+00, v19  }
0x16d: {  	v17 =	vsub.f32 v17, v30;
	v42 =	vld [tilespmem:s24+$0x100];
	[tilespmem:s20+$0x8110] =	vst v15;
	v15 =	vpop (erf)  }
0x16e: {  	v16 =	vmul.f32 s25, v16;
	(erf) = vrcp.f32 v22;
	v15 =	vadd.f32 $1.000000000e+00, v15  }
0x16f: {  	v20 =	vsub.f32 v20, v30;
	v17 =	vmul.f32 s25, v17  }
0x170: {  	v23 =	vsub.f32 v18, v30;
	v18 =	vsub.f32 v21, v30;
	v21 =	vld [tilespmem:s24+$0x4100];
	[tilespmem:s20+$0x8120] =	vst v16;
	(erf) = vrcp.f32 v19;
	v19 =	vpop (erf)  }
0x171: {  	v27 =	vadd.f32 v57, v40;
	v61 =	vmul.f32 s25, v20;
	v60 =	vld [tilespmem:s24+$0x110];
	[tilespmem:s20+$0x8130] =	vst v17;
	v16 =	vadd.f32 $1.000000000e+00, v19  }
0x172: {  	v24 =	vadd.f32 v53, v52;
	v22 =	vadd.f32 v50, v31;
	v62 =	vld [tilespmem:s24+$0x4110];
	(erf) = vrcp.f32 v15;
	v15 =	vpop (erf)  }
0x173: {  	v59 =	vmul.f32 s25, v23;
	v23 =	vadd.f32 v51, v25;
	v15 =	vadd.f32 $1.000000000e+00, v15;
	v31 =	vpop (erf)  }
0x174: {  	v25 =	vadd.f32 v38, v54;
	v30 =	vmul.f32 v22, v22;
	s21 =	spop (v2sf);
	v17 =	vpop (erf);
	(erf) = vrcp.f32 v16  }
0x175: {  	v20 =	vadd.f32 v21, v42;
	v19 =	vadd.f32 v41, v58;
	s3 =	smul.f32 $7.812500000e-03, s21;
	v16 =	vpop (erf);
	(erf) = vrcp.f32 v15  }
0x176: {  	v63 =	vadd.f32 $1.000000000e+00, v31;
	v17 =	vmul.f32 v17, v28;
	v16 =	vmul.f32 v16, v29  }
0x177: {  	v21 =	vadd.f32 v62, v60;
	v31 =	vmul.f32 v23, v23;
	v28 =	vmul.f32 v24, v24;
	s26 =	spop (v2sf);
	s13 =	smul.f32 s3, s3;
	v15 =	vpop (erf)  }
0x178: {  	[tilespmem:s20+$0x8150] =	vst v61;
	s14 =	smul.f32 $7.812500000e-03, s26;
	(erf) = vrcp.f32 v63;
	v15 =	vmul.f32 v15, v26;
	v29 =	vadd.f32 v16, v17  }
0x179: {  	s12 =	simm.s32 $0x800;
	[tilespmem:s20+$0x8140] =	vst v59;
	v34 =	vmov v19;
	v32 =	vmul.f32 v17, v17;
	v26 =	vpop (erf);
	v33 =	vmul.f32 v16, v16  }
.LBB2_6:
0x17a: {  	p1 =	sne.s32 s12, $0xFE00;
	v35 =	vmul.f32 v25, v25;
	v29 =	vadd.f32 v15, v29;
	v26 =	vmul.f32 v26, v14;
	s13 =	ssub.f32 s14, s13;
	v14 =	vmovc v27  }
0x17b: {  	v36 =	vmul.f32 v27, v14;
	v32 =	vadd.f32 v33, v32;
	v33 =	vmul.f32 v15, v15;
	v27 =	vpop (erf)  }
0x17c: {  	v34 =	vmul.f32 v34, v19;
	v29 =	vadd.f32 v26, v29;
	v27 =	vmul.f32 v27, v13;
	s13 =	sadd.f32 $9.999999740e-06, s13;
	v13 =	vmovc v25  }
0x17d: {  	v37 =	vmul.f32 v20, v20;
	v32 =	vadd.f32 v33, v32;
	v33 =	vmul.f32 v26, v26;
	v25 =	vpop (erf)  }
0x17e: {  	v38 =	vmul.f32 v21, v21;
	v29 =	vadd.f32 v27, v29;
	v25 =	vmul.f32 v25, v12;
	v39 =	vpop (erf);
	s14 =	sshrl.u32 s13, $0x1;
	s13 =	smul.f32 $5.000000000e-01, s13  }
0x17f: {  	v30 =	vmul.f32 $7.135481390e-02, v30;
	v12 =	vmovc v24;
	v32 =	vadd.f32 v33, v32;
	v33 =	vmul.f32 v27, v27;
	s14 =	ssub.s32 $0x5F3759DF, s14  }
0x180: {  	v31 =	vmul.f32 $7.135481390e-02, v31;
	v24 =	vmul.f32 v39, v11;
	v11 =	vmovc v23;
	v29 =	vadd.f32 v25, v29;
	s11 =	smul.f32 s14, s13  }
0x181: {  	v23 =	vmul.f32 $7.135481390e-02, v37;
	v32 =	vadd.f32 v33, v32;
	v33 =	vmul.f32 v25, v25;
	v37 =	vpop (erf)  }
0x182: {  	v38 =	vmul.f32 $7.135481390e-02, v38;
	v29 =	vadd.f32 v24, v29;
	v37 =	vmul.f32 v37, v10;
	s11 =	smul.f32 s14, s11;
	v10 =	vmovc v22  }
0x183: {  	v22 =	vadd.f32 $1.595769170e+00, v23;
	v23 =	vadd.f32 v33, v32;
	v32 =	vmul.f32 v24, v24  }
0x184: {  	v34 =	vmul.f32 $7.135481390e-02, v34;
	v33 =	vadd.f32 $1.595769170e+00, v38;
	v29 =	vadd.f32 v37, v29;
	s11 =	ssub.f32 $1.500000000e+00, s11  }
0x185: {  	v22 =	vmul.f32 v22, v20;
	v23 =	vadd.f32 v32, v23;
	v32 =	vmul.f32 v37, v37  }
0x186: {  	v36 =	vmul.f32 $7.135481390e-02, v36;
	v34 =	vadd.f32 $1.595769170e+00, v34;
	v33 =	vmul.f32 v33, v21;
	(xrf2) =	vadd.scan.msk.f32 $0xffff, v29;
	s11 =	smul.f32 s14, s11  }
0x187: {  	v22 =	vsub.f32 $0.0e+00, v22;
	v29 =	vmul.f32 $7.135481390e-02, v35;
	v23 =	vadd.f32 v32, v23  }
0x188: {  	v32 =	vsub.f32 $0.0e+00, v33;
	v33 =	vmul.f32 v34, v19;
	v34 =	vadd.f32 $1.595769170e+00, v36;
	s14 =	smul.f32 s11, s13  }
0x189: {  	v28 =	vmul.f32 $7.135481390e-02, v28;
	v22 =	vmul.f32 $1.442695020e+00, v22;
	v29 =	vadd.f32 $1.595769170e+00, v29;
	(xrf2) =	vadd.scan.msk.f32 $0xffff, v23  }
0x18a: {  	v23 =	vmul.f32 $1.442695020e+00, v32;
	v32 =	vsub.f32 $0.0e+00, v33;
	v33 =	vmul.f32 v34, v14;
	s14 =	smul.f32 s14, s11  }
0x18b: {  	v28 =	vadd.f32 $1.595769170e+00, v28;
	v29 =	vmul.f32 v29, v13;
	(erf) = vpow2.f32 v22  }
0x18c: {  	v22 =	vmul.f32 $1.442695020e+00, v32;
	v32 =	vsub.f32 $0.0e+00, v33;
	(erf) = vpow2.f32 v23;
	s14 =	ssub.f32 $1.500000000e+00, s14  }
0x18d: {  	v33 =	vadd.f32 $1.595769170e+00, v30;
	v23 =	vmul.f32 v28, v12;
	v28 =	vadd.f32 $1.595769170e+00, v31  }
0x18e: {  	v29 =	vsub.f32 $0.0e+00, v29;
	v31 =	vmul.f32 $1.442695020e+00, v32;
	(erf) = vpow2.f32 v22;
	s11 =	smul.f32 s14, s11  }
0x18f: {  	v22 =	vmul.f32 v28, v11;
	v28 =	vmul.f32 v33, v10  }
0x190: {  	s14 =	sshra.s32 s12, $0x2;
	v29 =	vmul.f32 $1.442695020e+00, v29;
	v23 =	vsub.f32 $0.0e+00, v23;
	(erf) = vpow2.f32 v31;
	v30, _, _ =	vpop (xrf2);
	s13 =	smul.f32 s11, s13  }
0x191: {  	v18 =	vmul.f32 s25, v18;
	v22 =	vsub.f32 $0.0e+00, v22;
	v31 =	vld [tilespmem:s14+$0x170];
	(v2sf) =	vpush v30, $0xF  }
0x192: {  	v23 =	vmul.f32 $1.442695020e+00, v23;
	v34 =	vsub.f32 $0.0e+00, v28;
	v30 =	vld [tilespmem:s14+$0x4170];
	(erf) = vpow2.f32 v29;
	s13 =	smul.f32 s13, s11  }
0x193: {  	v22 =	vmul.f32 $1.442695020e+00, v22;
	v29 =	vld [tilespmem:s14+$0x160];
	v32, _, _ =	vpop (xrf2);
	[tilespmem:s20+$0x8160] =	vst v18;
	s20 =	smov.u32 s22;
	s22 =	smov.u32 s23;
	s23 =	smov.u32 s24  }
0x194: {  	v18 =	vmul.f32 $1.442695020e+00, v34;
	s24 =	smov.u32 s14;
	v33 =	vld [tilespmem:s14+$0x4160];
	v28 =	vpop (erf);
	(erf) = vpow2.f32 v23;
	(v2sf) =	vpush v32, $0xF;
	s13 =	ssub.f32 $1.500000000e+00, s13  }
0x195: {  	v32 =	vld [tilespmem:s24+$0x150];
	v36 =	vadd.f32 $1.000000000e+00, v28;
	v28 =	vpop (erf);
	(erf) = vpow2.f32 v22;
	v22 =	vmov s3  }
0x196: {  	v34 =	vld [tilespmem:s24+$0x4150];
	v28 =	vadd.f32 $1.000000000e+00, v28;
	(erf) = vpow2.f32 v18;
	s25 =	smul.f32 s13, s11;
	v18 =	vsub.f32 v8, v22;
	v8 =	vmovc v37  }
0x197: {  	v37 =	vsub.f32 v2, v22;
	v35 =	vld [tilespmem:s24+$0x140];
	(erf) = vrcp.f32 v36;
	v23 =	vpop (erf);
	v36 =	vsub.f32 v3, v22  }
0x198: {  	v2 =	vmovc v16;
	v3 =	vmovc v17;
	v38 =	vld [tilespmem:s24+$0x4140];
	v23 =	vadd.f32 $1.000000000e+00, v23;
	(erf) = vrcp.f32 v28;
	v18 =	vmul.f32 s25, v18  }
0x199: {  	v9 =	vsub.f32 v9, v22;
	v16 =	vld [tilespmem:s24+$0x130];
	v17 =	vpop (erf);
	v28 =	vmul.f32 s25, v36;
	v36 =	vsub.f32 v4, v22  }
0x19a: {  	v4 =	vmovc v26;
	v39 =	vld [tilespmem:s24+$0x4130];
	v42 =	vadd.f32 $1.000000000e+00, v17;
	(erf) = vrcp.f32 v23;
	v23 =	vsub.f32 v5, v22;
	[tilespmem:s20+$0x8170] =	vst v18;
	v5 =	vmovc v27  }
0x19b: {  	v18 =	vsub.f32 v7, v22;
	v26 =	vld [tilespmem:s24+$0x120];
	v27 =	vpop (erf);
	[tilespmem:s20+$0x8100] =	vst v28;
	v28 =	vmul.f32 s25, v37;
	v37 =	vsub.f32 v6, v22  }
0x19c: {  	v9 =	vmul.f32 s25, v9;
	v7 =	vmovc v24;
	v6 =	vmovc v25;
	v40 =	vld [tilespmem:s24+$0x4120];
	v43 =	vadd.f32 $1.000000000e+00, v27;
	(erf) = vrcp.f32 v42  }
0x19d: {  	v22 =	vadd.f32 v30, v31;
	v25 =	vmul.f32 s25, v36;
	v41 =	vld [tilespmem:s24+$0x100];
	v17 =	vpop (erf);
	[tilespmem:s20+$0x8110] =	vst v28;
	v28 =	vmul.f32 s25, v23  }
0x19e: {  	v23 =	vadd.f32 v33, v29;
	v31 =	vld [tilespmem:s24+$0x4100];
	v17 =	vadd.f32 $1.000000000e+00, v17;
	(erf) = vrcp.f32 v43;
	v27 =	vpop (erf);
	[tilespmem:s20+$0x8120] =	vst v9  }
0x19f: {  	v24 =	vadd.f32 v34, v32;
	v32 =	vmul.f32 s25, v37;
	v33 =	vld [tilespmem:s24+$0x110];
	v42 =	vadd.f32 $1.000000000e+00, v27;
	v29 =	vpop (erf);
	[tilespmem:s20+$0x8130] =	vst v25  }
0x1a0: {  	s3 =	spop (v2sf)  }
0x1a1: {  	v27 =	vadd.f32 v39, v16;
	v25 =	vadd.f32 v38, v35;
	v36 =	vld [tilespmem:s24+$0x4110];
	v16 =	vpop (erf);
	(erf) = vrcp.f32 v17;
	[tilespmem:s20+$0x8140] =	vst v28;
	s3 =	smul.f32 $7.812500000e-03, s3  }
.Ltmp6:
0x1a2: {  	v30 =	vmul.f32 v22, v22;
	v34 =	vadd.f32 v40, v26;
	v26 =	vpop (erf);
	(erf) = vrcp.f32 v42;
	[tilespmem:s20+$0x8150] =	vst v32;
	(pc) =	sbr.rel @p1 .LBB2_6-.Ltmp6, $4  }
0x1a3: {  	v9 =	vmovc v15;
	v17 =	vmul.f32 v16, v20;
	v16 =	vmul.f32 v26, v21;
	v21 =	vadd.f32 $1.000000000e+00, v29  }
0x1a4: {  	v28 =	vmul.f32 v24, v24;
	v20 =	vadd.f32 v31, v41;
	v31 =	vmul.f32 v23, v23;
	v15 =	vpop (erf);
	s13 =	smul.f32 s3, s3;
	s11 =	spop (v2sf)  }
0x1a5: {  	v29 =	vadd.f32 v16, v17;
	v15 =	vmul.f32 v15, v19;
	(erf) = vrcp.f32 v21;
	s14 =	smul.f32 $7.812500000e-03, s11;
	v19 =	vmovc v34  }
0x1a6: {  	s12 =	sadd.s32 $0x200, s12;
	v32 =	vmul.f32 v17, v17;
	v21 =	vadd.f32 v36, v33;
	v33 =	vmul.f32 v16, v16;
	v26 =	vpop (erf)  }
0x1a7: {  	v35 =	vmul.f32 v20, v20  }
0x1a8: {  	v36 =	vmul.f32 v21, v21  }
0x1a9: {  	v35 =	vmul.f32 $7.135481390e-02, v35  }
0x1aa: {  	v34 =	vmul.f32 v34, v19;
	v36 =	vmul.f32 $7.135481390e-02, v36  }
0x1ab: {  	v37 =	vmul.f32 v25, v25;
	v35 =	vadd.f32 $1.595769170e+00, v35  }
0x1ac: {  	v38 =	vmul.f32 v27, v27;
	v34 =	vmul.f32 $7.135481390e-02, v34;
	v36 =	vadd.f32 $1.595769170e+00, v36  }
0x1ad: {  	v30 =	vmul.f32 $7.135481390e-02, v30;
	v35 =	vmul.f32 v35, v20  }
0x1ae: {  	v38 =	vmul.f32 $7.135481390e-02, v38;
	v34 =	vadd.f32 $1.595769170e+00, v34;
	v36 =	vmul.f32 v36, v21  }
0x1af: {  	v31 =	vmul.f32 $7.135481390e-02, v31;
	v37 =	vmul.f32 $7.135481390e-02, v37;
	v35 =	vsub.f32 $0.0e+00, v35  }
0x1b0: {  	v38 =	vadd.f32 $1.595769170e+00, v38;
	v34 =	vmul.f32 v34, v19;
	v36 =	vsub.f32 $0.0e+00, v36  }
0x1b1: {  	v28 =	vmul.f32 $7.135481390e-02, v28;
	v37 =	vadd.f32 $1.595769170e+00, v37;
	v35 =	vmul.f32 $1.442695020e+00, v35  }
0x1b2: {  	v38 =	vmul.f32 v38, v27;
	v34 =	vsub.f32 $0.0e+00, v34;
	v36 =	vmul.f32 $1.442695020e+00, v36  }
0x1b3: {  	v28 =	vadd.f32 $1.595769170e+00, v28;
	v37 =	vmul.f32 v37, v25;
	(erf) = vpow2.f32 v35  }
0x1b4: {  	v50 =	vsub.f32 $0.0e+00, v38;
	v34 =	vmul.f32 $1.442695020e+00, v34;
	(erf) = vpow2.f32 v36  }
0x1b5: {  	v31 =	vadd.f32 $1.595769170e+00, v31;
	v30 =	vadd.f32 $1.595769170e+00, v30;
	v28 =	vmul.f32 v28, v24  }
0x1b6: {  	v51 =	vsub.f32 $0.0e+00, v37;
	v35 =	vmul.f32 $1.442695020e+00, v50;
	(erf) = vpow2.f32 v34  }
0x1b7: {  	v31 =	vmul.f32 v31, v23;
	v30 =	vmul.f32 v30, v22  }
0x1b8: {  	v52 =	vpop (erf);
	v28 =	vsub.f32 $0.0e+00, v28;
	v36 =	vmul.f32 $1.442695020e+00, v51;
	(erf) = vpow2.f32 v35  }
0x1b9: {  	v53 =	vpop (erf);
	v31 =	vsub.f32 $0.0e+00, v31  }
0x1ba: {  	v54 =	vpop (erf);
	v30 =	vsub.f32 $0.0e+00, v30;
	v28 =	vmul.f32 $1.442695020e+00, v28;
	(erf) = vpow2.f32 v36  }
0x1bb: {  	v55 =	vpop (erf);
	v31 =	vmul.f32 $1.442695020e+00, v31  }
0x1bc: {  	v30 =	vmul.f32 $1.442695020e+00, v30;
	(erf) = vpow2.f32 v28;
	v56 =	vpop (erf)  }
0x1bd: {  	(erf) = vpow2.f32 v31;
	v57 =	vadd.f32 $1.000000000e+00, v56;
	v58 =	vpop (erf)  }
0x1be: {  	(erf) = vpow2.f32 v30;
	v59 =	vadd.f32 $1.000000000e+00, v58  }
0x1bf: {  	v29 =	vadd.f32 v15, v29;
	v14 =	vmul.f32 v26, v14;
	v60 =	vpop (erf);
	(erf) = vrcp.f32 v57  }
0x1c0: {  	v61 =	vadd.f32 $1.000000000e+00, v60;
	(erf) = vrcp.f32 v59  }
0x1c1: {  	v62 =	vadd.f32 v33, v32;
	v13 =	vmul.f32 v52, v13;
	v29 =	vadd.f32 v14, v29;
	v33 =	vpop (erf)  }
0x1c2: {  	v31 =	vadd.f32 $1.000000000e+00, v33;
	(erf) = vrcp.f32 v61  }
0x1c3: {  	v63 =	vmul.f32 v15, v15;
	v29 =	vadd.f32 v13, v29;
	v39 =	vpop (erf)  }
0x1c4: {  	v12 =	vmul.f32 v53, v12;
	v30 =	vadd.f32 $1.000000000e+00, v39;
	(erf) = vrcp.f32 v31  }
0x1c5: {  	v41 =	vmul.f32 v13, v13;
	v38 =	vmul.f32 v14, v14;
	v34 =	vadd.f32 v63, v62;
	v40 =	vpop (erf)  }
0x1c6: {  	v29 =	vadd.f32 v12, v29;
	v42 =	vadd.f32 $1.000000000e+00, v40;
	v43 =	vpop (erf);
	(erf) = vrcp.f32 v30  }
0x1c7: {  	v26 =	vmul.f32 v54, v11;
	v28 =	vadd.f32 v38, v34;
	v44 =	vadd.f32 $1.000000000e+00, v43;
	v45 =	vpop (erf)  }
0x1c8: {  	v47 =	vmul.f32 v12, v12;
	(erf) = vrcp.f32 v42;
	v46 =	vpop (erf)  }
0x1c9: {  	v29 =	vadd.f32 v26, v29;
	v31 =	vadd.f32 v41, v28;
	(erf) = vrcp.f32 v44;
	v48 =	vpop (erf)  }
0x1ca: {  	v49 =	vadd.f32 $1.000000000e+00, v45;
	v20 =	vmul.f32 v46, v20;
	v11 =	vmul.f32 v48, v21  }
0x1cb: {  	v51 =	vmul.f32 v26, v26;
	v28 =	vmul.f32 v55, v10;
	v50 =	vadd.f32 v47, v31;
	v52 =	vpop (erf)  }
0x1cc: {  	(erf) = vrcp.f32 v49;
	v10 =	vmul.f32 v52, v19;
	v53 =	vadd.f32 v11, v20  }
0x1cd: {  	v54 =	vadd.f32 v28, v29;
	v55 =	vmul.f32 v20, v20;
	v56 =	vpop (erf);
	v33 =	vmul.f32 v11, v11  }
0x1ce: {  	v58 =	vmul.f32 v28, v28;
	v19 =	vmul.f32 v56, v27;
	v57 =	vadd.f32 v10, v53  }
0x1cf: {  	v30 =	vadd.f32 v51, v50;
	v60 =	vpop (erf);
	v59 =	vmul.f32 v10, v10;
	v29 =	vadd.f32 v33, v55  }
0x1d0: {  	(xrf2) =	vadd.scan.msk.f32 $0xffff, v54;
	v21 =	vmul.f32 v60, v25;
	v31 =	vadd.f32 v19, v57  }
0x1d1: {  	v61 =	vadd.f32 v58, v30;
	v63 =	vmul.f32 v19, v19;
	v62 =	vadd.f32 v59, v29;
	v33 =	vpop (erf)  }
0x1d2: {  	v34 =	vmul.f32 v33, v24;
	v31 =	vadd.f32 v21, v31  }
0x1d3: {  	(xrf2) =	vadd.scan.msk.f32 $0xffff, v61;
	v36 =	vmul.f32 v21, v21;
	v35 =	vpop (erf);
	v27 =	vadd.f32 v63, v62  }
0x1d4: {  	v37 =	vmul.f32 v35, v23;
	v30 =	vadd.f32 v34, v31  }
0x1d5: {  	v39 =	vmul.f32 v34, v34;
	v40 =	vpop (erf);
	v38 =	vadd.f32 v36, v27  }
0x1d6: {  	v41 =	vmul.f32 v40, v22;
	v30 =	vadd.f32 v37, v30  }
0x1d7: {  	v42 =	vmul.f32 v37, v37;
	v25 =	vadd.f32 v39, v38  }
0x1d8: {  	v29 =	vadd.f32 v41, v30  }
0x1d9: {  	v43 =	vmul.f32 v41, v41;
	v25 =	vadd.f32 v42, v25  }
0x1da: {  	v44, _, _ =	vpop (xrf2);
	(xrf2) =	vadd.scan.msk.f32 $0xffff, v29  }
0x1db: {  	(v2sf) =	vpush v44, $0xF;
	v25 =	vadd.f32 v43, v25;
	_ =	sdelay $0x1  }
0x1dc: {  	v45, _, _ =	vpop (xrf2);
	(xrf2) =	vadd.scan.msk.f32 $0xffff, v25  }
0x1dd: {  	s11 =	ssub.f32 s14, s13;
	(v2sf) =	vpush v45, $0xF;
	_ =	sdelay $0x1  }
0x1de: {  	s11 =	sadd.f32 $9.999999740e-06, s11;
	_ =	sdelay $0x1  }
0x1df: {  	s12 =	sshrl.u32 s11, $0x1;
	s11 =	smul.f32 $5.000000000e-01, s11  }
0x1e0: {  	s12 =	ssub.s32 $0x5F3759DF, s12  }
0x1e1: {  	s2 =	smul.f32 s12, s11;
	v46, _, _ =	vpop (xrf2)  }
0x1e2: {  	(v2sf) =	vpush v46, $0xF  }
0x1e3: {  	s13 =	smul.f32 s12, s2  }
0x1e4: {  	v47, _, _ =	vpop (xrf2)  }
0x1e5: {  	s13 =	ssub.f32 $1.500000000e+00, s13;
	(v2sf) =	vpush v47, $0xF;
	_ =	sdelay $0x1  }
0x1e6: {  	s12 =	smul.f32 s12, s13;
	s4 =	spop (v2sf)  }
0x1e7: {  	s13 =	smul.f32 $7.812500000e-03, s4  }
0x1e8: {  	s18 =	smul.f32 s12, s11  }
0x1e9: {  	s26 =	smul.f32 s13, s13;
	s21 =	spop (v2sf)  }
0x1ea: {  	s21 =	smul.f32 $7.812500000e-03, s21  }
0x1eb: {  	s14 =	smul.f32 s18, s12  }
0x1ec: {  	s21 =	ssub.f32 s21, s26  }
0x1ed: {  	s14 =	ssub.f32 $1.500000000e+00, s14  }
0x1ee: {  	s21 =	sadd.f32 $9.999999740e-06, s21  }
0x1ef: {  	s14 =	smul.f32 s14, s12  }
0x1f0: {  	s1 =	sshrl.u32 s21, $0x1;
	s21 =	smul.f32 $5.000000000e-01, s21;
	s2 =	spop (v2sf)  }
0x1f1: {  	s18 =	ssub.s32 $0x5F3759DF, s1;
	s12 =	smul.f32 $7.812500000e-03, s2  }
0x1f2: {  	s4 =	smul.f32 s18, s21  }
0x1f3: {  	s1 =	spop (v2sf);
	s2 =	smul.f32 s12, s12  }
0x1f4: {  	s1 =	smul.f32 $7.812500000e-03, s1  }
0x1f5: {  	s26 =	smul.f32 s18, s4  }
0x1f6: {  	s11 =	smul.f32 s14, s11;
	s1 =	ssub.f32 s1, s2  }
0x1f7: {  	s26 =	ssub.f32 $1.500000000e+00, s26  }
0x1f8: {  	s11 =	smul.f32 s11, s14;
	s1 =	sadd.f32 $9.999999740e-06, s1  }
0x1f9: {  	s2 =	smul.f32 s18, s26  }
0x1fa: {  	s4 =	sshrl.u32 s1, $0x1;
	s1 =	smul.f32 $5.000000000e-01, s1  }
0x1fb: {  	s26 =	smul.f32 s2, s21;
	s18 =	ssub.s32 $0x5F3759DF, s4  }
0x1fc: {  	s4 =	smul.f32 s18, s1  }
0x1fd: {  	s26 =	smul.f32 s26, s2  }
0x1fe: {  	s11 =	ssub.f32 $1.500000000e+00, s11;
	s4 =	smul.f32 s18, s4  }
0x1ff: {  	s26 =	ssub.f32 $1.500000000e+00, s26  }
0x200: {  	s11 =	smul.f32 s11, s14;
	s4 =	ssub.f32 $1.500000000e+00, s4  }
0x201: {  	v48 =	vmov s3;
	s2 =	smul.f32 s26, s2  }
0x202: {  	v8 =	vsub.f32 v8, v48;
	s26 =	smul.f32 s18, s4  }
0x203: {  	v18 =	vmul.f32 s25, v18;
	v3 =	vsub.f32 v3, v48;
	s18 =	smul.f32 s2, s21  }
0x204: {  	v2 =	vsub.f32 v2, v48;
	v8 =	vmul.f32 s11, v8;
	s21 =	smul.f32 s26, s1  }
0x205: {  	[tilespmem:s20+$0x8160] =	vst v18;
	v9 =	vsub.f32 v9, v48;
	v3 =	vmul.f32 s11, v3;
	s4 =	smul.f32 s18, s2  }
0x206: {  	v4 =	vsub.f32 v4, v48;
	v2 =	vmul.f32 s11, v2;
	[tilespmem:s22+$0x8170] =	vst v8;
	s14 =	smul.f32 s21, s26  }
0x207: {  	v5 =	vsub.f32 v5, v48;
	[tilespmem:s22+$0x8100] =	vst v3;
	v3 =	vmul.f32 s11, v9;
	s4 =	ssub.f32 $1.500000000e+00, s4  }
0x208: {  	v6 =	vsub.f32 v6, v48;
	[tilespmem:s22+$0x8110] =	vst v2;
	v2 =	vmul.f32 s11, v4;
	s14 =	ssub.f32 $1.500000000e+00, s14  }
0x209: {  	v7 =	vsub.f32 v7, v48;
	v5 =	vmul.f32 s11, v5;
	[tilespmem:s22+$0x8120] =	vst v3;
	v49 =	vmov s13;
	s2 =	smul.f32 s4, s2  }
0x20a: {  	[tilespmem:s22+$0x8130] =	vst v2;
	v2 =	vmul.f32 s11, v6;
	v3 =	vsub.f32 v28, v49;
	s3 =	smul.f32 s14, s26  }
0x20b: {  	v50 =	vmul.f32 s11, v7;
	[tilespmem:s22+$0x8140] =	vst v5;
	v51 =	vsub.f32 v17, v49  }
0x20c: {  	[tilespmem:s22+$0x8150] =	vst v2;
	v2 =	vsub.f32 v16, v49;
	v3 =	vmul.f32 s2, v3;
	s1 =	smul.f32 s3, s1  }
0x20d: {  	[tilespmem:s22+$0x8160] =	vst v50;
	v53 =	vsub.f32 v15, v49;
	v52 =	vmul.f32 s2, v51  }
0x20e: {  	v54 =	vsub.f32 v14, v49;
	v2 =	vmul.f32 s2, v2;
	[tilespmem:s23+$0x8170] =	vst v3;
	s1 =	smul.f32 s1, s3  }
0x20f: {  	v55 =	vmul.f32 s2, v53;
	v3 =	vsub.f32 v13, v49;
	[tilespmem:s23+$0x8100] =	vst v52  }
0x210: {  	v56 =	vsub.f32 v12, v49;
	[tilespmem:s23+$0x8110] =	vst v2;
	v2 =	vmul.f32 s2, v54;
	s1 =	ssub.f32 $1.500000000e+00, s1  }
0x211: {  	v4 =	vsub.f32 v26, v49;
	v57 =	vmov s12;
	[tilespmem:s23+$0x8120] =	vst v55;
	v3 =	vmul.f32 s2, v3  }
0x212: {  	v58 =	vsub.f32 v41, v57;
	[tilespmem:s23+$0x8130] =	vst v2;
	v2 =	vmul.f32 s2, v56;
	s1 =	smul.f32 s1, s3  }
0x213: {  	v59 =	vsub.f32 v20, v57;
	[tilespmem:s23+$0x8140] =	vst v3;
	v3 =	vmul.f32 s2, v4  }
0x214: {  	[tilespmem:s23+$0x8150] =	vst v2;
	v2 =	vsub.f32 v11, v57;
	v6 =	vmul.f32 s1, v58  }
0x215: {  	v60 =	vsub.f32 v10, v57;
	[tilespmem:s23+$0x8160] =	vst v3;
	v3 =	vmul.f32 s1, v59  }
0x216: {  	v61 =	vsub.f32 v19, v57;
	v2 =	vmul.f32 s1, v2;
	[tilespmem:s24+$0x8170] =	vst v6  }
0x217: {  	v62 =	vsub.f32 v21, v57;
	[tilespmem:s24+$0x8100] =	vst v3;
	v3 =	vmul.f32 s1, v60  }
0x218: {  	v63 =	vsub.f32 v34, v57;
	[tilespmem:s24+$0x8110] =	vst v2;
	v2 =	vmul.f32 s1, v61  }
0x219: {  	v5 =	vsub.f32 v37, v57;
	v6 =	vmul.f32 s1, v62;
	[tilespmem:s24+$0x8120] =	vst v3  }
0x21a: {  	[tilespmem:s24+$0x8130] =	vst v2;
	v2 =	vmul.f32 s1, v63  }
0x21b: {  	[tilespmem:s24+$0x8140] =	vst v6;
	v3 =	vmul.f32 s1, v5  }
0x21c: {  	[tilespmem:s24+$0x8150] =	vst v2  }
0x21d: {  	s25 =	simm.s32 $0x8100;
	[tilespmem:s24+$0x8160] =	vst v3  }
0x21e: {  	[spmem:s17] =	stream.indirect.scatter.add.f32 [tilespmem:s25], [sflag:$0x4], $0x80, s0, s0, $0xb8;
	[tilespmem:$0x1FE80] =	vst v63  }
0x21f: {  	_ =	swait.ge [sflag:s31], $0x4000  }
0x220: {  	[sflag:s31] =	ssyncset.done $0x0  }
0x221: {  	[sflag:s31] =	ssyncadd.s32 $0xFFFFC000  }
.Ltmp7:
0x222: {  	s26 =	rddreg [dreg:$0x2];
	(pc) =	sbr.rel .LBB2_8-.Ltmp7, $4  }
0x223: {  	[spmem:s26] =	stream.indirect.scatter.add.f32 [tilespmem:s30], [sflag:$0x3], $0x1, s0, s0, $0xb8;
	[tilespmem:$0x1FE80] =	vst v63  }
0x224: {  	_ =	swait.ge [sflag:s29], $0x80  }
0x225: {  	[sflag:s29] =	ssyncset.done $0x0  }
0x226: {  	[sflag:s29] =	ssyncadd.s32 $0xFFFFFF80  }
.LBB2_10:
0x227: {  	_ =	sfence.sel $0x180000  }
0x228: {  	[bflag:$0x0] =	sbarrier.arrive $0xFFFF  }
0x229: {  	_ =	strace $0x90000047  }
0x22a: {  	s0 =	stileid.u32;
	[bflag:$0x2] =	sbarrier.arrive $0xFFFF  }
0x22b: {  	p0 =	sne.s32 s0, $0x0;
	s0 =	rddreg [dreg:$0x3]  }
0x22c: {  	s0 =	sadd.s32 @!p0 $0x100000, s0  }
0x22d: {  	[sflag:s0] =	ssyncadd.tile.s32 @!p0 $0x1;
	_ =	shalt  }
.Lfunc_end2:
_tile_overlayer_lowered:
.L_overlay_start_2:
0x22e: {  	(tag) =	ssettag $0x2  }
0x22f: {  	s0 =	rddreg [dreg:$0x0];
	s2 =	stileid.u32  }
0x230: {  	s1 =	rddreg [dreg:$0x1];
	p0 =	sne.s32 s2, $0x0  }
0x231: {  	s3 =	rddreg [dreg:$0x2];
	[bflag:$0x3] =	sbarrier.arrive $0xFFFF;
	s2 =	simm.s32 @!p0 $0x1C03  }
0x232: {  	[timem:s3], [sflag:s2] =	dma.local @!p0 [hbm:s0], s1  }
0x233: {  	s0 =	simm.s32 @!p0 $0x3  }
0x234: {  	_ =	swait.ge @!p0 [sflag:s0], s1  }
0x235: {  	s1 =	ssub.s32 @!p0 $0x0, s1;
	[sflag:s0] =	ssyncset.done @!p0 $0x0  }
0x236: {  	[sflag:s0] =	ssyncadd.s32 @!p0 s1  }
0x237: {  	[bflag:$0x3] =	sbarrier.arrive $0xFFFF  }
0x238: {  	_ =	shalt  }

</sc_bundles>
